<compile_context>
chip_gen: v7x
topology: tpu7x:2x2x1
jax: 0.10.2.dev20260603
libtpu: 0.0.44.dev20260713+nightly
codegen_flags: <defaults>
</compile_context>

<pallas_src>
import functools

import jax
import jax.numpy as jnp
from jax import lax
from jax.experimental import pallas as pl
from jax.experimental.pallas import tpu as pltpu
from jax.experimental.pallas import tpu_sc as plsc

N_NODES = 10000
N_EDGES = 160000
DIM = 128
BLK = 4

NC = 2
NS = 16
NW = NC * NS
LANES = 16

N_PAD = 10240
DUMMY_DST = N_PAD - 1
CNT_ROWS = N_PAD // DIM
CHUNK = 32
NCHUNK = 158
EW = CHUNK * NCHUNK
E_PAD = EW * NW
ROWS_PER_TILE = N_PAD // NS
CNT_TILES = 10


def _sc_aggregate(h, wt, src, rel, dst):
  mesh = plsc.VectorSubcoreMesh(
      core_axis_name="c", subcore_axis_name="s", num_cores=NC, num_subcores=NS
  )

  idx_t = pltpu.VMEM((CHUNK,), jnp.int32)
  row_t = pltpu.VMEM((CHUNK, DIM), jnp.float32)
  wrow_t = pltpu.VMEM((CHUNK, 2 * DIM), jnp.int32)

  @functools.partial(
      pl.kernel,
      out_type=(
          jax.ShapeDtypeStruct((NC, N_PAD, DIM), jnp.float32),
          jax.ShapeDtypeStruct((NC, CNT_ROWS, DIM), jnp.float32),
      ),
      mesh=mesh,
      scratch_types=[
          idx_t, idx_t,
          idx_t, idx_t,
          idx_t, idx_t,
          idx_t, idx_t,
          idx_t, idx_t,
          idx_t, idx_t,
          row_t, row_t,
          wrow_t, wrow_t,
          row_t, row_t,
          row_t, row_t,
          pltpu.VMEM_SHARED((N_PAD, DIM), jnp.float32),
          pltpu.VMEM_SHARED((CNT_ROWS, DIM), jnp.float32),
          pltpu.VMEM_SHARED((DIM, DIM), jnp.float32),
          pltpu.SemaphoreType.DMA, pltpu.SemaphoreType.DMA,
          pltpu.SemaphoreType.DMA, pltpu.SemaphoreType.DMA,
          pltpu.SemaphoreType.DMA, pltpu.SemaphoreType.DMA,
          pltpu.SemaphoreType.DMA, pltpu.SemaphoreType.DMA,
      ],
  )
  def body(h_hbm, wt_hbm, src_hbm, rel_hbm, dst_hbm,
           agg_hbm, cnt_hbm,
           src0, src1, rel0, rel1, dst0, dst1, sd0, sd1, sr0, sr1,
           sc0, sc1, x0, x1, w0, w1, m0, m1, o0, o1,
           agg_sh, cnt_sh, ident_sh,
           semi0, semi1, semg0, semg1, sems0, sems1, semo0, semo1):
    srcb = (src0, src1)
    relb = (rel0, rel1)
    dstb = (dst0, dst1)
    sdst = (sd0, sd1)
    sdr = (sr0, sr1)
    scol = (sc0, sc1)
    xb = (x0, x1)
    wb = (w0, w1)
    mb = (m0, m1)
    ob = (o0, o1)
    semi = (semi0, semi1)
    semg = (semg0, semg1)
    sems = (sems0, sems1)
    semo = (semo0, semo1)

    c = lax.axis_index("c")
    s = lax.axis_index("s")
    wid = c * NS + s

    lane = lax.iota(jnp.int32, LANES)
    zero16 = jnp.zeros((LANES,), jnp.float32)

    def zrow(e, carry):
      for j in range(DIM // LANES):
        m0[e, pl.ds(j * LANES, LANES)] = zero16
      return carry
    lax.fori_loop(0, CHUNK, zrow, None)

    tile_base = pl.multiple_of(s * ROWS_PER_TILE, 8)
    for k in range(ROWS_PER_TILE // CHUNK):
      pltpu.sync_copy(m0, agg_sh.at[pl.ds(tile_base + k * CHUNK, CHUNK)])

    @pl.when(s < CNT_TILES)
    def _zero_cnt():
      cbase = pl.multiple_of(s * 8, 8)
      pltpu.sync_copy(m0.at[pl.ds(0, 8)], cnt_sh.at[pl.ds(cbase, 8)])

    for kk in range(8):
      colv = jnp.broadcast_to(8 * s + kk, (LANES,))
      for v in range(DIM // LANES):
        hit = (lane + v * LANES) == colv
        m0[kk, pl.ds(LANES * v, LANES)] = jnp.where(hit, 1.0, 0.0)
    ibase = pl.multiple_of(s * 8, 8)
    pltpu.sync_copy(m0.at[pl.ds(0, 8)], ident_sh.at[pl.ds(ibase, 8)])
    plsc.subcore_barrier()

    perm_base = (lane >> 2) * 4
    perms = [perm_base + i for i in range(BLK)]

    ebase = pl.multiple_of(wid * EW, 8)

    def stage_idx(ch, p):
      cb = pl.multiple_of(ebase + ch * CHUNK, 8)
      pltpu.async_copy(src_hbm.at[pl.ds(cb, CHUNK)], srcb[p], semi[p])
      pltpu.async_copy(rel_hbm.at[pl.ds(cb, CHUNK)], relb[p], semi[p])
      pltpu.async_copy(dst_hbm.at[pl.ds(cb, CHUNK)], dstb[p], semi[p])

    def wait_idx(p):
      for d in (srcb[p], relb[p], dstb[p]):
        pltpu.make_async_copy(src_hbm.at[pl.ds(0, CHUNK)], d, semi[p]).wait()

    def issue_gathers(p):
      pltpu.async_copy(h_hbm.at[srcb[p]], xb[p], semg[p])
      pltpu.async_copy(wt_hbm.at[relb[p]], wb[p], semg[p])

    def wait_gathers(p):
      pltpu.make_async_copy(h_hbm.at[srcb[p]], xb[p], semg[p]).wait()
      pltpu.make_async_copy(wt_hbm.at[relb[p]], wb[p], semg[p]).wait()

    def issue_scatters(p):
      pltpu.async_copy(mb[p], agg_sh.at[sdst[p]], sems[p], add=True)
      pltpu.async_copy(ob[p], cnt_sh.at[sdr[p]], sems[p], add=True)

    def wait_scatters(p):
      pltpu.make_async_copy(mb[p], agg_sh.at[sdst[p]], sems[p]).wait()
      pltpu.make_async_copy(ob[p], cnt_sh.at[sdr[p]], sems[p]).wait()

    def issue_ident_gather(p):
      for g in range(CHUNK // LANES):
        dv = dstb[p][pl.ds(g * LANES, LANES)]
        scol[p][pl.ds(g * LANES, LANES)] = lax.bitwise_and(dv, 127)
      pltpu.async_copy(ident_sh.at[scol[p]], ob[p], semo[p])

    def wait_ident_gather(p):
      pltpu.make_async_copy(ident_sh.at[scol[p]], ob[p], semo[p]).wait()

    def compute(p):
      for g in range(CHUNK // LANES):
        dv = dstb[p][pl.ds(g * LANES, LANES)]
        sdst[p][pl.ds(g * LANES, LANES)] = dv
        sdr[p][pl.ds(g * LANES, LANES)] = lax.shift_right_logical(dv, 7)

      @plsc.parallel_loop(0, CHUNK, unroll=4)
      def edge_body(e):
        for vp in range(DIM // (2 * LANES)):
          xv0 = xb[p][e, pl.ds(2 * LANES * vp, LANES)]
          xv1 = xb[p][e, pl.ds(2 * LANES * vp + LANES, LANES)]
          acc0 = zero16
          acc1 = zero16
          for i in range(BLK):
            wi = wb[p][e, pl.ds(LANES * (BLK * i + vp), LANES)]
            wlo = lax.bitcast_convert_type(
                lax.shift_left(wi, 16), jnp.float32)
            whi = lax.bitcast_convert_type(
                lax.bitwise_and(wi, jnp.int32(-65536)), jnp.float32)
            xs0 = jnp.take_along_axis(xv0, perms[i], axis=0,
                                      mode="promise_in_bounds")
            xs1 = jnp.take_along_axis(xv1, perms[i], axis=0,
                                      mode="promise_in_bounds")
            acc0 = acc0 + xs0 * wlo
            acc1 = acc1 + xs1 * whi
          mb[p][e, pl.ds(2 * LANES * vp, LANES)] = acc0
          mb[p][e, pl.ds(2 * LANES * vp + LANES, LANES)] = acc1

    stage_idx(0, 0)
    stage_idx(1, 1)
    wait_idx(0)
    issue_gathers(0)

    def outer(it, carry):
      for b in range(2):
        ch = it * 2 + b
        p, pn = b, 1 - b

        @pl.when(ch >= 2)
        def _drain():
          wait_scatters(p)

        issue_ident_gather(p)

        @pl.when(ch < NCHUNK - 1)
        def _next_gather():
          wait_idx(pn)
          issue_gathers(pn)

        wait_gathers(p)
        compute(p)

        @pl.when(ch < NCHUNK - 2)
        def _next_idx():
          stage_idx(ch + 2, p)

        wait_ident_gather(p)
        issue_scatters(p)
      return carry
    lax.fori_loop(0, NCHUNK // 2, outer, None)

    wait_scatters(0)
    wait_scatters(1)

    plsc.subcore_barrier()
    pltpu.sync_copy(agg_sh.at[pl.ds(tile_base, ROWS_PER_TILE)],
                    agg_hbm.at[c, pl.ds(tile_base, ROWS_PER_TILE)])

    @pl.when(s < CNT_TILES)
    def _write_cnt():
      cbase = pl.multiple_of(s * 8, 8)
      pltpu.sync_copy(cnt_sh.at[pl.ds(cbase, 8)],
                      cnt_hbm.at[c, pl.ds(cbase, 8)])

  return body(h, wt, src, rel, dst)


def _wt_permute_body(w_ref, p_ref, o_ref):
  out = jnp.dot(w_ref[...], p_ref[...], preferred_element_type=jnp.float32)
  lo = lax.bitcast_convert_type(out[:, :2 * DIM], jnp.int32)
  hi = lax.bitcast_convert_type(out[:, 2 * DIM:], jnp.int32)
  o_ref[...] = lax.bitwise_or(
      lax.shift_right_logical(lo, 16), lax.bitwise_and(hi, -65536))


def _wt_permute(b_weight):
  nr = b_weight.shape[0]
  w2 = b_weight.reshape(nr, 4 * DIM)
  col = jnp.arange(4 * DIM, dtype=jnp.int32)
  i_, b_, j_ = col // DIM, (col % DIM) // 4, col % 4
  perm = b_ * 16 + i_ * 4 + j_
  k = jnp.arange(2 * DIM, dtype=jnp.int32)
  flo = perm[(k >> 4) * 32 + (k & 15)]
  fhi = perm[(k >> 4) * 32 + 16 + (k & 15)]
  fperm = jnp.concatenate([flo, fhi])
  pmat = (jnp.arange(4 * DIM, dtype=jnp.int32)[:, None] ==
          fperm[None, :]).astype(jnp.float32)
  blk_r = 400
  return pl.pallas_call(
      _wt_permute_body,
      grid=(nr // blk_r,),
      in_specs=[
          pl.BlockSpec((blk_r, 4 * DIM), lambda i: (i, 0)),
          pl.BlockSpec((4 * DIM, 4 * DIM), lambda i: (0, 0)),
      ],
      out_specs=pl.BlockSpec((blk_r, 2 * DIM), lambda i: (i, 0)),
      out_shape=jax.ShapeDtypeStruct((nr, 2 * DIM), jnp.int32),
  )(w2, pmat)


def _tc_combine_body(x_ref, w_ref, a_ref, c_ref, o_ref):
  msg = a_ref[0] + a_ref[1]
  cnt = c_ref[0] + c_ref[1]
  out = jnp.dot(x_ref[...], w_ref[...], preferred_element_type=jnp.float32)
  o_ref[...] = out + msg / jnp.maximum(cnt, 1.0)


def _tc_combine(h, w_self, agg2, cnt2):
  blk_m = 1000
  grid = (N_NODES // blk_m,)
  return pl.pallas_call(
      _tc_combine_body,
      grid=grid,
      in_specs=[
          pl.BlockSpec((blk_m, DIM), lambda i: (i, 0)),
          pl.BlockSpec((DIM, DIM), lambda i: (0, 0)),
          pl.BlockSpec((NC, blk_m, DIM), lambda i: (0, i, 0)),
          pl.BlockSpec((NC, blk_m, 1), lambda i: (0, i, 0)),
      ],
      out_specs=pl.BlockSpec((blk_m, DIM), lambda i: (i, 0)),
      out_shape=jax.ShapeDtypeStruct((N_NODES, DIM), jnp.float32),
  )(h, w_self, agg2, cnt2)


@jax.jit
def kernel(input_h, edges, b_weight, self_loop_weight):
  wt = _wt_permute(b_weight)
  src = edges[:, 0]
  rel = edges[:, 1]
  dst = edges[:, 2]
  pad = E_PAD - N_EDGES
  zpad = jnp.zeros((pad,), jnp.int32)
  src_p = jnp.concatenate([src, zpad])
  rel_p = jnp.concatenate([rel, zpad])
  dst_p = jnp.concatenate([dst, jnp.full((pad,), DUMMY_DST, jnp.int32)])
  agg2, cnt2 = _sc_aggregate(input_h, wt, src_p, rel_p, dst_p)
  cnt2 = cnt2.reshape(NC, N_PAD, 1)
  return _tc_combine(input_h, self_loop_weight, agg2, cnt2[:, :N_NODES])

# --- scband reference (transcript-rebuilt; emitter-appended) ---
"""Pipeline reference for scband-rgcnlayer-64854006169652 (READ-ONLY COPY).

The authoritative reference and input builder live on the scoring server;
editing this copy changes nothing except your own understanding.
"""

import jax, jax.numpy as jnp
import numpy as np

N_NODES = 10000
N_EDGES = 160000
IN_DIM = 128
OUT_DIM = 128
NUM_RELS = 10000
NUM_BLOCK = 32
IN_B = IN_DIM // NUM_BLOCK
OUT_B = OUT_DIM // NUM_BLOCK


def setup_inputs(seed: int = 0) -> dict:
    key = jax.random.key(seed)
    k1, k2, k3, k4 = jax.random.split(key, 4)
    input_h = jax.random.normal(k1, (N_NODES, IN_DIM), dtype=jnp.float32)
    edges = jax.random.randint(k2, (N_EDGES, 3), 0, N_NODES, dtype=jnp.int32)
    gain = float(np.sqrt(2.0))
    std_b = gain * float(np.sqrt(2.0 / (IN_B + OUT_B)))
    b_weight = jax.random.normal(k3, (NUM_RELS, NUM_BLOCK, IN_B, OUT_B), dtype=jnp.float32) * std_b
    std_s = gain * float(np.sqrt(2.0 / (IN_DIM + OUT_DIM)))
    self_loop_weight = jax.random.normal(k4, (IN_DIM, OUT_DIM), dtype=jnp.float32) * std_s
    return {"input_h": input_h, "edges": edges, "b_weight": b_weight, "self_loop_weight": self_loop_weight}


def reference(input_h, edges, b_weight, self_loop_weight):
    src = edges[:, 0]
    rel = edges[:, 1]
    dst = edges[:, 2]
    # block-diagonal relation-specific message: gather per-edge block weights
    xs = input_h[src].reshape(-1, NUM_BLOCK, 1, IN_B)          # [E, nb, 1, in_b]
    Wb = b_weight[rel]                                          # [E, nb, in_b, out_b]
    msg = jnp.matmul(xs, Wb).reshape(-1, OUT_DIM)               # [E, out_dim]
    # gcn_aggregate: mean of incoming messages per destination node
    counts = jnp.bincount(dst, length=N_NODES).astype(jnp.float32)
    agg = jnp.zeros((N_NODES, OUT_DIM), dtype=jnp.float32).at[dst].add(msg)
    agg = agg / jnp.clip(counts, 1.0, None)[:, None]
    # self loop + add aggregated messages
    h = input_h @ self_loop_weight
    h = h + agg
    return h

if __name__ == "__main__":
    import jax
    _d = setup_inputs()
    print(jax.jit(kernel)(*tuple(_d.values())))

</pallas_src>

<mosaic_0001>
#map = affine_map<(d0, d1) -> (0, 0)>
#map1 = affine_map<(d0, d1) -> (0)>
#map2 = affine_map<(d0, d1) -> (0, 0, 0)>
module attributes {stable_mosaic.version = 14 : i64} {
  func.func @body(%arg0: i32, %arg1: i32, %arg2: memref<10000x128xf32, #tpu.memory_space<hbm>>, %arg3: memref<10000x256xi32, #tpu.memory_space<hbm>>, %arg4: memref<161792xi32, #tpu.memory_space<hbm>>, %arg5: memref<161792xi32, #tpu.memory_space<hbm>>, %arg6: memref<161792xi32, #tpu.memory_space<hbm>>, %arg7: memref<2x10240x128xf32, #tpu.memory_space<hbm>>, %arg8: memref<2x80x128xf32, #tpu.memory_space<hbm>>, %arg9: memref<32xi32, #tpu.memory_space<vmem>>, %arg10: memref<32xi32, #tpu.memory_space<vmem>>, %arg11: memref<32xi32, #tpu.memory_space<vmem>>, %arg12: memref<32xi32, #tpu.memory_space<vmem>>, %arg13: memref<32xi32, #tpu.memory_space<vmem>>, %arg14: memref<32xi32, #tpu.memory_space<vmem>>, %arg15: memref<32xi32, #tpu.memory_space<vmem>>, %arg16: memref<32xi32, #tpu.memory_space<vmem>>, %arg17: memref<32xi32, #tpu.memory_space<vmem>>, %arg18: memref<32xi32, #tpu.memory_space<vmem>>, %arg19: memref<32xi32, #tpu.memory_space<vmem>>, %arg20: memref<32xi32, #tpu.memory_space<vmem>>, %arg21: memref<32x128xf32, #tpu.memory_space<vmem>>, %arg22: memref<32x128xf32, #tpu.memory_space<vmem>>, %arg23: memref<32x256xi32, #tpu.memory_space<vmem>>, %arg24: memref<32x256xi32, #tpu.memory_space<vmem>>, %arg25: memref<32x128xf32, #tpu.memory_space<vmem>>, %arg26: memref<32x128xf32, #tpu.memory_space<vmem>>, %arg27: memref<32x128xf32, #tpu.memory_space<vmem>>, %arg28: memref<32x128xf32, #tpu.memory_space<vmem>>, %arg29: memref<10240x128xf32, #tpu.memory_space<vmem_shared>>, %arg30: memref<80x128xf32, #tpu.memory_space<vmem_shared>>, %arg31: memref<128x128xf32, #tpu.memory_space<vmem_shared>>, %arg32: memref<!tpu.dma_semaphore, #tpu.memory_space<semaphore_mem>>, %arg33: memref<!tpu.dma_semaphore, #tpu.memory_space<semaphore_mem>>, %arg34: memref<!tpu.dma_semaphore, #tpu.memory_space<semaphore_mem>>, %arg35: memref<!tpu.dma_semaphore, #tpu.memory_space<semaphore_mem>>, %arg36: memref<!tpu.dma_semaphore, #tpu.memory_space<semaphore_mem>>, %arg37: memref<!tpu.dma_semaphore, #tpu.memory_space<semaphore_mem>>, %arg38: memref<!tpu.dma_semaphore, #tpu.memory_space<semaphore_mem>>, %arg39: memref<!tpu.dma_semaphore, #tpu.memory_space<semaphore_mem>>) attributes {dimension_semantics = [#tpu.dimension_semantics<core_parallel>, #tpu.dimension_semantics<subcore_parallel>], iteration_bounds = array<i64: 2, 16>, scalar_prefetch = 0 : i64, scratch_operands = 31 : i64, tpu.core_type = #tpu.core_type<sc_vector_subcore>, window_params = [{transform_indices = #map}, {transform_indices = #map}, {transform_indices = #map1}, {transform_indices = #map1}, {transform_indices = #map1}, {transform_indices = #map2}, {transform_indices = #map2}]} {
    %mul3A = arith.constant 16 : i32
    %mul3A_0 = arith.muli %arg0, %mul3A : i32
    %add3A = arith.addi %mul3A_0, %arg1 : i32
    %iota3A = tpu.iota {dimensions = array<i32: 0>} : vector<16xi32>
    %broadcast_in_dim3A = arith.constant 0.000000e+00 : f32
    %broadcast_in_dim3A_1 = vector.broadcast %broadcast_in_dim3A : f32 to vector<16xf32>
    %scan3A = arith.constant 0 : i32
    %scan3A_2 = arith.constant 32 : i32
    %scan3A_3 = arith.addi %scan3A, %scan3A_2 : i32
    %scan3A_4 = arith.constant 1 : i32
    scf.for %scan3A_1126 = %scan3A to %scan3A_3 step %scan3A_4  : i32 {
      %swap3A_1127 = arith.index_cast %scan3A_1126 : i32 to index
      %swap3A_1128 = arith.constant 0 : index
      %swap3A_1129 = tpu.vector_load %arg25[%swap3A_1127, %swap3A_1128] {strides = array<i32>} : memref<32x128xf32, #tpu.memory_space<vmem>>, vector<1x16xf32>,
      %swap3A_1130 = vector.shape_cast %swap3A_1129 : vector<1x16xf32> to vector<16xf32>
      %swap3A_1131 = vector.shape_cast %broadcast_in_dim3A_1 : vector<16xf32> to vector<1x16xf32>
      tpu.vector_store %arg25[%swap3A_1127, %swap3A_1128], %swap3A_1131 {strides = array<i32>} : memref<32x128xf32, #tpu.memory_space<vmem>>, vector<1x16xf32>,
      %swap3A_1132 = arith.index_cast %scan3A_1126 : i32 to index
      %swap3A_1133 = arith.constant 16 : index
      %swap3A_1134 = tpu.vector_load %arg25[%swap3A_1132, %swap3A_1133] {strides = array<i32>} : memref<32x128xf32, #tpu.memory_space<vmem>>, vector<1x16xf32>,
      %swap3A_1135 = vector.shape_cast %swap3A_1134 : vector<1x16xf32> to vector<16xf32>
      %swap3A_1136 = vector.shape_cast %broadcast_in_dim3A_1 : vector<16xf32> to vector<1x16xf32>
      tpu.vector_store %arg25[%swap3A_1132, %swap3A_1133], %swap3A_1136 {strides = array<i32>} : memref<32x128xf32, #tpu.memory_space<vmem>>, vector<1x16xf32>,
      %swap3A_1137 = arith.index_cast %scan3A_1126 : i32 to index
      %swap3A_1138 = arith.constant 32 : index
      %swap3A_1139 = tpu.vector_load %arg25[%swap3A_1137, %swap3A_1138] {strides = array<i32>} : memref<32x128xf32, #tpu.memory_space<vmem>>, vector<1x16xf32>,
      %swap3A_1140 = vector.shape_cast %swap3A_1139 : vector<1x16xf32> to vector<16xf32>
      %swap3A_1141 = vector.shape_cast %broadcast_in_dim3A_1 : vector<16xf32> to vector<1x16xf32>
      tpu.vector_store %arg25[%swap3A_1137, %swap3A_1138], %swap3A_1141 {strides = array<i32>} : memref<32x128xf32, #tpu.memory_space<vmem>>, vector<1x16xf32>,
      %swap3A_1142 = arith.index_cast %scan3A_1126 : i32 to index
      %swap3A_1143 = arith.constant 48 : index
      %swap3A_1144 = tpu.vector_load %arg25[%swap3A_1142, %swap3A_1143] {strides = array<i32>} : memref<32x128xf32, #tpu.memory_space<vmem>>, vector<1x16xf32>,
      %swap3A_1145 = vector.shape_cast %swap3A_1144 : vector<1x16xf32> to vector<16xf32>
      %swap3A_1146 = vector.shape_cast %broadcast_in_dim3A_1 : vector<16xf32> to vector<1x16xf32>
      tpu.vector_store %arg25[%swap3A_1142, %swap3A_1143], %swap3A_1146 {strides = array<i32>} : memref<32x128xf32, #tpu.memory_space<vmem>>, vector<1x16xf32>,
      %swap3A_1147 = arith.index_cast %scan3A_1126 : i32 to index
      %swap3A_1148 = arith.constant 64 : index
      %swap3A_1149 = tpu.vector_load %arg25[%swap3A_1147, %swap3A_1148] {strides = array<i32>} : memref<32x128xf32, #tpu.memory_space<vmem>>, vector<1x16xf32>,
      %swap3A_1150 = vector.shape_cast %swap3A_1149 : vector<1x16xf32> to vector<16xf32>
      %swap3A_1151 = vector.shape_cast %broadcast_in_dim3A_1 : vector<16xf32> to vector<1x16xf32>
      tpu.vector_store %arg25[%swap3A_1147, %swap3A_1148], %swap3A_1151 {strides = array<i32>} : memref<32x128xf32, #tpu.memory_space<vmem>>, vector<1x16xf32>,
      %swap3A_1152 = arith.index_cast %scan3A_1126 : i32 to index
      %swap3A_1153 = arith.constant 80 : index
      %swap3A_1154 = tpu.vector_load %arg25[%swap3A_1152, %swap3A_1153] {strides = array<i32>} : memref<32x128xf32, #tpu.memory_space<vmem>>, vector<1x16xf32>,
      %swap3A_1155 = vector.shape_cast %swap3A_1154 : vector<1x16xf32> to vector<16xf32>
      %swap3A_1156 = vector.shape_cast %broadcast_in_dim3A_1 : vector<16xf32> to vector<1x16xf32>
      tpu.vector_store %arg25[%swap3A_1152, %swap3A_1153], %swap3A_1156 {strides = array<i32>} : memref<32x128xf32, #tpu.memory_space<vmem>>, vector<1x16xf32>,
      %swap3A_1157 = arith.index_cast %scan3A_1126 : i32 to index
      %swap3A_1158 = arith.constant 96 : index
      %swap3A_1159 = tpu.vector_load %arg25[%swap3A_1157, %swap3A_1158] {strides = array<i32>} : memref<32x128xf32, #tpu.memory_space<vmem>>, vector<1x16xf32>,
      %swap3A_1160 = vector.shape_cast %swap3A_1159 : vector<1x16xf32> to vector<16xf32>
      %swap3A_1161 = vector.shape_cast %broadcast_in_dim3A_1 : vector<16xf32> to vector<1x16xf32>
      tpu.vector_store %arg25[%swap3A_1157, %swap3A_1158], %swap3A_1161 {strides = array<i32>} : memref<32x128xf32, #tpu.memory_space<vmem>>, vector<1x16xf32>,
      %swap3A_1162 = arith.index_cast %scan3A_1126 : i32 to index
      %swap3A_1163 = arith.constant 112 : index
      %swap3A_1164 = tpu.vector_load %arg25[%swap3A_1162, %swap3A_1163] {strides = array<i32>} : memref<32x128xf32, #tpu.memory_space<vmem>>, vector<1x16xf32>,
      %swap3A_1165 = vector.shape_cast %swap3A_1164 : vector<1x16xf32> to vector<16xf32>
      %swap3A_1166 = vector.shape_cast %broadcast_in_dim3A_1 : vector<16xf32> to vector<1x16xf32>
      tpu.vector_store %arg25[%swap3A_1162, %swap3A_1163], %swap3A_1166 {strides = array<i32>} : memref<32x128xf32, #tpu.memory_space<vmem>>, vector<1x16xf32>,
    }
    %scan3A_5 = arith.constant 32 : i32
    %mul3A_6 = arith.constant 640 : i32
    %mul3A_7 = arith.muli %arg1, %mul3A_6 : i32
    %multiple_of3A = tpu.assume_multiple %mul3A_7, 8 : i32
    %add3A_8 = arith.constant 0 : i32
    %add3A_9 = arith.addi %multiple_of3A, %add3A_8 : i32
    "tpu.region"() ({
      %run_scoped3A = tpu.sem_alloc : memref<!tpu.dma_semaphore, #tpu.memory_space<semaphore_mem>>
      %dma_start3A_1126 = arith.constant 0 : i32
      %dma_start3A_1127 = tpu.memref_slice %arg29[%add3A_9, %dma_start3A_1126] : memref<10240x128xf32, #tpu.memory_space<vmem_shared>> -> memref<32x128xf32, #tpu.memory_space<vmem_shared>>
      %dma_start3A_1128 = arith.constant 0 : i32
      %dma_start3A_1129 = tpu.memref_slice %arg29[%add3A_9, %dma_start3A_1128] : memref<10240x128xf32, #tpu.memory_space<vmem_shared>> -> memref<32x128xf32, #tpu.memory_space<vmem_shared>>
      tpu.enqueue_dma source(%arg25 : memref<32x128xf32, #tpu.memory_space<vmem>>) target(%dma_start3A_1129 : memref<32x128xf32, #tpu.memory_space<vmem_shared>>) target_semaphore(%run_scoped3A : memref<!tpu.dma_semaphore, #tpu.memory_space<semaphore_mem>>)
      %dma_wait3A_1130 = arith.constant 0 : i32
      %dma_wait3A_1131 = tpu.memref_slice %arg29[%add3A_9, %dma_wait3A_1130] : memref<10240x128xf32, #tpu.memory_space<vmem_shared>> -> memref<32x128xf32, #tpu.memory_space<vmem_shared>>
      %dma_wait3A_1132 = arith.constant 0 : i32
      %dma_wait3A_1133 = tpu.memref_slice %arg29[%add3A_9, %dma_wait3A_1132] : memref<10240x128xf32, #tpu.memory_space<vmem_shared>> -> memref<32x128xf32, #tpu.memory_space<vmem_shared>>
      tpu.wait_dma2 semaphore(%run_scoped3A : memref<!tpu.dma_semaphore, #tpu.memory_space<semaphore_mem>>) src(%arg25 : memref<32x128xf32, #tpu.memory_space<vmem>>) dst(%dma_wait3A_1133 : memref<32x128xf32, #tpu.memory_space<vmem_shared>>)
      tpu.yield
    }) : () -> ()
    %add3A_10 = arith.constant 32 : i32
    %add3A_11 = arith.addi %multiple_of3A, %add3A_10 : i32
    "tpu.region"() ({
      %run_scoped3A = tpu.sem_alloc : memref<!tpu.dma_semaphore, #tpu.memory_space<semaphore_mem>>
      %dma_start3A_1126 = arith.constant 0 : i32
      %dma_start3A_1127 = tpu.memref_slice %arg29[%add3A_11, %dma_start3A_1126] : memref<10240x128xf32, #tpu.memory_space<vmem_shared>> -> memref<32x128xf32, #tpu.memory_space<vmem_shared>>
      %dma_start3A_1128 = arith.constant 0 : i32
      %dma_start3A_1129 = tpu.memref_slice %arg29[%add3A_11, %dma_start3A_1128] : memref<10240x128xf32, #tpu.memory_space<vmem_shared>> -> memref<32x128xf32, #tpu.memory_space<vmem_shared>>
      tpu.enqueue_dma source(%arg25 : memref<32x128xf32, #tpu.memory_space<vmem>>) target(%dma_start3A_1129 : memref<32x128xf32, #tpu.memory_space<vmem_shared>>) target_semaphore(%run_scoped3A : memref<!tpu.dma_semaphore, #tpu.memory_space<semaphore_mem>>)
      %dma_wait3A_1130 = arith.constant 0 : i32
      %dma_wait3A_1131 = tpu.memref_slice %arg29[%add3A_11, %dma_wait3A_1130] : memref<10240x128xf32, #tpu.memory_space<vmem_shared>> -> memref<32x128xf32, #tpu.memory_space<vmem_shared>>
      %dma_wait3A_1132 = arith.constant 0 : i32
      %dma_wait3A_1133 = tpu.memref_slice %arg29[%add3A_11, %dma_wait3A_1132] : memref<10240x128xf32, #tpu.memory_space<vmem_shared>> -> memref<32x128xf32, #tpu.memory_space<vmem_shared>>
      tpu.wait_dma2 semaphore(%run_scoped3A : memref<!tpu.dma_semaphore, #tpu.memory_space<semaphore_mem>>) src(%arg25 : memref<32x128xf32, #tpu.memory_space<vmem>>) dst(%dma_wait3A_1133 : memref<32x128xf32, #tpu.memory_space<vmem_shared>>)
      tpu.yield
    }) : () -> ()
    %add3A_12 = arith.constant 64 : i32
    %add3A_13 = arith.addi %multiple_of3A, %add3A_12 : i32
    "tpu.region"() ({
      %run_scoped3A = tpu.sem_alloc : memref<!tpu.dma_semaphore, #tpu.memory_space<semaphore_mem>>
      %dma_start3A_1126 = arith.constant 0 : i32
      %dma_start3A_1127 = tpu.memref_slice %arg29[%add3A_13, %dma_start3A_1126] : memref<10240x128xf32, #tpu.memory_space<vmem_shared>> -> memref<32x128xf32, #tpu.memory_space<vmem_shared>>
      %dma_start3A_1128 = arith.constant 0 : i32
      %dma_start3A_1129 = tpu.memref_slice %arg29[%add3A_13, %dma_start3A_1128] : memref<10240x128xf32, #tpu.memory_space<vmem_shared>> -> memref<32x128xf32, #tpu.memory_space<vmem_shared>>
      tpu.enqueue_dma source(%arg25 : memref<32x128xf32, #tpu.memory_space<vmem>>) target(%dma_start3A_1129 : memref<32x128xf32, #tpu.memory_space<vmem_shared>>) target_semaphore(%run_scoped3A : memref<!tpu.dma_semaphore, #tpu.memory_space<semaphore_mem>>)
      %dma_wait3A_1130 = arith.constant 0 : i32
      %dma_wait3A_1131 = tpu.memref_slice %arg29[%add3A_13, %dma_wait3A_1130] : memref<10240x128xf32, #tpu.memory_space<vmem_shared>> -> memref<32x128xf32, #tpu.memory_space<vmem_shared>>
      %dma_wait3A_1132 = arith.constant 0 : i32
      %dma_wait3A_1133 = tpu.memref_slice %arg29[%add3A_13, %dma_wait3A_1132] : memref<10240x128xf32, #tpu.memory_space<vmem_shared>> -> memref<32x128xf32, #tpu.memory_space<vmem_shared>>
      tpu.wait_dma2 semaphore(%run_scoped3A : memref<!tpu.dma_semaphore, #tpu.memory_space<semaphore_mem>>) src(%arg25 : memref<32x128xf32, #tpu.memory_space<vmem>>) dst(%dma_wait3A_1133 : memref<32x128xf32, #tpu.memory_space<vmem_shared>>)
      tpu.yield
    }) : () -> ()
    %add3A_14 = arith.constant 96 : i32
    %add3A_15 = arith.addi %multiple_of3A, %add3A_14 : i32
    "tpu.region"() ({
      %run_scoped3A = tpu.sem_alloc : memref<!tpu.dma_semaphore, #tpu.memory_space<semaphore_mem>>
      %dma_start3A_1126 = arith.constant 0 : i32
      %dma_start3A_1127 = tpu.memref_slice %arg29[%add3A_15, %dma_start3A_1126] : memref<10240x128xf32, #tpu.memory_space<vmem_shared>> -> memref<32x128xf32, #tpu.memory_space<vmem_shared>>
      %dma_start3A_1128 = arith.constant 0 : i32
      %dma_start3A_1129 = tpu.memref_slice %arg29[%add3A_15, %dma_start3A_1128] : memref<10240x128xf32, #tpu.memory_space<vmem_shared>> -> memref<32x128xf32, #tpu.memory_space<vmem_shared>>
      tpu.enqueue_dma source(%arg25 : memref<32x128xf32, #tpu.memory_space<vmem>>) target(%dma_start3A_1129 : memref<32x128xf32, #tpu.memory_space<vmem_shared>>) target_semaphore(%run_scoped3A : memref<!tpu.dma_semaphore, #tpu.memory_space<semaphore_mem>>)
      %dma_wait3A_1130 = arith.constant 0 : i32
      %dma_wait3A_1131 = tpu.memref_slice %arg29[%add3A_15, %dma_wait3A_1130] : memref<10240x128xf32, #tpu.memory_space<vmem_shared>> -> memref<32x128xf32, #tpu.memory_space<vmem_shared>>
      %dma_wait3A_1132 = arith.constant 0 : i32
      %dma_wait3A_1133 = tpu.memref_slice %arg29[%add3A_15, %dma_wait3A_1132] : memref<10240x128xf32, #tpu.memory_space<vmem_shared>> -> memref<32x128xf32, #tpu.memory_space<vmem_shared>>
      tpu.wait_dma2 semaphore(%run_scoped3A : memref<!tpu.dma_semaphore, #tpu.memory_space<semaphore_mem>>) src(%arg25 : memref<32x128xf32, #tpu.memory_space<vmem>>) dst(%dma_wait3A_1133 : memref<32x128xf32, #tpu.memory_space<vmem_shared>>)
      tpu.yield
    }) : () -> ()
    %add3A_16 = arith.constant 128 : i32
    %add3A_17 = arith.addi %multiple_of3A, %add3A_16 : i32
    "tpu.region"() ({
      %run_scoped3A = tpu.sem_alloc : memref<!tpu.dma_semaphore, #tpu.memory_space<semaphore_mem>>
      %dma_start3A_1126 = arith.constant 0 : i32
      %dma_start3A_1127 = tpu.memref_slice %arg29[%add3A_17, %dma_start3A_1126] : memref<10240x128xf32, #tpu.memory_space<vmem_shared>> -> memref<32x128xf32, #tpu.memory_space<vmem_shared>>
      %dma_start3A_1128 = arith.constant 0 : i32
      %dma_start3A_1129 = tpu.memref_slice %arg29[%add3A_17, %dma_start3A_1128] : memref<10240x128xf32, #tpu.memory_space<vmem_shared>> -> memref<32x128xf32, #tpu.memory_space<vmem_shared>>
      tpu.enqueue_dma source(%arg25 : memref<32x128xf32, #tpu.memory_space<vmem>>) target(%dma_start3A_1129 : memref<32x128xf32, #tpu.memory_space<vmem_shared>>) target_semaphore(%run_scoped3A : memref<!tpu.dma_semaphore, #tpu.memory_space<semaphore_mem>>)
      %dma_wait3A_1130 = arith.constant 0 : i32
      %dma_wait3A_1131 = tpu.memref_slice %arg29[%add3A_17, %dma_wait3A_1130] : memref<10240x128xf32, #tpu.memory_space<vmem_shared>> -> memref<32x128xf32, #tpu.memory_space<vmem_shared>>
      %dma_wait3A_1132 = arith.constant 0 : i32
      %dma_wait3A_1133 = tpu.memref_slice %arg29[%add3A_17, %dma_wait3A_1132] : memref<10240x128xf32, #tpu.memory_space<vmem_shared>> -> memref<32x128xf32, #tpu.memory_space<vmem_shared>>
      tpu.wait_dma2 semaphore(%run_scoped3A : memref<!tpu.dma_semaphore, #tpu.memory_space<semaphore_mem>>) src(%arg25 : memref<32x128xf32, #tpu.memory_space<vmem>>) dst(%dma_wait3A_1133 : memref<32x128xf32, #tpu.memory_space<vmem_shared>>)
      tpu.yield
    }) : () -> ()
    %add3A_18 = arith.constant 160 : i32
    %add3A_19 = arith.addi %multiple_of3A, %add3A_18 : i32
    "tpu.region"() ({
      %run_scoped3A = tpu.sem_alloc : memref<!tpu.dma_semaphore, #tpu.memory_space<semaphore_mem>>
      %dma_start3A_1126 = arith.constant 0 : i32
      %dma_start3A_1127 = tpu.memref_slice %arg29[%add3A_19, %dma_start3A_1126] : memref<10240x128xf32, #tpu.memory_space<vmem_shared>> -> memref<32x128xf32, #tpu.memory_space<vmem_shared>>
      %dma_start3A_1128 = arith.constant 0 : i32
      %dma_start3A_1129 = tpu.memref_slice %arg29[%add3A_19, %dma_start3A_1128] : memref<10240x128xf32, #tpu.memory_space<vmem_shared>> -> memref<32x128xf32, #tpu.memory_space<vmem_shared>>
      tpu.enqueue_dma source(%arg25 : memref<32x128xf32, #tpu.memory_space<vmem>>) target(%dma_start3A_1129 : memref<32x128xf32, #tpu.memory_space<vmem_shared>>) target_semaphore(%run_scoped3A : memref<!tpu.dma_semaphore, #tpu.memory_space<semaphore_mem>>)
      %dma_wait3A_1130 = arith.constant 0 : i32
      %dma_wait3A_1131 = tpu.memref_slice %arg29[%add3A_19, %dma_wait3A_1130] : memref<10240x128xf32, #tpu.memory_space<vmem_shared>> -> memref<32x128xf32, #tpu.memory_space<vmem_shared>>
      %dma_wait3A_1132 = arith.constant 0 : i32
      %dma_wait3A_1133 = tpu.memref_slice %arg29[%add3A_19, %dma_wait3A_1132] : memref<10240x128xf32, #tpu.memory_space<vmem_shared>> -> memref<32x128xf32, #tpu.memory_space<vmem_shared>>
      tpu.wait_dma2 semaphore(%run_scoped3A : memref<!tpu.dma_semaphore, #tpu.memory_space<semaphore_mem>>) src(%arg25 : memref<32x128xf32, #tpu.memory_space<vmem>>) dst(%dma_wait3A_1133 : memref<32x128xf32, #tpu.memory_space<vmem_shared>>)
      tpu.yield
    }) : () -> ()
    %add3A_20 = arith.constant 192 : i32
    %add3A_21 = arith.addi %multiple_of3A, %add3A_20 : i32
    "tpu.region"() ({
      %run_scoped3A = tpu.sem_alloc : memref<!tpu.dma_semaphore, #tpu.memory_space<semaphore_mem>>
      %dma_start3A_1126 = arith.constant 0 : i32
      %dma_start3A_1127 = tpu.memref_slice %arg29[%add3A_21, %dma_start3A_1126] : memref<10240x128xf32, #tpu.memory_space<vmem_shared>> -> memref<32x128xf32, #tpu.memory_space<vmem_shared>>
      %dma_start3A_1128 = arith.constant 0 : i32
      %dma_start3A_1129 = tpu.memref_slice %arg29[%add3A_21, %dma_start3A_1128] : memref<10240x128xf32, #tpu.memory_space<vmem_shared>> -> memref<32x128xf32, #tpu.memory_space<vmem_shared>>
      tpu.enqueue_dma source(%arg25 : memref<32x128xf32, #tpu.memory_space<vmem>>) target(%dma_start3A_1129 : memref<32x128xf32, #tpu.memory_space<vmem_shared>>) target_semaphore(%run_scoped3A : memref<!tpu.dma_semaphore, #tpu.memory_space<semaphore_mem>>)
      %dma_wait3A_1130 = arith.constant 0 : i32
      %dma_wait3A_1131 = tpu.memref_slice %arg29[%add3A_21, %dma_wait3A_1130] : memref<10240x128xf32, #tpu.memory_space<vmem_shared>> -> memref<32x128xf32, #tpu.memory_space<vmem_shared>>
      %dma_wait3A_1132 = arith.constant 0 : i32
      %dma_wait3A_1133 = tpu.memref_slice %arg29[%add3A_21, %dma_wait3A_1132] : memref<10240x128xf32, #tpu.memory_space<vmem_shared>> -> memref<32x128xf32, #tpu.memory_space<vmem_shared>>
      tpu.wait_dma2 semaphore(%run_scoped3A : memref<!tpu.dma_semaphore, #tpu.memory_space<semaphore_mem>>) src(%arg25 : memref<32x128xf32, #tpu.memory_space<vmem>>) dst(%dma_wait3A_1133 : memref<32x128xf32, #tpu.memory_space<vmem_shared>>)
      tpu.yield
    }) : () -> ()
    %add3A_22 = arith.constant 224 : i32
    %add3A_23 = arith.addi %multiple_of3A, %add3A_22 : i32
    "tpu.region"() ({
      %run_scoped3A = tpu.sem_alloc : memref<!tpu.dma_semaphore, #tpu.memory_space<semaphore_mem>>
      %dma_start3A_1126 = arith.constant 0 : i32
      %dma_start3A_1127 = tpu.memref_slice %arg29[%add3A_23, %dma_start3A_1126] : memref<10240x128xf32, #tpu.memory_space<vmem_shared>> -> memref<32x128xf32, #tpu.memory_space<vmem_shared>>
      %dma_start3A_1128 = arith.constant 0 : i32
      %dma_start3A_1129 = tpu.memref_slice %arg29[%add3A_23, %dma_start3A_1128] : memref<10240x128xf32, #tpu.memory_space<vmem_shared>> -> memref<32x128xf32, #tpu.memory_space<vmem_shared>>
      tpu.enqueue_dma source(%arg25 : memref<32x128xf32, #tpu.memory_space<vmem>>) target(%dma_start3A_1129 : memref<32x128xf32, #tpu.memory_space<vmem_shared>>) target_semaphore(%run_scoped3A : memref<!tpu.dma_semaphore, #tpu.memory_space<semaphore_mem>>)
      %dma_wait3A_1130 = arith.constant 0 : i32
      %dma_wait3A_1131 = tpu.memref_slice %arg29[%add3A_23, %dma_wait3A_1130] : memref<10240x128xf32, #tpu.memory_space<vmem_shared>> -> memref<32x128xf32, #tpu.memory_space<vmem_shared>>
      %dma_wait3A_1132 = arith.constant 0 : i32
      %dma_wait3A_1133 = tpu.memref_slice %arg29[%add3A_23, %dma_wait3A_1132] : memref<10240x128xf32, #tpu.memory_space<vmem_shared>> -> memref<32x128xf32, #tpu.memory_space<vmem_shared>>
      tpu.wait_dma2 semaphore(%run_scoped3A : memref<!tpu.dma_semaphore, #tpu.memory_space<semaphore_mem>>) src(%arg25 : memref<32x128xf32, #tpu.memory_space<vmem>>) dst(%dma_wait3A_1133 : memref<32x128xf32, #tpu.memory_space<vmem_shared>>)
      tpu.yield
    }) : () -> ()
    %add3A_24 = arith.constant 256 : i32
    %add3A_25 = arith.addi %multiple_of3A, %add3A_24 : i32
    "tpu.region"() ({
      %run_scoped3A = tpu.sem_alloc : memref<!tpu.dma_semaphore, #tpu.memory_space<semaphore_mem>>
      %dma_start3A_1126 = arith.constant 0 : i32
      %dma_start3A_1127 = tpu.memref_slice %arg29[%add3A_25, %dma_start3A_1126] : memref<10240x128xf32, #tpu.memory_space<vmem_shared>> -> memref<32x128xf32, #tpu.memory_space<vmem_shared>>
      %dma_start3A_1128 = arith.constant 0 : i32
      %dma_start3A_1129 = tpu.memref_slice %arg29[%add3A_25, %dma_start3A_1128] : memref<10240x128xf32, #tpu.memory_space<vmem_shared>> -> memref<32x128xf32, #tpu.memory_space<vmem_shared>>
      tpu.enqueue_dma source(%arg25 : memref<32x128xf32, #tpu.memory_space<vmem>>) target(%dma_start3A_1129 : memref<32x128xf32, #tpu.memory_space<vmem_shared>>) target_semaphore(%run_scoped3A : memref<!tpu.dma_semaphore, #tpu.memory_space<semaphore_mem>>)
      %dma_wait3A_1130 = arith.constant 0 : i32
      %dma_wait3A_1131 = tpu.memref_slice %arg29[%add3A_25, %dma_wait3A_1130] : memref<10240x128xf32, #tpu.memory_space<vmem_shared>> -> memref<32x128xf32, #tpu.memory_space<vmem_shared>>
      %dma_wait3A_1132 = arith.constant 0 : i32
      %dma_wait3A_1133 = tpu.memref_slice %arg29[%add3A_25, %dma_wait3A_1132] : memref<10240x128xf32, #tpu.memory_space<vmem_shared>> -> memref<32x128xf32, #tpu.memory_space<vmem_shared>>
      tpu.wait_dma2 semaphore(%run_scoped3A : memref<!tpu.dma_semaphore, #tpu.memory_space<semaphore_mem>>) src(%arg25 : memref<32x128xf32, #tpu.memory_space<vmem>>) dst(%dma_wait3A_1133 : memref<32x128xf32, #tpu.memory_space<vmem_shared>>)
      tpu.yield
    }) : () -> ()
    %add3A_26 = arith.constant 288 : i32
    %add3A_27 = arith.addi %multiple_of3A, %add3A_26 : i32
    "tpu.region"() ({
      %run_scoped3A = tpu.sem_alloc : memref<!tpu.dma_semaphore, #tpu.memory_space<semaphore_mem>>
      %dma_start3A_1126 = arith.constant 0 : i32
      %dma_start3A_1127 = tpu.memref_slice %arg29[%add3A_27, %dma_start3A_1126] : memref<10240x128xf32, #tpu.memory_space<vmem_shared>> -> memref<32x128xf32, #tpu.memory_space<vmem_shared>>
      %dma_start3A_1128 = arith.constant 0 : i32
      %dma_start3A_1129 = tpu.memref_slice %arg29[%add3A_27, %dma_start3A_1128] : memref<10240x128xf32, #tpu.memory_space<vmem_shared>> -> memref<32x128xf32, #tpu.memory_space<vmem_shared>>
      tpu.enqueue_dma source(%arg25 : memref<32x128xf32, #tpu.memory_space<vmem>>) target(%dma_start3A_1129 : memref<32x128xf32, #tpu.memory_space<vmem_shared>>) target_semaphore(%run_scoped3A : memref<!tpu.dma_semaphore, #tpu.memory_space<semaphore_mem>>)
      %dma_wait3A_1130 = arith.constant 0 : i32
      %dma_wait3A_1131 = tpu.memref_slice %arg29[%add3A_27, %dma_wait3A_1130] : memref<10240x128xf32, #tpu.memory_space<vmem_shared>> -> memref<32x128xf32, #tpu.memory_space<vmem_shared>>
      %dma_wait3A_1132 = arith.constant 0 : i32
      %dma_wait3A_1133 = tpu.memref_slice %arg29[%add3A_27, %dma_wait3A_1132] : memref<10240x128xf32, #tpu.memory_space<vmem_shared>> -> memref<32x128xf32, #tpu.memory_space<vmem_shared>>
      tpu.wait_dma2 semaphore(%run_scoped3A : memref<!tpu.dma_semaphore, #tpu.memory_space<semaphore_mem>>) src(%arg25 : memref<32x128xf32, #tpu.memory_space<vmem>>) dst(%dma_wait3A_1133 : memref<32x128xf32, #tpu.memory_space<vmem_shared>>)
      tpu.yield
    }) : () -> ()
    %add3A_28 = arith.constant 320 : i32
    %add3A_29 = arith.addi %multiple_of3A, %add3A_28 : i32
    "tpu.region"() ({
      %run_scoped3A = tpu.sem_alloc : memref<!tpu.dma_semaphore, #tpu.memory_space<semaphore_mem>>
      %dma_start3A_1126 = arith.constant 0 : i32
      %dma_start3A_1127 = tpu.memref_slice %arg29[%add3A_29, %dma_start3A_1126] : memref<10240x128xf32, #tpu.memory_space<vmem_shared>> -> memref<32x128xf32, #tpu.memory_space<vmem_shared>>
      %dma_start3A_1128 = arith.constant 0 : i32
      %dma_start3A_1129 = tpu.memref_slice %arg29[%add3A_29, %dma_start3A_1128] : memref<10240x128xf32, #tpu.memory_space<vmem_shared>> -> memref<32x128xf32, #tpu.memory_space<vmem_shared>>
      tpu.enqueue_dma source(%arg25 : memref<32x128xf32, #tpu.memory_space<vmem>>) target(%dma_start3A_1129 : memref<32x128xf32, #tpu.memory_space<vmem_shared>>) target_semaphore(%run_scoped3A : memref<!tpu.dma_semaphore, #tpu.memory_space<semaphore_mem>>)
      %dma_wait3A_1130 = arith.constant 0 : i32
      %dma_wait3A_1131 = tpu.memref_slice %arg29[%add3A_29, %dma_wait3A_1130] : memref<10240x128xf32, #tpu.memory_space<vmem_shared>> -> memref<32x128xf32, #tpu.memory_space<vmem_shared>>
      %dma_wait3A_1132 = arith.constant 0 : i32
      %dma_wait3A_1133 = tpu.memref_slice %arg29[%add3A_29, %dma_wait3A_1132] : memref<10240x128xf32, #tpu.memory_space<vmem_shared>> -> memref<32x128xf32, #tpu.memory_space<vmem_shared>>
      tpu.wait_dma2 semaphore(%run_scoped3A : memref<!tpu.dma_semaphore, #tpu.memory_space<semaphore_mem>>) src(%arg25 : memref<32x128xf32, #tpu.memory_space<vmem>>) dst(%dma_wait3A_1133 : memref<32x128xf32, #tpu.memory_space<vmem_shared>>)
      tpu.yield
    }) : () -> ()
    %add3A_30 = arith.constant 352 : i32
    %add3A_31 = arith.addi %multiple_of3A, %add3A_30 : i32
    "tpu.region"() ({
      %run_scoped3A = tpu.sem_alloc : memref<!tpu.dma_semaphore, #tpu.memory_space<semaphore_mem>>
      %dma_start3A_1126 = arith.constant 0 : i32
      %dma_start3A_1127 = tpu.memref_slice %arg29[%add3A_31, %dma_start3A_1126] : memref<10240x128xf32, #tpu.memory_space<vmem_shared>> -> memref<32x128xf32, #tpu.memory_space<vmem_shared>>
      %dma_start3A_1128 = arith.constant 0 : i32
      %dma_start3A_1129 = tpu.memref_slice %arg29[%add3A_31, %dma_start3A_1128] : memref<10240x128xf32, #tpu.memory_space<vmem_shared>> -> memref<32x128xf32, #tpu.memory_space<vmem_shared>>
      tpu.enqueue_dma source(%arg25 : memref<32x128xf32, #tpu.memory_space<vmem>>) target(%dma_start3A_1129 : memref<32x128xf32, #tpu.memory_space<vmem_shared>>) target_semaphore(%run_scoped3A : memref<!tpu.dma_semaphore, #tpu.memory_space<semaphore_mem>>)
      %dma_wait3A_1130 = arith.constant 0 : i32
      %dma_wait3A_1131 = tpu.memref_slice %arg29[%add3A_31, %dma_wait3A_1130] : memref<10240x128xf32, #tpu.memory_space<vmem_shared>> -> memref<32x128xf32, #tpu.memory_space<vmem_shared>>
      %dma_wait3A_1132 = arith.constant 0 : i32
      %dma_wait3A_1133 = tpu.memref_slice %arg29[%add3A_31, %dma_wait3A_1132] : memref<10240x128xf32, #tpu.memory_space<vmem_shared>> -> memref<32x128xf32, #tpu.memory_space<vmem_shared>>
      tpu.wait_dma2 semaphore(%run_scoped3A : memref<!tpu.dma_semaphore, #tpu.memory_space<semaphore_mem>>) src(%arg25 : memref<32x128xf32, #tpu.memory_space<vmem>>) dst(%dma_wait3A_1133 : memref<32x128xf32, #tpu.memory_space<vmem_shared>>)
      tpu.yield
    }) : () -> ()
    %add3A_32 = arith.constant 384 : i32
    %add3A_33 = arith.addi %multiple_of3A, %add3A_32 : i32
    "tpu.region"() ({
      %run_scoped3A = tpu.sem_alloc : memref<!tpu.dma_semaphore, #tpu.memory_space<semaphore_mem>>
      %dma_start3A_1126 = arith.constant 0 : i32
      %dma_start3A_1127 = tpu.memref_slice %arg29[%add3A_33, %dma_start3A_1126] : memref<10240x128xf32, #tpu.memory_space<vmem_shared>> -> memref<32x128xf32, #tpu.memory_space<vmem_shared>>
      %dma_start3A_1128 = arith.constant 0 : i32
      %dma_start3A_1129 = tpu.memref_slice %arg29[%add3A_33, %dma_start3A_1128] : memref<10240x128xf32, #tpu.memory_space<vmem_shared>> -> memref<32x128xf32, #tpu.memory_space<vmem_shared>>
      tpu.enqueue_dma source(%arg25 : memref<32x128xf32, #tpu.memory_space<vmem>>) target(%dma_start3A_1129 : memref<32x128xf32, #tpu.memory_space<vmem_shared>>) target_semaphore(%run_scoped3A : memref<!tpu.dma_semaphore, #tpu.memory_space<semaphore_mem>>)
      %dma_wait3A_1130 = arith.constant 0 : i32
      %dma_wait3A_1131 = tpu.memref_slice %arg29[%add3A_33, %dma_wait3A_1130] : memref<10240x128xf32, #tpu.memory_space<vmem_shared>> -> memref<32x128xf32, #tpu.memory_space<vmem_shared>>
      %dma_wait3A_1132 = arith.constant 0 : i32
      %dma_wait3A_1133 = tpu.memref_slice %arg29[%add3A_33, %dma_wait3A_1132] : memref<10240x128xf32, #tpu.memory_space<vmem_shared>> -> memref<32x128xf32, #tpu.memory_space<vmem_shared>>
      tpu.wait_dma2 semaphore(%run_scoped3A : memref<!tpu.dma_semaphore, #tpu.memory_space<semaphore_mem>>) src(%arg25 : memref<32x128xf32, #tpu.memory_space<vmem>>) dst(%dma_wait3A_1133 : memref<32x128xf32, #tpu.memory_space<vmem_shared>>)
      tpu.yield
    }) : () -> ()
    %add3A_34 = arith.constant 416 : i32
    %add3A_35 = arith.addi %multiple_of3A, %add3A_34 : i32
    "tpu.region"() ({
      %run_scoped3A = tpu.sem_alloc : memref<!tpu.dma_semaphore, #tpu.memory_space<semaphore_mem>>
      %dma_start3A_1126 = arith.constant 0 : i32
      %dma_start3A_1127 = tpu.memref_slice %arg29[%add3A_35, %dma_start3A_1126] : memref<10240x128xf32, #tpu.memory_space<vmem_shared>> -> memref<32x128xf32, #tpu.memory_space<vmem_shared>>
      %dma_start3A_1128 = arith.constant 0 : i32
      %dma_start3A_1129 = tpu.memref_slice %arg29[%add3A_35, %dma_start3A_1128] : memref<10240x128xf32, #tpu.memory_space<vmem_shared>> -> memref<32x128xf32, #tpu.memory_space<vmem_shared>>
      tpu.enqueue_dma source(%arg25 : memref<32x128xf32, #tpu.memory_space<vmem>>) target(%dma_start3A_1129 : memref<32x128xf32, #tpu.memory_space<vmem_shared>>) target_semaphore(%run_scoped3A : memref<!tpu.dma_semaphore, #tpu.memory_space<semaphore_mem>>)
      %dma_wait3A_1130 = arith.constant 0 : i32
      %dma_wait3A_1131 = tpu.memref_slice %arg29[%add3A_35, %dma_wait3A_1130] : memref<10240x128xf32, #tpu.memory_space<vmem_shared>> -> memref<32x128xf32, #tpu.memory_space<vmem_shared>>
      %dma_wait3A_1132 = arith.constant 0 : i32
      %dma_wait3A_1133 = tpu.memref_slice %arg29[%add3A_35, %dma_wait3A_1132] : memref<10240x128xf32, #tpu.memory_space<vmem_shared>> -> memref<32x128xf32, #tpu.memory_space<vmem_shared>>
      tpu.wait_dma2 semaphore(%run_scoped3A : memref<!tpu.dma_semaphore, #tpu.memory_space<semaphore_mem>>) src(%arg25 : memref<32x128xf32, #tpu.memory_space<vmem>>) dst(%dma_wait3A_1133 : memref<32x128xf32, #tpu.memory_space<vmem_shared>>)
      tpu.yield
    }) : () -> ()
    %add3A_36 = arith.constant 448 : i32
    %add3A_37 = arith.addi %multiple_of3A, %add3A_36 : i32
    "tpu.region"() ({
      %run_scoped3A = tpu.sem_alloc : memref<!tpu.dma_semaphore, #tpu.memory_space<semaphore_mem>>
      %dma_start3A_1126 = arith.constant 0 : i32
      %dma_start3A_1127 = tpu.memref_slice %arg29[%add3A_37, %dma_start3A_1126] : memref<10240x128xf32, #tpu.memory_space<vmem_shared>> -> memref<32x128xf32, #tpu.memory_space<vmem_shared>>
      %dma_start3A_1128 = arith.constant 0 : i32
      %dma_start3A_1129 = tpu.memref_slice %arg29[%add3A_37, %dma_start3A_1128] : memref<10240x128xf32, #tpu.memory_space<vmem_shared>> -> memref<32x128xf32, #tpu.memory_space<vmem_shared>>
      tpu.enqueue_dma source(%arg25 : memref<32x128xf32, #tpu.memory_space<vmem>>) target(%dma_start3A_1129 : memref<32x128xf32, #tpu.memory_space<vmem_shared>>) target_semaphore(%run_scoped3A : memref<!tpu.dma_semaphore, #tpu.memory_space<semaphore_mem>>)
      %dma_wait3A_1130 = arith.constant 0 : i32
      %dma_wait3A_1131 = tpu.memref_slice %arg29[%add3A_37, %dma_wait3A_1130] : memref<10240x128xf32, #tpu.memory_space<vmem_shared>> -> memref<32x128xf32, #tpu.memory_space<vmem_shared>>
      %dma_wait3A_1132 = arith.constant 0 : i32
      %dma_wait3A_1133 = tpu.memref_slice %arg29[%add3A_37, %dma_wait3A_1132] : memref<10240x128xf32, #tpu.memory_space<vmem_shared>> -> memref<32x128xf32, #tpu.memory_space<vmem_shared>>
      tpu.wait_dma2 semaphore(%run_scoped3A : memref<!tpu.dma_semaphore, #tpu.memory_space<semaphore_mem>>) src(%arg25 : memref<32x128xf32, #tpu.memory_space<vmem>>) dst(%dma_wait3A_1133 : memref<32x128xf32, #tpu.memory_space<vmem_shared>>)
      tpu.yield
    }) : () -> ()
    %add3A_38 = arith.constant 480 : i32
    %add3A_39 = arith.addi %multiple_of3A, %add3A_38 : i32
    "tpu.region"() ({
      %run_scoped3A = tpu.sem_alloc : memref<!tpu.dma_semaphore, #tpu.memory_space<semaphore_mem>>
      %dma_start3A_1126 = arith.constant 0 : i32
      %dma_start3A_1127 = tpu.memref_slice %arg29[%add3A_39, %dma_start3A_1126] : memref<10240x128xf32, #tpu.memory_space<vmem_shared>> -> memref<32x128xf32, #tpu.memory_space<vmem_shared>>
      %dma_start3A_1128 = arith.constant 0 : i32
      %dma_start3A_1129 = tpu.memref_slice %arg29[%add3A_39, %dma_start3A_1128] : memref<10240x128xf32, #tpu.memory_space<vmem_shared>> -> memref<32x128xf32, #tpu.memory_space<vmem_shared>>
      tpu.enqueue_dma source(%arg25 : memref<32x128xf32, #tpu.memory_space<vmem>>) target(%dma_start3A_1129 : memref<32x128xf32, #tpu.memory_space<vmem_shared>>) target_semaphore(%run_scoped3A : memref<!tpu.dma_semaphore, #tpu.memory_space<semaphore_mem>>)
      %dma_wait3A_1130 = arith.constant 0 : i32
      %dma_wait3A_1131 = tpu.memref_slice %arg29[%add3A_39, %dma_wait3A_1130] : memref<10240x128xf32, #tpu.memory_space<vmem_shared>> -> memref<32x128xf32, #tpu.memory_space<vmem_shared>>
      %dma_wait3A_1132 = arith.constant 0 : i32
      %dma_wait3A_1133 = tpu.memref_slice %arg29[%add3A_39, %dma_wait3A_1132] : memref<10240x128xf32, #tpu.memory_space<vmem_shared>> -> memref<32x128xf32, #tpu.memory_space<vmem_shared>>
      tpu.wait_dma2 semaphore(%run_scoped3A : memref<!tpu.dma_semaphore, #tpu.memory_space<semaphore_mem>>) src(%arg25 : memref<32x128xf32, #tpu.memory_space<vmem>>) dst(%dma_wait3A_1133 : memref<32x128xf32, #tpu.memory_space<vmem_shared>>)
      tpu.yield
    }) : () -> ()
    %add3A_40 = arith.constant 512 : i32
    %add3A_41 = arith.addi %multiple_of3A, %add3A_40 : i32
    "tpu.region"() ({
      %run_scoped3A = tpu.sem_alloc : memref<!tpu.dma_semaphore, #tpu.memory_space<semaphore_mem>>
      %dma_start3A_1126 = arith.constant 0 : i32
      %dma_start3A_1127 = tpu.memref_slice %arg29[%add3A_41, %dma_start3A_1126] : memref<10240x128xf32, #tpu.memory_space<vmem_shared>> -> memref<32x128xf32, #tpu.memory_space<vmem_shared>>
      %dma_start3A_1128 = arith.constant 0 : i32
      %dma_start3A_1129 = tpu.memref_slice %arg29[%add3A_41, %dma_start3A_1128] : memref<10240x128xf32, #tpu.memory_space<vmem_shared>> -> memref<32x128xf32, #tpu.memory_space<vmem_shared>>
      tpu.enqueue_dma source(%arg25 : memref<32x128xf32, #tpu.memory_space<vmem>>) target(%dma_start3A_1129 : memref<32x128xf32, #tpu.memory_space<vmem_shared>>) target_semaphore(%run_scoped3A : memref<!tpu.dma_semaphore, #tpu.memory_space<semaphore_mem>>)
      %dma_wait3A_1130 = arith.constant 0 : i32
      %dma_wait3A_1131 = tpu.memref_slice %arg29[%add3A_41, %dma_wait3A_1130] : memref<10240x128xf32, #tpu.memory_space<vmem_shared>> -> memref<32x128xf32, #tpu.memory_space<vmem_shared>>
      %dma_wait3A_1132 = arith.constant 0 : i32
      %dma_wait3A_1133 = tpu.memref_slice %arg29[%add3A_41, %dma_wait3A_1132] : memref<10240x128xf32, #tpu.memory_space<vmem_shared>> -> memref<32x128xf32, #tpu.memory_space<vmem_shared>>
      tpu.wait_dma2 semaphore(%run_scoped3A : memref<!tpu.dma_semaphore, #tpu.memory_space<semaphore_mem>>) src(%arg25 : memref<32x128xf32, #tpu.memory_space<vmem>>) dst(%dma_wait3A_1133 : memref<32x128xf32, #tpu.memory_space<vmem_shared>>)
      tpu.yield
    }) : () -> ()
    %add3A_42 = arith.constant 544 : i32
    %add3A_43 = arith.addi %multiple_of3A, %add3A_42 : i32
    "tpu.region"() ({
      %run_scoped3A = tpu.sem_alloc : memref<!tpu.dma_semaphore, #tpu.memory_space<semaphore_mem>>
      %dma_start3A_1126 = arith.constant 0 : i32
      %dma_start3A_1127 = tpu.memref_slice %arg29[%add3A_43, %dma_start3A_1126] : memref<10240x128xf32, #tpu.memory_space<vmem_shared>> -> memref<32x128xf32, #tpu.memory_space<vmem_shared>>
      %dma_start3A_1128 = arith.constant 0 : i32
      %dma_start3A_1129 = tpu.memref_slice %arg29[%add3A_43, %dma_start3A_1128] : memref<10240x128xf32, #tpu.memory_space<vmem_shared>> -> memref<32x128xf32, #tpu.memory_space<vmem_shared>>
      tpu.enqueue_dma source(%arg25 : memref<32x128xf32, #tpu.memory_space<vmem>>) target(%dma_start3A_1129 : memref<32x128xf32, #tpu.memory_space<vmem_shared>>) target_semaphore(%run_scoped3A : memref<!tpu.dma_semaphore, #tpu.memory_space<semaphore_mem>>)
      %dma_wait3A_1130 = arith.constant 0 : i32
      %dma_wait3A_1131 = tpu.memref_slice %arg29[%add3A_43, %dma_wait3A_1130] : memref<10240x128xf32, #tpu.memory_space<vmem_shared>> -> memref<32x128xf32, #tpu.memory_space<vmem_shared>>
      %dma_wait3A_1132 = arith.constant 0 : i32
      %dma_wait3A_1133 = tpu.memref_slice %arg29[%add3A_43, %dma_wait3A_1132] : memref<10240x128xf32, #tpu.memory_space<vmem_shared>> -> memref<32x128xf32, #tpu.memory_space<vmem_shared>>
      tpu.wait_dma2 semaphore(%run_scoped3A : memref<!tpu.dma_semaphore, #tpu.memory_space<semaphore_mem>>) src(%arg25 : memref<32x128xf32, #tpu.memory_space<vmem>>) dst(%dma_wait3A_1133 : memref<32x128xf32, #tpu.memory_space<vmem_shared>>)
      tpu.yield
    }) : () -> ()
    %add3A_44 = arith.constant 576 : i32
    %add3A_45 = arith.addi %multiple_of3A, %add3A_44 : i32
    "tpu.region"() ({
      %run_scoped3A = tpu.sem_alloc : memref<!tpu.dma_semaphore, #tpu.memory_space<semaphore_mem>>
      %dma_start3A_1126 = arith.constant 0 : i32
      %dma_start3A_1127 = tpu.memref_slice %arg29[%add3A_45, %dma_start3A_1126] : memref<10240x128xf32, #tpu.memory_space<vmem_shared>> -> memref<32x128xf32, #tpu.memory_space<vmem_shared>>
      %dma_start3A_1128 = arith.constant 0 : i32
      %dma_start3A_1129 = tpu.memref_slice %arg29[%add3A_45, %dma_start3A_1128] : memref<10240x128xf32, #tpu.memory_space<vmem_shared>> -> memref<32x128xf32, #tpu.memory_space<vmem_shared>>
      tpu.enqueue_dma source(%arg25 : memref<32x128xf32, #tpu.memory_space<vmem>>) target(%dma_start3A_1129 : memref<32x128xf32, #tpu.memory_space<vmem_shared>>) target_semaphore(%run_scoped3A : memref<!tpu.dma_semaphore, #tpu.memory_space<semaphore_mem>>)
      %dma_wait3A_1130 = arith.constant 0 : i32
      %dma_wait3A_1131 = tpu.memref_slice %arg29[%add3A_45, %dma_wait3A_1130] : memref<10240x128xf32, #tpu.memory_space<vmem_shared>> -> memref<32x128xf32, #tpu.memory_space<vmem_shared>>
      %dma_wait3A_1132 = arith.constant 0 : i32
      %dma_wait3A_1133 = tpu.memref_slice %arg29[%add3A_45, %dma_wait3A_1132] : memref<10240x128xf32, #tpu.memory_space<vmem_shared>> -> memref<32x128xf32, #tpu.memory_space<vmem_shared>>
      tpu.wait_dma2 semaphore(%run_scoped3A : memref<!tpu.dma_semaphore, #tpu.memory_space<semaphore_mem>>) src(%arg25 : memref<32x128xf32, #tpu.memory_space<vmem>>) dst(%dma_wait3A_1133 : memref<32x128xf32, #tpu.memory_space<vmem_shared>>)
      tpu.yield
    }) : () -> ()
    %add3A_46 = arith.constant 608 : i32
    %add3A_47 = arith.addi %multiple_of3A, %add3A_46 : i32
    "tpu.region"() ({
      %run_scoped3A = tpu.sem_alloc : memref<!tpu.dma_semaphore, #tpu.memory_space<semaphore_mem>>
      %dma_start3A_1126 = arith.constant 0 : i32
      %dma_start3A_1127 = tpu.memref_slice %arg29[%add3A_47, %dma_start3A_1126] : memref<10240x128xf32, #tpu.memory_space<vmem_shared>> -> memref<32x128xf32, #tpu.memory_space<vmem_shared>>
      %dma_start3A_1128 = arith.constant 0 : i32
      %dma_start3A_1129 = tpu.memref_slice %arg29[%add3A_47, %dma_start3A_1128] : memref<10240x128xf32, #tpu.memory_space<vmem_shared>> -> memref<32x128xf32, #tpu.memory_space<vmem_shared>>
      tpu.enqueue_dma source(%arg25 : memref<32x128xf32, #tpu.memory_space<vmem>>) target(%dma_start3A_1129 : memref<32x128xf32, #tpu.memory_space<vmem_shared>>) target_semaphore(%run_scoped3A : memref<!tpu.dma_semaphore, #tpu.memory_space<semaphore_mem>>)
      %dma_wait3A_1130 = arith.constant 0 : i32
      %dma_wait3A_1131 = tpu.memref_slice %arg29[%add3A_47, %dma_wait3A_1130] : memref<10240x128xf32, #tpu.memory_space<vmem_shared>> -> memref<32x128xf32, #tpu.memory_space<vmem_shared>>
      %dma_wait3A_1132 = arith.constant 0 : i32
      %dma_wait3A_1133 = tpu.memref_slice %arg29[%add3A_47, %dma_wait3A_1132] : memref<10240x128xf32, #tpu.memory_space<vmem_shared>> -> memref<32x128xf32, #tpu.memory_space<vmem_shared>>
      tpu.wait_dma2 semaphore(%run_scoped3A : memref<!tpu.dma_semaphore, #tpu.memory_space<semaphore_mem>>) src(%arg25 : memref<32x128xf32, #tpu.memory_space<vmem>>) dst(%dma_wait3A_1133 : memref<32x128xf32, #tpu.memory_space<vmem_shared>>)
      tpu.yield
    }) : () -> ()
    %lt3A = arith.constant 10 : i32
    %lt3A_48 = arith.cmpi slt, %arg1, %lt3A : i32
    %convert_element_type3A = arith.extui %lt3A_48 : i1 to i32
    %cond3A = arith.constant 0 : i32
    %cond3A_49 = arith.cmpi ne, %convert_element_type3A, %cond3A : i32
    scf.if %cond3A_49 {
      %mul3A_1126 = arith.constant 8 : i32
      %mul3A_1127 = arith.muli %arg1, %mul3A_1126 : i32
      %multiple_of3A_1128 = tpu.assume_multiple %mul3A_1127, 8 : i32
      "tpu.region"() ({
        %run_scoped3A = tpu.sem_alloc : memref<!tpu.dma_semaphore, #tpu.memory_space<semaphore_mem>>
        %dma_start3A_1129 = arith.constant 0 : i32
        %dma_start3A_1130 = arith.constant 0 : i32
        %dma_start3A_1131 = tpu.memref_slice %arg25[%dma_start3A_1129, %dma_start3A_1130] : memref<32x128xf32, #tpu.memory_space<vmem>> -> memref<8x128xf32, #tpu.memory_space<vmem>>
        %dma_start3A_1132 = arith.constant 0 : i32
        %dma_start3A_1133 = tpu.memref_slice %arg30[%multiple_of3A_1128, %dma_start3A_1132] : memref<80x128xf32, #tpu.memory_space<vmem_shared>> -> memref<8x128xf32, #tpu.memory_space<vmem_shared>>
        %dma_start3A_1134 = arith.constant 0 : i32
        %dma_start3A_1135 = tpu.memref_slice %arg30[%multiple_of3A_1128, %dma_start3A_1134] : memref<80x128xf32, #tpu.memory_space<vmem_shared>> -> memref<8x128xf32, #tpu.memory_space<vmem_shared>>
        %dma_start3A_1136 = arith.constant 0 : i32
        %dma_start3A_1137 = arith.constant 0 : i32
        %dma_start3A_1138 = tpu.memref_slice %arg25[%dma_start3A_1136, %dma_start3A_1137] : memref<32x128xf32, #tpu.memory_space<vmem>> -> memref<8x128xf32, #tpu.memory_space<vmem>>
        tpu.enqueue_dma source(%dma_start3A_1138 : memref<8x128xf32, #tpu.memory_space<vmem>>) target(%dma_start3A_1135 : memref<8x128xf32, #tpu.memory_space<vmem_shared>>) target_semaphore(%run_scoped3A : memref<!tpu.dma_semaphore, #tpu.memory_space<semaphore_mem>>)
        %dma_wait3A_1139 = arith.constant 0 : i32
        %dma_wait3A_1140 = arith.constant 0 : i32
        %dma_wait3A_1141 = tpu.memref_slice %arg25[%dma_wait3A_1139, %dma_wait3A_1140] : memref<32x128xf32, #tpu.memory_space<vmem>> -> memref<8x128xf32, #tpu.memory_space<vmem>>
        %dma_wait3A_1142 = arith.constant 0 : i32
        %dma_wait3A_1143 = tpu.memref_slice %arg30[%multiple_of3A_1128, %dma_wait3A_1142] : memref<80x128xf32, #tpu.memory_space<vmem_shared>> -> memref<8x128xf32, #tpu.memory_space<vmem_shared>>
        %dma_wait3A_1144 = arith.constant 0 : i32
        %dma_wait3A_1145 = tpu.memref_slice %arg30[%multiple_of3A_1128, %dma_wait3A_1144] : memref<80x128xf32, #tpu.memory_space<vmem_shared>> -> memref<8x128xf32, #tpu.memory_space<vmem_shared>>
        %dma_wait3A_1146 = arith.constant 0 : i32
        %dma_wait3A_1147 = arith.constant 0 : i32
        %dma_wait3A_1148 = tpu.memref_slice %arg25[%dma_wait3A_1146, %dma_wait3A_1147] : memref<32x128xf32, #tpu.memory_space<vmem>> -> memref<8x128xf32, #tpu.memory_space<vmem>>
        tpu.wait_dma2 semaphore(%run_scoped3A : memref<!tpu.dma_semaphore, #tpu.memory_space<semaphore_mem>>) src(%dma_wait3A_1148 : memref<8x128xf32, #tpu.memory_space<vmem>>) dst(%dma_wait3A_1145 : memref<8x128xf32, #tpu.memory_space<vmem_shared>>)
        tpu.yield
      }) : () -> ()
    } else {
    }
    %mul3A_50 = arith.constant 8 : i32
    %mul3A_51 = arith.muli %mul3A_50, %arg1 : i32
    %add3A_52 = arith.constant 0 : i32
    %add3A_53 = arith.addi %mul3A_51, %add3A_52 : i32
    %broadcast_in_dim3A_54 = vector.broadcast %add3A_53 : i32 to vector<16xi32>
    %add3A_55 = arith.constant 0 : i32
    %add3A_56 = vector.broadcast %add3A_55 : i32 to vector<16xi32>
    %add3A_57 = arith.addi %iota3A, %add3A_56 : vector<16xi32>
    %eq3A = arith.cmpi eq, %add3A_57, %broadcast_in_dim3A_54 : vector<16xi32>
    %jit3A = arith.constant 1.000000e+00 : f32
    %jit3A_58 = arith.constant 0.000000e+00 : f32
    %broadcast_in_dim3A_59 = vector.broadcast %jit3A : f32 to vector<16xf32>
    %broadcast_in_dim3A_60 = vector.broadcast %jit3A_58 : f32 to vector<16xf32>
    %select_n3A = arith.select %eq3A, %broadcast_in_dim3A_59, %broadcast_in_dim3A_60 : vector<16xi1>, vector<16xf32>
    %swap3A = arith.constant 0 : i32
    %swap3A_61 = arith.index_cast %swap3A : i32 to index
    %swap3A_62 = arith.constant 0 : index
    %swap3A_63 = tpu.vector_load %arg25[%swap3A_61, %swap3A_62] {strides = array<i32>} : memref<32x128xf32, #tpu.memory_space<vmem>>, vector<1x16xf32>,
    %swap3A_64 = vector.shape_cast %swap3A_63 : vector<1x16xf32> to vector<16xf32>
    %swap3A_65 = vector.shape_cast %select_n3A : vector<16xf32> to vector<1x16xf32>
    tpu.vector_store %arg25[%swap3A_61, %swap3A_62], %swap3A_65 {strides = array<i32>} : memref<32x128xf32, #tpu.memory_space<vmem>>, vector<1x16xf32>,
    %add3A_66 = arith.constant 16 : i32
    %add3A_67 = vector.broadcast %add3A_66 : i32 to vector<16xi32>
    %add3A_68 = arith.addi %iota3A, %add3A_67 : vector<16xi32>
    %eq3A_69 = arith.cmpi eq, %add3A_68, %broadcast_in_dim3A_54 : vector<16xi32>
    %jit3A_70 = arith.constant 1.000000e+00 : f32
    %jit3A_71 = arith.constant 0.000000e+00 : f32
    %broadcast_in_dim3A_72 = vector.broadcast %jit3A_70 : f32 to vector<16xf32>
    %broadcast_in_dim3A_73 = vector.broadcast %jit3A_71 : f32 to vector<16xf32>
    %select_n3A_74 = arith.select %eq3A_69, %broadcast_in_dim3A_72, %broadcast_in_dim3A_73 : vector<16xi1>, vector<16xf32>
    %swap3A_75 = arith.constant 0 : i32
    %swap3A_76 = arith.index_cast %swap3A_75 : i32 to index
    %swap3A_77 = arith.constant 16 : index
    %swap3A_78 = tpu.vector_load %arg25[%swap3A_76, %swap3A_77] {strides = array<i32>} : memref<32x128xf32, #tpu.memory_space<vmem>>, vector<1x16xf32>,
    %swap3A_79 = vector.shape_cast %swap3A_78 : vector<1x16xf32> to vector<16xf32>
    %swap3A_80 = vector.shape_cast %select_n3A_74 : vector<16xf32> to vector<1x16xf32>
    tpu.vector_store %arg25[%swap3A_76, %swap3A_77], %swap3A_80 {strides = array<i32>} : memref<32x128xf32, #tpu.memory_space<vmem>>, vector<1x16xf32>,
    %add3A_81 = arith.constant 32 : i32
    %add3A_82 = vector.broadcast %add3A_81 : i32 to vector<16xi32>
    %add3A_83 = arith.addi %iota3A, %add3A_82 : vector<16xi32>
    %eq3A_84 = arith.cmpi eq, %add3A_83, %broadcast_in_dim3A_54 : vector<16xi32>
    %jit3A_85 = arith.constant 1.000000e+00 : f32
    %jit3A_86 = arith.constant 0.000000e+00 : f32
    %broadcast_in_dim3A_87 = vector.broadcast %jit3A_85 : f32 to vector<16xf32>
    %broadcast_in_dim3A_88 = vector.broadcast %jit3A_86 : f32 to vector<16xf32>
    %select_n3A_89 = arith.select %eq3A_84, %broadcast_in_dim3A_87, %broadcast_in_dim3A_88 : vector<16xi1>, vector<16xf32>
    %swap3A_90 = arith.constant 0 : i32
    %swap3A_91 = arith.index_cast %swap3A_90 : i32 to index
    %swap3A_92 = arith.constant 32 : index
    %swap3A_93 = tpu.vector_load %arg25[%swap3A_91, %swap3A_92] {strides = array<i32>} : memref<32x128xf32, #tpu.memory_space<vmem>>, vector<1x16xf32>,
    %swap3A_94 = vector.shape_cast %swap3A_93 : vector<1x16xf32> to vector<16xf32>
    %swap3A_95 = vector.shape_cast %select_n3A_89 : vector<16xf32> to vector<1x16xf32>
    tpu.vector_store %arg25[%swap3A_91, %swap3A_92], %swap3A_95 {strides = array<i32>} : memref<32x128xf32, #tpu.memory_space<vmem>>, vector<1x16xf32>,
    %add3A_96 = arith.constant 48 : i32
    %add3A_97 = vector.broadcast %add3A_96 : i32 to vector<16xi32>
    %add3A_98 = arith.addi %iota3A, %add3A_97 : vector<16xi32>
    %eq3A_99 = arith.cmpi eq, %add3A_98, %broadcast_in_dim3A_54 : vector<16xi32>
    %jit3A_100 = arith.constant 1.000000e+00 : f32
    %jit3A_101 = arith.constant 0.000000e+00 : f32
    %broadcast_in_dim3A_102 = vector.broadcast %jit3A_100 : f32 to vector<16xf32>
    %broadcast_in_dim3A_103 = vector.broadcast %jit3A_101 : f32 to vector<16xf32>
    %select_n3A_104 = arith.select %eq3A_99, %broadcast_in_dim3A_102, %broadcast_in_dim3A_103 : vector<16xi1>, vector<16xf32>
    %swap3A_105 = arith.constant 0 : i32
    %swap3A_106 = arith.index_cast %swap3A_105 : i32 to index
    %swap3A_107 = arith.constant 48 : index
    %swap3A_108 = tpu.vector_load %arg25[%swap3A_106, %swap3A_107] {strides = array<i32>} : memref<32x128xf32, #tpu.memory_space<vmem>>, vector<1x16xf32>,
    %swap3A_109 = vector.shape_cast %swap3A_108 : vector<1x16xf32> to vector<16xf32>
    %swap3A_110 = vector.shape_cast %select_n3A_104 : vector<16xf32> to vector<1x16xf32>
    tpu.vector_store %arg25[%swap3A_106, %swap3A_107], %swap3A_110 {strides = array<i32>} : memref<32x128xf32, #tpu.memory_space<vmem>>, vector<1x16xf32>,
    %add3A_111 = arith.constant 64 : i32
    %add3A_112 = vector.broadcast %add3A_111 : i32 to vector<16xi32>
    %add3A_113 = arith.addi %iota3A, %add3A_112 : vector<16xi32>
    %eq3A_114 = arith.cmpi eq, %add3A_113, %broadcast_in_dim3A_54 : vector<16xi32>
    %jit3A_115 = arith.constant 1.000000e+00 : f32
    %jit3A_116 = arith.constant 0.000000e+00 : f32
    %broadcast_in_dim3A_117 = vector.broadcast %jit3A_115 : f32 to vector<16xf32>
    %broadcast_in_dim3A_118 = vector.broadcast %jit3A_116 : f32 to vector<16xf32>
    %select_n3A_119 = arith.select %eq3A_114, %broadcast_in_dim3A_117, %broadcast_in_dim3A_118 : vector<16xi1>, vector<16xf32>
    %swap3A_120 = arith.constant 0 : i32
    %swap3A_121 = arith.index_cast %swap3A_120 : i32 to index
    %swap3A_122 = arith.constant 64 : index
    %swap3A_123 = tpu.vector_load %arg25[%swap3A_121, %swap3A_122] {strides = array<i32>} : memref<32x128xf32, #tpu.memory_space<vmem>>, vector<1x16xf32>,
    %swap3A_124 = vector.shape_cast %swap3A_123 : vector<1x16xf32> to vector<16xf32>
    %swap3A_125 = vector.shape_cast %select_n3A_119 : vector<16xf32> to vector<1x16xf32>
    tpu.vector_store %arg25[%swap3A_121, %swap3A_122], %swap3A_125 {strides = array<i32>} : memref<32x128xf32, #tpu.memory_space<vmem>>, vector<1x16xf32>,
    %add3A_126 = arith.constant 80 : i32
    %add3A_127 = vector.broadcast %add3A_126 : i32 to vector<16xi32>
    %add3A_128 = arith.addi %iota3A, %add3A_127 : vector<16xi32>
    %eq3A_129 = arith.cmpi eq, %add3A_128, %broadcast_in_dim3A_54 : vector<16xi32>
    %jit3A_130 = arith.constant 1.000000e+00 : f32
    %jit3A_131 = arith.constant 0.000000e+00 : f32
    %broadcast_in_dim3A_132 = vector.broadcast %jit3A_130 : f32 to vector<16xf32>
    %broadcast_in_dim3A_133 = vector.broadcast %jit3A_131 : f32 to vector<16xf32>
    %select_n3A_134 = arith.select %eq3A_129, %broadcast_in_dim3A_132, %broadcast_in_dim3A_133 : vector<16xi1>, vector<16xf32>
    %swap3A_135 = arith.constant 0 : i32
    %swap3A_136 = arith.index_cast %swap3A_135 : i32 to index
    %swap3A_137 = arith.constant 80 : index
    %swap3A_138 = tpu.vector_load %arg25[%swap3A_136, %swap3A_137] {strides = array<i32>} : memref<32x128xf32, #tpu.memory_space<vmem>>, vector<1x16xf32>,
    %swap3A_139 = vector.shape_cast %swap3A_138 : vector<1x16xf32> to vector<16xf32>
    %swap3A_140 = vector.shape_cast %select_n3A_134 : vector<16xf32> to vector<1x16xf32>
    tpu.vector_store %arg25[%swap3A_136, %swap3A_137], %swap3A_140 {strides = array<i32>} : memref<32x128xf32, #tpu.memory_space<vmem>>, vector<1x16xf32>,
    %add3A_141 = arith.constant 96 : i32
    %add3A_142 = vector.broadcast %add3A_141 : i32 to vector<16xi32>
    %add3A_143 = arith.addi %iota3A, %add3A_142 : vector<16xi32>
    %eq3A_144 = arith.cmpi eq, %add3A_143, %broadcast_in_dim3A_54 : vector<16xi32>
    %jit3A_145 = arith.constant 1.000000e+00 : f32
    %jit3A_146 = arith.constant 0.000000e+00 : f32
    %broadcast_in_dim3A_147 = vector.broadcast %jit3A_145 : f32 to vector<16xf32>
    %broadcast_in_dim3A_148 = vector.broadcast %jit3A_146 : f32 to vector<16xf32>
    %select_n3A_149 = arith.select %eq3A_144, %broadcast_in_dim3A_147, %broadcast_in_dim3A_148 : vector<16xi1>, vector<16xf32>
    %swap3A_150 = arith.constant 0 : i32
    %swap3A_151 = arith.index_cast %swap3A_150 : i32 to index
    %swap3A_152 = arith.constant 96 : index
    %swap3A_153 = tpu.vector_load %arg25[%swap3A_151, %swap3A_152] {strides = array<i32>} : memref<32x128xf32, #tpu.memory_space<vmem>>, vector<1x16xf32>,
    %swap3A_154 = vector.shape_cast %swap3A_153 : vector<1x16xf32> to vector<16xf32>
    %swap3A_155 = vector.shape_cast %select_n3A_149 : vector<16xf32> to vector<1x16xf32>
    tpu.vector_store %arg25[%swap3A_151, %swap3A_152], %swap3A_155 {strides = array<i32>} : memref<32x128xf32, #tpu.memory_space<vmem>>, vector<1x16xf32>,
    %add3A_156 = arith.constant 112 : i32
    %add3A_157 = vector.broadcast %add3A_156 : i32 to vector<16xi32>
    %add3A_158 = arith.addi %iota3A, %add3A_157 : vector<16xi32>
    %eq3A_159 = arith.cmpi eq, %add3A_158, %broadcast_in_dim3A_54 : vector<16xi32>
    %jit3A_160 = arith.constant 1.000000e+00 : f32
    %jit3A_161 = arith.constant 0.000000e+00 : f32
    %broadcast_in_dim3A_162 = vector.broadcast %jit3A_160 : f32 to vector<16xf32>
    %broadcast_in_dim3A_163 = vector.broadcast %jit3A_161 : f32 to vector<16xf32>
    %select_n3A_164 = arith.select %eq3A_159, %broadcast_in_dim3A_162, %broadcast_in_dim3A_163 : vector<16xi1>, vector<16xf32>
    %swap3A_165 = arith.constant 0 : i32
    %swap3A_166 = arith.index_cast %swap3A_165 : i32 to index
    %swap3A_167 = arith.constant 112 : index
    %swap3A_168 = tpu.vector_load %arg25[%swap3A_166, %swap3A_167] {strides = array<i32>} : memref<32x128xf32, #tpu.memory_space<vmem>>, vector<1x16xf32>,
    %swap3A_169 = vector.shape_cast %swap3A_168 : vector<1x16xf32> to vector<16xf32>
    %swap3A_170 = vector.shape_cast %select_n3A_164 : vector<16xf32> to vector<1x16xf32>
    tpu.vector_store %arg25[%swap3A_166, %swap3A_167], %swap3A_170 {strides = array<i32>} : memref<32x128xf32, #tpu.memory_space<vmem>>, vector<1x16xf32>,
    %mul3A_171 = arith.constant 8 : i32
    %mul3A_172 = arith.muli %mul3A_171, %arg1 : i32
    %add3A_173 = arith.constant 1 : i32
    %add3A_174 = arith.addi %mul3A_172, %add3A_173 : i32
    %broadcast_in_dim3A_175 = vector.broadcast %add3A_174 : i32 to vector<16xi32>
    %add3A_176 = arith.constant 0 : i32
    %add3A_177 = vector.broadcast %add3A_176 : i32 to vector<16xi32>
    %add3A_178 = arith.addi %iota3A, %add3A_177 : vector<16xi32>
    %eq3A_179 = arith.cmpi eq, %add3A_178, %broadcast_in_dim3A_175 : vector<16xi32>
    %jit3A_180 = arith.constant 1.000000e+00 : f32
    %jit3A_181 = arith.constant 0.000000e+00 : f32
    %broadcast_in_dim3A_182 = vector.broadcast %jit3A_180 : f32 to vector<16xf32>
    %broadcast_in_dim3A_183 = vector.broadcast %jit3A_181 : f32 to vector<16xf32>
    %select_n3A_184 = arith.select %eq3A_179, %broadcast_in_dim3A_182, %broadcast_in_dim3A_183 : vector<16xi1>, vector<16xf32>
    %swap3A_185 = arith.constant 1 : i32
    %swap3A_186 = arith.index_cast %swap3A_185 : i32 to index
    %swap3A_187 = arith.constant 0 : index
    %swap3A_188 = tpu.vector_load %arg25[%swap3A_186, %swap3A_187] {strides = array<i32>} : memref<32x128xf32, #tpu.memory_space<vmem>>, vector<1x16xf32>,
    %swap3A_189 = vector.shape_cast %swap3A_188 : vector<1x16xf32> to vector<16xf32>
    %swap3A_190 = vector.shape_cast %select_n3A_184 : vector<16xf32> to vector<1x16xf32>
    tpu.vector_store %arg25[%swap3A_186, %swap3A_187], %swap3A_190 {strides = array<i32>} : memref<32x128xf32, #tpu.memory_space<vmem>>, vector<1x16xf32>,
    %add3A_191 = arith.constant 16 : i32
    %add3A_192 = vector.broadcast %add3A_191 : i32 to vector<16xi32>
    %add3A_193 = arith.addi %iota3A, %add3A_192 : vector<16xi32>
    %eq3A_194 = arith.cmpi eq, %add3A_193, %broadcast_in_dim3A_175 : vector<16xi32>
    %jit3A_195 = arith.constant 1.000000e+00 : f32
    %jit3A_196 = arith.constant 0.000000e+00 : f32
    %broadcast_in_dim3A_197 = vector.broadcast %jit3A_195 : f32 to vector<16xf32>
    %broadcast_in_dim3A_198 = vector.broadcast %jit3A_196 : f32 to vector<16xf32>
    %select_n3A_199 = arith.select %eq3A_194, %broadcast_in_dim3A_197, %broadcast_in_dim3A_198 : vector<16xi1>, vector<16xf32>
    %swap3A_200 = arith.constant 1 : i32
    %swap3A_201 = arith.index_cast %swap3A_200 : i32 to index
    %swap3A_202 = arith.constant 16 : index
    %swap3A_203 = tpu.vector_load %arg25[%swap3A_201, %swap3A_202] {strides = array<i32>} : memref<32x128xf32, #tpu.memory_space<vmem>>, vector<1x16xf32>,
    %swap3A_204 = vector.shape_cast %swap3A_203 : vector<1x16xf32> to vector<16xf32>
    %swap3A_205 = vector.shape_cast %select_n3A_199 : vector<16xf32> to vector<1x16xf32>
    tpu.vector_store %arg25[%swap3A_201, %swap3A_202], %swap3A_205 {strides = array<i32>} : memref<32x128xf32, #tpu.memory_space<vmem>>, vector<1x16xf32>,
    %add3A_206 = arith.constant 32 : i32
    %add3A_207 = vector.broadcast %add3A_206 : i32 to vector<16xi32>
    %add3A_208 = arith.addi %iota3A, %add3A_207 : vector<16xi32>
    %eq3A_209 = arith.cmpi eq, %add3A_208, %broadcast_in_dim3A_175 : vector<16xi32>
    %jit3A_210 = arith.constant 1.000000e+00 : f32
    %jit3A_211 = arith.constant 0.000000e+00 : f32
    %broadcast_in_dim3A_212 = vector.broadcast %jit3A_210 : f32 to vector<16xf32>
    %broadcast_in_dim3A_213 = vector.broadcast %jit3A_211 : f32 to vector<16xf32>
    %select_n3A_214 = arith.select %eq3A_209, %broadcast_in_dim3A_212, %broadcast_in_dim3A_213 : vector<16xi1>, vector<16xf32>
    %swap3A_215 = arith.constant 1 : i32
    %swap3A_216 = arith.index_cast %swap3A_215 : i32 to index
    %swap3A_217 = arith.constant 32 : index
    %swap3A_218 = tpu.vector_load %arg25[%swap3A_216, %swap3A_217] {strides = array<i32>} : memref<32x128xf32, #tpu.memory_space<vmem>>, vector<1x16xf32>,
    %swap3A_219 = vector.shape_cast %swap3A_218 : vector<1x16xf32> to vector<16xf32>
    %swap3A_220 = vector.shape_cast %select_n3A_214 : vector<16xf32> to vector<1x16xf32>
    tpu.vector_store %arg25[%swap3A_216, %swap3A_217], %swap3A_220 {strides = array<i32>} : memref<32x128xf32, #tpu.memory_space<vmem>>, vector<1x16xf32>,
    %add3A_221 = arith.constant 48 : i32
    %add3A_222 = vector.broadcast %add3A_221 : i32 to vector<16xi32>
    %add3A_223 = arith.addi %iota3A, %add3A_222 : vector<16xi32>
    %eq3A_224 = arith.cmpi eq, %add3A_223, %broadcast_in_dim3A_175 : vector<16xi32>
    %jit3A_225 = arith.constant 1.000000e+00 : f32
    %jit3A_226 = arith.constant 0.000000e+00 : f32
    %broadcast_in_dim3A_227 = vector.broadcast %jit3A_225 : f32 to vector<16xf32>
    %broadcast_in_dim3A_228 = vector.broadcast %jit3A_226 : f32 to vector<16xf32>
    %select_n3A_229 = arith.select %eq3A_224, %broadcast_in_dim3A_227, %broadcast_in_dim3A_228 : vector<16xi1>, vector<16xf32>
    %swap3A_230 = arith.constant 1 : i32
    %swap3A_231 = arith.index_cast %swap3A_230 : i32 to index
    %swap3A_232 = arith.constant 48 : index
    %swap3A_233 = tpu.vector_load %arg25[%swap3A_231, %swap3A_232] {strides = array<i32>} : memref<32x128xf32, #tpu.memory_space<vmem>>, vector<1x16xf32>,
    %swap3A_234 = vector.shape_cast %swap3A_233 : vector<1x16xf32> to vector<16xf32>
    %swap3A_235 = vector.shape_cast %select_n3A_229 : vector<16xf32> to vector<1x16xf32>
    tpu.vector_store %arg25[%swap3A_231, %swap3A_232], %swap3A_235 {strides = array<i32>} : memref<32x128xf32, #tpu.memory_space<vmem>>, vector<1x16xf32>,
    %add3A_236 = arith.constant 64 : i32
    %add3A_237 = vector.broadcast %add3A_236 : i32 to vector<16xi32>
    %add3A_238 = arith.addi %iota3A, %add3A_237 : vector<16xi32>
    %eq3A_239 = arith.cmpi eq, %add3A_238, %broadcast_in_dim3A_175 : vector<16xi32>
    %jit3A_240 = arith.constant 1.000000e+00 : f32
    %jit3A_241 = arith.constant 0.000000e+00 : f32
    %broadcast_in_dim3A_242 = vector.broadcast %jit3A_240 : f32 to vector<16xf32>
    %broadcast_in_dim3A_243 = vector.broadcast %jit3A_241 : f32 to vector<16xf32>
    %select_n3A_244 = arith.select %eq3A_239, %broadcast_in_dim3A_242, %broadcast_in_dim3A_243 : vector<16xi1>, vector<16xf32>
    %swap3A_245 = arith.constant 1 : i32
    %swap3A_246 = arith.index_cast %swap3A_245 : i32 to index
    %swap3A_247 = arith.constant 64 : index
    %swap3A_248 = tpu.vector_load %arg25[%swap3A_246, %swap3A_247] {strides = array<i32>} : memref<32x128xf32, #tpu.memory_space<vmem>>, vector<1x16xf32>,
    %swap3A_249 = vector.shape_cast %swap3A_248 : vector<1x16xf32> to vector<16xf32>
    %swap3A_250 = vector.shape_cast %select_n3A_244 : vector<16xf32> to vector<1x16xf32>
    tpu.vector_store %arg25[%swap3A_246, %swap3A_247], %swap3A_250 {strides = array<i32>} : memref<32x128xf32, #tpu.memory_space<vmem>>, vector<1x16xf32>,
    %add3A_251 = arith.constant 80 : i32
    %add3A_252 = vector.broadcast %add3A_251 : i32 to vector<16xi32>
    %add3A_253 = arith.addi %iota3A, %add3A_252 : vector<16xi32>
    %eq3A_254 = arith.cmpi eq, %add3A_253, %broadcast_in_dim3A_175 : vector<16xi32>
    %jit3A_255 = arith.constant 1.000000e+00 : f32
    %jit3A_256 = arith.constant 0.000000e+00 : f32
    %broadcast_in_dim3A_257 = vector.broadcast %jit3A_255 : f32 to vector<16xf32>
    %broadcast_in_dim3A_258 = vector.broadcast %jit3A_256 : f32 to vector<16xf32>
    %select_n3A_259 = arith.select %eq3A_254, %broadcast_in_dim3A_257, %broadcast_in_dim3A_258 : vector<16xi1>, vector<16xf32>
    %swap3A_260 = arith.constant 1 : i32
    %swap3A_261 = arith.index_cast %swap3A_260 : i32 to index
    %swap3A_262 = arith.constant 80 : index
    %swap3A_263 = tpu.vector_load %arg25[%swap3A_261, %swap3A_262] {strides = array<i32>} : memref<32x128xf32, #tpu.memory_space<vmem>>, vector<1x16xf32>,
    %swap3A_264 = vector.shape_cast %swap3A_263 : vector<1x16xf32> to vector<16xf32>
    %swap3A_265 = vector.shape_cast %select_n3A_259 : vector<16xf32> to vector<1x16xf32>
    tpu.vector_store %arg25[%swap3A_261, %swap3A_262], %swap3A_265 {strides = array<i32>} : memref<32x128xf32, #tpu.memory_space<vmem>>, vector<1x16xf32>,
    %add3A_266 = arith.constant 96 : i32
    %add3A_267 = vector.broadcast %add3A_266 : i32 to vector<16xi32>
    %add3A_268 = arith.addi %iota3A, %add3A_267 : vector<16xi32>
    %eq3A_269 = arith.cmpi eq, %add3A_268, %broadcast_in_dim3A_175 : vector<16xi32>
    %jit3A_270 = arith.constant 1.000000e+00 : f32
    %jit3A_271 = arith.constant 0.000000e+00 : f32
    %broadcast_in_dim3A_272 = vector.broadcast %jit3A_270 : f32 to vector<16xf32>
    %broadcast_in_dim3A_273 = vector.broadcast %jit3A_271 : f32 to vector<16xf32>
    %select_n3A_274 = arith.select %eq3A_269, %broadcast_in_dim3A_272, %broadcast_in_dim3A_273 : vector<16xi1>, vector<16xf32>
    %swap3A_275 = arith.constant 1 : i32
    %swap3A_276 = arith.index_cast %swap3A_275 : i32 to index
    %swap3A_277 = arith.constant 96 : index
    %swap3A_278 = tpu.vector_load %arg25[%swap3A_276, %swap3A_277] {strides = array<i32>} : memref<32x128xf32, #tpu.memory_space<vmem>>, vector<1x16xf32>,
    %swap3A_279 = vector.shape_cast %swap3A_278 : vector<1x16xf32> to vector<16xf32>
    %swap3A_280 = vector.shape_cast %select_n3A_274 : vector<16xf32> to vector<1x16xf32>
    tpu.vector_store %arg25[%swap3A_276, %swap3A_277], %swap3A_280 {strides = array<i32>} : memref<32x128xf32, #tpu.memory_space<vmem>>, vector<1x16xf32>,
    %add3A_281 = arith.constant 112 : i32
    %add3A_282 = vector.broadcast %add3A_281 : i32 to vector<16xi32>
    %add3A_283 = arith.addi %iota3A, %add3A_282 : vector<16xi32>
    %eq3A_284 = arith.cmpi eq, %add3A_283, %broadcast_in_dim3A_175 : vector<16xi32>
    %jit3A_285 = arith.constant 1.000000e+00 : f32
    %jit3A_286 = arith.constant 0.000000e+00 : f32
    %broadcast_in_dim3A_287 = vector.broadcast %jit3A_285 : f32 to vector<16xf32>
    %broadcast_in_dim3A_288 = vector.broadcast %jit3A_286 : f32 to vector<16xf32>
    %select_n3A_289 = arith.select %eq3A_284, %broadcast_in_dim3A_287, %broadcast_in_dim3A_288 : vector<16xi1>, vector<16xf32>
    %swap3A_290 = arith.constant 1 : i32
    %swap3A_291 = arith.index_cast %swap3A_290 : i32 to index
    %swap3A_292 = arith.constant 112 : index
    %swap3A_293 = tpu.vector_load %arg25[%swap3A_291, %swap3A_292] {strides = array<i32>} : memref<32x128xf32, #tpu.memory_space<vmem>>, vector<1x16xf32>,
    %swap3A_294 = vector.shape_cast %swap3A_293 : vector<1x16xf32> to vector<16xf32>
    %swap3A_295 = vector.shape_cast %select_n3A_289 : vector<16xf32> to vector<1x16xf32>
    tpu.vector_store %arg25[%swap3A_291, %swap3A_292], %swap3A_295 {strides = array<i32>} : memref<32x128xf32, #tpu.memory_space<vmem>>, vector<1x16xf32>,
    %mul3A_296 = arith.constant 8 : i32
    %mul3A_297 = arith.muli %mul3A_296, %arg1 : i32
    %add3A_298 = arith.constant 2 : i32
    %add3A_299 = arith.addi %mul3A_297, %add3A_298 : i32
    %broadcast_in_dim3A_300 = vector.broadcast %add3A_299 : i32 to vector<16xi32>
    %add3A_301 = arith.constant 0 : i32
    %add3A_302 = vector.broadcast %add3A_301 : i32 to vector<16xi32>
    %add3A_303 = arith.addi %iota3A, %add3A_302 : vector<16xi32>
    %eq3A_304 = arith.cmpi eq, %add3A_303, %broadcast_in_dim3A_300 : vector<16xi32>
    %jit3A_305 = arith.constant 1.000000e+00 : f32
    %jit3A_306 = arith.constant 0.000000e+00 : f32
    %broadcast_in_dim3A_307 = vector.broadcast %jit3A_305 : f32 to vector<16xf32>
    %broadcast_in_dim3A_308 = vector.broadcast %jit3A_306 : f32 to vector<16xf32>
    %select_n3A_309 = arith.select %eq3A_304, %broadcast_in_dim3A_307, %broadcast_in_dim3A_308 : vector<16xi1>, vector<16xf32>
    %swap3A_310 = arith.constant 2 : i32
    %swap3A_311 = arith.index_cast %swap3A_310 : i32 to index
    %swap3A_312 = arith.constant 0 : index
    %swap3A_313 = tpu.vector_load %arg25[%swap3A_311, %swap3A_312] {strides = array<i32>} : memref<32x128xf32, #tpu.memory_space<vmem>>, vector<1x16xf32>,
    %swap3A_314 = vector.shape_cast %swap3A_313 : vector<1x16xf32> to vector<16xf32>
    %swap3A_315 = vector.shape_cast %select_n3A_309 : vector<16xf32> to vector<1x16xf32>
    tpu.vector_store %arg25[%swap3A_311, %swap3A_312], %swap3A_315 {strides = array<i32>} : memref<32x128xf32, #tpu.memory_space<vmem>>, vector<1x16xf32>,
    %add3A_316 = arith.constant 16 : i32
    %add3A_317 = vector.broadcast %add3A_316 : i32 to vector<16xi32>
    %add3A_318 = arith.addi %iota3A, %add3A_317 : vector<16xi32>
    %eq3A_319 = arith.cmpi eq, %add3A_318, %broadcast_in_dim3A_300 : vector<16xi32>
    %jit3A_320 = arith.constant 1.000000e+00 : f32
    %jit3A_321 = arith.constant 0.000000e+00 : f32
    %broadcast_in_dim3A_322 = vector.broadcast %jit3A_320 : f32 to vector<16xf32>
    %broadcast_in_dim3A_323 = vector.broadcast %jit3A_321 : f32 to vector<16xf32>
    %select_n3A_324 = arith.select %eq3A_319, %broadcast_in_dim3A_322, %broadcast_in_dim3A_323 : vector<16xi1>, vector<16xf32>
    %swap3A_325 = arith.constant 2 : i32
    %swap3A_326 = arith.index_cast %swap3A_325 : i32 to index
    %swap3A_327 = arith.constant 16 : index
    %swap3A_328 = tpu.vector_load %arg25[%swap3A_326, %swap3A_327] {strides = array<i32>} : memref<32x128xf32, #tpu.memory_space<vmem>>, vector<1x16xf32>,
    %swap3A_329 = vector.shape_cast %swap3A_328 : vector<1x16xf32> to vector<16xf32>
    %swap3A_330 = vector.shape_cast %select_n3A_324 : vector<16xf32> to vector<1x16xf32>
    tpu.vector_store %arg25[%swap3A_326, %swap3A_327], %swap3A_330 {strides = array<i32>} : memref<32x128xf32, #tpu.memory_space<vmem>>, vector<1x16xf32>,
    %add3A_331 = arith.constant 32 : i32
    %add3A_332 = vector.broadcast %add3A_331 : i32 to vector<16xi32>
    %add3A_333 = arith.addi %iota3A, %add3A_332 : vector<16xi32>
    %eq3A_334 = arith.cmpi eq, %add3A_333, %broadcast_in_dim3A_300 : vector<16xi32>
    %jit3A_335 = arith.constant 1.000000e+00 : f32
    %jit3A_336 = arith.constant 0.000000e+00 : f32
    %broadcast_in_dim3A_337 = vector.broadcast %jit3A_335 : f32 to vector<16xf32>
    %broadcast_in_dim3A_338 = vector.broadcast %jit3A_336 : f32 to vector<16xf32>
    %select_n3A_339 = arith.select %eq3A_334, %broadcast_in_dim3A_337, %broadcast_in_dim3A_338 : vector<16xi1>, vector<16xf32>
    %swap3A_340 = arith.constant 2 : i32
    %swap3A_341 = arith.index_cast %swap3A_340 : i32 to index
    %swap3A_342 = arith.constant 32 : index
    %swap3A_343 = tpu.vector_load %arg25[%swap3A_341, %swap3A_342] {strides = array<i32>} : memref<32x128xf32, #tpu.memory_space<vmem>>, vector<1x16xf32>,
    %swap3A_344 = vector.shape_cast %swap3A_343 : vector<1x16xf32> to vector<16xf32>
    %swap3A_345 = vector.shape_cast %select_n3A_339 : vector<16xf32> to vector<1x16xf32>
    tpu.vector_store %arg25[%swap3A_341, %swap3A_342], %swap3A_345 {strides = array<i32>} : memref<32x128xf32, #tpu.memory_space<vmem>>, vector<1x16xf32>,
    %add3A_346 = arith.constant 48 : i32
    %add3A_347 = vector.broadcast %add3A_346 : i32 to vector<16xi32>
    %add3A_348 = arith.addi %iota3A, %add3A_347 : vector<16xi32>
    %eq3A_349 = arith.cmpi eq, %add3A_348, %broadcast_in_dim3A_300 : vector<16xi32>
    %jit3A_350 = arith.constant 1.000000e+00 : f32
    %jit3A_351 = arith.constant 0.000000e+00 : f32
    %broadcast_in_dim3A_352 = vector.broadcast %jit3A_350 : f32 to vector<16xf32>
    %broadcast_in_dim3A_353 = vector.broadcast %jit3A_351 : f32 to vector<16xf32>
    %select_n3A_354 = arith.select %eq3A_349, %broadcast_in_dim3A_352, %broadcast_in_dim3A_353 : vector<16xi1>, vector<16xf32>
    %swap3A_355 = arith.constant 2 : i32
    %swap3A_356 = arith.index_cast %swap3A_355 : i32 to index
    %swap3A_357 = arith.constant 48 : index
    %swap3A_358 = tpu.vector_load %arg25[%swap3A_356, %swap3A_357] {strides = array<i32>} : memref<32x128xf32, #tpu.memory_space<vmem>>, vector<1x16xf32>,
    %swap3A_359 = vector.shape_cast %swap3A_358 : vector<1x16xf32> to vector<16xf32>
    %swap3A_360 = vector.shape_cast %select_n3A_354 : vector<16xf32> to vector<1x16xf32>
    tpu.vector_store %arg25[%swap3A_356, %swap3A_357], %swap3A_360 {strides = array<i32>} : memref<32x128xf32, #tpu.memory_space<vmem>>, vector<1x16xf32>,
    %add3A_361 = arith.constant 64 : i32
    %add3A_362 = vector.broadcast %add3A_361 : i32 to vector<16xi32>
    %add3A_363 = arith.addi %iota3A, %add3A_362 : vector<16xi32>
    %eq3A_364 = arith.cmpi eq, %add3A_363, %broadcast_in_dim3A_300 : vector<16xi32>
    %jit3A_365 = arith.constant 1.000000e+00 : f32
    %jit3A_366 = arith.constant 0.000000e+00 : f32
    %broadcast_in_dim3A_367 = vector.broadcast %jit3A_365 : f32 to vector<16xf32>
    %broadcast_in_dim3A_368 = vector.broadcast %jit3A_366 : f32 to vector<16xf32>
    %select_n3A_369 = arith.select %eq3A_364, %broadcast_in_dim3A_367, %broadcast_in_dim3A_368 : vector<16xi1>, vector<16xf32>
    %swap3A_370 = arith.constant 2 : i32
    %swap3A_371 = arith.index_cast %swap3A_370 : i32 to index
    %swap3A_372 = arith.constant 64 : index
    %swap3A_373 = tpu.vector_load %arg25[%swap3A_371, %swap3A_372] {strides = array<i32>} : memref<32x128xf32, #tpu.memory_space<vmem>>, vector<1x16xf32>,
    %swap3A_374 = vector.shape_cast %swap3A_373 : vector<1x16xf32> to vector<16xf32>
    %swap3A_375 = vector.shape_cast %select_n3A_369 : vector<16xf32> to vector<1x16xf32>
    tpu.vector_store %arg25[%swap3A_371, %swap3A_372], %swap3A_375 {strides = array<i32>} : memref<32x128xf32, #tpu.memory_space<vmem>>, vector<1x16xf32>,
    %add3A_376 = arith.constant 80 : i32
    %add3A_377 = vector.broadcast %add3A_376 : i32 to vector<16xi32>
    %add3A_378 = arith.addi %iota3A, %add3A_377 : vector<16xi32>
    %eq3A_379 = arith.cmpi eq, %add3A_378, %broadcast_in_dim3A_300 : vector<16xi32>
    %jit3A_380 = arith.constant 1.000000e+00 : f32
    %jit3A_381 = arith.constant 0.000000e+00 : f32
    %broadcast_in_dim3A_382 = vector.broadcast %jit3A_380 : f32 to vector<16xf32>
    %broadcast_in_dim3A_383 = vector.broadcast %jit3A_381 : f32 to vector<16xf32>
    %select_n3A_384 = arith.select %eq3A_379, %broadcast_in_dim3A_382, %broadcast_in_dim3A_383 : vector<16xi1>, vector<16xf32>
    %swap3A_385 = arith.constant 2 : i32
    %swap3A_386 = arith.index_cast %swap3A_385 : i32 to index
    %swap3A_387 = arith.constant 80 : index
    %swap3A_388 = tpu.vector_load %arg25[%swap3A_386, %swap3A_387] {strides = array<i32>} : memref<32x128xf32, #tpu.memory_space<vmem>>, vector<1x16xf32>,
    %swap3A_389 = vector.shape_cast %swap3A_388 : vector<1x16xf32> to vector<16xf32>
    %swap3A_390 = vector.shape_cast %select_n3A_384 : vector<16xf32> to vector<1x16xf32>
    tpu.vector_store %arg25[%swap3A_386, %swap3A_387], %swap3A_390 {strides = array<i32>} : memref<32x128xf32, #tpu.memory_space<vmem>>, vector<1x16xf32>,
    %add3A_391 = arith.constant 96 : i32
    %add3A_392 = vector.broadcast %add3A_391 : i32 to vector<16xi32>
    %add3A_393 = arith.addi %iota3A, %add3A_392 : vector<16xi32>
    %eq3A_394 = arith.cmpi eq, %add3A_393, %broadcast_in_dim3A_300 : vector<16xi32>
    %jit3A_395 = arith.constant 1.000000e+00 : f32
    %jit3A_396 = arith.constant 0.000000e+00 : f32
    %broadcast_in_dim3A_397 = vector.broadcast %jit3A_395 : f32 to vector<16xf32>
    %broadcast_in_dim3A_398 = vector.broadcast %jit3A_396 : f32 to vector<16xf32>
    %select_n3A_399 = arith.select %eq3A_394, %broadcast_in_dim3A_397, %broadcast_in_dim3A_398 : vector<16xi1>, vector<16xf32>
    %swap3A_400 = arith.constant 2 : i32
    %swap3A_401 = arith.index_cast %swap3A_400 : i32 to index
    %swap3A_402 = arith.constant 96 : index
    %swap3A_403 = tpu.vector_load %arg25[%swap3A_401, %swap3A_402] {strides = array<i32>} : memref<32x128xf32, #tpu.memory_space<vmem>>, vector<1x16xf32>,
    %swap3A_404 = vector.shape_cast %swap3A_403 : vector<1x16xf32> to vector<16xf32>
    %swap3A_405 = vector.shape_cast %select_n3A_399 : vector<16xf32> to vector<1x16xf32>
    tpu.vector_store %arg25[%swap3A_401, %swap3A_402], %swap3A_405 {strides = array<i32>} : memref<32x128xf32, #tpu.memory_space<vmem>>, vector<1x16xf32>,
    %add3A_406 = arith.constant 112 : i32
    %add3A_407 = vector.broadcast %add3A_406 : i32 to vector<16xi32>
    %add3A_408 = arith.addi %iota3A, %add3A_407 : vector<16xi32>
    %eq3A_409 = arith.cmpi eq, %add3A_408, %broadcast_in_dim3A_300 : vector<16xi32>
    %jit3A_410 = arith.constant 1.000000e+00 : f32
    %jit3A_411 = arith.constant 0.000000e+00 : f32
    %broadcast_in_dim3A_412 = vector.broadcast %jit3A_410 : f32 to vector<16xf32>
    %broadcast_in_dim3A_413 = vector.broadcast %jit3A_411 : f32 to vector<16xf32>
    %select_n3A_414 = arith.select %eq3A_409, %broadcast_in_dim3A_412, %broadcast_in_dim3A_413 : vector<16xi1>, vector<16xf32>
    %swap3A_415 = arith.constant 2 : i32
    %swap3A_416 = arith.index_cast %swap3A_415 : i32 to index
    %swap3A_417 = arith.constant 112 : index
    %swap3A_418 = tpu.vector_load %arg25[%swap3A_416, %swap3A_417] {strides = array<i32>} : memref<32x128xf32, #tpu.memory_space<vmem>>, vector<1x16xf32>,
    %swap3A_419 = vector.shape_cast %swap3A_418 : vector<1x16xf32> to vector<16xf32>
    %swap3A_420 = vector.shape_cast %select_n3A_414 : vector<16xf32> to vector<1x16xf32>
    tpu.vector_store %arg25[%swap3A_416, %swap3A_417], %swap3A_420 {strides = array<i32>} : memref<32x128xf32, #tpu.memory_space<vmem>>, vector<1x16xf32>,
    %mul3A_421 = arith.constant 8 : i32
    %mul3A_422 = arith.muli %mul3A_421, %arg1 : i32
    %add3A_423 = arith.constant 3 : i32
    %add3A_424 = arith.addi %mul3A_422, %add3A_423 : i32
    %broadcast_in_dim3A_425 = vector.broadcast %add3A_424 : i32 to vector<16xi32>
    %add3A_426 = arith.constant 0 : i32
    %add3A_427 = vector.broadcast %add3A_426 : i32 to vector<16xi32>
    %add3A_428 = arith.addi %iota3A, %add3A_427 : vector<16xi32>
    %eq3A_429 = arith.cmpi eq, %add3A_428, %broadcast_in_dim3A_425 : vector<16xi32>
    %jit3A_430 = arith.constant 1.000000e+00 : f32
    %jit3A_431 = arith.constant 0.000000e+00 : f32
    %broadcast_in_dim3A_432 = vector.broadcast %jit3A_430 : f32 to vector<16xf32>
    %broadcast_in_dim3A_433 = vector.broadcast %jit3A_431 : f32 to vector<16xf32>
    %select_n3A_434 = arith.select %eq3A_429, %broadcast_in_dim3A_432, %broadcast_in_dim3A_433 : vector<16xi1>, vector<16xf32>
    %swap3A_435 = arith.constant 3 : i32
    %swap3A_436 = arith.index_cast %swap3A_435 : i32 to index
    %swap3A_437 = arith.constant 0 : index
    %swap3A_438 = tpu.vector_load %arg25[%swap3A_436, %swap3A_437] {strides = array<i32>} : memref<32x128xf32, #tpu.memory_space<vmem>>, vector<1x16xf32>,
    %swap3A_439 = vector.shape_cast %swap3A_438 : vector<1x16xf32> to vector<16xf32>
    %swap3A_440 = vector.shape_cast %select_n3A_434 : vector<16xf32> to vector<1x16xf32>
    tpu.vector_store %arg25[%swap3A_436, %swap3A_437], %swap3A_440 {strides = array<i32>} : memref<32x128xf32, #tpu.memory_space<vmem>>, vector<1x16xf32>,
    %add3A_441 = arith.constant 16 : i32
    %add3A_442 = vector.broadcast %add3A_441 : i32 to vector<16xi32>
    %add3A_443 = arith.addi %iota3A, %add3A_442 : vector<16xi32>
    %eq3A_444 = arith.cmpi eq, %add3A_443, %broadcast_in_dim3A_425 : vector<16xi32>
    %jit3A_445 = arith.constant 1.000000e+00 : f32
    %jit3A_446 = arith.constant 0.000000e+00 : f32
    %broadcast_in_dim3A_447 = vector.broadcast %jit3A_445 : f32 to vector<16xf32>
    %broadcast_in_dim3A_448 = vector.broadcast %jit3A_446 : f32 to vector<16xf32>
    %select_n3A_449 = arith.select %eq3A_444, %broadcast_in_dim3A_447, %broadcast_in_dim3A_448 : vector<16xi1>, vector<16xf32>
    %swap3A_450 = arith.constant 3 : i32
    %swap3A_451 = arith.index_cast %swap3A_450 : i32 to index
    %swap3A_452 = arith.constant 16 : index
    %swap3A_453 = tpu.vector_load %arg25[%swap3A_451, %swap3A_452] {strides = array<i32>} : memref<32x128xf32, #tpu.memory_space<vmem>>, vector<1x16xf32>,
    %swap3A_454 = vector.shape_cast %swap3A_453 : vector<1x16xf32> to vector<16xf32>
    %swap3A_455 = vector.shape_cast %select_n3A_449 : vector<16xf32> to vector<1x16xf32>
    tpu.vector_store %arg25[%swap3A_451, %swap3A_452], %swap3A_455 {strides = array<i32>} : memref<32x128xf32, #tpu.memory_space<vmem>>, vector<1x16xf32>,
    %add3A_456 = arith.constant 32 : i32
    %add3A_457 = vector.broadcast %add3A_456 : i32 to vector<16xi32>
    %add3A_458 = arith.addi %iota3A, %add3A_457 : vector<16xi32>
    %eq3A_459 = arith.cmpi eq, %add3A_458, %broadcast_in_dim3A_425 : vector<16xi32>
    %jit3A_460 = arith.constant 1.000000e+00 : f32
    %jit3A_461 = arith.constant 0.000000e+00 : f32
    %broadcast_in_dim3A_462 = vector.broadcast %jit3A_460 : f32 to vector<16xf32>
    %broadcast_in_dim3A_463 = vector.broadcast %jit3A_461 : f32 to vector<16xf32>
    %select_n3A_464 = arith.select %eq3A_459, %broadcast_in_dim3A_462, %broadcast_in_dim3A_463 : vector<16xi1>, vector<16xf32>
    %swap3A_465 = arith.constant 3 : i32
    %swap3A_466 = arith.index_cast %swap3A_465 : i32 to index
    %swap3A_467 = arith.constant 32 : index
    %swap3A_468 = tpu.vector_load %arg25[%swap3A_466, %swap3A_467] {strides = array<i32>} : memref<32x128xf32, #tpu.memory_space<vmem>>, vector<1x16xf32>,
    %swap3A_469 = vector.shape_cast %swap3A_468 : vector<1x16xf32> to vector<16xf32>
    %swap3A_470 = vector.shape_cast %select_n3A_464 : vector<16xf32> to vector<1x16xf32>
    tpu.vector_store %arg25[%swap3A_466, %swap3A_467], %swap3A_470 {strides = array<i32>} : memref<32x128xf32, #tpu.memory_space<vmem>>, vector<1x16xf32>,
    %add3A_471 = arith.constant 48 : i32
    %add3A_472 = vector.broadcast %add3A_471 : i32 to vector<16xi32>
    %add3A_473 = arith.addi %iota3A, %add3A_472 : vector<16xi32>
    %eq3A_474 = arith.cmpi eq, %add3A_473, %broadcast_in_dim3A_425 : vector<16xi32>
    %jit3A_475 = arith.constant 1.000000e+00 : f32
    %jit3A_476 = arith.constant 0.000000e+00 : f32
    %broadcast_in_dim3A_477 = vector.broadcast %jit3A_475 : f32 to vector<16xf32>
    %broadcast_in_dim3A_478 = vector.broadcast %jit3A_476 : f32 to vector<16xf32>
    %select_n3A_479 = arith.select %eq3A_474, %broadcast_in_dim3A_477, %broadcast_in_dim3A_478 : vector<16xi1>, vector<16xf32>
    %swap3A_480 = arith.constant 3 : i32
    %swap3A_481 = arith.index_cast %swap3A_480 : i32 to index
    %swap3A_482 = arith.constant 48 : index
    %swap3A_483 = tpu.vector_load %arg25[%swap3A_481, %swap3A_482] {strides = array<i32>} : memref<32x128xf32, #tpu.memory_space<vmem>>, vector<1x16xf32>,
    %swap3A_484 = vector.shape_cast %swap3A_483 : vector<1x16xf32> to vector<16xf32>
    %swap3A_485 = vector.shape_cast %select_n3A_479 : vector<16xf32> to vector<1x16xf32>
    tpu.vector_store %arg25[%swap3A_481, %swap3A_482], %swap3A_485 {strides = array<i32>} : memref<32x128xf32, #tpu.memory_space<vmem>>, vector<1x16xf32>,
    %add3A_486 = arith.constant 64 : i32
    %add3A_487 = vector.broadcast %add3A_486 : i32 to vector<16xi32>
    %add3A_488 = arith.addi %iota3A, %add3A_487 : vector<16xi32>
    %eq3A_489 = arith.cmpi eq, %add3A_488, %broadcast_in_dim3A_425 : vector<16xi32>
    %jit3A_490 = arith.constant 1.000000e+00 : f32
    %jit3A_491 = arith.constant 0.000000e+00 : f32
    %broadcast_in_dim3A_492 = vector.broadcast %jit3A_490 : f32 to vector<16xf32>
    %broadcast_in_dim3A_493 = vector.broadcast %jit3A_491 : f32 to vector<16xf32>
    %select_n3A_494 = arith.select %eq3A_489, %broadcast_in_dim3A_492, %broadcast_in_dim3A_493 : vector<16xi1>, vector<16xf32>
    %swap3A_495 = arith.constant 3 : i32
    %swap3A_496 = arith.index_cast %swap3A_495 : i32 to index
    %swap3A_497 = arith.constant 64 : index
    %swap3A_498 = tpu.vector_load %arg25[%swap3A_496, %swap3A_497] {strides = array<i32>} : memref<32x128xf32, #tpu.memory_space<vmem>>, vector<1x16xf32>,
    %swap3A_499 = vector.shape_cast %swap3A_498 : vector<1x16xf32> to vector<16xf32>
    %swap3A_500 = vector.shape_cast %select_n3A_494 : vector<16xf32> to vector<1x16xf32>
    tpu.vector_store %arg25[%swap3A_496, %swap3A_497], %swap3A_500 {strides = array<i32>} : memref<32x128xf32, #tpu.memory_space<vmem>>, vector<1x16xf32>,
    %add3A_501 = arith.constant 80 : i32
    %add3A_502 = vector.broadcast %add3A_501 : i32 to vector<16xi32>
    %add3A_503 = arith.addi %iota3A, %add3A_502 : vector<16xi32>
    %eq3A_504 = arith.cmpi eq, %add3A_503, %broadcast_in_dim3A_425 : vector<16xi32>
    %jit3A_505 = arith.constant 1.000000e+00 : f32
    %jit3A_506 = arith.constant 0.000000e+00 : f32
    %broadcast_in_dim3A_507 = vector.broadcast %jit3A_505 : f32 to vector<16xf32>
    %broadcast_in_dim3A_508 = vector.broadcast %jit3A_506 : f32 to vector<16xf32>
    %select_n3A_509 = arith.select %eq3A_504, %broadcast_in_dim3A_507, %broadcast_in_dim3A_508 : vector<16xi1>, vector<16xf32>
    %swap3A_510 = arith.constant 3 : i32
    %swap3A_511 = arith.index_cast %swap3A_510 : i32 to index
    %swap3A_512 = arith.constant 80 : index
    %swap3A_513 = tpu.vector_load %arg25[%swap3A_511, %swap3A_512] {strides = array<i32>} : memref<32x128xf32, #tpu.memory_space<vmem>>, vector<1x16xf32>,
    %swap3A_514 = vector.shape_cast %swap3A_513 : vector<1x16xf32> to vector<16xf32>
    %swap3A_515 = vector.shape_cast %select_n3A_509 : vector<16xf32> to vector<1x16xf32>
    tpu.vector_store %arg25[%swap3A_511, %swap3A_512], %swap3A_515 {strides = array<i32>} : memref<32x128xf32, #tpu.memory_space<vmem>>, vector<1x16xf32>,
    %add3A_516 = arith.constant 96 : i32
    %add3A_517 = vector.broadcast %add3A_516 : i32 to vector<16xi32>
    %add3A_518 = arith.addi %iota3A, %add3A_517 : vector<16xi32>
    %eq3A_519 = arith.cmpi eq, %add3A_518, %broadcast_in_dim3A_425 : vector<16xi32>
    %jit3A_520 = arith.constant 1.000000e+00 : f32
    %jit3A_521 = arith.constant 0.000000e+00 : f32
    %broadcast_in_dim3A_522 = vector.broadcast %jit3A_520 : f32 to vector<16xf32>
    %broadcast_in_dim3A_523 = vector.broadcast %jit3A_521 : f32 to vector<16xf32>
    %select_n3A_524 = arith.select %eq3A_519, %broadcast_in_dim3A_522, %broadcast_in_dim3A_523 : vector<16xi1>, vector<16xf32>
    %swap3A_525 = arith.constant 3 : i32
    %swap3A_526 = arith.index_cast %swap3A_525 : i32 to index
    %swap3A_527 = arith.constant 96 : index
    %swap3A_528 = tpu.vector_load %arg25[%swap3A_526, %swap3A_527] {strides = array<i32>} : memref<32x128xf32, #tpu.memory_space<vmem>>, vector<1x16xf32>,
    %swap3A_529 = vector.shape_cast %swap3A_528 : vector<1x16xf32> to vector<16xf32>
    %swap3A_530 = vector.shape_cast %select_n3A_524 : vector<16xf32> to vector<1x16xf32>
    tpu.vector_store %arg25[%swap3A_526, %swap3A_527], %swap3A_530 {strides = array<i32>} : memref<32x128xf32, #tpu.memory_space<vmem>>, vector<1x16xf32>,
    %add3A_531 = arith.constant 112 : i32
    %add3A_532 = vector.broadcast %add3A_531 : i32 to vector<16xi32>
    %add3A_533 = arith.addi %iota3A, %add3A_532 : vector<16xi32>
    %eq3A_534 = arith.cmpi eq, %add3A_533, %broadcast_in_dim3A_425 : vector<16xi32>
    %jit3A_535 = arith.constant 1.000000e+00 : f32
    %jit3A_536 = arith.constant 0.000000e+00 : f32
    %broadcast_in_dim3A_537 = vector.broadcast %jit3A_535 : f32 to vector<16xf32>
    %broadcast_in_dim3A_538 = vector.broadcast %jit3A_536 : f32 to vector<16xf32>
    %select_n3A_539 = arith.select %eq3A_534, %broadcast_in_dim3A_537, %broadcast_in_dim3A_538 : vector<16xi1>, vector<16xf32>
    %swap3A_540 = arith.constant 3 : i32
    %swap3A_541 = arith.index_cast %swap3A_540 : i32 to index
    %swap3A_542 = arith.constant 112 : index
    %swap3A_543 = tpu.vector_load %arg25[%swap3A_541, %swap3A_542] {strides = array<i32>} : memref<32x128xf32, #tpu.memory_space<vmem>>, vector<1x16xf32>,
    %swap3A_544 = vector.shape_cast %swap3A_543 : vector<1x16xf32> to vector<16xf32>
    %swap3A_545 = vector.shape_cast %select_n3A_539 : vector<16xf32> to vector<1x16xf32>
    tpu.vector_store %arg25[%swap3A_541, %swap3A_542], %swap3A_545 {strides = array<i32>} : memref<32x128xf32, #tpu.memory_space<vmem>>, vector<1x16xf32>,
    %mul3A_546 = arith.constant 8 : i32
    %mul3A_547 = arith.muli %mul3A_546, %arg1 : i32
    %add3A_548 = arith.constant 4 : i32
    %add3A_549 = arith.addi %mul3A_547, %add3A_548 : i32
    %broadcast_in_dim3A_550 = vector.broadcast %add3A_549 : i32 to vector<16xi32>
    %add3A_551 = arith.constant 0 : i32
    %add3A_552 = vector.broadcast %add3A_551 : i32 to vector<16xi32>
    %add3A_553 = arith.addi %iota3A, %add3A_552 : vector<16xi32>
    %eq3A_554 = arith.cmpi eq, %add3A_553, %broadcast_in_dim3A_550 : vector<16xi32>
    %jit3A_555 = arith.constant 1.000000e+00 : f32
    %jit3A_556 = arith.constant 0.000000e+00 : f32
    %broadcast_in_dim3A_557 = vector.broadcast %jit3A_555 : f32 to vector<16xf32>
    %broadcast_in_dim3A_558 = vector.broadcast %jit3A_556 : f32 to vector<16xf32>
    %select_n3A_559 = arith.select %eq3A_554, %broadcast_in_dim3A_557, %broadcast_in_dim3A_558 : vector<16xi1>, vector<16xf32>
    %swap3A_560 = arith.constant 4 : i32
    %swap3A_561 = arith.index_cast %swap3A_560 : i32 to index
    %swap3A_562 = arith.constant 0 : index
    %swap3A_563 = tpu.vector_load %arg25[%swap3A_561, %swap3A_562] {strides = array<i32>} : memref<32x128xf32, #tpu.memory_space<vmem>>, vector<1x16xf32>,
    %swap3A_564 = vector.shape_cast %swap3A_563 : vector<1x16xf32> to vector<16xf32>
    %swap3A_565 = vector.shape_cast %select_n3A_559 : vector<16xf32> to vector<1x16xf32>
    tpu.vector_store %arg25[%swap3A_561, %swap3A_562], %swap3A_565 {strides = array<i32>} : memref<32x128xf32, #tpu.memory_space<vmem>>, vector<1x16xf32>,
    %add3A_566 = arith.constant 16 : i32
    %add3A_567 = vector.broadcast %add3A_566 : i32 to vector<16xi32>
    %add3A_568 = arith.addi %iota3A, %add3A_567 : vector<16xi32>
    %eq3A_569 = arith.cmpi eq, %add3A_568, %broadcast_in_dim3A_550 : vector<16xi32>
    %jit3A_570 = arith.constant 1.000000e+00 : f32
    %jit3A_571 = arith.constant 0.000000e+00 : f32
    %broadcast_in_dim3A_572 = vector.broadcast %jit3A_570 : f32 to vector<16xf32>
    %broadcast_in_dim3A_573 = vector.broadcast %jit3A_571 : f32 to vector<16xf32>
    %select_n3A_574 = arith.select %eq3A_569, %broadcast_in_dim3A_572, %broadcast_in_dim3A_573 : vector<16xi1>, vector<16xf32>
    %swap3A_575 = arith.constant 4 : i32
    %swap3A_576 = arith.index_cast %swap3A_575 : i32 to index
    %swap3A_577 = arith.constant 16 : index
    %swap3A_578 = tpu.vector_load %arg25[%swap3A_576, %swap3A_577] {strides = array<i32>} : memref<32x128xf32, #tpu.memory_space<vmem>>, vector<1x16xf32>,
    %swap3A_579 = vector.shape_cast %swap3A_578 : vector<1x16xf32> to vector<16xf32>
    %swap3A_580 = vector.shape_cast %select_n3A_574 : vector<16xf32> to vector<1x16xf32>
    tpu.vector_store %arg25[%swap3A_576, %swap3A_577], %swap3A_580 {strides = array<i32>} : memref<32x128xf32, #tpu.memory_space<vmem>>, vector<1x16xf32>,
    %add3A_581 = arith.constant 32 : i32
    %add3A_582 = vector.broadcast %add3A_581 : i32 to vector<16xi32>
    %add3A_583 = arith.addi %iota3A, %add3A_582 : vector<16xi32>
    %eq3A_584 = arith.cmpi eq, %add3A_583, %broadcast_in_dim3A_550 : vector<16xi32>
    %jit3A_585 = arith.constant 1.000000e+00 : f32
    %jit3A_586 = arith.constant 0.000000e+00 : f32
    %broadcast_in_dim3A_587 = vector.broadcast %jit3A_585 : f32 to vector<16xf32>
    %broadcast_in_dim3A_588 = vector.broadcast %jit3A_586 : f32 to vector<16xf32>
    %select_n3A_589 = arith.select %eq3A_584, %broadcast_in_dim3A_587, %broadcast_in_dim3A_588 : vector<16xi1>, vector<16xf32>
    %swap3A_590 = arith.constant 4 : i32
    %swap3A_591 = arith.index_cast %swap3A_590 : i32 to index
    %swap3A_592 = arith.constant 32 : index
    %swap3A_593 = tpu.vector_load %arg25[%swap3A_591, %swap3A_592] {strides = array<i32>} : memref<32x128xf32, #tpu.memory_space<vmem>>, vector<1x16xf32>,
    %swap3A_594 = vector.shape_cast %swap3A_593 : vector<1x16xf32> to vector<16xf32>
    %swap3A_595 = vector.shape_cast %select_n3A_589 : vector<16xf32> to vector<1x16xf32>
    tpu.vector_store %arg25[%swap3A_591, %swap3A_592], %swap3A_595 {strides = array<i32>} : memref<32x128xf32, #tpu.memory_space<vmem>>, vector<1x16xf32>,
    %add3A_596 = arith.constant 48 : i32
    %add3A_597 = vector.broadcast %add3A_596 : i32 to vector<16xi32>
    %add3A_598 = arith.addi %iota3A, %add3A_597 : vector<16xi32>
    %eq3A_599 = arith.cmpi eq, %add3A_598, %broadcast_in_dim3A_550 : vector<16xi32>
    %jit3A_600 = arith.constant 1.000000e+00 : f32
    %jit3A_601 = arith.constant 0.000000e+00 : f32
    %broadcast_in_dim3A_602 = vector.broadcast %jit3A_600 : f32 to vector<16xf32>
    %broadcast_in_dim3A_603 = vector.broadcast %jit3A_601 : f32 to vector<16xf32>
    %select_n3A_604 = arith.select %eq3A_599, %broadcast_in_dim3A_602, %broadcast_in_dim3A_603 : vector<16xi1>, vector<16xf32>
    %swap3A_605 = arith.constant 4 : i32
    %swap3A_606 = arith.index_cast %swap3A_605 : i32 to index
    %swap3A_607 = arith.constant 48 : index
    %swap3A_608 = tpu.vector_load %arg25[%swap3A_606, %swap3A_607] {strides = array<i32>} : memref<32x128xf32, #tpu.memory_space<vmem>>, vector<1x16xf32>,
    %swap3A_609 = vector.shape_cast %swap3A_608 : vector<1x16xf32> to vector<16xf32>
    %swap3A_610 = vector.shape_cast %select_n3A_604 : vector<16xf32> to vector<1x16xf32>
    tpu.vector_store %arg25[%swap3A_606, %swap3A_607], %swap3A_610 {strides = array<i32>} : memref<32x128xf32, #tpu.memory_space<vmem>>, vector<1x16xf32>,
    %add3A_611 = arith.constant 64 : i32
    %add3A_612 = vector.broadcast %add3A_611 : i32 to vector<16xi32>
    %add3A_613 = arith.addi %iota3A, %add3A_612 : vector<16xi32>
    %eq3A_614 = arith.cmpi eq, %add3A_613, %broadcast_in_dim3A_550 : vector<16xi32>
    %jit3A_615 = arith.constant 1.000000e+00 : f32
    %jit3A_616 = arith.constant 0.000000e+00 : f32
    %broadcast_in_dim3A_617 = vector.broadcast %jit3A_615 : f32 to vector<16xf32>
    %broadcast_in_dim3A_618 = vector.broadcast %jit3A_616 : f32 to vector<16xf32>
    %select_n3A_619 = arith.select %eq3A_614, %broadcast_in_dim3A_617, %broadcast_in_dim3A_618 : vector<16xi1>, vector<16xf32>
    %swap3A_620 = arith.constant 4 : i32
    %swap3A_621 = arith.index_cast %swap3A_620 : i32 to index
    %swap3A_622 = arith.constant 64 : index
    %swap3A_623 = tpu.vector_load %arg25[%swap3A_621, %swap3A_622] {strides = array<i32>} : memref<32x128xf32, #tpu.memory_space<vmem>>, vector<1x16xf32>,
    %swap3A_624 = vector.shape_cast %swap3A_623 : vector<1x16xf32> to vector<16xf32>
    %swap3A_625 = vector.shape_cast %select_n3A_619 : vector<16xf32> to vector<1x16xf32>
    tpu.vector_store %arg25[%swap3A_621, %swap3A_622], %swap3A_625 {strides = array<i32>} : memref<32x128xf32, #tpu.memory_space<vmem>>, vector<1x16xf32>,
    %add3A_626 = arith.constant 80 : i32
    %add3A_627 = vector.broadcast %add3A_626 : i32 to vector<16xi32>
    %add3A_628 = arith.addi %iota3A, %add3A_627 : vector<16xi32>
    %eq3A_629 = arith.cmpi eq, %add3A_628, %broadcast_in_dim3A_550 : vector<16xi32>
    %jit3A_630 = arith.constant 1.000000e+00 : f32
    %jit3A_631 = arith.constant 0.000000e+00 : f32
    %broadcast_in_dim3A_632 = vector.broadcast %jit3A_630 : f32 to vector<16xf32>
    %broadcast_in_dim3A_633 = vector.broadcast %jit3A_631 : f32 to vector<16xf32>
    %select_n3A_634 = arith.select %eq3A_629, %broadcast_in_dim3A_632, %broadcast_in_dim3A_633 : vector<16xi1>, vector<16xf32>
    %swap3A_635 = arith.constant 4 : i32
    %swap3A_636 = arith.index_cast %swap3A_635 : i32 to index
    %swap3A_637 = arith.constant 80 : index
    %swap3A_638 = tpu.vector_load %arg25[%swap3A_636, %swap3A_637] {strides = array<i32>} : memref<32x128xf32, #tpu.memory_space<vmem>>, vector<1x16xf32>,
    %swap3A_639 = vector.shape_cast %swap3A_638 : vector<1x16xf32> to vector<16xf32>
    %swap3A_640 = vector.shape_cast %select_n3A_634 : vector<16xf32> to vector<1x16xf32>
    tpu.vector_store %arg25[%swap3A_636, %swap3A_637], %swap3A_640 {strides = array<i32>} : memref<32x128xf32, #tpu.memory_space<vmem>>, vector<1x16xf32>,
    %add3A_641 = arith.constant 96 : i32
    %add3A_642 = vector.broadcast %add3A_641 : i32 to vector<16xi32>
    %add3A_643 = arith.addi %iota3A, %add3A_642 : vector<16xi32>
    %eq3A_644 = arith.cmpi eq, %add3A_643, %broadcast_in_dim3A_550 : vector<16xi32>
    %jit3A_645 = arith.constant 1.000000e+00 : f32
    %jit3A_646 = arith.constant 0.000000e+00 : f32
    %broadcast_in_dim3A_647 = vector.broadcast %jit3A_645 : f32 to vector<16xf32>
    %broadcast_in_dim3A_648 = vector.broadcast %jit3A_646 : f32 to vector<16xf32>
    %select_n3A_649 = arith.select %eq3A_644, %broadcast_in_dim3A_647, %broadcast_in_dim3A_648 : vector<16xi1>, vector<16xf32>
    %swap3A_650 = arith.constant 4 : i32
    %swap3A_651 = arith.index_cast %swap3A_650 : i32 to index
    %swap3A_652 = arith.constant 96 : index
    %swap3A_653 = tpu.vector_load %arg25[%swap3A_651, %swap3A_652] {strides = array<i32>} : memref<32x128xf32, #tpu.memory_space<vmem>>, vector<1x16xf32>,
    %swap3A_654 = vector.shape_cast %swap3A_653 : vector<1x16xf32> to vector<16xf32>
    %swap3A_655 = vector.shape_cast %select_n3A_649 : vector<16xf32> to vector<1x16xf32>
    tpu.vector_store %arg25[%swap3A_651, %swap3A_652], %swap3A_655 {strides = array<i32>} : memref<32x128xf32, #tpu.memory_space<vmem>>, vector<1x16xf32>,
    %add3A_656 = arith.constant 112 : i32
    %add3A_657 = vector.broadcast %add3A_656 : i32 to vector<16xi32>
    %add3A_658 = arith.addi %iota3A, %add3A_657 : vector<16xi32>
    %eq3A_659 = arith.cmpi eq, %add3A_658, %broadcast_in_dim3A_550 : vector<16xi32>
    %jit3A_660 = arith.constant 1.000000e+00 : f32
    %jit3A_661 = arith.constant 0.000000e+00 : f32
    %broadcast_in_dim3A_662 = vector.broadcast %jit3A_660 : f32 to vector<16xf32>
    %broadcast_in_dim3A_663 = vector.broadcast %jit3A_661 : f32 to vector<16xf32>
    %select_n3A_664 = arith.select %eq3A_659, %broadcast_in_dim3A_662, %broadcast_in_dim3A_663 : vector<16xi1>, vector<16xf32>
    %swap3A_665 = arith.constant 4 : i32
    %swap3A_666 = arith.index_cast %swap3A_665 : i32 to index
    %swap3A_667 = arith.constant 112 : index
    %swap3A_668 = tpu.vector_load %arg25[%swap3A_666, %swap3A_667] {strides = array<i32>} : memref<32x128xf32, #tpu.memory_space<vmem>>, vector<1x16xf32>,
    %swap3A_669 = vector.shape_cast %swap3A_668 : vector<1x16xf32> to vector<16xf32>
    %swap3A_670 = vector.shape_cast %select_n3A_664 : vector<16xf32> to vector<1x16xf32>
    tpu.vector_store %arg25[%swap3A_666, %swap3A_667], %swap3A_670 {strides = array<i32>} : memref<32x128xf32, #tpu.memory_space<vmem>>, vector<1x16xf32>,
    %mul3A_671 = arith.constant 8 : i32
    %mul3A_672 = arith.muli %mul3A_671, %arg1 : i32
    %add3A_673 = arith.constant 5 : i32
    %add3A_674 = arith.addi %mul3A_672, %add3A_673 : i32
    %broadcast_in_dim3A_675 = vector.broadcast %add3A_674 : i32 to vector<16xi32>
    %add3A_676 = arith.constant 0 : i32
    %add3A_677 = vector.broadcast %add3A_676 : i32 to vector<16xi32>
    %add3A_678 = arith.addi %iota3A, %add3A_677 : vector<16xi32>
    %eq3A_679 = arith.cmpi eq, %add3A_678, %broadcast_in_dim3A_675 : vector<16xi32>
    %jit3A_680 = arith.constant 1.000000e+00 : f32
    %jit3A_681 = arith.constant 0.000000e+00 : f32
    %broadcast_in_dim3A_682 = vector.broadcast %jit3A_680 : f32 to vector<16xf32>
    %broadcast_in_dim3A_683 = vector.broadcast %jit3A_681 : f32 to vector<16xf32>
    %select_n3A_684 = arith.select %eq3A_679, %broadcast_in_dim3A_682, %broadcast_in_dim3A_683 : vector<16xi1>, vector<16xf32>
    %swap3A_685 = arith.constant 5 : i32
    %swap3A_686 = arith.index_cast %swap3A_685 : i32 to index
    %swap3A_687 = arith.constant 0 : index
    %swap3A_688 = tpu.vector_load %arg25[%swap3A_686, %swap3A_687] {strides = array<i32>} : memref<32x128xf32, #tpu.memory_space<vmem>>, vector<1x16xf32>,
    %swap3A_689 = vector.shape_cast %swap3A_688 : vector<1x16xf32> to vector<16xf32>
    %swap3A_690 = vector.shape_cast %select_n3A_684 : vector<16xf32> to vector<1x16xf32>
    tpu.vector_store %arg25[%swap3A_686, %swap3A_687], %swap3A_690 {strides = array<i32>} : memref<32x128xf32, #tpu.memory_space<vmem>>, vector<1x16xf32>,
    %add3A_691 = arith.constant 16 : i32
    %add3A_692 = vector.broadcast %add3A_691 : i32 to vector<16xi32>
    %add3A_693 = arith.addi %iota3A, %add3A_692 : vector<16xi32>
    %eq3A_694 = arith.cmpi eq, %add3A_693, %broadcast_in_dim3A_675 : vector<16xi32>
    %jit3A_695 = arith.constant 1.000000e+00 : f32
    %jit3A_696 = arith.constant 0.000000e+00 : f32
    %broadcast_in_dim3A_697 = vector.broadcast %jit3A_695 : f32 to vector<16xf32>
    %broadcast_in_dim3A_698 = vector.broadcast %jit3A_696 : f32 to vector<16xf32>
    %select_n3A_699 = arith.select %eq3A_694, %broadcast_in_dim3A_697, %broadcast_in_dim3A_698 : vector<16xi1>, vector<16xf32>
    %swap3A_700 = arith.constant 5 : i32
    %swap3A_701 = arith.index_cast %swap3A_700 : i32 to index
    %swap3A_702 = arith.constant 16 : index
    %swap3A_703 = tpu.vector_load %arg25[%swap3A_701, %swap3A_702] {strides = array<i32>} : memref<32x128xf32, #tpu.memory_space<vmem>>, vector<1x16xf32>,
    %swap3A_704 = vector.shape_cast %swap3A_703 : vector<1x16xf32> to vector<16xf32>
    %swap3A_705 = vector.shape_cast %select_n3A_699 : vector<16xf32> to vector<1x16xf32>
    tpu.vector_store %arg25[%swap3A_701, %swap3A_702], %swap3A_705 {strides = array<i32>} : memref<32x128xf32, #tpu.memory_space<vmem>>, vector<1x16xf32>,
    %add3A_706 = arith.constant 32 : i32
    %add3A_707 = vector.broadcast %add3A_706 : i32 to vector<16xi32>
    %add3A_708 = arith.addi %iota3A, %add3A_707 : vector<16xi32>
    %eq3A_709 = arith.cmpi eq, %add3A_708, %broadcast_in_dim3A_675 : vector<16xi32>
    %jit3A_710 = arith.constant 1.000000e+00 : f32
    %jit3A_711 = arith.constant 0.000000e+00 : f32
    %broadcast_in_dim3A_712 = vector.broadcast %jit3A_710 : f32 to vector<16xf32>
    %broadcast_in_dim3A_713 = vector.broadcast %jit3A_711 : f32 to vector<16xf32>
    %select_n3A_714 = arith.select %eq3A_709, %broadcast_in_dim3A_712, %broadcast_in_dim3A_713 : vector<16xi1>, vector<16xf32>
    %swap3A_715 = arith.constant 5 : i32
    %swap3A_716 = arith.index_cast %swap3A_715 : i32 to index
    %swap3A_717 = arith.constant 32 : index
    %swap3A_718 = tpu.vector_load %arg25[%swap3A_716, %swap3A_717] {strides = array<i32>} : memref<32x128xf32, #tpu.memory_space<vmem>>, vector<1x16xf32>,
    %swap3A_719 = vector.shape_cast %swap3A_718 : vector<1x16xf32> to vector<16xf32>
    %swap3A_720 = vector.shape_cast %select_n3A_714 : vector<16xf32> to vector<1x16xf32>
    tpu.vector_store %arg25[%swap3A_716, %swap3A_717], %swap3A_720 {strides = array<i32>} : memref<32x128xf32, #tpu.memory_space<vmem>>, vector<1x16xf32>,
    %add3A_721 = arith.constant 48 : i32
    %add3A_722 = vector.broadcast %add3A_721 : i32 to vector<16xi32>
    %add3A_723 = arith.addi %iota3A, %add3A_722 : vector<16xi32>
    %eq3A_724 = arith.cmpi eq, %add3A_723, %broadcast_in_dim3A_675 : vector<16xi32>
    %jit3A_725 = arith.constant 1.000000e+00 : f32
    %jit3A_726 = arith.constant 0.000000e+00 : f32
    %broadcast_in_dim3A_727 = vector.broadcast %jit3A_725 : f32 to vector<16xf32>
    %broadcast_in_dim3A_728 = vector.broadcast %jit3A_726 : f32 to vector<16xf32>
    %select_n3A_729 = arith.select %eq3A_724, %broadcast_in_dim3A_727, %broadcast_in_dim3A_728 : vector<16xi1>, vector<16xf32>
    %swap3A_730 = arith.constant 5 : i32
    %swap3A_731 = arith.index_cast %swap3A_730 : i32 to index
    %swap3A_732 = arith.constant 48 : index
    %swap3A_733 = tpu.vector_load %arg25[%swap3A_731, %swap3A_732] {strides = array<i32>} : memref<32x128xf32, #tpu.memory_space<vmem>>, vector<1x16xf32>,
    %swap3A_734 = vector.shape_cast %swap3A_733 : vector<1x16xf32> to vector<16xf32>
    %swap3A_735 = vector.shape_cast %select_n3A_729 : vector<16xf32> to vector<1x16xf32>
    tpu.vector_store %arg25[%swap3A_731, %swap3A_732], %swap3A_735 {strides = array<i32>} : memref<32x128xf32, #tpu.memory_space<vmem>>, vector<1x16xf32>,
    %add3A_736 = arith.constant 64 : i32
    %add3A_737 = vector.broadcast %add3A_736 : i32 to vector<16xi32>
    %add3A_738 = arith.addi %iota3A, %add3A_737 : vector<16xi32>
    %eq3A_739 = arith.cmpi eq, %add3A_738, %broadcast_in_dim3A_675 : vector<16xi32>
    %jit3A_740 = arith.constant 1.000000e+00 : f32
    %jit3A_741 = arith.constant 0.000000e+00 : f32
    %broadcast_in_dim3A_742 = vector.broadcast %jit3A_740 : f32 to vector<16xf32>
    %broadcast_in_dim3A_743 = vector.broadcast %jit3A_741 : f32 to vector<16xf32>
    %select_n3A_744 = arith.select %eq3A_739, %broadcast_in_dim3A_742, %broadcast_in_dim3A_743 : vector<16xi1>, vector<16xf32>
    %swap3A_745 = arith.constant 5 : i32
    %swap3A_746 = arith.index_cast %swap3A_745 : i32 to index
    %swap3A_747 = arith.constant 64 : index
    %swap3A_748 = tpu.vector_load %arg25[%swap3A_746, %swap3A_747] {strides = array<i32>} : memref<32x128xf32, #tpu.memory_space<vmem>>, vector<1x16xf32>,
    %swap3A_749 = vector.shape_cast %swap3A_748 : vector<1x16xf32> to vector<16xf32>
    %swap3A_750 = vector.shape_cast %select_n3A_744 : vector<16xf32> to vector<1x16xf32>
    tpu.vector_store %arg25[%swap3A_746, %swap3A_747], %swap3A_750 {strides = array<i32>} : memref<32x128xf32, #tpu.memory_space<vmem>>, vector<1x16xf32>,
    %add3A_751 = arith.constant 80 : i32
    %add3A_752 = vector.broadcast %add3A_751 : i32 to vector<16xi32>
    %add3A_753 = arith.addi %iota3A, %add3A_752 : vector<16xi32>
    %eq3A_754 = arith.cmpi eq, %add3A_753, %broadcast_in_dim3A_675 : vector<16xi32>
    %jit3A_755 = arith.constant 1.000000e+00 : f32
    %jit3A_756 = arith.constant 0.000000e+00 : f32
    %broadcast_in_dim3A_757 = vector.broadcast %jit3A_755 : f32 to vector<16xf32>
    %broadcast_in_dim3A_758 = vector.broadcast %jit3A_756 : f32 to vector<16xf32>
    %select_n3A_759 = arith.select %eq3A_754, %broadcast_in_dim3A_757, %broadcast_in_dim3A_758 : vector<16xi1>, vector<16xf32>
    %swap3A_760 = arith.constant 5 : i32
    %swap3A_761 = arith.index_cast %swap3A_760 : i32 to index
    %swap3A_762 = arith.constant 80 : index
    %swap3A_763 = tpu.vector_load %arg25[%swap3A_761, %swap3A_762] {strides = array<i32>} : memref<32x128xf32, #tpu.memory_space<vmem>>, vector<1x16xf32>,
    %swap3A_764 = vector.shape_cast %swap3A_763 : vector<1x16xf32> to vector<16xf32>
    %swap3A_765 = vector.shape_cast %select_n3A_759 : vector<16xf32> to vector<1x16xf32>
    tpu.vector_store %arg25[%swap3A_761, %swap3A_762], %swap3A_765 {strides = array<i32>} : memref<32x128xf32, #tpu.memory_space<vmem>>, vector<1x16xf32>,
    %add3A_766 = arith.constant 96 : i32
    %add3A_767 = vector.broadcast %add3A_766 : i32 to vector<16xi32>
    %add3A_768 = arith.addi %iota3A, %add3A_767 : vector<16xi32>
    %eq3A_769 = arith.cmpi eq, %add3A_768, %broadcast_in_dim3A_675 : vector<16xi32>
    %jit3A_770 = arith.constant 1.000000e+00 : f32
    %jit3A_771 = arith.constant 0.000000e+00 : f32
    %broadcast_in_dim3A_772 = vector.broadcast %jit3A_770 : f32 to vector<16xf32>
    %broadcast_in_dim3A_773 = vector.broadcast %jit3A_771 : f32 to vector<16xf32>
    %select_n3A_774 = arith.select %eq3A_769, %broadcast_in_dim3A_772, %broadcast_in_dim3A_773 : vector<16xi1>, vector<16xf32>
    %swap3A_775 = arith.constant 5 : i32
    %swap3A_776 = arith.index_cast %swap3A_775 : i32 to index
    %swap3A_777 = arith.constant 96 : index
    %swap3A_778 = tpu.vector_load %arg25[%swap3A_776, %swap3A_777] {strides = array<i32>} : memref<32x128xf32, #tpu.memory_space<vmem>>, vector<1x16xf32>,
    %swap3A_779 = vector.shape_cast %swap3A_778 : vector<1x16xf32> to vector<16xf32>
    %swap3A_780 = vector.shape_cast %select_n3A_774 : vector<16xf32> to vector<1x16xf32>
    tpu.vector_store %arg25[%swap3A_776, %swap3A_777], %swap3A_780 {strides = array<i32>} : memref<32x128xf32, #tpu.memory_space<vmem>>, vector<1x16xf32>,
    %add3A_781 = arith.constant 112 : i32
    %add3A_782 = vector.broadcast %add3A_781 : i32 to vector<16xi32>
    %add3A_783 = arith.addi %iota3A, %add3A_782 : vector<16xi32>
    %eq3A_784 = arith.cmpi eq, %add3A_783, %broadcast_in_dim3A_675 : vector<16xi32>
    %jit3A_785 = arith.constant 1.000000e+00 : f32
    %jit3A_786 = arith.constant 0.000000e+00 : f32
    %broadcast_in_dim3A_787 = vector.broadcast %jit3A_785 : f32 to vector<16xf32>
    %broadcast_in_dim3A_788 = vector.broadcast %jit3A_786 : f32 to vector<16xf32>
    %select_n3A_789 = arith.select %eq3A_784, %broadcast_in_dim3A_787, %broadcast_in_dim3A_788 : vector<16xi1>, vector<16xf32>
    %swap3A_790 = arith.constant 5 : i32
    %swap3A_791 = arith.index_cast %swap3A_790 : i32 to index
    %swap3A_792 = arith.constant 112 : index
    %swap3A_793 = tpu.vector_load %arg25[%swap3A_791, %swap3A_792] {strides = array<i32>} : memref<32x128xf32, #tpu.memory_space<vmem>>, vector<1x16xf32>,
    %swap3A_794 = vector.shape_cast %swap3A_793 : vector<1x16xf32> to vector<16xf32>
    %swap3A_795 = vector.shape_cast %select_n3A_789 : vector<16xf32> to vector<1x16xf32>
    tpu.vector_store %arg25[%swap3A_791, %swap3A_792], %swap3A_795 {strides = array<i32>} : memref<32x128xf32, #tpu.memory_space<vmem>>, vector<1x16xf32>,
    %mul3A_796 = arith.constant 8 : i32
    %mul3A_797 = arith.muli %mul3A_796, %arg1 : i32
    %add3A_798 = arith.constant 6 : i32
    %add3A_799 = arith.addi %mul3A_797, %add3A_798 : i32
    %broadcast_in_dim3A_800 = vector.broadcast %add3A_799 : i32 to vector<16xi32>
    %add3A_801 = arith.constant 0 : i32
    %add3A_802 = vector.broadcast %add3A_801 : i32 to vector<16xi32>
    %add3A_803 = arith.addi %iota3A, %add3A_802 : vector<16xi32>
    %eq3A_804 = arith.cmpi eq, %add3A_803, %broadcast_in_dim3A_800 : vector<16xi32>
    %jit3A_805 = arith.constant 1.000000e+00 : f32
    %jit3A_806 = arith.constant 0.000000e+00 : f32
    %broadcast_in_dim3A_807 = vector.broadcast %jit3A_805 : f32 to vector<16xf32>
    %broadcast_in_dim3A_808 = vector.broadcast %jit3A_806 : f32 to vector<16xf32>
    %select_n3A_809 = arith.select %eq3A_804, %broadcast_in_dim3A_807, %broadcast_in_dim3A_808 : vector<16xi1>, vector<16xf32>
    %swap3A_810 = arith.constant 6 : i32
    %swap3A_811 = arith.index_cast %swap3A_810 : i32 to index
    %swap3A_812 = arith.constant 0 : index
    %swap3A_813 = tpu.vector_load %arg25[%swap3A_811, %swap3A_812] {strides = array<i32>} : memref<32x128xf32, #tpu.memory_space<vmem>>, vector<1x16xf32>,
    %swap3A_814 = vector.shape_cast %swap3A_813 : vector<1x16xf32> to vector<16xf32>
    %swap3A_815 = vector.shape_cast %select_n3A_809 : vector<16xf32> to vector<1x16xf32>
    tpu.vector_store %arg25[%swap3A_811, %swap3A_812], %swap3A_815 {strides = array<i32>} : memref<32x128xf32, #tpu.memory_space<vmem>>, vector<1x16xf32>,
    %add3A_816 = arith.constant 16 : i32
    %add3A_817 = vector.broadcast %add3A_816 : i32 to vector<16xi32>
    %add3A_818 = arith.addi %iota3A, %add3A_817 : vector<16xi32>
    %eq3A_819 = arith.cmpi eq, %add3A_818, %broadcast_in_dim3A_800 : vector<16xi32>
    %jit3A_820 = arith.constant 1.000000e+00 : f32
    %jit3A_821 = arith.constant 0.000000e+00 : f32
    %broadcast_in_dim3A_822 = vector.broadcast %jit3A_820 : f32 to vector<16xf32>
    %broadcast_in_dim3A_823 = vector.broadcast %jit3A_821 : f32 to vector<16xf32>
    %select_n3A_824 = arith.select %eq3A_819, %broadcast_in_dim3A_822, %broadcast_in_dim3A_823 : vector<16xi1>, vector<16xf32>
    %swap3A_825 = arith.constant 6 : i32
    %swap3A_826 = arith.index_cast %swap3A_825 : i32 to index
    %swap3A_827 = arith.constant 16 : index
    %swap3A_828 = tpu.vector_load %arg25[%swap3A_826, %swap3A_827] {strides = array<i32>} : memref<32x128xf32, #tpu.memory_space<vmem>>, vector<1x16xf32>,
    %swap3A_829 = vector.shape_cast %swap3A_828 : vector<1x16xf32> to vector<16xf32>
    %swap3A_830 = vector.shape_cast %select_n3A_824 : vector<16xf32> to vector<1x16xf32>
    tpu.vector_store %arg25[%swap3A_826, %swap3A_827], %swap3A_830 {strides = array<i32>} : memref<32x128xf32, #tpu.memory_space<vmem>>, vector<1x16xf32>,
    %add3A_831 = arith.constant 32 : i32
    %add3A_832 = vector.broadcast %add3A_831 : i32 to vector<16xi32>
    %add3A_833 = arith.addi %iota3A, %add3A_832 : vector<16xi32>
    %eq3A_834 = arith.cmpi eq, %add3A_833, %broadcast_in_dim3A_800 : vector<16xi32>
    %jit3A_835 = arith.constant 1.000000e+00 : f32
    %jit3A_836 = arith.constant 0.000000e+00 : f32
    %broadcast_in_dim3A_837 = vector.broadcast %jit3A_835 : f32 to vector<16xf32>
    %broadcast_in_dim3A_838 = vector.broadcast %jit3A_836 : f32 to vector<16xf32>
    %select_n3A_839 = arith.select %eq3A_834, %broadcast_in_dim3A_837, %broadcast_in_dim3A_838 : vector<16xi1>, vector<16xf32>
    %swap3A_840 = arith.constant 6 : i32
    %swap3A_841 = arith.index_cast %swap3A_840 : i32 to index
    %swap3A_842 = arith.constant 32 : index
    %swap3A_843 = tpu.vector_load %arg25[%swap3A_841, %swap3A_842] {strides = array<i32>} : memref<32x128xf32, #tpu.memory_space<vmem>>, vector<1x16xf32>,
    %swap3A_844 = vector.shape_cast %swap3A_843 : vector<1x16xf32> to vector<16xf32>
    %swap3A_845 = vector.shape_cast %select_n3A_839 : vector<16xf32> to vector<1x16xf32>
    tpu.vector_store %arg25[%swap3A_841, %swap3A_842], %swap3A_845 {strides = array<i32>} : memref<32x128xf32, #tpu.memory_space<vmem>>, vector<1x16xf32>,
    %add3A_846 = arith.constant 48 : i32
    %add3A_847 = vector.broadcast %add3A_846 : i32 to vector<16xi32>
    %add3A_848 = arith.addi %iota3A, %add3A_847 : vector<16xi32>
    %eq3A_849 = arith.cmpi eq, %add3A_848, %broadcast_in_dim3A_800 : vector<16xi32>
    %jit3A_850 = arith.constant 1.000000e+00 : f32
    %jit3A_851 = arith.constant 0.000000e+00 : f32
    %broadcast_in_dim3A_852 = vector.broadcast %jit3A_850 : f32 to vector<16xf32>
    %broadcast_in_dim3A_853 = vector.broadcast %jit3A_851 : f32 to vector<16xf32>
    %select_n3A_854 = arith.select %eq3A_849, %broadcast_in_dim3A_852, %broadcast_in_dim3A_853 : vector<16xi1>, vector<16xf32>
    %swap3A_855 = arith.constant 6 : i32
    %swap3A_856 = arith.index_cast %swap3A_855 : i32 to index
    %swap3A_857 = arith.constant 48 : index
    %swap3A_858 = tpu.vector_load %arg25[%swap3A_856, %swap3A_857] {strides = array<i32>} : memref<32x128xf32, #tpu.memory_space<vmem>>, vector<1x16xf32>,
    %swap3A_859 = vector.shape_cast %swap3A_858 : vector<1x16xf32> to vector<16xf32>
    %swap3A_860 = vector.shape_cast %select_n3A_854 : vector<16xf32> to vector<1x16xf32>
    tpu.vector_store %arg25[%swap3A_856, %swap3A_857], %swap3A_860 {strides = array<i32>} : memref<32x128xf32, #tpu.memory_space<vmem>>, vector<1x16xf32>,
    %add3A_861 = arith.constant 64 : i32
    %add3A_862 = vector.broadcast %add3A_861 : i32 to vector<16xi32>
    %add3A_863 = arith.addi %iota3A, %add3A_862 : vector<16xi32>
    %eq3A_864 = arith.cmpi eq, %add3A_863, %broadcast_in_dim3A_800 : vector<16xi32>
    %jit3A_865 = arith.constant 1.000000e+00 : f32
    %jit3A_866 = arith.constant 0.000000e+00 : f32
    %broadcast_in_dim3A_867 = vector.broadcast %jit3A_865 : f32 to vector<16xf32>
    %broadcast_in_dim3A_868 = vector.broadcast %jit3A_866 : f32 to vector<16xf32>
    %select_n3A_869 = arith.select %eq3A_864, %broadcast_in_dim3A_867, %broadcast_in_dim3A_868 : vector<16xi1>, vector<16xf32>
    %swap3A_870 = arith.constant 6 : i32
    %swap3A_871 = arith.index_cast %swap3A_870 : i32 to index
    %swap3A_872 = arith.constant 64 : index
    %swap3A_873 = tpu.vector_load %arg25[%swap3A_871, %swap3A_872] {strides = array<i32>} : memref<32x128xf32, #tpu.memory_space<vmem>>, vector<1x16xf32>,
    %swap3A_874 = vector.shape_cast %swap3A_873 : vector<1x16xf32> to vector<16xf32>
    %swap3A_875 = vector.shape_cast %select_n3A_869 : vector<16xf32> to vector<1x16xf32>
    tpu.vector_store %arg25[%swap3A_871, %swap3A_872], %swap3A_875 {strides = array<i32>} : memref<32x128xf32, #tpu.memory_space<vmem>>, vector<1x16xf32>,
    %add3A_876 = arith.constant 80 : i32
    %add3A_877 = vector.broadcast %add3A_876 : i32 to vector<16xi32>
    %add3A_878 = arith.addi %iota3A, %add3A_877 : vector<16xi32>
    %eq3A_879 = arith.cmpi eq, %add3A_878, %broadcast_in_dim3A_800 : vector<16xi32>
    %jit3A_880 = arith.constant 1.000000e+00 : f32
    %jit3A_881 = arith.constant 0.000000e+00 : f32
    %broadcast_in_dim3A_882 = vector.broadcast %jit3A_880 : f32 to vector<16xf32>
    %broadcast_in_dim3A_883 = vector.broadcast %jit3A_881 : f32 to vector<16xf32>
    %select_n3A_884 = arith.select %eq3A_879, %broadcast_in_dim3A_882, %broadcast_in_dim3A_883 : vector<16xi1>, vector<16xf32>
    %swap3A_885 = arith.constant 6 : i32
    %swap3A_886 = arith.index_cast %swap3A_885 : i32 to index
    %swap3A_887 = arith.constant 80 : index
    %swap3A_888 = tpu.vector_load %arg25[%swap3A_886, %swap3A_887] {strides = array<i32>} : memref<32x128xf32, #tpu.memory_space<vmem>>, vector<1x16xf32>,
    %swap3A_889 = vector.shape_cast %swap3A_888 : vector<1x16xf32> to vector<16xf32>
    %swap3A_890 = vector.shape_cast %select_n3A_884 : vector<16xf32> to vector<1x16xf32>
    tpu.vector_store %arg25[%swap3A_886, %swap3A_887], %swap3A_890 {strides = array<i32>} : memref<32x128xf32, #tpu.memory_space<vmem>>, vector<1x16xf32>,
    %add3A_891 = arith.constant 96 : i32
    %add3A_892 = vector.broadcast %add3A_891 : i32 to vector<16xi32>
    %add3A_893 = arith.addi %iota3A, %add3A_892 : vector<16xi32>
    %eq3A_894 = arith.cmpi eq, %add3A_893, %broadcast_in_dim3A_800 : vector<16xi32>
    %jit3A_895 = arith.constant 1.000000e+00 : f32
    %jit3A_896 = arith.constant 0.000000e+00 : f32
    %broadcast_in_dim3A_897 = vector.broadcast %jit3A_895 : f32 to vector<16xf32>
    %broadcast_in_dim3A_898 = vector.broadcast %jit3A_896 : f32 to vector<16xf32>
    %select_n3A_899 = arith.select %eq3A_894, %broadcast_in_dim3A_897, %broadcast_in_dim3A_898 : vector<16xi1>, vector<16xf32>
    %swap3A_900 = arith.constant 6 : i32
    %swap3A_901 = arith.index_cast %swap3A_900 : i32 to index
    %swap3A_902 = arith.constant 96 : index
    %swap3A_903 = tpu.vector_load %arg25[%swap3A_901, %swap3A_902] {strides = array<i32>} : memref<32x128xf32, #tpu.memory_space<vmem>>, vector<1x16xf32>,
    %swap3A_904 = vector.shape_cast %swap3A_903 : vector<1x16xf32> to vector<16xf32>
    %swap3A_905 = vector.shape_cast %select_n3A_899 : vector<16xf32> to vector<1x16xf32>
    tpu.vector_store %arg25[%swap3A_901, %swap3A_902], %swap3A_905 {strides = array<i32>} : memref<32x128xf32, #tpu.memory_space<vmem>>, vector<1x16xf32>,
    %add3A_906 = arith.constant 112 : i32
    %add3A_907 = vector.broadcast %add3A_906 : i32 to vector<16xi32>
    %add3A_908 = arith.addi %iota3A, %add3A_907 : vector<16xi32>
    %eq3A_909 = arith.cmpi eq, %add3A_908, %broadcast_in_dim3A_800 : vector<16xi32>
    %jit3A_910 = arith.constant 1.000000e+00 : f32
    %jit3A_911 = arith.constant 0.000000e+00 : f32
    %broadcast_in_dim3A_912 = vector.broadcast %jit3A_910 : f32 to vector<16xf32>
    %broadcast_in_dim3A_913 = vector.broadcast %jit3A_911 : f32 to vector<16xf32>
    %select_n3A_914 = arith.select %eq3A_909, %broadcast_in_dim3A_912, %broadcast_in_dim3A_913 : vector<16xi1>, vector<16xf32>
    %swap3A_915 = arith.constant 6 : i32
    %swap3A_916 = arith.index_cast %swap3A_915 : i32 to index
    %swap3A_917 = arith.constant 112 : index
    %swap3A_918 = tpu.vector_load %arg25[%swap3A_916, %swap3A_917] {strides = array<i32>} : memref<32x128xf32, #tpu.memory_space<vmem>>, vector<1x16xf32>,
    %swap3A_919 = vector.shape_cast %swap3A_918 : vector<1x16xf32> to vector<16xf32>
    %swap3A_920 = vector.shape_cast %select_n3A_914 : vector<16xf32> to vector<1x16xf32>
    tpu.vector_store %arg25[%swap3A_916, %swap3A_917], %swap3A_920 {strides = array<i32>} : memref<32x128xf32, #tpu.memory_space<vmem>>, vector<1x16xf32>,
    %mul3A_921 = arith.constant 8 : i32
    %mul3A_922 = arith.muli %mul3A_921, %arg1 : i32
    %add3A_923 = arith.constant 7 : i32
    %add3A_924 = arith.addi %mul3A_922, %add3A_923 : i32
    %broadcast_in_dim3A_925 = vector.broadcast %add3A_924 : i32 to vector<16xi32>
    %add3A_926 = arith.constant 0 : i32
    %add3A_927 = vector.broadcast %add3A_926 : i32 to vector<16xi32>
    %add3A_928 = arith.addi %iota3A, %add3A_927 : vector<16xi32>
    %eq3A_929 = arith.cmpi eq, %add3A_928, %broadcast_in_dim3A_925 : vector<16xi32>
    %jit3A_930 = arith.constant 1.000000e+00 : f32
    %jit3A_931 = arith.constant 0.000000e+00 : f32
    %broadcast_in_dim3A_932 = vector.broadcast %jit3A_930 : f32 to vector<16xf32>
    %broadcast_in_dim3A_933 = vector.broadcast %jit3A_931 : f32 to vector<16xf32>
    %select_n3A_934 = arith.select %eq3A_929, %broadcast_in_dim3A_932, %broadcast_in_dim3A_933 : vector<16xi1>, vector<16xf32>
    %swap3A_935 = arith.constant 7 : i32
    %swap3A_936 = arith.index_cast %swap3A_935 : i32 to index
    %swap3A_937 = arith.constant 0 : index
    %swap3A_938 = tpu.vector_load %arg25[%swap3A_936, %swap3A_937] {strides = array<i32>} : memref<32x128xf32, #tpu.memory_space<vmem>>, vector<1x16xf32>,
    %swap3A_939 = vector.shape_cast %swap3A_938 : vector<1x16xf32> to vector<16xf32>
    %swap3A_940 = vector.shape_cast %select_n3A_934 : vector<16xf32> to vector<1x16xf32>
    tpu.vector_store %arg25[%swap3A_936, %swap3A_937], %swap3A_940 {strides = array<i32>} : memref<32x128xf32, #tpu.memory_space<vmem>>, vector<1x16xf32>,
    %add3A_941 = arith.constant 16 : i32
    %add3A_942 = vector.broadcast %add3A_941 : i32 to vector<16xi32>
    %add3A_943 = arith.addi %iota3A, %add3A_942 : vector<16xi32>
    %eq3A_944 = arith.cmpi eq, %add3A_943, %broadcast_in_dim3A_925 : vector<16xi32>
    %jit3A_945 = arith.constant 1.000000e+00 : f32
    %jit3A_946 = arith.constant 0.000000e+00 : f32
    %broadcast_in_dim3A_947 = vector.broadcast %jit3A_945 : f32 to vector<16xf32>
    %broadcast_in_dim3A_948 = vector.broadcast %jit3A_946 : f32 to vector<16xf32>
    %select_n3A_949 = arith.select %eq3A_944, %broadcast_in_dim3A_947, %broadcast_in_dim3A_948 : vector<16xi1>, vector<16xf32>
    %swap3A_950 = arith.constant 7 : i32
    %swap3A_951 = arith.index_cast %swap3A_950 : i32 to index
    %swap3A_952 = arith.constant 16 : index
    %swap3A_953 = tpu.vector_load %arg25[%swap3A_951, %swap3A_952] {strides = array<i32>} : memref<32x128xf32, #tpu.memory_space<vmem>>, vector<1x16xf32>,
    %swap3A_954 = vector.shape_cast %swap3A_953 : vector<1x16xf32> to vector<16xf32>
    %swap3A_955 = vector.shape_cast %select_n3A_949 : vector<16xf32> to vector<1x16xf32>
    tpu.vector_store %arg25[%swap3A_951, %swap3A_952], %swap3A_955 {strides = array<i32>} : memref<32x128xf32, #tpu.memory_space<vmem>>, vector<1x16xf32>,
    %add3A_956 = arith.constant 32 : i32
    %add3A_957 = vector.broadcast %add3A_956 : i32 to vector<16xi32>
    %add3A_958 = arith.addi %iota3A, %add3A_957 : vector<16xi32>
    %eq3A_959 = arith.cmpi eq, %add3A_958, %broadcast_in_dim3A_925 : vector<16xi32>
    %jit3A_960 = arith.constant 1.000000e+00 : f32
    %jit3A_961 = arith.constant 0.000000e+00 : f32
    %broadcast_in_dim3A_962 = vector.broadcast %jit3A_960 : f32 to vector<16xf32>
    %broadcast_in_dim3A_963 = vector.broadcast %jit3A_961 : f32 to vector<16xf32>
    %select_n3A_964 = arith.select %eq3A_959, %broadcast_in_dim3A_962, %broadcast_in_dim3A_963 : vector<16xi1>, vector<16xf32>
    %swap3A_965 = arith.constant 7 : i32
    %swap3A_966 = arith.index_cast %swap3A_965 : i32 to index
    %swap3A_967 = arith.constant 32 : index
    %swap3A_968 = tpu.vector_load %arg25[%swap3A_966, %swap3A_967] {strides = array<i32>} : memref<32x128xf32, #tpu.memory_space<vmem>>, vector<1x16xf32>,
    %swap3A_969 = vector.shape_cast %swap3A_968 : vector<1x16xf32> to vector<16xf32>
    %swap3A_970 = vector.shape_cast %select_n3A_964 : vector<16xf32> to vector<1x16xf32>
    tpu.vector_store %arg25[%swap3A_966, %swap3A_967], %swap3A_970 {strides = array<i32>} : memref<32x128xf32, #tpu.memory_space<vmem>>, vector<1x16xf32>,
    %add3A_971 = arith.constant 48 : i32
    %add3A_972 = vector.broadcast %add3A_971 : i32 to vector<16xi32>
    %add3A_973 = arith.addi %iota3A, %add3A_972 : vector<16xi32>
    %eq3A_974 = arith.cmpi eq, %add3A_973, %broadcast_in_dim3A_925 : vector<16xi32>
    %jit3A_975 = arith.constant 1.000000e+00 : f32
    %jit3A_976 = arith.constant 0.000000e+00 : f32
    %broadcast_in_dim3A_977 = vector.broadcast %jit3A_975 : f32 to vector<16xf32>
    %broadcast_in_dim3A_978 = vector.broadcast %jit3A_976 : f32 to vector<16xf32>
    %select_n3A_979 = arith.select %eq3A_974, %broadcast_in_dim3A_977, %broadcast_in_dim3A_978 : vector<16xi1>, vector<16xf32>
    %swap3A_980 = arith.constant 7 : i32
    %swap3A_981 = arith.index_cast %swap3A_980 : i32 to index
    %swap3A_982 = arith.constant 48 : index
    %swap3A_983 = tpu.vector_load %arg25[%swap3A_981, %swap3A_982] {strides = array<i32>} : memref<32x128xf32, #tpu.memory_space<vmem>>, vector<1x16xf32>,
    %swap3A_984 = vector.shape_cast %swap3A_983 : vector<1x16xf32> to vector<16xf32>
    %swap3A_985 = vector.shape_cast %select_n3A_979 : vector<16xf32> to vector<1x16xf32>
    tpu.vector_store %arg25[%swap3A_981, %swap3A_982], %swap3A_985 {strides = array<i32>} : memref<32x128xf32, #tpu.memory_space<vmem>>, vector<1x16xf32>,
    %add3A_986 = arith.constant 64 : i32
    %add3A_987 = vector.broadcast %add3A_986 : i32 to vector<16xi32>
    %add3A_988 = arith.addi %iota3A, %add3A_987 : vector<16xi32>
    %eq3A_989 = arith.cmpi eq, %add3A_988, %broadcast_in_dim3A_925 : vector<16xi32>
    %jit3A_990 = arith.constant 1.000000e+00 : f32
    %jit3A_991 = arith.constant 0.000000e+00 : f32
    %broadcast_in_dim3A_992 = vector.broadcast %jit3A_990 : f32 to vector<16xf32>
    %broadcast_in_dim3A_993 = vector.broadcast %jit3A_991 : f32 to vector<16xf32>
    %select_n3A_994 = arith.select %eq3A_989, %broadcast_in_dim3A_992, %broadcast_in_dim3A_993 : vector<16xi1>, vector<16xf32>
    %swap3A_995 = arith.constant 7 : i32
    %swap3A_996 = arith.index_cast %swap3A_995 : i32 to index
    %swap3A_997 = arith.constant 64 : index
    %swap3A_998 = tpu.vector_load %arg25[%swap3A_996, %swap3A_997] {strides = array<i32>} : memref<32x128xf32, #tpu.memory_space<vmem>>, vector<1x16xf32>,
    %swap3A_999 = vector.shape_cast %swap3A_998 : vector<1x16xf32> to vector<16xf32>
    %swap3A_1000 = vector.shape_cast %select_n3A_994 : vector<16xf32> to vector<1x16xf32>
    tpu.vector_store %arg25[%swap3A_996, %swap3A_997], %swap3A_1000 {strides = array<i32>} : memref<32x128xf32, #tpu.memory_space<vmem>>, vector<1x16xf32>,
    %add3A_1001 = arith.constant 80 : i32
    %add3A_1002 = vector.broadcast %add3A_1001 : i32 to vector<16xi32>
    %add3A_1003 = arith.addi %iota3A, %add3A_1002 : vector<16xi32>
    %eq3A_1004 = arith.cmpi eq, %add3A_1003, %broadcast_in_dim3A_925 : vector<16xi32>
    %jit3A_1005 = arith.constant 1.000000e+00 : f32
    %jit3A_1006 = arith.constant 0.000000e+00 : f32
    %broadcast_in_dim3A_1007 = vector.broadcast %jit3A_1005 : f32 to vector<16xf32>
    %broadcast_in_dim3A_1008 = vector.broadcast %jit3A_1006 : f32 to vector<16xf32>
    %select_n3A_1009 = arith.select %eq3A_1004, %broadcast_in_dim3A_1007, %broadcast_in_dim3A_1008 : vector<16xi1>, vector<16xf32>
    %swap3A_1010 = arith.constant 7 : i32
    %swap3A_1011 = arith.index_cast %swap3A_1010 : i32 to index
    %swap3A_1012 = arith.constant 80 : index
    %swap3A_1013 = tpu.vector_load %arg25[%swap3A_1011, %swap3A_1012] {strides = array<i32>} : memref<32x128xf32, #tpu.memory_space<vmem>>, vector<1x16xf32>,
    %swap3A_1014 = vector.shape_cast %swap3A_1013 : vector<1x16xf32> to vector<16xf32>
    %swap3A_1015 = vector.shape_cast %select_n3A_1009 : vector<16xf32> to vector<1x16xf32>
    tpu.vector_store %arg25[%swap3A_1011, %swap3A_1012], %swap3A_1015 {strides = array<i32>} : memref<32x128xf32, #tpu.memory_space<vmem>>, vector<1x16xf32>,
    %add3A_1016 = arith.constant 96 : i32
    %add3A_1017 = vector.broadcast %add3A_1016 : i32 to vector<16xi32>
    %add3A_1018 = arith.addi %iota3A, %add3A_1017 : vector<16xi32>
    %eq3A_1019 = arith.cmpi eq, %add3A_1018, %broadcast_in_dim3A_925 : vector<16xi32>
    %jit3A_1020 = arith.constant 1.000000e+00 : f32
    %jit3A_1021 = arith.constant 0.000000e+00 : f32
    %broadcast_in_dim3A_1022 = vector.broadcast %jit3A_1020 : f32 to vector<16xf32>
    %broadcast_in_dim3A_1023 = vector.broadcast %jit3A_1021 : f32 to vector<16xf32>
    %select_n3A_1024 = arith.select %eq3A_1019, %broadcast_in_dim3A_1022, %broadcast_in_dim3A_1023 : vector<16xi1>, vector<16xf32>
    %swap3A_1025 = arith.constant 7 : i32
    %swap3A_1026 = arith.index_cast %swap3A_1025 : i32 to index
    %swap3A_1027 = arith.constant 96 : index
    %swap3A_1028 = tpu.vector_load %arg25[%swap3A_1026, %swap3A_1027] {strides = array<i32>} : memref<32x128xf32, #tpu.memory_space<vmem>>, vector<1x16xf32>,
    %swap3A_1029 = vector.shape_cast %swap3A_1028 : vector<1x16xf32> to vector<16xf32>
    %swap3A_1030 = vector.shape_cast %select_n3A_1024 : vector<16xf32> to vector<1x16xf32>
    tpu.vector_store %arg25[%swap3A_1026, %swap3A_1027], %swap3A_1030 {strides = array<i32>} : memref<32x128xf32, #tpu.memory_space<vmem>>, vector<1x16xf32>,
    %add3A_1031 = arith.constant 112 : i32
    %add3A_1032 = vector.broadcast %add3A_1031 : i32 to vector<16xi32>
    %add3A_1033 = arith.addi %iota3A, %add3A_1032 : vector<16xi32>
    %eq3A_1034 = arith.cmpi eq, %add3A_1033, %broadcast_in_dim3A_925 : vector<16xi32>
    %jit3A_1035 = arith.constant 1.000000e+00 : f32
    %jit3A_1036 = arith.constant 0.000000e+00 : f32
    %broadcast_in_dim3A_1037 = vector.broadcast %jit3A_1035 : f32 to vector<16xf32>
    %broadcast_in_dim3A_1038 = vector.broadcast %jit3A_1036 : f32 to vector<16xf32>
    %select_n3A_1039 = arith.select %eq3A_1034, %broadcast_in_dim3A_1037, %broadcast_in_dim3A_1038 : vector<16xi1>, vector<16xf32>
    %swap3A_1040 = arith.constant 7 : i32
    %swap3A_1041 = arith.index_cast %swap3A_1040 : i32 to index
    %swap3A_1042 = arith.constant 112 : index
    %swap3A_1043 = tpu.vector_load %arg25[%swap3A_1041, %swap3A_1042] {strides = array<i32>} : memref<32x128xf32, #tpu.memory_space<vmem>>, vector<1x16xf32>,
    %swap3A_1044 = vector.shape_cast %swap3A_1043 : vector<1x16xf32> to vector<16xf32>
    %swap3A_1045 = vector.shape_cast %select_n3A_1039 : vector<16xf32> to vector<1x16xf32>
    tpu.vector_store %arg25[%swap3A_1041, %swap3A_1042], %swap3A_1045 {strides = array<i32>} : memref<32x128xf32, #tpu.memory_space<vmem>>, vector<1x16xf32>,
    %mul3A_1046 = arith.constant 8 : i32
    %mul3A_1047 = arith.muli %arg1, %mul3A_1046 : i32
    %multiple_of3A_1048 = tpu.assume_multiple %mul3A_1047, 8 : i32
    "tpu.region"() ({
      %run_scoped3A = tpu.sem_alloc : memref<!tpu.dma_semaphore, #tpu.memory_space<semaphore_mem>>
      %dma_start3A_1126 = arith.constant 0 : i32
      %dma_start3A_1127 = arith.constant 0 : i32
      %dma_start3A_1128 = tpu.memref_slice %arg25[%dma_start3A_1126, %dma_start3A_1127] : memref<32x128xf32, #tpu.memory_space<vmem>> -> memref<8x128xf32, #tpu.memory_space<vmem>>
      %dma_start3A_1129 = arith.constant 0 : i32
      %dma_start3A_1130 = tpu.memref_slice %arg31[%multiple_of3A_1048, %dma_start3A_1129] : memref<128x128xf32, #tpu.memory_space<vmem_shared>> -> memref<8x128xf32, #tpu.memory_space<vmem_shared>>
      %dma_start3A_1131 = arith.constant 0 : i32
      %dma_start3A_1132 = tpu.memref_slice %arg31[%multiple_of3A_1048, %dma_start3A_1131] : memref<128x128xf32, #tpu.memory_space<vmem_shared>> -> memref<8x128xf32, #tpu.memory_space<vmem_shared>>
      %dma_start3A_1133 = arith.constant 0 : i32
      %dma_start3A_1134 = arith.constant 0 : i32
      %dma_start3A_1135 = tpu.memref_slice %arg25[%dma_start3A_1133, %dma_start3A_1134] : memref<32x128xf32, #tpu.memory_space<vmem>> -> memref<8x128xf32, #tpu.memory_space<vmem>>
      tpu.enqueue_dma source(%dma_start3A_1135 : memref<8x128xf32, #tpu.memory_space<vmem>>) target(%dma_start3A_1132 : memref<8x128xf32, #tpu.memory_space<vmem_shared>>) target_semaphore(%run_scoped3A : memref<!tpu.dma_semaphore, #tpu.memory_space<semaphore_mem>>)
      %dma_wait3A_1136 = arith.constant 0 : i32
      %dma_wait3A_1137 = arith.constant 0 : i32
      %dma_wait3A_1138 = tpu.memref_slice %arg25[%dma_wait3A_1136, %dma_wait3A_1137] : memref<32x128xf32, #tpu.memory_space<vmem>> -> memref<8x128xf32, #tpu.memory_space<vmem>>
      %dma_wait3A_1139 = arith.constant 0 : i32
      %dma_wait3A_1140 = tpu.memref_slice %arg31[%multiple_of3A_1048, %dma_wait3A_1139] : memref<128x128xf32, #tpu.memory_space<vmem_shared>> -> memref<8x128xf32, #tpu.memory_space<vmem_shared>>
      %dma_wait3A_1141 = arith.constant 0 : i32
      %dma_wait3A_1142 = tpu.memref_slice %arg31[%multiple_of3A_1048, %dma_wait3A_1141] : memref<128x128xf32, #tpu.memory_space<vmem_shared>> -> memref<8x128xf32, #tpu.memory_space<vmem_shared>>
      %dma_wait3A_1143 = arith.constant 0 : i32
      %dma_wait3A_1144 = arith.constant 0 : i32
      %dma_wait3A_1145 = tpu.memref_slice %arg25[%dma_wait3A_1143, %dma_wait3A_1144] : memref<32x128xf32, #tpu.memory_space<vmem>> -> memref<8x128xf32, #tpu.memory_space<vmem>>
      tpu.wait_dma2 semaphore(%run_scoped3A : memref<!tpu.dma_semaphore, #tpu.memory_space<semaphore_mem>>) src(%dma_wait3A_1145 : memref<8x128xf32, #tpu.memory_space<vmem>>) dst(%dma_wait3A_1142 : memref<8x128xf32, #tpu.memory_space<vmem_shared>>)
      tpu.yield
    }) : () -> ()
    %barrier3A = arith.constant 0 : index
    tpu.barrier barrier_id(%barrier3A)
    %shift_right_arithmetic3A = arith.constant 2 : i32
    %shift_right_arithmetic3A_1049 = vector.broadcast %shift_right_arithmetic3A : i32 to vector<16xi32>
    %shift_right_arithmetic3A_1050 = arith.shrsi %iota3A, %shift_right_arithmetic3A_1049 : vector<16xi32>
    %mul3A_1051 = arith.constant 4 : i32
    %mul3A_1052 = vector.broadcast %mul3A_1051 : i32 to vector<16xi32>
    %mul3A_1053 = arith.muli %shift_right_arithmetic3A_1050, %mul3A_1052 : vector<16xi32>
    %add3A_1054 = arith.constant 0 : i32
    %add3A_1055 = vector.broadcast %add3A_1054 : i32 to vector<16xi32>
    %add3A_1056 = arith.addi %mul3A_1053, %add3A_1055 : vector<16xi32>
    %add3A_1057 = arith.constant 1 : i32
    %add3A_1058 = vector.broadcast %add3A_1057 : i32 to vector<16xi32>
    %add3A_1059 = arith.addi %mul3A_1053, %add3A_1058 : vector<16xi32>
    %add3A_1060 = arith.constant 2 : i32
    %add3A_1061 = vector.broadcast %add3A_1060 : i32 to vector<16xi32>
    %add3A_1062 = arith.addi %mul3A_1053, %add3A_1061 : vector<16xi32>
    %add3A_1063 = arith.constant 3 : i32
    %add3A_1064 = vector.broadcast %add3A_1063 : i32 to vector<16xi32>
    %add3A_1065 = arith.addi %mul3A_1053, %add3A_1064 : vector<16xi32>
    %mul3A_1066 = arith.constant 5056 : i32
    %mul3A_1067 = arith.muli %add3A, %mul3A_1066 : i32
    %multiple_of3A_1068 = tpu.assume_multiple %mul3A_1067, 8 : i32
    %add3A_1069 = arith.constant 0 : i32
    %add3A_1070 = arith.addi %multiple_of3A_1068, %add3A_1069 : i32
    %multiple_of3A_1071 = tpu.assume_multiple %add3A_1070, 8 : i32
    %dma_start3A = tpu.memref_slice %arg4[%multiple_of3A_1071] : memref<161792xi32, #tpu.memory_space<hbm>> -> memref<32xi32, #tpu.memory_space<hbm>>
    %dma_start3A_1072 = tpu.memref_slice %arg4[%multiple_of3A_1071] : memref<161792xi32, #tpu.memory_space<hbm>> -> memref<32xi32, #tpu.memory_space<hbm>>
    tpu.enqueue_dma source(%dma_start3A_1072 : memref<32xi32, #tpu.memory_space<hbm>>) target(%arg9 : memref<32xi32, #tpu.memory_space<vmem>>) target_semaphore(%arg32 : memref<!tpu.dma_semaphore, #tpu.memory_space<semaphore_mem>>)
    %dma_start3A_1073 = tpu.memref_slice %arg5[%multiple_of3A_1071] : memref<161792xi32, #tpu.memory_space<hbm>> -> memref<32xi32, #tpu.memory_space<hbm>>
    %dma_start3A_1074 = tpu.memref_slice %arg5[%multiple_of3A_1071] : memref<161792xi32, #tpu.memory_space<hbm>> -> memref<32xi32, #tpu.memory_space<hbm>>
    tpu.enqueue_dma source(%dma_start3A_1074 : memref<32xi32, #tpu.memory_space<hbm>>) target(%arg11 : memref<32xi32, #tpu.memory_space<vmem>>) target_semaphore(%arg32 : memref<!tpu.dma_semaphore, #tpu.memory_space<semaphore_mem>>)
    %dma_start3A_1075 = tpu.memref_slice %arg6[%multiple_of3A_1071] : memref<161792xi32, #tpu.memory_space<hbm>> -> memref<32xi32, #tpu.memory_space<hbm>>
    %dma_start3A_1076 = tpu.memref_slice %arg6[%multiple_of3A_1071] : memref<161792xi32, #tpu.memory_space<hbm>> -> memref<32xi32, #tpu.memory_space<hbm>>
    tpu.enqueue_dma source(%dma_start3A_1076 : memref<32xi32, #tpu.memory_space<hbm>>) target(%arg13 : memref<32xi32, #tpu.memory_space<vmem>>) target_semaphore(%arg32 : memref<!tpu.dma_semaphore, #tpu.memory_space<semaphore_mem>>)
    %add3A_1077 = arith.constant 32 : i32
    %add3A_1078 = arith.addi %multiple_of3A_1068, %add3A_1077 : i32
    %multiple_of3A_1079 = tpu.assume_multiple %add3A_1078, 8 : i32
    %dma_start3A_1080 = tpu.memref_slice %arg4[%multiple_of3A_1079] : memref<161792xi32, #tpu.memory_space<hbm>> -> memref<32xi32, #tpu.memory_space<hbm>>
    %dma_start3A_1081 = tpu.memref_slice %arg4[%multiple_of3A_1079] : memref<161792xi32, #tpu.memory_space<hbm>> -> memref<32xi32, #tpu.memory_space<hbm>>
    tpu.enqueue_dma source(%dma_start3A_1081 : memref<32xi32, #tpu.memory_space<hbm>>) target(%arg10 : memref<32xi32, #tpu.memory_space<vmem>>) target_semaphore(%arg33 : memref<!tpu.dma_semaphore, #tpu.memory_space<semaphore_mem>>)
    %dma_start3A_1082 = tpu.memref_slice %arg5[%multiple_of3A_1079] : memref<161792xi32, #tpu.memory_space<hbm>> -> memref<32xi32, #tpu.memory_space<hbm>>
    %dma_start3A_1083 = tpu.memref_slice %arg5[%multiple_of3A_1079] : memref<161792xi32, #tpu.memory_space<hbm>> -> memref<32xi32, #tpu.memory_space<hbm>>
    tpu.enqueue_dma source(%dma_start3A_1083 : memref<32xi32, #tpu.memory_space<hbm>>) target(%arg12 : memref<32xi32, #tpu.memory_space<vmem>>) target_semaphore(%arg33 : memref<!tpu.dma_semaphore, #tpu.memory_space<semaphore_mem>>)
    %dma_start3A_1084 = tpu.memref_slice %arg6[%multiple_of3A_1079] : memref<161792xi32, #tpu.memory_space<hbm>> -> memref<32xi32, #tpu.memory_space<hbm>>
    %dma_start3A_1085 = tpu.memref_slice %arg6[%multiple_of3A_1079] : memref<161792xi32, #tpu.memory_space<hbm>> -> memref<32xi32, #tpu.memory_space<hbm>>
    tpu.enqueue_dma source(%dma_start3A_1085 : memref<32xi32, #tpu.memory_space<hbm>>) target(%arg14 : memref<32xi32, #tpu.memory_space<vmem>>) target_semaphore(%arg33 : memref<!tpu.dma_semaphore, #tpu.memory_space<semaphore_mem>>)
    %dma_wait3A = arith.constant 0 : i32
    %dma_wait3A_1086 = tpu.memref_slice %arg4[%dma_wait3A] : memref<161792xi32, #tpu.memory_space<hbm>> -> memref<32xi32, #tpu.memory_space<hbm>>
    %dma_wait3A_1087 = arith.constant 0 : i32
    %dma_wait3A_1088 = tpu.memref_slice %arg4[%dma_wait3A_1087] : memref<161792xi32, #tpu.memory_space<hbm>> -> memref<32xi32, #tpu.memory_space<hbm>>
    tpu.wait_dma2 semaphore(%arg32 : memref<!tpu.dma_semaphore, #tpu.memory_space<semaphore_mem>>) src(%dma_wait3A_1088 : memref<32xi32, #tpu.memory_space<hbm>>) dst(%arg9 : memref<32xi32, #tpu.memory_space<vmem>>)
    %dma_wait3A_1089 = arith.constant 0 : i32
    %dma_wait3A_1090 = tpu.memref_slice %arg4[%dma_wait3A_1089] : memref<161792xi32, #tpu.memory_space<hbm>> -> memref<32xi32, #tpu.memory_space<hbm>>
    %dma_wait3A_1091 = arith.constant 0 : i32
    %dma_wait3A_1092 = tpu.memref_slice %arg4[%dma_wait3A_1091] : memref<161792xi32, #tpu.memory_space<hbm>> -> memref<32xi32, #tpu.memory_space<hbm>>
    tpu.wait_dma2 semaphore(%arg32 : memref<!tpu.dma_semaphore, #tpu.memory_space<semaphore_mem>>) src(%dma_wait3A_1092 : memref<32xi32, #tpu.memory_space<hbm>>) dst(%arg11 : memref<32xi32, #tpu.memory_space<vmem>>)
    %dma_wait3A_1093 = arith.constant 0 : i32
    %dma_wait3A_1094 = tpu.memref_slice %arg4[%dma_wait3A_1093] : memref<161792xi32, #tpu.memory_space<hbm>> -> memref<32xi32, #tpu.memory_space<hbm>>
    %dma_wait3A_1095 = arith.constant 0 : i32
    %dma_wait3A_1096 = tpu.memref_slice %arg4[%dma_wait3A_1095] : memref<161792xi32, #tpu.memory_space<hbm>> -> memref<32xi32, #tpu.memory_space<hbm>>
    tpu.wait_dma2 semaphore(%arg32 : memref<!tpu.dma_semaphore, #tpu.memory_space<semaphore_mem>>) src(%dma_wait3A_1096 : memref<32xi32, #tpu.memory_space<hbm>>) dst(%arg13 : memref<32xi32, #tpu.memory_space<vmem>>)
    %dma_start3A_1097 = arith.constant 0 : i32
    %dma_start3A_1098 = arith.constant 0 : i32
    %dma_start3A_1099 = tpu.memref_slice %arg2[%dma_start3A_1097, %dma_start3A_1098] : memref<10000x128xf32, #tpu.memory_space<hbm>> -> memref<10000x128xf32, #tpu.memory_space<hbm>>
    tpu.enqueue_indirect_dma source(%dma_start3A_1099 : memref<10000x128xf32, #tpu.memory_space<hbm>>) target(%arg21 : memref<32x128xf32, #tpu.memory_space<vmem>>) offsets(%arg9 : memref<32xi32, #tpu.memory_space<vmem>>) semaphore(%arg34 : memref<!tpu.dma_semaphore, #tpu.memory_space<semaphore_mem>>)
    %dma_start3A_1100 = arith.constant 0 : i32
    %dma_start3A_1101 = arith.constant 0 : i32
    %dma_start3A_1102 = tpu.memref_slice %arg3[%dma_start3A_1100, %dma_start3A_1101] : memref<10000x256xi32, #tpu.memory_space<hbm>> -> memref<10000x256xi32, #tpu.memory_space<hbm>>
    tpu.enqueue_indirect_dma source(%dma_start3A_1102 : memref<10000x256xi32, #tpu.memory_space<hbm>>) target(%arg23 : memref<32x256xi32, #tpu.memory_space<vmem>>) offsets(%arg11 : memref<32xi32, #tpu.memory_space<vmem>>) semaphore(%arg34 : memref<!tpu.dma_semaphore, #tpu.memory_space<semaphore_mem>>)
    %scan3A_1103 = arith.constant 0 : i32
    %scan3A_1104 = arith.constant 79 : i32
    %scan3A_1105 = arith.addi %scan3A_1103, %scan3A_1104 : i32
    %scan3A_1106 = arith.constant 1 : i32
    scf.for %scan3A_1126 = %scan3A_1103 to %scan3A_1105 step %scan3A_1106  : i32 {
      %mul3A_1127 = arith.constant 2 : i32
      %mul3A_1128 = arith.muli %scan3A_1126, %mul3A_1127 : i32
      %add3A_1129 = arith.constant 0 : i32
      %add3A_1130 = arith.addi %mul3A_1128, %add3A_1129 : i32
      %ge3A = arith.constant 2 : i32
      %ge3A_1131 = arith.cmpi sge, %add3A_1130, %ge3A : i32
      %convert_element_type3A_1132 = arith.extui %ge3A_1131 : i1 to i32
      %cond3A_1133 = arith.constant 0 : i32
      %cond3A_1134 = arith.cmpi ne, %convert_element_type3A_1132, %cond3A_1133 : i32
      scf.if %cond3A_1134 {
        %dma_wait3A_1298 = arith.constant 0 : i32
        %dma_wait3A_1299 = arith.constant 0 : i32
        %dma_wait3A_1300 = tpu.memref_slice %arg29[%dma_wait3A_1298, %dma_wait3A_1299] : memref<10240x128xf32, #tpu.memory_space<vmem_shared>> -> memref<10240x128xf32, #tpu.memory_space<vmem_shared>>
        tpu.wait_indirect_dma semaphore(%arg36 : memref<!tpu.dma_semaphore, #tpu.memory_space<semaphore_mem>>) src(%arg25 : memref<32x128xf32, #tpu.memory_space<vmem>>) dst(%dma_wait3A_1300 : memref<10240x128xf32, #tpu.memory_space<vmem_shared>>)
        %dma_wait3A_1301 = arith.constant 0 : i32
        %dma_wait3A_1302 = arith.constant 0 : i32
        %dma_wait3A_1303 = tpu.memref_slice %arg30[%dma_wait3A_1301, %dma_wait3A_1302] : memref<80x128xf32, #tpu.memory_space<vmem_shared>> -> memref<80x128xf32, #tpu.memory_space<vmem_shared>>
        tpu.wait_indirect_dma semaphore(%arg36 : memref<!tpu.dma_semaphore, #tpu.memory_space<semaphore_mem>>) src(%arg27 : memref<32x128xf32, #tpu.memory_space<vmem>>) dst(%dma_wait3A_1303 : memref<80x128xf32, #tpu.memory_space<vmem_shared>>)
      } else {
      }
      %get3A = arith.constant 0 : index
      %get3A_1135 = tpu.vector_load %arg13[%get3A] {strides = array<i32>} : memref<32xi32, #tpu.memory_space<vmem>>, vector<16xi32>,
      %get3A_1136 = vector.shape_cast %get3A_1135 : vector<16xi32> to vector<16xi32>
      %and3A = arith.constant 127 : i32
      %and3A_1137 = vector.broadcast %and3A : i32 to vector<16xi32>
      %and3A_1138 = arith.andi %get3A_1136, %and3A_1137 : vector<16xi32>
      %swap3A_1139 = arith.constant 0 : index
      %swap3A_1140 = tpu.vector_load %arg19[%swap3A_1139] {strides = array<i32>} : memref<32xi32, #tpu.memory_space<vmem>>, vector<16xi32>,
      %swap3A_1141 = vector.shape_cast %swap3A_1140 : vector<16xi32> to vector<16xi32>
      %swap3A_1142 = vector.shape_cast %and3A_1138 : vector<16xi32> to vector<16xi32>
      tpu.vector_store %arg19[%swap3A_1139], %swap3A_1142 {strides = array<i32>} : memref<32xi32, #tpu.memory_space<vmem>>, vector<16xi32>,
      %get3A_1143 = arith.constant 16 : index
      %get3A_1144 = tpu.vector_load %arg13[%get3A_1143] {strides = array<i32>} : memref<32xi32, #tpu.memory_space<vmem>>, vector<16xi32>,
      %get3A_1145 = vector.shape_cast %get3A_1144 : vector<16xi32> to vector<16xi32>
      %and3A_1146 = arith.constant 127 : i32
      %and3A_1147 = vector.broadcast %and3A_1146 : i32 to vector<16xi32>
      %and3A_1148 = arith.andi %get3A_1145, %and3A_1147 : vector<16xi32>
      %swap3A_1149 = arith.constant 16 : index
      %swap3A_1150 = tpu.vector_load %arg19[%swap3A_1149] {strides = array<i32>} : memref<32xi32, #tpu.memory_space<vmem>>, vector<16xi32>,
      %swap3A_1151 = vector.shape_cast %swap3A_1150 : vector<16xi32> to vector<16xi32>
      %swap3A_1152 = vector.shape_cast %and3A_1148 : vector<16xi32> to vector<16xi32>
      tpu.vector_store %arg19[%swap3A_1149], %swap3A_1152 {strides = array<i32>} : memref<32xi32, #tpu.memory_space<vmem>>, vector<16xi32>,
      %dma_start3A_1153 = arith.constant 0 : i32
      %dma_start3A_1154 = arith.constant 0 : i32
      %dma_start3A_1155 = tpu.memref_slice %arg31[%dma_start3A_1153, %dma_start3A_1154] : memref<128x128xf32, #tpu.memory_space<vmem_shared>> -> memref<128x128xf32, #tpu.memory_space<vmem_shared>>
      tpu.enqueue_indirect_dma source(%dma_start3A_1155 : memref<128x128xf32, #tpu.memory_space<vmem_shared>>) target(%arg27 : memref<32x128xf32, #tpu.memory_space<vmem>>) offsets(%arg19 : memref<32xi32, #tpu.memory_space<vmem>>) semaphore(%arg38 : memref<!tpu.dma_semaphore, #tpu.memory_space<semaphore_mem>>)
      %lt3A_1156 = arith.constant 157 : i32
      %lt3A_1157 = arith.cmpi slt, %add3A_1130, %lt3A_1156 : i32
      %convert_element_type3A_1158 = arith.extui %lt3A_1157 : i1 to i32
      %cond3A_1159 = arith.constant 0 : i32
      %cond3A_1160 = arith.cmpi ne, %convert_element_type3A_1158, %cond3A_1159 : i32
      scf.if %cond3A_1160 {
        %dma_wait3A_1298 = arith.constant 0 : i32
        %dma_wait3A_1299 = tpu.memref_slice %arg4[%dma_wait3A_1298] : memref<161792xi32, #tpu.memory_space<hbm>> -> memref<32xi32, #tpu.memory_space<hbm>>
        %dma_wait3A_1300 = arith.constant 0 : i32
        %dma_wait3A_1301 = tpu.memref_slice %arg4[%dma_wait3A_1300] : memref<161792xi32, #tpu.memory_space<hbm>> -> memref<32xi32, #tpu.memory_space<hbm>>
        tpu.wait_dma2 semaphore(%arg33 : memref<!tpu.dma_semaphore, #tpu.memory_space<semaphore_mem>>) src(%dma_wait3A_1301 : memref<32xi32, #tpu.memory_space<hbm>>) dst(%arg10 : memref<32xi32, #tpu.memory_space<vmem>>)
        %dma_wait3A_1302 = arith.constant 0 : i32
        %dma_wait3A_1303 = tpu.memref_slice %arg4[%dma_wait3A_1302] : memref<161792xi32, #tpu.memory_space<hbm>> -> memref<32xi32, #tpu.memory_space<hbm>>
        %dma_wait3A_1304 = arith.constant 0 : i32
        %dma_wait3A_1305 = tpu.memref_slice %arg4[%dma_wait3A_1304] : memref<161792xi32, #tpu.memory_space<hbm>> -> memref<32xi32, #tpu.memory_space<hbm>>
        tpu.wait_dma2 semaphore(%arg33 : memref<!tpu.dma_semaphore, #tpu.memory_space<semaphore_mem>>) src(%dma_wait3A_1305 : memref<32xi32, #tpu.memory_space<hbm>>) dst(%arg12 : memref<32xi32, #tpu.memory_space<vmem>>)
        %dma_wait3A_1306 = arith.constant 0 : i32
        %dma_wait3A_1307 = tpu.memref_slice %arg4[%dma_wait3A_1306] : memref<161792xi32, #tpu.memory_space<hbm>> -> memref<32xi32, #tpu.memory_space<hbm>>
        %dma_wait3A_1308 = arith.constant 0 : i32
        %dma_wait3A_1309 = tpu.memref_slice %arg4[%dma_wait3A_1308] : memref<161792xi32, #tpu.memory_space<hbm>> -> memref<32xi32, #tpu.memory_space<hbm>>
        tpu.wait_dma2 semaphore(%arg33 : memref<!tpu.dma_semaphore, #tpu.memory_space<semaphore_mem>>) src(%dma_wait3A_1309 : memref<32xi32, #tpu.memory_space<hbm>>) dst(%arg14 : memref<32xi32, #tpu.memory_space<vmem>>)
        %dma_start3A_1310 = arith.constant 0 : i32
        %dma_start3A_1311 = arith.constant 0 : i32
        %dma_start3A_1312 = tpu.memref_slice %arg2[%dma_start3A_1310, %dma_start3A_1311] : memref<10000x128xf32, #tpu.memory_space<hbm>> -> memref<10000x128xf32, #tpu.memory_space<hbm>>
        tpu.enqueue_indirect_dma source(%dma_start3A_1312 : memref<10000x128xf32, #tpu.memory_space<hbm>>) target(%arg22 : memref<32x128xf32, #tpu.memory_space<vmem>>) offsets(%arg10 : memref<32xi32, #tpu.memory_space<vmem>>) semaphore(%arg35 : memref<!tpu.dma_semaphore, #tpu.memory_space<semaphore_mem>>)
        %dma_start3A_1313 = arith.constant 0 : i32
        %dma_start3A_1314 = arith.constant 0 : i32
        %dma_start3A_1315 = tpu.memref_slice %arg3[%dma_start3A_1313, %dma_start3A_1314] : memref<10000x256xi32, #tpu.memory_space<hbm>> -> memref<10000x256xi32, #tpu.memory_space<hbm>>
        tpu.enqueue_indirect_dma source(%dma_start3A_1315 : memref<10000x256xi32, #tpu.memory_space<hbm>>) target(%arg24 : memref<32x256xi32, #tpu.memory_space<vmem>>) offsets(%arg12 : memref<32xi32, #tpu.memory_space<vmem>>) semaphore(%arg35 : memref<!tpu.dma_semaphore, #tpu.memory_space<semaphore_mem>>)
      } else {
      }
      %dma_wait3A_1161 = arith.constant 0 : i32
      %dma_wait3A_1162 = arith.constant 0 : i32
      %dma_wait3A_1163 = tpu.memref_slice %arg2[%dma_wait3A_1161, %dma_wait3A_1162] : memref<10000x128xf32, #tpu.memory_space<hbm>> -> memref<10000x128xf32, #tpu.memory_space<hbm>>
      tpu.wait_indirect_dma semaphore(%arg34 : memref<!tpu.dma_semaphore, #tpu.memory_space<semaphore_mem>>) src(%dma_wait3A_1163 : memref<10000x128xf32, #tpu.memory_space<hbm>>) dst(%arg21 : memref<32x128xf32, #tpu.memory_space<vmem>>)
      %dma_wait3A_1164 = arith.constant 0 : i32
      %dma_wait3A_1165 = arith.constant 0 : i32
      %dma_wait3A_1166 = tpu.memref_slice %arg3[%dma_wait3A_1164, %dma_wait3A_1165] : memref<10000x256xi32, #tpu.memory_space<hbm>> -> memref<10000x256xi32, #tpu.memory_space<hbm>>
      tpu.wait_indirect_dma semaphore(%arg34 : memref<!tpu.dma_semaphore, #tpu.memory_space<semaphore_mem>>) src(%dma_wait3A_1166 : memref<10000x256xi32, #tpu.memory_space<hbm>>) dst(%arg23 : memref<32x256xi32, #tpu.memory_space<vmem>>)
      %get3A_1167 = arith.constant 0 : index
      %get3A_1168 = tpu.vector_load %arg13[%get3A_1167] {strides = array<i32>} : memref<32xi32, #tpu.memory_space<vmem>>, vector<16xi32>,
      %get3A_1169 = vector.shape_cast %get3A_1168 : vector<16xi32> to vector<16xi32>
      %swap3A_1170 = arith.constant 0 : index
      %swap3A_1171 = tpu.vector_load %arg15[%swap3A_1170] {strides = array<i32>} : memref<32xi32, #tpu.memory_space<vmem>>, vector<16xi32>,
      %swap3A_1172 = vector.shape_cast %swap3A_1171 : vector<16xi32> to vector<16xi32>
      %swap3A_1173 = vector.shape_cast %get3A_1169 : vector<16xi32> to vector<16xi32>
      tpu.vector_store %arg15[%swap3A_1170], %swap3A_1173 {strides = array<i32>} : memref<32xi32, #tpu.memory_space<vmem>>, vector<16xi32>,
      %shift_right_logical3A = arith.constant 7 : i32
      %shift_right_logical3A_1174 = vector.broadcast %shift_right_logical3A : i32 to vector<16xi32>
      %shift_right_logical3A_1175 = arith.shrui %get3A_1169, %shift_right_logical3A_1174 : vector<16xi32>
      %swap3A_1176 = arith.constant 0 : index
      %swap3A_1177 = tpu.vector_load %arg17[%swap3A_1176] {strides = array<i32>} : memref<32xi32, #tpu.memory_space<vmem>>, vector<16xi32>,
      %swap3A_1178 = vector.shape_cast %swap3A_1177 : vector<16xi32> to vector<16xi32>
      %swap3A_1179 = vector.shape_cast %shift_right_logical3A_1175 : vector<16xi32> to vector<16xi32>
      tpu.vector_store %arg17[%swap3A_1176], %swap3A_1179 {strides = array<i32>} : memref<32xi32, #tpu.memory_space<vmem>>, vector<16xi32>,
      %get3A_1180 = arith.constant 16 : index
      %get3A_1181 = tpu.vector_load %arg13[%get3A_1180] {strides = array<i32>} : memref<32xi32, #tpu.memory_space<vmem>>, vector<16xi32>,
      %get3A_1182 = vector.shape_cast %get3A_1181 : vector<16xi32> to vector<16xi32>
      %swap3A_1183 = arith.constant 16 : index
      %swap3A_1184 = tpu.vector_load %arg15[%swap3A_1183] {strides = array<i32>} : memref<32xi32, #tpu.memory_space<vmem>>, vector<16xi32>,
      %swap3A_1185 = vector.shape_cast %swap3A_1184 : vector<16xi32> to vector<16xi32>
      %swap3A_1186 = vector.shape_cast %get3A_1182 : vector<16xi32> to vector<16xi32>
      tpu.vector_store %arg15[%swap3A_1183], %swap3A_1186 {strides = array<i32>} : memref<32xi32, #tpu.memory_space<vmem>>, vector<16xi32>,
      %shift_right_logical3A_1187 = arith.constant 7 : i32
      %shift_right_logical3A_1188 = vector.broadcast %shift_right_logical3A_1187 : i32 to vector<16xi32>
      %shift_right_logical3A_1189 = arith.shrui %get3A_1182, %shift_right_logical3A_1188 : vector<16xi32>
      %swap3A_1190 = arith.constant 16 : index
      %swap3A_1191 = tpu.vector_load %arg17[%swap3A_1190] {strides = array<i32>} : memref<32xi32, #tpu.memory_space<vmem>>, vector<16xi32>,
      %swap3A_1192 = vector.shape_cast %swap3A_1191 : vector<16xi32> to vector<16xi32>
      %swap3A_1193 = vector.shape_cast %shift_right_logical3A_1189 : vector<16xi32> to vector<16xi32>
      tpu.vector_store %arg17[%swap3A_1190], %swap3A_1193 {strides = array<i32>} : memref<32xi32, #tpu.memory_space<vmem>>, vector<16xi32>,
      %parallel_loop3A = arith.constant 0 : i32
      %parallel_loop3A_1194 = arith.constant 32 : i32
      %parallel_loop3A_1195 = arith.constant 1 : i32
      scf.for %parallel_loop3A_1298 = %parallel_loop3A to %parallel_loop3A_1194 step %parallel_loop3A_1195  : i32 {
        %parallel_loop3A_1299 = arith.index_cast %parallel_loop3A_1298 : i32 to index
        %parallel_loop3A_1300 = arith.constant 0 : index
        %parallel_loop3A_1301 = tpu.vector_load %arg21[%parallel_loop3A_1299, %parallel_loop3A_1300] {strides = array<i32>} : memref<32x128xf32, #tpu.memory_space<vmem>>, vector<1x16xf32>,
        %parallel_loop3A_1302 = vector.shape_cast %parallel_loop3A_1301 : vector<1x16xf32> to vector<16xf32>
        %parallel_loop3A_1303 = arith.index_cast %parallel_loop3A_1298 : i32 to index
        %parallel_loop3A_1304 = arith.constant 16 : index
        %parallel_loop3A_1305 = tpu.vector_load %arg21[%parallel_loop3A_1303, %parallel_loop3A_1304] {strides = array<i32>} : memref<32x128xf32, #tpu.memory_space<vmem>>, vector<1x16xf32>,
        %parallel_loop3A_1306 = vector.shape_cast %parallel_loop3A_1305 : vector<1x16xf32> to vector<16xf32>
        %parallel_loop3A_1307 = arith.index_cast %parallel_loop3A_1298 : i32 to index
        %parallel_loop3A_1308 = arith.constant 0 : index
        %parallel_loop3A_1309 = tpu.vector_load %arg23[%parallel_loop3A_1307, %parallel_loop3A_1308] {strides = array<i32>} : memref<32x256xi32, #tpu.memory_space<vmem>>, vector<1x16xi32>,
        %parallel_loop3A_1310 = vector.shape_cast %parallel_loop3A_1309 : vector<1x16xi32> to vector<16xi32>
        %parallel_loop3A_1311 = arith.constant 16 : i32
        %parallel_loop3A_1312 = vector.broadcast %parallel_loop3A_1311 : i32 to vector<16xi32>
        %parallel_loop3A_1313 = arith.shli %parallel_loop3A_1310, %parallel_loop3A_1312 : vector<16xi32>
        %parallel_loop3A_1314 = tpu.bitcast %parallel_loop3A_1313 : vector<16xi32> -> vector<16xf32>
        %parallel_loop3A_1315 = arith.constant -65536 : i32
        %parallel_loop3A_1316 = vector.broadcast %parallel_loop3A_1315 : i32 to vector<16xi32>
        %parallel_loop3A_1317 = arith.andi %parallel_loop3A_1310, %parallel_loop3A_1316 : vector<16xi32>
        %parallel_loop3A_1318 = tpu.bitcast %parallel_loop3A_1317 : vector<16xi32> -> vector<16xf32>
        %parallel_loop3A_1319 = vector.shape_cast %add3A_1056 : vector<16xi32> to vector<16x1xi32>
        %parallel_loop3A_1320 = vector.shape_cast %parallel_loop3A_1319 : vector<16x1xi32> to vector<16xi32>
        %parallel_loop3A_1321 = tpu.dynamic_gather %parallel_loop3A_1302[%parallel_loop3A_1320] in [0] : vector<16xf32>, vector<16xi32> -> vector<16xf32>
        %parallel_loop3A_1322 = vector.shape_cast %add3A_1056 : vector<16xi32> to vector<16x1xi32>
        %parallel_loop3A_1323 = vector.shape_cast %parallel_loop3A_1322 : vector<16x1xi32> to vector<16xi32>
        %parallel_loop3A_1324 = tpu.dynamic_gather %parallel_loop3A_1306[%parallel_loop3A_1323] in [0] : vector<16xf32>, vector<16xi32> -> vector<16xf32>
        %parallel_loop3A_1325 = arith.mulf %parallel_loop3A_1321, %parallel_loop3A_1314 : vector<16xf32>
        %parallel_loop3A_1326 = arith.addf %broadcast_in_dim3A_1, %parallel_loop3A_1325 : vector<16xf32>
        %parallel_loop3A_1327 = arith.mulf %parallel_loop3A_1324, %parallel_loop3A_1318 : vector<16xf32>
        %parallel_loop3A_1328 = arith.addf %broadcast_in_dim3A_1, %parallel_loop3A_1327 : vector<16xf32>
        %parallel_loop3A_1329 = arith.index_cast %parallel_loop3A_1298 : i32 to index
        %parallel_loop3A_1330 = arith.constant 64 : index
        %parallel_loop3A_1331 = tpu.vector_load %arg23[%parallel_loop3A_1329, %parallel_loop3A_1330] {strides = array<i32>} : memref<32x256xi32, #tpu.memory_space<vmem>>, vector<1x16xi32>,
        %parallel_loop3A_1332 = vector.shape_cast %parallel_loop3A_1331 : vector<1x16xi32> to vector<16xi32>
        %parallel_loop3A_1333 = arith.constant 16 : i32
        %parallel_loop3A_1334 = vector.broadcast %parallel_loop3A_1333 : i32 to vector<16xi32>
        %parallel_loop3A_1335 = arith.shli %parallel_loop3A_1332, %parallel_loop3A_1334 : vector<16xi32>
        %parallel_loop3A_1336 = tpu.bitcast %parallel_loop3A_1335 : vector<16xi32> -> vector<16xf32>
        %parallel_loop3A_1337 = arith.constant -65536 : i32
        %parallel_loop3A_1338 = vector.broadcast %parallel_loop3A_1337 : i32 to vector<16xi32>
        %parallel_loop3A_1339 = arith.andi %parallel_loop3A_1332, %parallel_loop3A_1338 : vector<16xi32>
        %parallel_loop3A_1340 = tpu.bitcast %parallel_loop3A_1339 : vector<16xi32> -> vector<16xf32>
        %parallel_loop3A_1341 = vector.shape_cast %add3A_1059 : vector<16xi32> to vector<16x1xi32>
        %parallel_loop3A_1342 = vector.shape_cast %parallel_loop3A_1341 : vector<16x1xi32> to vector<16xi32>
        %parallel_loop3A_1343 = tpu.dynamic_gather %parallel_loop3A_1302[%parallel_loop3A_1342] in [0] : vector<16xf32>, vector<16xi32> -> vector<16xf32>
        %parallel_loop3A_1344 = vector.shape_cast %add3A_1059 : vector<16xi32> to vector<16x1xi32>
        %parallel_loop3A_1345 = vector.shape_cast %parallel_loop3A_1344 : vector<16x1xi32> to vector<16xi32>
        %parallel_loop3A_1346 = tpu.dynamic_gather %parallel_loop3A_1306[%parallel_loop3A_1345] in [0] : vector<16xf32>, vector<16xi32> -> vector<16xf32>
        %parallel_loop3A_1347 = arith.mulf %parallel_loop3A_1343, %parallel_loop3A_1336 : vector<16xf32>
        %parallel_loop3A_1348 = arith.addf %parallel_loop3A_1326, %parallel_loop3A_1347 : vector<16xf32>
        %parallel_loop3A_1349 = arith.mulf %parallel_loop3A_1346, %parallel_loop3A_1340 : vector<16xf32>
        %parallel_loop3A_1350 = arith.addf %parallel_loop3A_1328, %parallel_loop3A_1349 : vector<16xf32>
        %parallel_loop3A_1351 = arith.index_cast %parallel_loop3A_1298 : i32 to index
        %parallel_loop3A_1352 = arith.constant 128 : index
        %parallel_loop3A_1353 = tpu.vector_load %arg23[%parallel_loop3A_1351, %parallel_loop3A_1352] {strides = array<i32>} : memref<32x256xi32, #tpu.memory_space<vmem>>, vector<1x16xi32>,
        %parallel_loop3A_1354 = vector.shape_cast %parallel_loop3A_1353 : vector<1x16xi32> to vector<16xi32>
        %parallel_loop3A_1355 = arith.constant 16 : i32
        %parallel_loop3A_1356 = vector.broadcast %parallel_loop3A_1355 : i32 to vector<16xi32>
        %parallel_loop3A_1357 = arith.shli %parallel_loop3A_1354, %parallel_loop3A_1356 : vector<16xi32>
        %parallel_loop3A_1358 = tpu.bitcast %parallel_loop3A_1357 : vector<16xi32> -> vector<16xf32>
        %parallel_loop3A_1359 = arith.constant -65536 : i32
        %parallel_loop3A_1360 = vector.broadcast %parallel_loop3A_1359 : i32 to vector<16xi32>
        %parallel_loop3A_1361 = arith.andi %parallel_loop3A_1354, %parallel_loop3A_1360 : vector<16xi32>
        %parallel_loop3A_1362 = tpu.bitcast %parallel_loop3A_1361 : vector<16xi32> -> vector<16xf32>
        %parallel_loop3A_1363 = vector.shape_cast %add3A_1062 : vector<16xi32> to vector<16x1xi32>
        %parallel_loop3A_1364 = vector.shape_cast %parallel_loop3A_1363 : vector<16x1xi32> to vector<16xi32>
        %parallel_loop3A_1365 = tpu.dynamic_gather %parallel_loop3A_1302[%parallel_loop3A_1364] in [0] : vector<16xf32>, vector<16xi32> -> vector<16xf32>
        %parallel_loop3A_1366 = vector.shape_cast %add3A_1062 : vector<16xi32> to vector<16x1xi32>
        %parallel_loop3A_1367 = vector.shape_cast %parallel_loop3A_1366 : vector<16x1xi32> to vector<16xi32>
        %parallel_loop3A_1368 = tpu.dynamic_gather %parallel_loop3A_1306[%parallel_loop3A_1367] in [0] : vector<16xf32>, vector<16xi32> -> vector<16xf32>
        %parallel_loop3A_1369 = arith.mulf %parallel_loop3A_1365, %parallel_loop3A_1358 : vector<16xf32>
        %parallel_loop3A_1370 = arith.addf %parallel_loop3A_1348, %parallel_loop3A_1369 : vector<16xf32>
        %parallel_loop3A_1371 = arith.mulf %parallel_loop3A_1368, %parallel_loop3A_1362 : vector<16xf32>
        %parallel_loop3A_1372 = arith.addf %parallel_loop3A_1350, %parallel_loop3A_1371 : vector<16xf32>
        %parallel_loop3A_1373 = arith.index_cast %parallel_loop3A_1298 : i32 to index
        %parallel_loop3A_1374 = arith.constant 192 : index
        %parallel_loop3A_1375 = tpu.vector_load %arg23[%parallel_loop3A_1373, %parallel_loop3A_1374] {strides = array<i32>} : memref<32x256xi32, #tpu.memory_space<vmem>>, vector<1x16xi32>,
        %parallel_loop3A_1376 = vector.shape_cast %parallel_loop3A_1375 : vector<1x16xi32> to vector<16xi32>
        %parallel_loop3A_1377 = arith.constant 16 : i32
        %parallel_loop3A_1378 = vector.broadcast %parallel_loop3A_1377 : i32 to vector<16xi32>
        %parallel_loop3A_1379 = arith.shli %parallel_loop3A_1376, %parallel_loop3A_1378 : vector<16xi32>
        %parallel_loop3A_1380 = tpu.bitcast %parallel_loop3A_1379 : vector<16xi32> -> vector<16xf32>
        %parallel_loop3A_1381 = arith.constant -65536 : i32
        %parallel_loop3A_1382 = vector.broadcast %parallel_loop3A_1381 : i32 to vector<16xi32>
        %parallel_loop3A_1383 = arith.andi %parallel_loop3A_1376, %parallel_loop3A_1382 : vector<16xi32>
        %parallel_loop3A_1384 = tpu.bitcast %parallel_loop3A_1383 : vector<16xi32> -> vector<16xf32>
        %parallel_loop3A_1385 = vector.shape_cast %add3A_1065 : vector<16xi32> to vector<16x1xi32>
        %parallel_loop3A_1386 = vector.shape_cast %parallel_loop3A_1385 : vector<16x1xi32> to vector<16xi32>
        %parallel_loop3A_1387 = tpu.dynamic_gather %parallel_loop3A_1302[%parallel_loop3A_1386] in [0] : vector<16xf32>, vector<16xi32> -> vector<16xf32>
        %parallel_loop3A_1388 = vector.shape_cast %add3A_1065 : vector<16xi32> to vector<16x1xi32>
        %parallel_loop3A_1389 = vector.shape_cast %parallel_loop3A_1388 : vector<16x1xi32> to vector<16xi32>
        %parallel_loop3A_1390 = tpu.dynamic_gather %parallel_loop3A_1306[%parallel_loop3A_1389] in [0] : vector<16xf32>, vector<16xi32> -> vector<16xf32>
        %parallel_loop3A_1391 = arith.mulf %parallel_loop3A_1387, %parallel_loop3A_1380 : vector<16xf32>
        %parallel_loop3A_1392 = arith.addf %parallel_loop3A_1370, %parallel_loop3A_1391 : vector<16xf32>
        %parallel_loop3A_1393 = arith.mulf %parallel_loop3A_1390, %parallel_loop3A_1384 : vector<16xf32>
        %parallel_loop3A_1394 = arith.addf %parallel_loop3A_1372, %parallel_loop3A_1393 : vector<16xf32>
        %parallel_loop3A_1395 = arith.index_cast %parallel_loop3A_1298 : i32 to index
        %parallel_loop3A_1396 = arith.constant 0 : index
        %parallel_loop3A_1397 = tpu.vector_load %arg25[%parallel_loop3A_1395, %parallel_loop3A_1396] {strides = array<i32>} : memref<32x128xf32, #tpu.memory_space<vmem>>, vector<1x16xf32>,
        %parallel_loop3A_1398 = vector.shape_cast %parallel_loop3A_1397 : vector<1x16xf32> to vector<16xf32>
        %parallel_loop3A_1399 = vector.shape_cast %parallel_loop3A_1392 : vector<16xf32> to vector<1x16xf32>
        tpu.vector_store %arg25[%parallel_loop3A_1395, %parallel_loop3A_1396], %parallel_loop3A_1399 {strides = array<i32>} : memref<32x128xf32, #tpu.memory_space<vmem>>, vector<1x16xf32>,
        %parallel_loop3A_1400 = arith.index_cast %parallel_loop3A_1298 : i32 to index
        %parallel_loop3A_1401 = arith.constant 16 : index
        %parallel_loop3A_1402 = tpu.vector_load %arg25[%parallel_loop3A_1400, %parallel_loop3A_1401] {strides = array<i32>} : memref<32x128xf32, #tpu.memory_space<vmem>>, vector<1x16xf32>,
        %parallel_loop3A_1403 = vector.shape_cast %parallel_loop3A_1402 : vector<1x16xf32> to vector<16xf32>
        %parallel_loop3A_1404 = vector.shape_cast %parallel_loop3A_1394 : vector<16xf32> to vector<1x16xf32>
        tpu.vector_store %arg25[%parallel_loop3A_1400, %parallel_loop3A_1401], %parallel_loop3A_1404 {strides = array<i32>} : memref<32x128xf32, #tpu.memory_space<vmem>>, vector<1x16xf32>,
        %parallel_loop3A_1405 = arith.index_cast %parallel_loop3A_1298 : i32 to index
        %parallel_loop3A_1406 = arith.constant 32 : index
        %parallel_loop3A_1407 = tpu.vector_load %arg21[%parallel_loop3A_1405, %parallel_loop3A_1406] {strides = array<i32>} : memref<32x128xf32, #tpu.memory_space<vmem>>, vector<1x16xf32>,
        %parallel_loop3A_1408 = vector.shape_cast %parallel_loop3A_1407 : vector<1x16xf32> to vector<16xf32>
        %parallel_loop3A_1409 = arith.index_cast %parallel_loop3A_1298 : i32 to index
        %parallel_loop3A_1410 = arith.constant 48 : index
        %parallel_loop3A_1411 = tpu.vector_load %arg21[%parallel_loop3A_1409, %parallel_loop3A_1410] {strides = array<i32>} : memref<32x128xf32, #tpu.memory_space<vmem>>, vector<1x16xf32>,
        %parallel_loop3A_1412 = vector.shape_cast %parallel_loop3A_1411 : vector<1x16xf32> to vector<16xf32>
        %parallel_loop3A_1413 = arith.index_cast %parallel_loop3A_1298 : i32 to index
        %parallel_loop3A_1414 = arith.constant 16 : index
        %parallel_loop3A_1415 = tpu.vector_load %arg23[%parallel_loop3A_1413, %parallel_loop3A_1414] {strides = array<i32>} : memref<32x256xi32, #tpu.memory_space<vmem>>, vector<1x16xi32>,
        %parallel_loop3A_1416 = vector.shape_cast %parallel_loop3A_1415 : vector<1x16xi32> to vector<16xi32>
        %parallel_loop3A_1417 = arith.constant 16 : i32
        %parallel_loop3A_1418 = vector.broadcast %parallel_loop3A_1417 : i32 to vector<16xi32>
        %parallel_loop3A_1419 = arith.shli %parallel_loop3A_1416, %parallel_loop3A_1418 : vector<16xi32>
        %parallel_loop3A_1420 = tpu.bitcast %parallel_loop3A_1419 : vector<16xi32> -> vector<16xf32>
        %parallel_loop3A_1421 = arith.constant -65536 : i32
        %parallel_loop3A_1422 = vector.broadcast %parallel_loop3A_1421 : i32 to vector<16xi32>
        %parallel_loop3A_1423 = arith.andi %parallel_loop3A_1416, %parallel_loop3A_1422 : vector<16xi32>
        %parallel_loop3A_1424 = tpu.bitcast %parallel_loop3A_1423 : vector<16xi32> -> vector<16xf32>
        %parallel_loop3A_1425 = vector.shape_cast %add3A_1056 : vector<16xi32> to vector<16x1xi32>
        %parallel_loop3A_1426 = vector.shape_cast %parallel_loop3A_1425 : vector<16x1xi32> to vector<16xi32>
        %parallel_loop3A_1427 = tpu.dynamic_gather %parallel_loop3A_1408[%parallel_loop3A_1426] in [0] : vector<16xf32>, vector<16xi32> -> vector<16xf32>
        %parallel_loop3A_1428 = vector.shape_cast %add3A_1056 : vector<16xi32> to vector<16x1xi32>
        %parallel_loop3A_1429 = vector.shape_cast %parallel_loop3A_1428 : vector<16x1xi32> to vector<16xi32>
        %parallel_loop3A_1430 = tpu.dynamic_gather %parallel_loop3A_1412[%parallel_loop3A_1429] in [0] : vector<16xf32>, vector<16xi32> -> vector<16xf32>
        %parallel_loop3A_1431 = arith.mulf %parallel_loop3A_1427, %parallel_loop3A_1420 : vector<16xf32>
        %parallel_loop3A_1432 = arith.addf %broadcast_in_dim3A_1, %parallel_loop3A_1431 : vector<16xf32>
        %parallel_loop3A_1433 = arith.mulf %parallel_loop3A_1430, %parallel_loop3A_1424 : vector<16xf32>
        %parallel_loop3A_1434 = arith.addf %broadcast_in_dim3A_1, %parallel_loop3A_1433 : vector<16xf32>
        %parallel_loop3A_1435 = arith.index_cast %parallel_loop3A_1298 : i32 to index
        %parallel_loop3A_1436 = arith.constant 80 : index
        %parallel_loop3A_1437 = tpu.vector_load %arg23[%parallel_loop3A_1435, %parallel_loop3A_1436] {strides = array<i32>} : memref<32x256xi32, #tpu.memory_space<vmem>>, vector<1x16xi32>,
        %parallel_loop3A_1438 = vector.shape_cast %parallel_loop3A_1437 : vector<1x16xi32> to vector<16xi32>
        %parallel_loop3A_1439 = arith.constant 16 : i32
        %parallel_loop3A_1440 = vector.broadcast %parallel_loop3A_1439 : i32 to vector<16xi32>
        %parallel_loop3A_1441 = arith.shli %parallel_loop3A_1438, %parallel_loop3A_1440 : vector<16xi32>
        %parallel_loop3A_1442 = tpu.bitcast %parallel_loop3A_1441 : vector<16xi32> -> vector<16xf32>
        %parallel_loop3A_1443 = arith.constant -65536 : i32
        %parallel_loop3A_1444 = vector.broadcast %parallel_loop3A_1443 : i32 to vector<16xi32>
        %parallel_loop3A_1445 = arith.andi %parallel_loop3A_1438, %parallel_loop3A_1444 : vector<16xi32>
        %parallel_loop3A_1446 = tpu.bitcast %parallel_loop3A_1445 : vector<16xi32> -> vector<16xf32>
        %parallel_loop3A_1447 = vector.shape_cast %add3A_1059 : vector<16xi32> to vector<16x1xi32>
        %parallel_loop3A_1448 = vector.shape_cast %parallel_loop3A_1447 : vector<16x1xi32> to vector<16xi32>
        %parallel_loop3A_1449 = tpu.dynamic_gather %parallel_loop3A_1408[%parallel_loop3A_1448] in [0] : vector<16xf32>, vector<16xi32> -> vector<16xf32>
        %parallel_loop3A_1450 = vector.shape_cast %add3A_1059 : vector<16xi32> to vector<16x1xi32>
        %parallel_loop3A_1451 = vector.shape_cast %parallel_loop3A_1450 : vector<16x1xi32> to vector<16xi32>
        %parallel_loop3A_1452 = tpu.dynamic_gather %parallel_loop3A_1412[%parallel_loop3A_1451] in [0] : vector<16xf32>, vector<16xi32> -> vector<16xf32>
        %parallel_loop3A_1453 = arith.mulf %parallel_loop3A_1449, %parallel_loop3A_1442 : vector<16xf32>
        %parallel_loop3A_1454 = arith.addf %parallel_loop3A_1432, %parallel_loop3A_1453 : vector<16xf32>
        %parallel_loop3A_1455 = arith.mulf %parallel_loop3A_1452, %parallel_loop3A_1446 : vector<16xf32>
        %parallel_loop3A_1456 = arith.addf %parallel_loop3A_1434, %parallel_loop3A_1455 : vector<16xf32>
        %parallel_loop3A_1457 = arith.index_cast %parallel_loop3A_1298 : i32 to index
        %parallel_loop3A_1458 = arith.constant 144 : index
        %parallel_loop3A_1459 = tpu.vector_load %arg23[%parallel_loop3A_1457, %parallel_loop3A_1458] {strides = array<i32>} : memref<32x256xi32, #tpu.memory_space<vmem>>, vector<1x16xi32>,
        %parallel_loop3A_1460 = vector.shape_cast %parallel_loop3A_1459 : vector<1x16xi32> to vector<16xi32>
        %parallel_loop3A_1461 = arith.constant 16 : i32
        %parallel_loop3A_1462 = vector.broadcast %parallel_loop3A_1461 : i32 to vector<16xi32>
        %parallel_loop3A_1463 = arith.shli %parallel_loop3A_1460, %parallel_loop3A_1462 : vector<16xi32>
        %parallel_loop3A_1464 = tpu.bitcast %parallel_loop3A_1463 : vector<16xi32> -> vector<16xf32>
        %parallel_loop3A_1465 = arith.constant -65536 : i32
        %parallel_loop3A_1466 = vector.broadcast %parallel_loop3A_1465 : i32 to vector<16xi32>
        %parallel_loop3A_1467 = arith.andi %parallel_loop3A_1460, %parallel_loop3A_1466 : vector<16xi32>
        %parallel_loop3A_1468 = tpu.bitcast %parallel_loop3A_1467 : vector<16xi32> -> vector<16xf32>
        %parallel_loop3A_1469 = vector.shape_cast %add3A_1062 : vector<16xi32> to vector<16x1xi32>
        %parallel_loop3A_1470 = vector.shape_cast %parallel_loop3A_1469 : vector<16x1xi32> to vector<16xi32>
        %parallel_loop3A_1471 = tpu.dynamic_gather %parallel_loop3A_1408[%parallel_loop3A_1470] in [0] : vector<16xf32>, vector<16xi32> -> vector<16xf32>
        %parallel_loop3A_1472 = vector.shape_cast %add3A_1062 : vector<16xi32> to vector<16x1xi32>
        %parallel_loop3A_1473 = vector.shape_cast %parallel_loop3A_1472 : vector<16x1xi32> to vector<16xi32>
        %parallel_loop3A_1474 = tpu.dynamic_gather %parallel_loop3A_1412[%parallel_loop3A_1473] in [0] : vector<16xf32>, vector<16xi32> -> vector<16xf32>
        %parallel_loop3A_1475 = arith.mulf %parallel_loop3A_1471, %parallel_loop3A_1464 : vector<16xf32>
        %parallel_loop3A_1476 = arith.addf %parallel_loop3A_1454, %parallel_loop3A_1475 : vector<16xf32>
        %parallel_loop3A_1477 = arith.mulf %parallel_loop3A_1474, %parallel_loop3A_1468 : vector<16xf32>
        %parallel_loop3A_1478 = arith.addf %parallel_loop3A_1456, %parallel_loop3A_1477 : vector<16xf32>
        %parallel_loop3A_1479 = arith.index_cast %parallel_loop3A_1298 : i32 to index
        %parallel_loop3A_1480 = arith.constant 208 : index
        %parallel_loop3A_1481 = tpu.vector_load %arg23[%parallel_loop3A_1479, %parallel_loop3A_1480] {strides = array<i32>} : memref<32x256xi32, #tpu.memory_space<vmem>>, vector<1x16xi32>,
        %parallel_loop3A_1482 = vector.shape_cast %parallel_loop3A_1481 : vector<1x16xi32> to vector<16xi32>
        %parallel_loop3A_1483 = arith.constant 16 : i32
        %parallel_loop3A_1484 = vector.broadcast %parallel_loop3A_1483 : i32 to vector<16xi32>
        %parallel_loop3A_1485 = arith.shli %parallel_loop3A_1482, %parallel_loop3A_1484 : vector<16xi32>
        %parallel_loop3A_1486 = tpu.bitcast %parallel_loop3A_1485 : vector<16xi32> -> vector<16xf32>
        %parallel_loop3A_1487 = arith.constant -65536 : i32
        %parallel_loop3A_1488 = vector.broadcast %parallel_loop3A_1487 : i32 to vector<16xi32>
        %parallel_loop3A_1489 = arith.andi %parallel_loop3A_1482, %parallel_loop3A_1488 : vector<16xi32>
        %parallel_loop3A_1490 = tpu.bitcast %parallel_loop3A_1489 : vector<16xi32> -> vector<16xf32>
        %parallel_loop3A_1491 = vector.shape_cast %add3A_1065 : vector<16xi32> to vector<16x1xi32>
        %parallel_loop3A_1492 = vector.shape_cast %parallel_loop3A_1491 : vector<16x1xi32> to vector<16xi32>
        %parallel_loop3A_1493 = tpu.dynamic_gather %parallel_loop3A_1408[%parallel_loop3A_1492] in [0] : vector<16xf32>, vector<16xi32> -> vector<16xf32>
        %parallel_loop3A_1494 = vector.shape_cast %add3A_1065 : vector<16xi32> to vector<16x1xi32>
        %parallel_loop3A_1495 = vector.shape_cast %parallel_loop3A_1494 : vector<16x1xi32> to vector<16xi32>
        %parallel_loop3A_1496 = tpu.dynamic_gather %parallel_loop3A_1412[%parallel_loop3A_1495] in [0] : vector<16xf32>, vector<16xi32> -> vector<16xf32>
        %parallel_loop3A_1497 = arith.mulf %parallel_loop3A_1493, %parallel_loop3A_1486 : vector<16xf32>
        %parallel_loop3A_1498 = arith.addf %parallel_loop3A_1476, %parallel_loop3A_1497 : vector<16xf32>
        %parallel_loop3A_1499 = arith.mulf %parallel_loop3A_1496, %parallel_loop3A_1490 : vector<16xf32>
        %parallel_loop3A_1500 = arith.addf %parallel_loop3A_1478, %parallel_loop3A_1499 : vector<16xf32>
        %parallel_loop3A_1501 = arith.index_cast %parallel_loop3A_1298 : i32 to index
        %parallel_loop3A_1502 = arith.constant 32 : index
        %parallel_loop3A_1503 = tpu.vector_load %arg25[%parallel_loop3A_1501, %parallel_loop3A_1502] {strides = array<i32>} : memref<32x128xf32, #tpu.memory_space<vmem>>, vector<1x16xf32>,
        %parallel_loop3A_1504 = vector.shape_cast %parallel_loop3A_1503 : vector<1x16xf32> to vector<16xf32>
        %parallel_loop3A_1505 = vector.shape_cast %parallel_loop3A_1498 : vector<16xf32> to vector<1x16xf32>
        tpu.vector_store %arg25[%parallel_loop3A_1501, %parallel_loop3A_1502], %parallel_loop3A_1505 {strides = array<i32>} : memref<32x128xf32, #tpu.memory_space<vmem>>, vector<1x16xf32>,
        %parallel_loop3A_1506 = arith.index_cast %parallel_loop3A_1298 : i32 to index
        %parallel_loop3A_1507 = arith.constant 48 : index
        %parallel_loop3A_1508 = tpu.vector_load %arg25[%parallel_loop3A_1506, %parallel_loop3A_1507] {strides = array<i32>} : memref<32x128xf32, #tpu.memory_space<vmem>>, vector<1x16xf32>,
        %parallel_loop3A_1509 = vector.shape_cast %parallel_loop3A_1508 : vector<1x16xf32> to vector<16xf32>
        %parallel_loop3A_1510 = vector.shape_cast %parallel_loop3A_1500 : vector<16xf32> to vector<1x16xf32>
        tpu.vector_store %arg25[%parallel_loop3A_1506, %parallel_loop3A_1507], %parallel_loop3A_1510 {strides = array<i32>} : memref<32x128xf32, #tpu.memory_space<vmem>>, vector<1x16xf32>,
        %parallel_loop3A_1511 = arith.index_cast %parallel_loop3A_1298 : i32 to index
        %parallel_loop3A_1512 = arith.constant 64 : index
        %parallel_loop3A_1513 = tpu.vector_load %arg21[%parallel_loop3A_1511, %parallel_loop3A_1512] {strides = array<i32>} : memref<32x128xf32, #tpu.memory_space<vmem>>, vector<1x16xf32>,
        %parallel_loop3A_1514 = vector.shape_cast %parallel_loop3A_1513 : vector<1x16xf32> to vector<16xf32>
        %parallel_loop3A_1515 = arith.index_cast %parallel_loop3A_1298 : i32 to index
        %parallel_loop3A_1516 = arith.constant 80 : index
        %parallel_loop3A_1517 = tpu.vector_load %arg21[%parallel_loop3A_1515, %parallel_loop3A_1516] {strides = array<i32>} : memref<32x128xf32, #tpu.memory_space<vmem>>, vector<1x16xf32>,
        %parallel_loop3A_1518 = vector.shape_cast %parallel_loop3A_1517 : vector<1x16xf32> to vector<16xf32>
        %parallel_loop3A_1519 = arith.index_cast %parallel_loop3A_1298 : i32 to index
        %parallel_loop3A_1520 = arith.constant 32 : index
        %parallel_loop3A_1521 = tpu.vector_load %arg23[%parallel_loop3A_1519, %parallel_loop3A_1520] {strides = array<i32>} : memref<32x256xi32, #tpu.memory_space<vmem>>, vector<1x16xi32>,
        %parallel_loop3A_1522 = vector.shape_cast %parallel_loop3A_1521 : vector<1x16xi32> to vector<16xi32>
        %parallel_loop3A_1523 = arith.constant 16 : i32
        %parallel_loop3A_1524 = vector.broadcast %parallel_loop3A_1523 : i32 to vector<16xi32>
        %parallel_loop3A_1525 = arith.shli %parallel_loop3A_1522, %parallel_loop3A_1524 : vector<16xi32>
        %parallel_loop3A_1526 = tpu.bitcast %parallel_loop3A_1525 : vector<16xi32> -> vector<16xf32>
        %parallel_loop3A_1527 = arith.constant -65536 : i32
        %parallel_loop3A_1528 = vector.broadcast %parallel_loop3A_1527 : i32 to vector<16xi32>
        %parallel_loop3A_1529 = arith.andi %parallel_loop3A_1522, %parallel_loop3A_1528 : vector<16xi32>
        %parallel_loop3A_1530 = tpu.bitcast %parallel_loop3A_1529 : vector<16xi32> -> vector<16xf32>
        %parallel_loop3A_1531 = vector.shape_cast %add3A_1056 : vector<16xi32> to vector<16x1xi32>
        %parallel_loop3A_1532 = vector.shape_cast %parallel_loop3A_1531 : vector<16x1xi32> to vector<16xi32>
        %parallel_loop3A_1533 = tpu.dynamic_gather %parallel_loop3A_1514[%parallel_loop3A_1532] in [0] : vector<16xf32>, vector<16xi32> -> vector<16xf32>
        %parallel_loop3A_1534 = vector.shape_cast %add3A_1056 : vector<16xi32> to vector<16x1xi32>
        %parallel_loop3A_1535 = vector.shape_cast %parallel_loop3A_1534 : vector<16x1xi32> to vector<16xi32>
        %parallel_loop3A_1536 = tpu.dynamic_gather %parallel_loop3A_1518[%parallel_loop3A_1535] in [0] : vector<16xf32>, vector<16xi32> -> vector<16xf32>
        %parallel_loop3A_1537 = arith.mulf %parallel_loop3A_1533, %parallel_loop3A_1526 : vector<16xf32>
        %parallel_loop3A_1538 = arith.addf %broadcast_in_dim3A_1, %parallel_loop3A_1537 : vector<16xf32>
        %parallel_loop3A_1539 = arith.mulf %parallel_loop3A_1536, %parallel_loop3A_1530 : vector<16xf32>
        %parallel_loop3A_1540 = arith.addf %broadcast_in_dim3A_1, %parallel_loop3A_1539 : vector<16xf32>
        %parallel_loop3A_1541 = arith.index_cast %parallel_loop3A_1298 : i32 to index
        %parallel_loop3A_1542 = arith.constant 96 : index
        %parallel_loop3A_1543 = tpu.vector_load %arg23[%parallel_loop3A_1541, %parallel_loop3A_1542] {strides = array<i32>} : memref<32x256xi32, #tpu.memory_space<vmem>>, vector<1x16xi32>,
        %parallel_loop3A_1544 = vector.shape_cast %parallel_loop3A_1543 : vector<1x16xi32> to vector<16xi32>
        %parallel_loop3A_1545 = arith.constant 16 : i32
        %parallel_loop3A_1546 = vector.broadcast %parallel_loop3A_1545 : i32 to vector<16xi32>
        %parallel_loop3A_1547 = arith.shli %parallel_loop3A_1544, %parallel_loop3A_1546 : vector<16xi32>
        %parallel_loop3A_1548 = tpu.bitcast %parallel_loop3A_1547 : vector<16xi32> -> vector<16xf32>
        %parallel_loop3A_1549 = arith.constant -65536 : i32
        %parallel_loop3A_1550 = vector.broadcast %parallel_loop3A_1549 : i32 to vector<16xi32>
        %parallel_loop3A_1551 = arith.andi %parallel_loop3A_1544, %parallel_loop3A_1550 : vector<16xi32>
        %parallel_loop3A_1552 = tpu.bitcast %parallel_loop3A_1551 : vector<16xi32> -> vector<16xf32>
        %parallel_loop3A_1553 = vector.shape_cast %add3A_1059 : vector<16xi32> to vector<16x1xi32>
        %parallel_loop3A_1554 = vector.shape_cast %parallel_loop3A_1553 : vector<16x1xi32> to vector<16xi32>
        %parallel_loop3A_1555 = tpu.dynamic_gather %parallel_loop3A_1514[%parallel_loop3A_1554] in [0] : vector<16xf32>, vector<16xi32> -> vector<16xf32>
        %parallel_loop3A_1556 = vector.shape_cast %add3A_1059 : vector<16xi32> to vector<16x1xi32>
        %parallel_loop3A_1557 = vector.shape_cast %parallel_loop3A_1556 : vector<16x1xi32> to vector<16xi32>
        %parallel_loop3A_1558 = tpu.dynamic_gather %parallel_loop3A_1518[%parallel_loop3A_1557] in [0] : vector<16xf32>, vector<16xi32> -> vector<16xf32>
        %parallel_loop3A_1559 = arith.mulf %parallel_loop3A_1555, %parallel_loop3A_1548 : vector<16xf32>
        %parallel_loop3A_1560 = arith.addf %parallel_loop3A_1538, %parallel_loop3A_1559 : vector<16xf32>
        %parallel_loop3A_1561 = arith.mulf %parallel_loop3A_1558, %parallel_loop3A_1552 : vector<16xf32>
        %parallel_loop3A_1562 = arith.addf %parallel_loop3A_1540, %parallel_loop3A_1561 : vector<16xf32>
        %parallel_loop3A_1563 = arith.index_cast %parallel_loop3A_1298 : i32 to index
        %parallel_loop3A_1564 = arith.constant 160 : index
        %parallel_loop3A_1565 = tpu.vector_load %arg23[%parallel_loop3A_1563, %parallel_loop3A_1564] {strides = array<i32>} : memref<32x256xi32, #tpu.memory_space<vmem>>, vector<1x16xi32>,
        %parallel_loop3A_1566 = vector.shape_cast %parallel_loop3A_1565 : vector<1x16xi32> to vector<16xi32>
        %parallel_loop3A_1567 = arith.constant 16 : i32
        %parallel_loop3A_1568 = vector.broadcast %parallel_loop3A_1567 : i32 to vector<16xi32>
        %parallel_loop3A_1569 = arith.shli %parallel_loop3A_1566, %parallel_loop3A_1568 : vector<16xi32>
        %parallel_loop3A_1570 = tpu.bitcast %parallel_loop3A_1569 : vector<16xi32> -> vector<16xf32>
        %parallel_loop3A_1571 = arith.constant -65536 : i32
        %parallel_loop3A_1572 = vector.broadcast %parallel_loop3A_1571 : i32 to vector<16xi32>
        %parallel_loop3A_1573 = arith.andi %parallel_loop3A_1566, %parallel_loop3A_1572 : vector<16xi32>
        %parallel_loop3A_1574 = tpu.bitcast %parallel_loop3A_1573 : vector<16xi32> -> vector<16xf32>
        %parallel_loop3A_1575 = vector.shape_cast %add3A_1062 : vector<16xi32> to vector<16x1xi32>
        %parallel_loop3A_1576 = vector.shape_cast %parallel_loop3A_1575 : vector<16x1xi32> to vector<16xi32>
        %parallel_loop3A_1577 = tpu.dynamic_gather %parallel_loop3A_1514[%parallel_loop3A_1576] in [0] : vector<16xf32>, vector<16xi32> -> vector<16xf32>
        %parallel_loop3A_1578 = vector.shape_cast %add3A_1062 : vector<16xi32> to vector<16x1xi32>
        %parallel_loop3A_1579 = vector.shape_cast %parallel_loop3A_1578 : vector<16x1xi32> to vector<16xi32>
        %parallel_loop3A_1580 = tpu.dynamic_gather %parallel_loop3A_1518[%parallel_loop3A_1579] in [0] : vector<16xf32>, vector<16xi32> -> vector<16xf32>
        %parallel_loop3A_1581 = arith.mulf %parallel_loop3A_1577, %parallel_loop3A_1570 : vector<16xf32>
        %parallel_loop3A_1582 = arith.addf %parallel_loop3A_1560, %parallel_loop3A_1581 : vector<16xf32>
        %parallel_loop3A_1583 = arith.mulf %parallel_loop3A_1580, %parallel_loop3A_1574 : vector<16xf32>
        %parallel_loop3A_1584 = arith.addf %parallel_loop3A_1562, %parallel_loop3A_1583 : vector<16xf32>
        %parallel_loop3A_1585 = arith.index_cast %parallel_loop3A_1298 : i32 to index
        %parallel_loop3A_1586 = arith.constant 224 : index
        %parallel_loop3A_1587 = tpu.vector_load %arg23[%parallel_loop3A_1585, %parallel_loop3A_1586] {strides = array<i32>} : memref<32x256xi32, #tpu.memory_space<vmem>>, vector<1x16xi32>,
        %parallel_loop3A_1588 = vector.shape_cast %parallel_loop3A_1587 : vector<1x16xi32> to vector<16xi32>
        %parallel_loop3A_1589 = arith.constant 16 : i32
        %parallel_loop3A_1590 = vector.broadcast %parallel_loop3A_1589 : i32 to vector<16xi32>
        %parallel_loop3A_1591 = arith.shli %parallel_loop3A_1588, %parallel_loop3A_1590 : vector<16xi32>
        %parallel_loop3A_1592 = tpu.bitcast %parallel_loop3A_1591 : vector<16xi32> -> vector<16xf32>
        %parallel_loop3A_1593 = arith.constant -65536 : i32
        %parallel_loop3A_1594 = vector.broadcast %parallel_loop3A_1593 : i32 to vector<16xi32>
        %parallel_loop3A_1595 = arith.andi %parallel_loop3A_1588, %parallel_loop3A_1594 : vector<16xi32>
        %parallel_loop3A_1596 = tpu.bitcast %parallel_loop3A_1595 : vector<16xi32> -> vector<16xf32>
        %parallel_loop3A_1597 = vector.shape_cast %add3A_1065 : vector<16xi32> to vector<16x1xi32>
        %parallel_loop3A_1598 = vector.shape_cast %parallel_loop3A_1597 : vector<16x1xi32> to vector<16xi32>
        %parallel_loop3A_1599 = tpu.dynamic_gather %parallel_loop3A_1514[%parallel_loop3A_1598] in [0] : vector<16xf32>, vector<16xi32> -> vector<16xf32>
        %parallel_loop3A_1600 = vector.shape_cast %add3A_1065 : vector<16xi32> to vector<16x1xi32>
        %parallel_loop3A_1601 = vector.shape_cast %parallel_loop3A_1600 : vector<16x1xi32> to vector<16xi32>
        %parallel_loop3A_1602 = tpu.dynamic_gather %parallel_loop3A_1518[%parallel_loop3A_1601] in [0] : vector<16xf32>, vector<16xi32> -> vector<16xf32>
        %parallel_loop3A_1603 = arith.mulf %parallel_loop3A_1599, %parallel_loop3A_1592 : vector<16xf32>
        %parallel_loop3A_1604 = arith.addf %parallel_loop3A_1582, %parallel_loop3A_1603 : vector<16xf32>
        %parallel_loop3A_1605 = arith.mulf %parallel_loop3A_1602, %parallel_loop3A_1596 : vector<16xf32>
        %parallel_loop3A_1606 = arith.addf %parallel_loop3A_1584, %parallel_loop3A_1605 : vector<16xf32>
        %parallel_loop3A_1607 = arith.index_cast %parallel_loop3A_1298 : i32 to index
        %parallel_loop3A_1608 = arith.constant 64 : index
        %parallel_loop3A_1609 = tpu.vector_load %arg25[%parallel_loop3A_1607, %parallel_loop3A_1608] {strides = array<i32>} : memref<32x128xf32, #tpu.memory_space<vmem>>, vector<1x16xf32>,
        %parallel_loop3A_1610 = vector.shape_cast %parallel_loop3A_1609 : vector<1x16xf32> to vector<16xf32>
        %parallel_loop3A_1611 = vector.shape_cast %parallel_loop3A_1604 : vector<16xf32> to vector<1x16xf32>
        tpu.vector_store %arg25[%parallel_loop3A_1607, %parallel_loop3A_1608], %parallel_loop3A_1611 {strides = array<i32>} : memref<32x128xf32, #tpu.memory_space<vmem>>, vector<1x16xf32>,
        %parallel_loop3A_1612 = arith.index_cast %parallel_loop3A_1298 : i32 to index
        %parallel_loop3A_1613 = arith.constant 80 : index
        %parallel_loop3A_1614 = tpu.vector_load %arg25[%parallel_loop3A_1612, %parallel_loop3A_1613] {strides = array<i32>} : memref<32x128xf32, #tpu.memory_space<vmem>>, vector<1x16xf32>,
        %parallel_loop3A_1615 = vector.shape_cast %parallel_loop3A_1614 : vector<1x16xf32> to vector<16xf32>
        %parallel_loop3A_1616 = vector.shape_cast %parallel_loop3A_1606 : vector<16xf32> to vector<1x16xf32>
        tpu.vector_store %arg25[%parallel_loop3A_1612, %parallel_loop3A_1613], %parallel_loop3A_1616 {strides = array<i32>} : memref<32x128xf32, #tpu.memory_space<vmem>>, vector<1x16xf32>,
        %parallel_loop3A_1617 = arith.index_cast %parallel_loop3A_1298 : i32 to index
        %parallel_loop3A_1618 = arith.constant 96 : index
        %parallel_loop3A_1619 = tpu.vector_load %arg21[%parallel_loop3A_1617, %parallel_loop3A_1618] {strides = array<i32>} : memref<32x128xf32, #tpu.memory_space<vmem>>, vector<1x16xf32>,
        %parallel_loop3A_1620 = vector.shape_cast %parallel_loop3A_1619 : vector<1x16xf32> to vector<16xf32>
        %parallel_loop3A_1621 = arith.index_cast %parallel_loop3A_1298 : i32 to index
        %parallel_loop3A_1622 = arith.constant 112 : index
        %parallel_loop3A_1623 = tpu.vector_load %arg21[%parallel_loop3A_1621, %parallel_loop3A_1622] {strides = array<i32>} : memref<32x128xf32, #tpu.memory_space<vmem>>, vector<1x16xf32>,
        %parallel_loop3A_1624 = vector.shape_cast %parallel_loop3A_1623 : vector<1x16xf32> to vector<16xf32>
        %parallel_loop3A_1625 = arith.index_cast %parallel_loop3A_1298 : i32 to index
        %parallel_loop3A_1626 = arith.constant 48 : index
        %parallel_loop3A_1627 = tpu.vector_load %arg23[%parallel_loop3A_1625, %parallel_loop3A_1626] {strides = array<i32>} : memref<32x256xi32, #tpu.memory_space<vmem>>, vector<1x16xi32>,
        %parallel_loop3A_1628 = vector.shape_cast %parallel_loop3A_1627 : vector<1x16xi32> to vector<16xi32>
        %parallel_loop3A_1629 = arith.constant 16 : i32
        %parallel_loop3A_1630 = vector.broadcast %parallel_loop3A_1629 : i32 to vector<16xi32>
        %parallel_loop3A_1631 = arith.shli %parallel_loop3A_1628, %parallel_loop3A_1630 : vector<16xi32>
        %parallel_loop3A_1632 = tpu.bitcast %parallel_loop3A_1631 : vector<16xi32> -> vector<16xf32>
        %parallel_loop3A_1633 = arith.constant -65536 : i32
        %parallel_loop3A_1634 = vector.broadcast %parallel_loop3A_1633 : i32 to vector<16xi32>
        %parallel_loop3A_1635 = arith.andi %parallel_loop3A_1628, %parallel_loop3A_1634 : vector<16xi32>
        %parallel_loop3A_1636 = tpu.bitcast %parallel_loop3A_1635 : vector<16xi32> -> vector<16xf32>
        %parallel_loop3A_1637 = vector.shape_cast %add3A_1056 : vector<16xi32> to vector<16x1xi32>
        %parallel_loop3A_1638 = vector.shape_cast %parallel_loop3A_1637 : vector<16x1xi32> to vector<16xi32>
        %parallel_loop3A_1639 = tpu.dynamic_gather %parallel_loop3A_1620[%parallel_loop3A_1638] in [0] : vector<16xf32>, vector<16xi32> -> vector<16xf32>
        %parallel_loop3A_1640 = vector.shape_cast %add3A_1056 : vector<16xi32> to vector<16x1xi32>
        %parallel_loop3A_1641 = vector.shape_cast %parallel_loop3A_1640 : vector<16x1xi32> to vector<16xi32>
        %parallel_loop3A_1642 = tpu.dynamic_gather %parallel_loop3A_1624[%parallel_loop3A_1641] in [0] : vector<16xf32>, vector<16xi32> -> vector<16xf32>
        %parallel_loop3A_1643 = arith.mulf %parallel_loop3A_1639, %parallel_loop3A_1632 : vector<16xf32>
        %parallel_loop3A_1644 = arith.addf %broadcast_in_dim3A_1, %parallel_loop3A_1643 : vector<16xf32>
        %parallel_loop3A_1645 = arith.mulf %parallel_loop3A_1642, %parallel_loop3A_1636 : vector<16xf32>
        %parallel_loop3A_1646 = arith.addf %broadcast_in_dim3A_1, %parallel_loop3A_1645 : vector<16xf32>
        %parallel_loop3A_1647 = arith.index_cast %parallel_loop3A_1298 : i32 to index
        %parallel_loop3A_1648 = arith.constant 112 : index
        %parallel_loop3A_1649 = tpu.vector_load %arg23[%parallel_loop3A_1647, %parallel_loop3A_1648] {strides = array<i32>} : memref<32x256xi32, #tpu.memory_space<vmem>>, vector<1x16xi32>,
        %parallel_loop3A_1650 = vector.shape_cast %parallel_loop3A_1649 : vector<1x16xi32> to vector<16xi32>
        %parallel_loop3A_1651 = arith.constant 16 : i32
        %parallel_loop3A_1652 = vector.broadcast %parallel_loop3A_1651 : i32 to vector<16xi32>
        %parallel_loop3A_1653 = arith.shli %parallel_loop3A_1650, %parallel_loop3A_1652 : vector<16xi32>
        %parallel_loop3A_1654 = tpu.bitcast %parallel_loop3A_1653 : vector<16xi32> -> vector<16xf32>
        %parallel_loop3A_1655 = arith.constant -65536 : i32
        %parallel_loop3A_1656 = vector.broadcast %parallel_loop3A_1655 : i32 to vector<16xi32>
        %parallel_loop3A_1657 = arith.andi %parallel_loop3A_1650, %parallel_loop3A_1656 : vector<16xi32>
        %parallel_loop3A_1658 = tpu.bitcast %parallel_loop3A_1657 : vector<16xi32> -> vector<16xf32>
        %parallel_loop3A_1659 = vector.shape_cast %add3A_1059 : vector<16xi32> to vector<16x1xi32>
        %parallel_loop3A_1660 = vector.shape_cast %parallel_loop3A_1659 : vector<16x1xi32> to vector<16xi32>
        %parallel_loop3A_1661 = tpu.dynamic_gather %parallel_loop3A_1620[%parallel_loop3A_1660] in [0] : vector<16xf32>, vector<16xi32> -> vector<16xf32>
        %parallel_loop3A_1662 = vector.shape_cast %add3A_1059 : vector<16xi32> to vector<16x1xi32>
        %parallel_loop3A_1663 = vector.shape_cast %parallel_loop3A_1662 : vector<16x1xi32> to vector<16xi32>
        %parallel_loop3A_1664 = tpu.dynamic_gather %parallel_loop3A_1624[%parallel_loop3A_1663] in [0] : vector<16xf32>, vector<16xi32> -> vector<16xf32>
        %parallel_loop3A_1665 = arith.mulf %parallel_loop3A_1661, %parallel_loop3A_1654 : vector<16xf32>
        %parallel_loop3A_1666 = arith.addf %parallel_loop3A_1644, %parallel_loop3A_1665 : vector<16xf32>
        %parallel_loop3A_1667 = arith.mulf %parallel_loop3A_1664, %parallel_loop3A_1658 : vector<16xf32>
        %parallel_loop3A_1668 = arith.addf %parallel_loop3A_1646, %parallel_loop3A_1667 : vector<16xf32>
        %parallel_loop3A_1669 = arith.index_cast %parallel_loop3A_1298 : i32 to index
        %parallel_loop3A_1670 = arith.constant 176 : index
        %parallel_loop3A_1671 = tpu.vector_load %arg23[%parallel_loop3A_1669, %parallel_loop3A_1670] {strides = array<i32>} : memref<32x256xi32, #tpu.memory_space<vmem>>, vector<1x16xi32>,
        %parallel_loop3A_1672 = vector.shape_cast %parallel_loop3A_1671 : vector<1x16xi32> to vector<16xi32>
        %parallel_loop3A_1673 = arith.constant 16 : i32
        %parallel_loop3A_1674 = vector.broadcast %parallel_loop3A_1673 : i32 to vector<16xi32>
        %parallel_loop3A_1675 = arith.shli %parallel_loop3A_1672, %parallel_loop3A_1674 : vector<16xi32>
        %parallel_loop3A_1676 = tpu.bitcast %parallel_loop3A_1675 : vector<16xi32> -> vector<16xf32>
        %parallel_loop3A_1677 = arith.constant -65536 : i32
        %parallel_loop3A_1678 = vector.broadcast %parallel_loop3A_1677 : i32 to vector<16xi32>
        %parallel_loop3A_1679 = arith.andi %parallel_loop3A_1672, %parallel_loop3A_1678 : vector<16xi32>
        %parallel_loop3A_1680 = tpu.bitcast %parallel_loop3A_1679 : vector<16xi32> -> vector<16xf32>
        %parallel_loop3A_1681 = vector.shape_cast %add3A_1062 : vector<16xi32> to vector<16x1xi32>
        %parallel_loop3A_1682 = vector.shape_cast %parallel_loop3A_1681 : vector<16x1xi32> to vector<16xi32>
        %parallel_loop3A_1683 = tpu.dynamic_gather %parallel_loop3A_1620[%parallel_loop3A_1682] in [0] : vector<16xf32>, vector<16xi32> -> vector<16xf32>
        %parallel_loop3A_1684 = vector.shape_cast %add3A_1062 : vector<16xi32> to vector<16x1xi32>
        %parallel_loop3A_1685 = vector.shape_cast %parallel_loop3A_1684 : vector<16x1xi32> to vector<16xi32>
        %parallel_loop3A_1686 = tpu.dynamic_gather %parallel_loop3A_1624[%parallel_loop3A_1685] in [0] : vector<16xf32>, vector<16xi32> -> vector<16xf32>
        %parallel_loop3A_1687 = arith.mulf %parallel_loop3A_1683, %parallel_loop3A_1676 : vector<16xf32>
        %parallel_loop3A_1688 = arith.addf %parallel_loop3A_1666, %parallel_loop3A_1687 : vector<16xf32>
        %parallel_loop3A_1689 = arith.mulf %parallel_loop3A_1686, %parallel_loop3A_1680 : vector<16xf32>
        %parallel_loop3A_1690 = arith.addf %parallel_loop3A_1668, %parallel_loop3A_1689 : vector<16xf32>
        %parallel_loop3A_1691 = arith.index_cast %parallel_loop3A_1298 : i32 to index
        %parallel_loop3A_1692 = arith.constant 240 : index
        %parallel_loop3A_1693 = tpu.vector_load %arg23[%parallel_loop3A_1691, %parallel_loop3A_1692] {strides = array<i32>} : memref<32x256xi32, #tpu.memory_space<vmem>>, vector<1x16xi32>,
        %parallel_loop3A_1694 = vector.shape_cast %parallel_loop3A_1693 : vector<1x16xi32> to vector<16xi32>
        %parallel_loop3A_1695 = arith.constant 16 : i32
        %parallel_loop3A_1696 = vector.broadcast %parallel_loop3A_1695 : i32 to vector<16xi32>
        %parallel_loop3A_1697 = arith.shli %parallel_loop3A_1694, %parallel_loop3A_1696 : vector<16xi32>
        %parallel_loop3A_1698 = tpu.bitcast %parallel_loop3A_1697 : vector<16xi32> -> vector<16xf32>
        %parallel_loop3A_1699 = arith.constant -65536 : i32
        %parallel_loop3A_1700 = vector.broadcast %parallel_loop3A_1699 : i32 to vector<16xi32>
        %parallel_loop3A_1701 = arith.andi %parallel_loop3A_1694, %parallel_loop3A_1700 : vector<16xi32>
        %parallel_loop3A_1702 = tpu.bitcast %parallel_loop3A_1701 : vector<16xi32> -> vector<16xf32>
        %parallel_loop3A_1703 = vector.shape_cast %add3A_1065 : vector<16xi32> to vector<16x1xi32>
        %parallel_loop3A_1704 = vector.shape_cast %parallel_loop3A_1703 : vector<16x1xi32> to vector<16xi32>
        %parallel_loop3A_1705 = tpu.dynamic_gather %parallel_loop3A_1620[%parallel_loop3A_1704] in [0] : vector<16xf32>, vector<16xi32> -> vector<16xf32>
        %parallel_loop3A_1706 = vector.shape_cast %add3A_1065 : vector<16xi32> to vector<16x1xi32>
        %parallel_loop3A_1707 = vector.shape_cast %parallel_loop3A_1706 : vector<16x1xi32> to vector<16xi32>
        %parallel_loop3A_1708 = tpu.dynamic_gather %parallel_loop3A_1624[%parallel_loop3A_1707] in [0] : vector<16xf32>, vector<16xi32> -> vector<16xf32>
        %parallel_loop3A_1709 = arith.mulf %parallel_loop3A_1705, %parallel_loop3A_1698 : vector<16xf32>
        %parallel_loop3A_1710 = arith.addf %parallel_loop3A_1688, %parallel_loop3A_1709 : vector<16xf32>
        %parallel_loop3A_1711 = arith.mulf %parallel_loop3A_1708, %parallel_loop3A_1702 : vector<16xf32>
        %parallel_loop3A_1712 = arith.addf %parallel_loop3A_1690, %parallel_loop3A_1711 : vector<16xf32>
        %parallel_loop3A_1713 = arith.index_cast %parallel_loop3A_1298 : i32 to index
        %parallel_loop3A_1714 = arith.constant 96 : index
        %parallel_loop3A_1715 = tpu.vector_load %arg25[%parallel_loop3A_1713, %parallel_loop3A_1714] {strides = array<i32>} : memref<32x128xf32, #tpu.memory_space<vmem>>, vector<1x16xf32>,
        %parallel_loop3A_1716 = vector.shape_cast %parallel_loop3A_1715 : vector<1x16xf32> to vector<16xf32>
        %parallel_loop3A_1717 = vector.shape_cast %parallel_loop3A_1710 : vector<16xf32> to vector<1x16xf32>
        tpu.vector_store %arg25[%parallel_loop3A_1713, %parallel_loop3A_1714], %parallel_loop3A_1717 {strides = array<i32>} : memref<32x128xf32, #tpu.memory_space<vmem>>, vector<1x16xf32>,
        %parallel_loop3A_1718 = arith.index_cast %parallel_loop3A_1298 : i32 to index
        %parallel_loop3A_1719 = arith.constant 112 : index
        %parallel_loop3A_1720 = tpu.vector_load %arg25[%parallel_loop3A_1718, %parallel_loop3A_1719] {strides = array<i32>} : memref<32x128xf32, #tpu.memory_space<vmem>>, vector<1x16xf32>,
        %parallel_loop3A_1721 = vector.shape_cast %parallel_loop3A_1720 : vector<1x16xf32> to vector<16xf32>
        %parallel_loop3A_1722 = vector.shape_cast %parallel_loop3A_1712 : vector<16xf32> to vector<1x16xf32>
        tpu.vector_store %arg25[%parallel_loop3A_1718, %parallel_loop3A_1719], %parallel_loop3A_1722 {strides = array<i32>} : memref<32x128xf32, #tpu.memory_space<vmem>>, vector<1x16xf32>,
      } {sc.loop_unroll_factor = 4 : i64, sc.parallel_access}
      %lt3A_1196 = arith.constant 156 : i32
      %lt3A_1197 = arith.cmpi slt, %add3A_1130, %lt3A_1196 : i32
      %convert_element_type3A_1198 = arith.extui %lt3A_1197 : i1 to i32
      %cond3A_1199 = arith.constant 0 : i32
      %cond3A_1200 = arith.cmpi ne, %convert_element_type3A_1198, %cond3A_1199 : i32
      scf.if %cond3A_1200 {
        %add3A_1298 = arith.constant 2 : i32
        %add3A_1299 = arith.addi %add3A_1130, %add3A_1298 : i32
        %mul3A_1300 = arith.constant 32 : i32
        %mul3A_1301 = arith.muli %add3A_1299, %mul3A_1300 : i32
        %add3A_1302 = arith.addi %multiple_of3A_1068, %mul3A_1301 : i32
        %multiple_of3A_1303 = tpu.assume_multiple %add3A_1302, 8 : i32
        %dma_start3A_1304 = tpu.memref_slice %arg4[%multiple_of3A_1303] : memref<161792xi32, #tpu.memory_space<hbm>> -> memref<32xi32, #tpu.memory_space<hbm>>
        %dma_start3A_1305 = tpu.memref_slice %arg4[%multiple_of3A_1303] : memref<161792xi32, #tpu.memory_space<hbm>> -> memref<32xi32, #tpu.memory_space<hbm>>
        tpu.enqueue_dma source(%dma_start3A_1305 : memref<32xi32, #tpu.memory_space<hbm>>) target(%arg9 : memref<32xi32, #tpu.memory_space<vmem>>) target_semaphore(%arg32 : memref<!tpu.dma_semaphore, #tpu.memory_space<semaphore_mem>>)
        %dma_start3A_1306 = tpu.memref_slice %arg5[%multiple_of3A_1303] : memref<161792xi32, #tpu.memory_space<hbm>> -> memref<32xi32, #tpu.memory_space<hbm>>
        %dma_start3A_1307 = tpu.memref_slice %arg5[%multiple_of3A_1303] : memref<161792xi32, #tpu.memory_space<hbm>> -> memref<32xi32, #tpu.memory_space<hbm>>
        tpu.enqueue_dma source(%dma_start3A_1307 : memref<32xi32, #tpu.memory_space<hbm>>) target(%arg11 : memref<32xi32, #tpu.memory_space<vmem>>) target_semaphore(%arg32 : memref<!tpu.dma_semaphore, #tpu.memory_space<semaphore_mem>>)
        %dma_start3A_1308 = tpu.memref_slice %arg6[%multiple_of3A_1303] : memref<161792xi32, #tpu.memory_space<hbm>> -> memref<32xi32, #tpu.memory_space<hbm>>
        %dma_start3A_1309 = tpu.memref_slice %arg6[%multiple_of3A_1303] : memref<161792xi32, #tpu.memory_space<hbm>> -> memref<32xi32, #tpu.memory_space<hbm>>
        tpu.enqueue_dma source(%dma_start3A_1309 : memref<32xi32, #tpu.memory_space<hbm>>) target(%arg13 : memref<32xi32, #tpu.memory_space<vmem>>) target_semaphore(%arg32 : memref<!tpu.dma_semaphore, #tpu.memory_space<semaphore_mem>>)
      } else {
      }
      %dma_wait3A_1201 = arith.constant 0 : i32
      %dma_wait3A_1202 = arith.constant 0 : i32
      %dma_wait3A_1203 = tpu.memref_slice %arg31[%dma_wait3A_1201, %dma_wait3A_1202] : memref<128x128xf32, #tpu.memory_space<vmem_shared>> -> memref<128x128xf32, #tpu.memory_space<vmem_shared>>
      tpu.wait_indirect_dma semaphore(%arg38 : memref<!tpu.dma_semaphore, #tpu.memory_space<semaphore_mem>>) src(%dma_wait3A_1203 : memref<128x128xf32, #tpu.memory_space<vmem_shared>>) dst(%arg27 : memref<32x128xf32, #tpu.memory_space<vmem>>)
      %dma_start3A_1204 = arith.constant 0 : i32
      %dma_start3A_1205 = arith.constant 0 : i32
      %dma_start3A_1206 = tpu.memref_slice %arg29[%dma_start3A_1204, %dma_start3A_1205] : memref<10240x128xf32, #tpu.memory_space<vmem_shared>> -> memref<10240x128xf32, #tpu.memory_space<vmem_shared>>
      tpu.enqueue_indirect_dma source(%arg25 : memref<32x128xf32, #tpu.memory_space<vmem>>) target(%dma_start3A_1206 : memref<10240x128xf32, #tpu.memory_space<vmem_shared>>) offsets(%arg15 : memref<32xi32, #tpu.memory_space<vmem>>) semaphore(%arg36 : memref<!tpu.dma_semaphore, #tpu.memory_space<semaphore_mem>>) {add = true}
      %dma_start3A_1207 = arith.constant 0 : i32
      %dma_start3A_1208 = arith.constant 0 : i32
      %dma_start3A_1209 = tpu.memref_slice %arg30[%dma_start3A_1207, %dma_start3A_1208] : memref<80x128xf32, #tpu.memory_space<vmem_shared>> -> memref<80x128xf32, #tpu.memory_space<vmem_shared>>
      tpu.enqueue_indirect_dma source(%arg27 : memref<32x128xf32, #tpu.memory_space<vmem>>) target(%dma_start3A_1209 : memref<80x128xf32, #tpu.memory_space<vmem_shared>>) offsets(%arg17 : memref<32xi32, #tpu.memory_space<vmem>>) semaphore(%arg36 : memref<!tpu.dma_semaphore, #tpu.memory_space<semaphore_mem>>) {add = true}
      %mul3A_1210 = arith.constant 2 : i32
      %mul3A_1211 = arith.muli %scan3A_1126, %mul3A_1210 : i32
      %add3A_1212 = arith.constant 1 : i32
      %add3A_1213 = arith.addi %mul3A_1211, %add3A_1212 : i32
      %ge3A_1214 = arith.constant 2 : i32
      %ge3A_1215 = arith.cmpi sge, %add3A_1213, %ge3A_1214 : i32
      %convert_element_type3A_1216 = arith.extui %ge3A_1215 : i1 to i32
      %cond3A_1217 = arith.constant 0 : i32
      %cond3A_1218 = arith.cmpi ne, %convert_element_type3A_1216, %cond3A_1217 : i32
      scf.if %cond3A_1218 {
        %dma_wait3A_1298 = arith.constant 0 : i32
        %dma_wait3A_1299 = arith.constant 0 : i32
        %dma_wait3A_1300 = tpu.memref_slice %arg29[%dma_wait3A_1298, %dma_wait3A_1299] : memref<10240x128xf32, #tpu.memory_space<vmem_shared>> -> memref<10240x128xf32, #tpu.memory_space<vmem_shared>>
        tpu.wait_indirect_dma semaphore(%arg37 : memref<!tpu.dma_semaphore, #tpu.memory_space<semaphore_mem>>) src(%arg26 : memref<32x128xf32, #tpu.memory_space<vmem>>) dst(%dma_wait3A_1300 : memref<10240x128xf32, #tpu.memory_space<vmem_shared>>)
        %dma_wait3A_1301 = arith.constant 0 : i32
        %dma_wait3A_1302 = arith.constant 0 : i32
        %dma_wait3A_1303 = tpu.memref_slice %arg30[%dma_wait3A_1301, %dma_wait3A_1302] : memref<80x128xf32, #tpu.memory_space<vmem_shared>> -> memref<80x128xf32, #tpu.memory_space<vmem_shared>>
        tpu.wait_indirect_dma semaphore(%arg37 : memref<!tpu.dma_semaphore, #tpu.memory_space<semaphore_mem>>) src(%arg28 : memref<32x128xf32, #tpu.memory_space<vmem>>) dst(%dma_wait3A_1303 : memref<80x128xf32, #tpu.memory_space<vmem_shared>>)
      } else {
      }
      %get3A_1219 = arith.constant 0 : index
      %get3A_1220 = tpu.vector_load %arg14[%get3A_1219] {strides = array<i32>} : memref<32xi32, #tpu.memory_space<vmem>>, vector<16xi32>,
      %get3A_1221 = vector.shape_cast %get3A_1220 : vector<16xi32> to vector<16xi32>
      %and3A_1222 = arith.constant 127 : i32
      %and3A_1223 = vector.broadcast %and3A_1222 : i32 to vector<16xi32>
      %and3A_1224 = arith.andi %get3A_1221, %and3A_1223 : vector<16xi32>
      %swap3A_1225 = arith.constant 0 : index
      %swap3A_1226 = tpu.vector_load %arg20[%swap3A_1225] {strides = array<i32>} : memref<32xi32, #tpu.memory_space<vmem>>, vector<16xi32>,
      %swap3A_1227 = vector.shape_cast %swap3A_1226 : vector<16xi32> to vector<16xi32>
      %swap3A_1228 = vector.shape_cast %and3A_1224 : vector<16xi32> to vector<16xi32>
      tpu.vector_store %arg20[%swap3A_1225], %swap3A_1228 {strides = array<i32>} : memref<32xi32, #tpu.memory_space<vmem>>, vector<16xi32>,
      %get3A_1229 = arith.constant 16 : index
      %get3A_1230 = tpu.vector_load %arg14[%get3A_1229] {strides = array<i32>} : memref<32xi32, #tpu.memory_space<vmem>>, vector<16xi32>,
      %get3A_1231 = vector.shape_cast %get3A_1230 : vector<16xi32> to vector<16xi32>
      %and3A_1232 = arith.constant 127 : i32
      %and3A_1233 = vector.broadcast %and3A_1232 : i32 to vector<16xi32>
      %and3A_1234 = arith.andi %get3A_1231, %and3A_1233 : vector<16xi32>
      %swap3A_1235 = arith.constant 16 : index
      %swap3A_1236 = tpu.vector_load %arg20[%swap3A_1235] {strides = array<i32>} : memref<32xi32, #tpu.memory_space<vmem>>, vector<16xi32>,
      %swap3A_1237 = vector.shape_cast %swap3A_1236 : vector<16xi32> to vector<16xi32>
      %swap3A_1238 = vector.shape_cast %and3A_1234 : vector<16xi32> to vector<16xi32>
      tpu.vector_store %arg20[%swap3A_1235], %swap3A_1238 {strides = array<i32>} : memref<32xi32, #tpu.memory_space<vmem>>, vector<16xi32>,
      %dma_start3A_1239 = arith.constant 0 : i32
      %dma_start3A_1240 = arith.constant 0 : i32
      %dma_start3A_1241 = tpu.memref_slice %arg31[%dma_start3A_1239, %dma_start3A_1240] : memref<128x128xf32, #tpu.memory_space<vmem_shared>> -> memref<128x128xf32, #tpu.memory_space<vmem_shared>>
      tpu.enqueue_indirect_dma source(%dma_start3A_1241 : memref<128x128xf32, #tpu.memory_space<vmem_shared>>) target(%arg28 : memref<32x128xf32, #tpu.memory_space<vmem>>) offsets(%arg20 : memref<32xi32, #tpu.memory_space<vmem>>) semaphore(%arg39 : memref<!tpu.dma_semaphore, #tpu.memory_space<semaphore_mem>>)
      %lt3A_1242 = arith.constant 157 : i32
      %lt3A_1243 = arith.cmpi slt, %add3A_1213, %lt3A_1242 : i32
      %convert_element_type3A_1244 = arith.extui %lt3A_1243 : i1 to i32
      %cond3A_1245 = arith.constant 0 : i32
      %cond3A_1246 = arith.cmpi ne, %convert_element_type3A_1244, %cond3A_1245 : i32
      scf.if %cond3A_1246 {
        %dma_wait3A_1298 = arith.constant 0 : i32
        %dma_wait3A_1299 = tpu.memref_slice %arg4[%dma_wait3A_1298] : memref<161792xi32, #tpu.memory_space<hbm>> -> memref<32xi32, #tpu.memory_space<hbm>>
        %dma_wait3A_1300 = arith.constant 0 : i32
        %dma_wait3A_1301 = tpu.memref_slice %arg4[%dma_wait3A_1300] : memref<161792xi32, #tpu.memory_space<hbm>> -> memref<32xi32, #tpu.memory_space<hbm>>
        tpu.wait_dma2 semaphore(%arg32 : memref<!tpu.dma_semaphore, #tpu.memory_space<semaphore_mem>>) src(%dma_wait3A_1301 : memref<32xi32, #tpu.memory_space<hbm>>) dst(%arg9 : memref<32xi32, #tpu.memory_space<vmem>>)
        %dma_wait3A_1302 = arith.constant 0 : i32
        %dma_wait3A_1303 = tpu.memref_slice %arg4[%dma_wait3A_1302] : memref<161792xi32, #tpu.memory_space<hbm>> -> memref<32xi32, #tpu.memory_space<hbm>>
        %dma_wait3A_1304 = arith.constant 0 : i32
        %dma_wait3A_1305 = tpu.memref_slice %arg4[%dma_wait3A_1304] : memref<161792xi32, #tpu.memory_space<hbm>> -> memref<32xi32, #tpu.memory_space<hbm>>
        tpu.wait_dma2 semaphore(%arg32 : memref<!tpu.dma_semaphore, #tpu.memory_space<semaphore_mem>>) src(%dma_wait3A_1305 : memref<32xi32, #tpu.memory_space<hbm>>) dst(%arg11 : memref<32xi32, #tpu.memory_space<vmem>>)
        %dma_wait3A_1306 = arith.constant 0 : i32
        %dma_wait3A_1307 = tpu.memref_slice %arg4[%dma_wait3A_1306] : memref<161792xi32, #tpu.memory_space<hbm>> -> memref<32xi32, #tpu.memory_space<hbm>>
        %dma_wait3A_1308 = arith.constant 0 : i32
        %dma_wait3A_1309 = tpu.memref_slice %arg4[%dma_wait3A_1308] : memref<161792xi32, #tpu.memory_space<hbm>> -> memref<32xi32, #tpu.memory_space<hbm>>
        tpu.wait_dma2 semaphore(%arg32 : memref<!tpu.dma_semaphore, #tpu.memory_space<semaphore_mem>>) src(%dma_wait3A_1309 : memref<32xi32, #tpu.memory_space<hbm>>) dst(%arg13 : memref<32xi32, #tpu.memory_space<vmem>>)
        %dma_start3A_1310 = arith.constant 0 : i32
        %dma_start3A_1311 = arith.constant 0 : i32
        %dma_start3A_1312 = tpu.memref_slice %arg2[%dma_start3A_1310, %dma_start3A_1311] : memref<10000x128xf32, #tpu.memory_space<hbm>> -> memref<10000x128xf32, #tpu.memory_space<hbm>>
        tpu.enqueue_indirect_dma source(%dma_start3A_1312 : memref<10000x128xf32, #tpu.memory_space<hbm>>) target(%arg21 : memref<32x128xf32, #tpu.memory_space<vmem>>) offsets(%arg9 : memref<32xi32, #tpu.memory_space<vmem>>) semaphore(%arg34 : memref<!tpu.dma_semaphore, #tpu.memory_space<semaphore_mem>>)
        %dma_start3A_1313 = arith.constant 0 : i32
        %dma_start3A_1314 = arith.constant 0 : i32
        %dma_start3A_1315 = tpu.memref_slice %arg3[%dma_start3A_1313, %dma_start3A_1314] : memref<10000x256xi32, #tpu.memory_space<hbm>> -> memref<10000x256xi32, #tpu.memory_space<hbm>>
        tpu.enqueue_indirect_dma source(%dma_start3A_1315 : memref<10000x256xi32, #tpu.memory_space<hbm>>) target(%arg23 : memref<32x256xi32, #tpu.memory_space<vmem>>) offsets(%arg11 : memref<32xi32, #tpu.memory_space<vmem>>) semaphore(%arg34 : memref<!tpu.dma_semaphore, #tpu.memory_space<semaphore_mem>>)
      } else {
      }
      %dma_wait3A_1247 = arith.constant 0 : i32
      %dma_wait3A_1248 = arith.constant 0 : i32
      %dma_wait3A_1249 = tpu.memref_slice %arg2[%dma_wait3A_1247, %dma_wait3A_1248] : memref<10000x128xf32, #tpu.memory_space<hbm>> -> memref<10000x128xf32, #tpu.memory_space<hbm>>
      tpu.wait_indirect_dma semaphore(%arg35 : memref<!tpu.dma_semaphore, #tpu.memory_space<semaphore_mem>>) src(%dma_wait3A_1249 : memref<10000x128xf32, #tpu.memory_space<hbm>>) dst(%arg22 : memref<32x128xf32, #tpu.memory_space<vmem>>)
      %dma_wait3A_1250 = arith.constant 0 : i32
      %dma_wait3A_1251 = arith.constant 0 : i32
      %dma_wait3A_1252 = tpu.memref_slice %arg3[%dma_wait3A_1250, %dma_wait3A_1251] : memref<10000x256xi32, #tpu.memory_space<hbm>> -> memref<10000x256xi32, #tpu.memory_space<hbm>>
      tpu.wait_indirect_dma semaphore(%arg35 : memref<!tpu.dma_semaphore, #tpu.memory_space<semaphore_mem>>) src(%dma_wait3A_1252 : memref<10000x256xi32, #tpu.memory_space<hbm>>) dst(%arg24 : memref<32x256xi32, #tpu.memory_space<vmem>>)
      %get3A_1253 = arith.constant 0 : index
      %get3A_1254 = tpu.vector_load %arg14[%get3A_1253] {strides = array<i32>} : memref<32xi32, #tpu.memory_space<vmem>>, vector<16xi32>,
      %get3A_1255 = vector.shape_cast %get3A_1254 : vector<16xi32> to vector<16xi32>
      %swap3A_1256 = arith.constant 0 : index
      %swap3A_1257 = tpu.vector_load %arg16[%swap3A_1256] {strides = array<i32>} : memref<32xi32, #tpu.memory_space<vmem>>, vector<16xi32>,
      %swap3A_1258 = vector.shape_cast %swap3A_1257 : vector<16xi32> to vector<16xi32>
      %swap3A_1259 = vector.shape_cast %get3A_1255 : vector<16xi32> to vector<16xi32>
      tpu.vector_store %arg16[%swap3A_1256], %swap3A_1259 {strides = array<i32>} : memref<32xi32, #tpu.memory_space<vmem>>, vector<16xi32>,
      %shift_right_logical3A_1260 = arith.constant 7 : i32
      %shift_right_logical3A_1261 = vector.broadcast %shift_right_logical3A_1260 : i32 to vector<16xi32>
      %shift_right_logical3A_1262 = arith.shrui %get3A_1255, %shift_right_logical3A_1261 : vector<16xi32>
      %swap3A_1263 = arith.constant 0 : index
      %swap3A_1264 = tpu.vector_load %arg18[%swap3A_1263] {strides = array<i32>} : memref<32xi32, #tpu.memory_space<vmem>>, vector<16xi32>,
      %swap3A_1265 = vector.shape_cast %swap3A_1264 : vector<16xi32> to vector<16xi32>
      %swap3A_1266 = vector.shape_cast %shift_right_logical3A_1262 : vector<16xi32> to vector<16xi32>
      tpu.vector_store %arg18[%swap3A_1263], %swap3A_1266 {strides = array<i32>} : memref<32xi32, #tpu.memory_space<vmem>>, vector<16xi32>,
      %get3A_1267 = arith.constant 16 : index
      %get3A_1268 = tpu.vector_load %arg14[%get3A_1267] {strides = array<i32>} : memref<32xi32, #tpu.memory_space<vmem>>, vector<16xi32>,
      %get3A_1269 = vector.shape_cast %get3A_1268 : vector<16xi32> to vector<16xi32>
      %swap3A_1270 = arith.constant 16 : index
      %swap3A_1271 = tpu.vector_load %arg16[%swap3A_1270] {strides = array<i32>} : memref<32xi32, #tpu.memory_space<vmem>>, vector<16xi32>,
      %swap3A_1272 = vector.shape_cast %swap3A_1271 : vector<16xi32> to vector<16xi32>
      %swap3A_1273 = vector.shape_cast %get3A_1269 : vector<16xi32> to vector<16xi32>
      tpu.vector_store %arg16[%swap3A_1270], %swap3A_1273 {strides = array<i32>} : memref<32xi32, #tpu.memory_space<vmem>>, vector<16xi32>,
      %shift_right_logical3A_1274 = arith.constant 7 : i32
      %shift_right_logical3A_1275 = vector.broadcast %shift_right_logical3A_1274 : i32 to vector<16xi32>
      %shift_right_logical3A_1276 = arith.shrui %get3A_1269, %shift_right_logical3A_1275 : vector<16xi32>
      %swap3A_1277 = arith.constant 16 : index
      %swap3A_1278 = tpu.vector_load %arg18[%swap3A_1277] {strides = array<i32>} : memref<32xi32, #tpu.memory_space<vmem>>, vector<16xi32>,
      %swap3A_1279 = vector.shape_cast %swap3A_1278 : vector<16xi32> to vector<16xi32>
      %swap3A_1280 = vector.shape_cast %shift_right_logical3A_1276 : vector<16xi32> to vector<16xi32>
      tpu.vector_store %arg18[%swap3A_1277], %swap3A_1280 {strides = array<i32>} : memref<32xi32, #tpu.memory_space<vmem>>, vector<16xi32>,
      %parallel_loop3A_1281 = arith.constant 0 : i32
      %parallel_loop3A_1282 = arith.constant 32 : i32
      %parallel_loop3A_1283 = arith.constant 1 : i32
      scf.for %parallel_loop3A_1298 = %parallel_loop3A_1281 to %parallel_loop3A_1282 step %parallel_loop3A_1283  : i32 {
        %parallel_loop3A_1299 = arith.index_cast %parallel_loop3A_1298 : i32 to index
        %parallel_loop3A_1300 = arith.constant 0 : index
        %parallel_loop3A_1301 = tpu.vector_load %arg22[%parallel_loop3A_1299, %parallel_loop3A_1300] {strides = array<i32>} : memref<32x128xf32, #tpu.memory_space<vmem>>, vector<1x16xf32>,
        %parallel_loop3A_1302 = vector.shape_cast %parallel_loop3A_1301 : vector<1x16xf32> to vector<16xf32>
        %parallel_loop3A_1303 = arith.index_cast %parallel_loop3A_1298 : i32 to index
        %parallel_loop3A_1304 = arith.constant 16 : index
        %parallel_loop3A_1305 = tpu.vector_load %arg22[%parallel_loop3A_1303, %parallel_loop3A_1304] {strides = array<i32>} : memref<32x128xf32, #tpu.memory_space<vmem>>, vector<1x16xf32>,
        %parallel_loop3A_1306 = vector.shape_cast %parallel_loop3A_1305 : vector<1x16xf32> to vector<16xf32>
        %parallel_loop3A_1307 = arith.index_cast %parallel_loop3A_1298 : i32 to index
        %parallel_loop3A_1308 = arith.constant 0 : index
        %parallel_loop3A_1309 = tpu.vector_load %arg24[%parallel_loop3A_1307, %parallel_loop3A_1308] {strides = array<i32>} : memref<32x256xi32, #tpu.memory_space<vmem>>, vector<1x16xi32>,
        %parallel_loop3A_1310 = vector.shape_cast %parallel_loop3A_1309 : vector<1x16xi32> to vector<16xi32>
        %parallel_loop3A_1311 = arith.constant 16 : i32
        %parallel_loop3A_1312 = vector.broadcast %parallel_loop3A_1311 : i32 to vector<16xi32>
        %parallel_loop3A_1313 = arith.shli %parallel_loop3A_1310, %parallel_loop3A_1312 : vector<16xi32>
        %parallel_loop3A_1314 = tpu.bitcast %parallel_loop3A_1313 : vector<16xi32> -> vector<16xf32>
        %parallel_loop3A_1315 = arith.constant -65536 : i32
        %parallel_loop3A_1316 = vector.broadcast %parallel_loop3A_1315 : i32 to vector<16xi32>
        %parallel_loop3A_1317 = arith.andi %parallel_loop3A_1310, %parallel_loop3A_1316 : vector<16xi32>
        %parallel_loop3A_1318 = tpu.bitcast %parallel_loop3A_1317 : vector<16xi32> -> vector<16xf32>
        %parallel_loop3A_1319 = vector.shape_cast %add3A_1056 : vector<16xi32> to vector<16x1xi32>
        %parallel_loop3A_1320 = vector.shape_cast %parallel_loop3A_1319 : vector<16x1xi32> to vector<16xi32>
        %parallel_loop3A_1321 = tpu.dynamic_gather %parallel_loop3A_1302[%parallel_loop3A_1320] in [0] : vector<16xf32>, vector<16xi32> -> vector<16xf32>
        %parallel_loop3A_1322 = vector.shape_cast %add3A_1056 : vector<16xi32> to vector<16x1xi32>
        %parallel_loop3A_1323 = vector.shape_cast %parallel_loop3A_1322 : vector<16x1xi32> to vector<16xi32>
        %parallel_loop3A_1324 = tpu.dynamic_gather %parallel_loop3A_1306[%parallel_loop3A_1323] in [0] : vector<16xf32>, vector<16xi32> -> vector<16xf32>
        %parallel_loop3A_1325 = arith.mulf %parallel_loop3A_1321, %parallel_loop3A_1314 : vector<16xf32>
        %parallel_loop3A_1326 = arith.addf %broadcast_in_dim3A_1, %parallel_loop3A_1325 : vector<16xf32>
        %parallel_loop3A_1327 = arith.mulf %parallel_loop3A_1324, %parallel_loop3A_1318 : vector<16xf32>
        %parallel_loop3A_1328 = arith.addf %broadcast_in_dim3A_1, %parallel_loop3A_1327 : vector<16xf32>
        %parallel_loop3A_1329 = arith.index_cast %parallel_loop3A_1298 : i32 to index
        %parallel_loop3A_1330 = arith.constant 64 : index
        %parallel_loop3A_1331 = tpu.vector_load %arg24[%parallel_loop3A_1329, %parallel_loop3A_1330] {strides = array<i32>} : memref<32x256xi32, #tpu.memory_space<vmem>>, vector<1x16xi32>,
        %parallel_loop3A_1332 = vector.shape_cast %parallel_loop3A_1331 : vector<1x16xi32> to vector<16xi32>
        %parallel_loop3A_1333 = arith.constant 16 : i32
        %parallel_loop3A_1334 = vector.broadcast %parallel_loop3A_1333 : i32 to vector<16xi32>
        %parallel_loop3A_1335 = arith.shli %parallel_loop3A_1332, %parallel_loop3A_1334 : vector<16xi32>
        %parallel_loop3A_1336 = tpu.bitcast %parallel_loop3A_1335 : vector<16xi32> -> vector<16xf32>
        %parallel_loop3A_1337 = arith.constant -65536 : i32
        %parallel_loop3A_1338 = vector.broadcast %parallel_loop3A_1337 : i32 to vector<16xi32>
        %parallel_loop3A_1339 = arith.andi %parallel_loop3A_1332, %parallel_loop3A_1338 : vector<16xi32>
        %parallel_loop3A_1340 = tpu.bitcast %parallel_loop3A_1339 : vector<16xi32> -> vector<16xf32>
        %parallel_loop3A_1341 = vector.shape_cast %add3A_1059 : vector<16xi32> to vector<16x1xi32>
        %parallel_loop3A_1342 = vector.shape_cast %parallel_loop3A_1341 : vector<16x1xi32> to vector<16xi32>
        %parallel_loop3A_1343 = tpu.dynamic_gather %parallel_loop3A_1302[%parallel_loop3A_1342] in [0] : vector<16xf32>, vector<16xi32> -> vector<16xf32>
        %parallel_loop3A_1344 = vector.shape_cast %add3A_1059 : vector<16xi32> to vector<16x1xi32>
        %parallel_loop3A_1345 = vector.shape_cast %parallel_loop3A_1344 : vector<16x1xi32> to vector<16xi32>
        %parallel_loop3A_1346 = tpu.dynamic_gather %parallel_loop3A_1306[%parallel_loop3A_1345] in [0] : vector<16xf32>, vector<16xi32> -> vector<16xf32>
        %parallel_loop3A_1347 = arith.mulf %parallel_loop3A_1343, %parallel_loop3A_1336 : vector<16xf32>
        %parallel_loop3A_1348 = arith.addf %parallel_loop3A_1326, %parallel_loop3A_1347 : vector<16xf32>
        %parallel_loop3A_1349 = arith.mulf %parallel_loop3A_1346, %parallel_loop3A_1340 : vector<16xf32>
        %parallel_loop3A_1350 = arith.addf %parallel_loop3A_1328, %parallel_loop3A_1349 : vector<16xf32>
        %parallel_loop3A_1351 = arith.index_cast %parallel_loop3A_1298 : i32 to index
        %parallel_loop3A_1352 = arith.constant 128 : index
        %parallel_loop3A_1353 = tpu.vector_load %arg24[%parallel_loop3A_1351, %parallel_loop3A_1352] {strides = array<i32>} : memref<32x256xi32, #tpu.memory_space<vmem>>, vector<1x16xi32>,
        %parallel_loop3A_1354 = vector.shape_cast %parallel_loop3A_1353 : vector<1x16xi32> to vector<16xi32>
        %parallel_loop3A_1355 = arith.constant 16 : i32
        %parallel_loop3A_1356 = vector.broadcast %parallel_loop3A_1355 : i32 to vector<16xi32>
        %parallel_loop3A_1357 = arith.shli %parallel_loop3A_1354, %parallel_loop3A_1356 : vector<16xi32>
        %parallel_loop3A_1358 = tpu.bitcast %parallel_loop3A_1357 : vector<16xi32> -> vector<16xf32>
        %parallel_loop3A_1359 = arith.constant -65536 : i32
        %parallel_loop3A_1360 = vector.broadcast %parallel_loop3A_1359 : i32 to vector<16xi32>
        %parallel_loop3A_1361 = arith.andi %parallel_loop3A_1354, %parallel_loop3A_1360 : vector<16xi32>
        %parallel_loop3A_1362 = tpu.bitcast %parallel_loop3A_1361 : vector<16xi32> -> vector<16xf32>
        %parallel_loop3A_1363 = vector.shape_cast %add3A_1062 : vector<16xi32> to vector<16x1xi32>
        %parallel_loop3A_1364 = vector.shape_cast %parallel_loop3A_1363 : vector<16x1xi32> to vector<16xi32>
        %parallel_loop3A_1365 = tpu.dynamic_gather %parallel_loop3A_1302[%parallel_loop3A_1364] in [0] : vector<16xf32>, vector<16xi32> -> vector<16xf32>
        %parallel_loop3A_1366 = vector.shape_cast %add3A_1062 : vector<16xi32> to vector<16x1xi32>
        %parallel_loop3A_1367 = vector.shape_cast %parallel_loop3A_1366 : vector<16x1xi32> to vector<16xi32>
        %parallel_loop3A_1368 = tpu.dynamic_gather %parallel_loop3A_1306[%parallel_loop3A_1367] in [0] : vector<16xf32>, vector<16xi32> -> vector<16xf32>
        %parallel_loop3A_1369 = arith.mulf %parallel_loop3A_1365, %parallel_loop3A_1358 : vector<16xf32>
        %parallel_loop3A_1370 = arith.addf %parallel_loop3A_1348, %parallel_loop3A_1369 : vector<16xf32>
        %parallel_loop3A_1371 = arith.mulf %parallel_loop3A_1368, %parallel_loop3A_1362 : vector<16xf32>
        %parallel_loop3A_1372 = arith.addf %parallel_loop3A_1350, %parallel_loop3A_1371 : vector<16xf32>
        %parallel_loop3A_1373 = arith.index_cast %parallel_loop3A_1298 : i32 to index
        %parallel_loop3A_1374 = arith.constant 192 : index
        %parallel_loop3A_1375 = tpu.vector_load %arg24[%parallel_loop3A_1373, %parallel_loop3A_1374] {strides = array<i32>} : memref<32x256xi32, #tpu.memory_space<vmem>>, vector<1x16xi32>,
        %parallel_loop3A_1376 = vector.shape_cast %parallel_loop3A_1375 : vector<1x16xi32> to vector<16xi32>
        %parallel_loop3A_1377 = arith.constant 16 : i32
        %parallel_loop3A_1378 = vector.broadcast %parallel_loop3A_1377 : i32 to vector<16xi32>
        %parallel_loop3A_1379 = arith.shli %parallel_loop3A_1376, %parallel_loop3A_1378 : vector<16xi32>
        %parallel_loop3A_1380 = tpu.bitcast %parallel_loop3A_1379 : vector<16xi32> -> vector<16xf32>
        %parallel_loop3A_1381 = arith.constant -65536 : i32
        %parallel_loop3A_1382 = vector.broadcast %parallel_loop3A_1381 : i32 to vector<16xi32>
        %parallel_loop3A_1383 = arith.andi %parallel_loop3A_1376, %parallel_loop3A_1382 : vector<16xi32>
        %parallel_loop3A_1384 = tpu.bitcast %parallel_loop3A_1383 : vector<16xi32> -> vector<16xf32>
        %parallel_loop3A_1385 = vector.shape_cast %add3A_1065 : vector<16xi32> to vector<16x1xi32>
        %parallel_loop3A_1386 = vector.shape_cast %parallel_loop3A_1385 : vector<16x1xi32> to vector<16xi32>
        %parallel_loop3A_1387 = tpu.dynamic_gather %parallel_loop3A_1302[%parallel_loop3A_1386] in [0] : vector<16xf32>, vector<16xi32> -> vector<16xf32>
        %parallel_loop3A_1388 = vector.shape_cast %add3A_1065 : vector<16xi32> to vector<16x1xi32>
        %parallel_loop3A_1389 = vector.shape_cast %parallel_loop3A_1388 : vector<16x1xi32> to vector<16xi32>
        %parallel_loop3A_1390 = tpu.dynamic_gather %parallel_loop3A_1306[%parallel_loop3A_1389] in [0] : vector<16xf32>, vector<16xi32> -> vector<16xf32>
        %parallel_loop3A_1391 = arith.mulf %parallel_loop3A_1387, %parallel_loop3A_1380 : vector<16xf32>
        %parallel_loop3A_1392 = arith.addf %parallel_loop3A_1370, %parallel_loop3A_1391 : vector<16xf32>
        %parallel_loop3A_1393 = arith.mulf %parallel_loop3A_1390, %parallel_loop3A_1384 : vector<16xf32>
        %parallel_loop3A_1394 = arith.addf %parallel_loop3A_1372, %parallel_loop3A_1393 : vector<16xf32>
        %parallel_loop3A_1395 = arith.index_cast %parallel_loop3A_1298 : i32 to index
        %parallel_loop3A_1396 = arith.constant 0 : index
        %parallel_loop3A_1397 = tpu.vector_load %arg26[%parallel_loop3A_1395, %parallel_loop3A_1396] {strides = array<i32>} : memref<32x128xf32, #tpu.memory_space<vmem>>, vector<1x16xf32>,
        %parallel_loop3A_1398 = vector.shape_cast %parallel_loop3A_1397 : vector<1x16xf32> to vector<16xf32>
        %parallel_loop3A_1399 = vector.shape_cast %parallel_loop3A_1392 : vector<16xf32> to vector<1x16xf32>
        tpu.vector_store %arg26[%parallel_loop3A_1395, %parallel_loop3A_1396], %parallel_loop3A_1399 {strides = array<i32>} : memref<32x128xf32, #tpu.memory_space<vmem>>, vector<1x16xf32>,
        %parallel_loop3A_1400 = arith.index_cast %parallel_loop3A_1298 : i32 to index
        %parallel_loop3A_1401 = arith.constant 16 : index
        %parallel_loop3A_1402 = tpu.vector_load %arg26[%parallel_loop3A_1400, %parallel_loop3A_1401] {strides = array<i32>} : memref<32x128xf32, #tpu.memory_space<vmem>>, vector<1x16xf32>,
        %parallel_loop3A_1403 = vector.shape_cast %parallel_loop3A_1402 : vector<1x16xf32> to vector<16xf32>
        %parallel_loop3A_1404 = vector.shape_cast %parallel_loop3A_1394 : vector<16xf32> to vector<1x16xf32>
        tpu.vector_store %arg26[%parallel_loop3A_1400, %parallel_loop3A_1401], %parallel_loop3A_1404 {strides = array<i32>} : memref<32x128xf32, #tpu.memory_space<vmem>>, vector<1x16xf32>,
        %parallel_loop3A_1405 = arith.index_cast %parallel_loop3A_1298 : i32 to index
        %parallel_loop3A_1406 = arith.constant 32 : index
        %parallel_loop3A_1407 = tpu.vector_load %arg22[%parallel_loop3A_1405, %parallel_loop3A_1406] {strides = array<i32>} : memref<32x128xf32, #tpu.memory_space<vmem>>, vector<1x16xf32>,
        %parallel_loop3A_1408 = vector.shape_cast %parallel_loop3A_1407 : vector<1x16xf32> to vector<16xf32>
        %parallel_loop3A_1409 = arith.index_cast %parallel_loop3A_1298 : i32 to index
        %parallel_loop3A_1410 = arith.constant 48 : index
        %parallel_loop3A_1411 = tpu.vector_load %arg22[%parallel_loop3A_1409, %parallel_loop3A_1410] {strides = array<i32>} : memref<32x128xf32, #tpu.memory_space<vmem>>, vector<1x16xf32>,
        %parallel_loop3A_1412 = vector.shape_cast %parallel_loop3A_1411 : vector<1x16xf32> to vector<16xf32>
        %parallel_loop3A_1413 = arith.index_cast %parallel_loop3A_1298 : i32 to index
        %parallel_loop3A_1414 = arith.constant 16 : index
        %parallel_loop3A_1415 = tpu.vector_load %arg24[%parallel_loop3A_1413, %parallel_loop3A_1414] {strides = array<i32>} : memref<32x256xi32, #tpu.memory_space<vmem>>, vector<1x16xi32>,
        %parallel_loop3A_1416 = vector.shape_cast %parallel_loop3A_1415 : vector<1x16xi32> to vector<16xi32>
        %parallel_loop3A_1417 = arith.constant 16 : i32
        %parallel_loop3A_1418 = vector.broadcast %parallel_loop3A_1417 : i32 to vector<16xi32>
        %parallel_loop3A_1419 = arith.shli %parallel_loop3A_1416, %parallel_loop3A_1418 : vector<16xi32>
        %parallel_loop3A_1420 = tpu.bitcast %parallel_loop3A_1419 : vector<16xi32> -> vector<16xf32>
        %parallel_loop3A_1421 = arith.constant -65536 : i32
        %parallel_loop3A_1422 = vector.broadcast %parallel_loop3A_1421 : i32 to vector<16xi32>
        %parallel_loop3A_1423 = arith.andi %parallel_loop3A_1416, %parallel_loop3A_1422 : vector<16xi32>
        %parallel_loop3A_1424 = tpu.bitcast %parallel_loop3A_1423 : vector<16xi32> -> vector<16xf32>
        %parallel_loop3A_1425 = vector.shape_cast %add3A_1056 : vector<16xi32> to vector<16x1xi32>
        %parallel_loop3A_1426 = vector.shape_cast %parallel_loop3A_1425 : vector<16x1xi32> to vector<16xi32>
        %parallel_loop3A_1427 = tpu.dynamic_gather %parallel_loop3A_1408[%parallel_loop3A_1426] in [0] : vector<16xf32>, vector<16xi32> -> vector<16xf32>
        %parallel_loop3A_1428 = vector.shape_cast %add3A_1056 : vector<16xi32> to vector<16x1xi32>
        %parallel_loop3A_1429 = vector.shape_cast %parallel_loop3A_1428 : vector<16x1xi32> to vector<16xi32>
        %parallel_loop3A_1430 = tpu.dynamic_gather %parallel_loop3A_1412[%parallel_loop3A_1429] in [0] : vector<16xf32>, vector<16xi32> -> vector<16xf32>
        %parallel_loop3A_1431 = arith.mulf %parallel_loop3A_1427, %parallel_loop3A_1420 : vector<16xf32>
        %parallel_loop3A_1432 = arith.addf %broadcast_in_dim3A_1, %parallel_loop3A_1431 : vector<16xf32>
        %parallel_loop3A_1433 = arith.mulf %parallel_loop3A_1430, %parallel_loop3A_1424 : vector<16xf32>
        %parallel_loop3A_1434 = arith.addf %broadcast_in_dim3A_1, %parallel_loop3A_1433 : vector<16xf32>
        %parallel_loop3A_1435 = arith.index_cast %parallel_loop3A_1298 : i32 to index
        %parallel_loop3A_1436 = arith.constant 80 : index
        %parallel_loop3A_1437 = tpu.vector_load %arg24[%parallel_loop3A_1435, %parallel_loop3A_1436] {strides = array<i32>} : memref<32x256xi32, #tpu.memory_space<vmem>>, vector<1x16xi32>,
        %parallel_loop3A_1438 = vector.shape_cast %parallel_loop3A_1437 : vector<1x16xi32> to vector<16xi32>
        %parallel_loop3A_1439 = arith.constant 16 : i32
        %parallel_loop3A_1440 = vector.broadcast %parallel_loop3A_1439 : i32 to vector<16xi32>
        %parallel_loop3A_1441 = arith.shli %parallel_loop3A_1438, %parallel_loop3A_1440 : vector<16xi32>
        %parallel_loop3A_1442 = tpu.bitcast %parallel_loop3A_1441 : vector<16xi32> -> vector<16xf32>
        %parallel_loop3A_1443 = arith.constant -65536 : i32
        %parallel_loop3A_1444 = vector.broadcast %parallel_loop3A_1443 : i32 to vector<16xi32>
        %parallel_loop3A_1445 = arith.andi %parallel_loop3A_1438, %parallel_loop3A_1444 : vector<16xi32>
        %parallel_loop3A_1446 = tpu.bitcast %parallel_loop3A_1445 : vector<16xi32> -> vector<16xf32>
        %parallel_loop3A_1447 = vector.shape_cast %add3A_1059 : vector<16xi32> to vector<16x1xi32>
        %parallel_loop3A_1448 = vector.shape_cast %parallel_loop3A_1447 : vector<16x1xi32> to vector<16xi32>
        %parallel_loop3A_1449 = tpu.dynamic_gather %parallel_loop3A_1408[%parallel_loop3A_1448] in [0] : vector<16xf32>, vector<16xi32> -> vector<16xf32>
        %parallel_loop3A_1450 = vector.shape_cast %add3A_1059 : vector<16xi32> to vector<16x1xi32>
        %parallel_loop3A_1451 = vector.shape_cast %parallel_loop3A_1450 : vector<16x1xi32> to vector<16xi32>
        %parallel_loop3A_1452 = tpu.dynamic_gather %parallel_loop3A_1412[%parallel_loop3A_1451] in [0] : vector<16xf32>, vector<16xi32> -> vector<16xf32>
        %parallel_loop3A_1453 = arith.mulf %parallel_loop3A_1449, %parallel_loop3A_1442 : vector<16xf32>
        %parallel_loop3A_1454 = arith.addf %parallel_loop3A_1432, %parallel_loop3A_1453 : vector<16xf32>
        %parallel_loop3A_1455 = arith.mulf %parallel_loop3A_1452, %parallel_loop3A_1446 : vector<16xf32>
        %parallel_loop3A_1456 = arith.addf %parallel_loop3A_1434, %parallel_loop3A_1455 : vector<16xf32>
        %parallel_loop3A_1457 = arith.index_cast %parallel_loop3A_1298 : i32 to index
        %parallel_loop3A_1458 = arith.constant 144 : index
        %parallel_loop3A_1459 = tpu.vector_load %arg24[%parallel_loop3A_1457, %parallel_loop3A_1458] {strides = array<i32>} : memref<32x256xi32, #tpu.memory_space<vmem>>, vector<1x16xi32>,
        %parallel_loop3A_1460 = vector.shape_cast %parallel_loop3A_1459 : vector<1x16xi32> to vector<16xi32>
        %parallel_loop3A_1461 = arith.constant 16 : i32
        %parallel_loop3A_1462 = vector.broadcast %parallel_loop3A_1461 : i32 to vector<16xi32>
        %parallel_loop3A_1463 = arith.shli %parallel_loop3A_1460, %parallel_loop3A_1462 : vector<16xi32>
        %parallel_loop3A_1464 = tpu.bitcast %parallel_loop3A_1463 : vector<16xi32> -> vector<16xf32>
        %parallel_loop3A_1465 = arith.constant -65536 : i32
        %parallel_loop3A_1466 = vector.broadcast %parallel_loop3A_1465 : i32 to vector<16xi32>
        %parallel_loop3A_1467 = arith.andi %parallel_loop3A_1460, %parallel_loop3A_1466 : vector<16xi32>
        %parallel_loop3A_1468 = tpu.bitcast %parallel_loop3A_1467 : vector<16xi32> -> vector<16xf32>
        %parallel_loop3A_1469 = vector.shape_cast %add3A_1062 : vector<16xi32> to vector<16x1xi32>
        %parallel_loop3A_1470 = vector.shape_cast %parallel_loop3A_1469 : vector<16x1xi32> to vector<16xi32>
        %parallel_loop3A_1471 = tpu.dynamic_gather %parallel_loop3A_1408[%parallel_loop3A_1470] in [0] : vector<16xf32>, vector<16xi32> -> vector<16xf32>
        %parallel_loop3A_1472 = vector.shape_cast %add3A_1062 : vector<16xi32> to vector<16x1xi32>
        %parallel_loop3A_1473 = vector.shape_cast %parallel_loop3A_1472 : vector<16x1xi32> to vector<16xi32>
        %parallel_loop3A_1474 = tpu.dynamic_gather %parallel_loop3A_1412[%parallel_loop3A_1473] in [0] : vector<16xf32>, vector<16xi32> -> vector<16xf32>
        %parallel_loop3A_1475 = arith.mulf %parallel_loop3A_1471, %parallel_loop3A_1464 : vector<16xf32>
        %parallel_loop3A_1476 = arith.addf %parallel_loop3A_1454, %parallel_loop3A_1475 : vector<16xf32>
        %parallel_loop3A_1477 = arith.mulf %parallel_loop3A_1474, %parallel_loop3A_1468 : vector<16xf32>
        %parallel_loop3A_1478 = arith.addf %parallel_loop3A_1456, %parallel_loop3A_1477 : vector<16xf32>
        %parallel_loop3A_1479 = arith.index_cast %parallel_loop3A_1298 : i32 to index
        %parallel_loop3A_1480 = arith.constant 208 : index
        %parallel_loop3A_1481 = tpu.vector_load %arg24[%parallel_loop3A_1479, %parallel_loop3A_1480] {strides = array<i32>} : memref<32x256xi32, #tpu.memory_space<vmem>>, vector<1x16xi32>,
        %parallel_loop3A_1482 = vector.shape_cast %parallel_loop3A_1481 : vector<1x16xi32> to vector<16xi32>
        %parallel_loop3A_1483 = arith.constant 16 : i32
        %parallel_loop3A_1484 = vector.broadcast %parallel_loop3A_1483 : i32 to vector<16xi32>
        %parallel_loop3A_1485 = arith.shli %parallel_loop3A_1482, %parallel_loop3A_1484 : vector<16xi32>
        %parallel_loop3A_1486 = tpu.bitcast %parallel_loop3A_1485 : vector<16xi32> -> vector<16xf32>
        %parallel_loop3A_1487 = arith.constant -65536 : i32
        %parallel_loop3A_1488 = vector.broadcast %parallel_loop3A_1487 : i32 to vector<16xi32>
        %parallel_loop3A_1489 = arith.andi %parallel_loop3A_1482, %parallel_loop3A_1488 : vector<16xi32>
        %parallel_loop3A_1490 = tpu.bitcast %parallel_loop3A_1489 : vector<16xi32> -> vector<16xf32>
        %parallel_loop3A_1491 = vector.shape_cast %add3A_1065 : vector<16xi32> to vector<16x1xi32>
        %parallel_loop3A_1492 = vector.shape_cast %parallel_loop3A_1491 : vector<16x1xi32> to vector<16xi32>
        %parallel_loop3A_1493 = tpu.dynamic_gather %parallel_loop3A_1408[%parallel_loop3A_1492] in [0] : vector<16xf32>, vector<16xi32> -> vector<16xf32>
        %parallel_loop3A_1494 = vector.shape_cast %add3A_1065 : vector<16xi32> to vector<16x1xi32>
        %parallel_loop3A_1495 = vector.shape_cast %parallel_loop3A_1494 : vector<16x1xi32> to vector<16xi32>
        %parallel_loop3A_1496 = tpu.dynamic_gather %parallel_loop3A_1412[%parallel_loop3A_1495] in [0] : vector<16xf32>, vector<16xi32> -> vector<16xf32>
        %parallel_loop3A_1497 = arith.mulf %parallel_loop3A_1493, %parallel_loop3A_1486 : vector<16xf32>
        %parallel_loop3A_1498 = arith.addf %parallel_loop3A_1476, %parallel_loop3A_1497 : vector<16xf32>
        %parallel_loop3A_1499 = arith.mulf %parallel_loop3A_1496, %parallel_loop3A_1490 : vector<16xf32>
        %parallel_loop3A_1500 = arith.addf %parallel_loop3A_1478, %parallel_loop3A_1499 : vector<16xf32>
        %parallel_loop3A_1501 = arith.index_cast %parallel_loop3A_1298 : i32 to index
        %parallel_loop3A_1502 = arith.constant 32 : index
        %parallel_loop3A_1503 = tpu.vector_load %arg26[%parallel_loop3A_1501, %parallel_loop3A_1502] {strides = array<i32>} : memref<32x128xf32, #tpu.memory_space<vmem>>, vector<1x16xf32>,
        %parallel_loop3A_1504 = vector.shape_cast %parallel_loop3A_1503 : vector<1x16xf32> to vector<16xf32>
        %parallel_loop3A_1505 = vector.shape_cast %parallel_loop3A_1498 : vector<16xf32> to vector<1x16xf32>
        tpu.vector_store %arg26[%parallel_loop3A_1501, %parallel_loop3A_1502], %parallel_loop3A_1505 {strides = array<i32>} : memref<32x128xf32, #tpu.memory_space<vmem>>, vector<1x16xf32>,
        %parallel_loop3A_1506 = arith.index_cast %parallel_loop3A_1298 : i32 to index
        %parallel_loop3A_1507 = arith.constant 48 : index
        %parallel_loop3A_1508 = tpu.vector_load %arg26[%parallel_loop3A_1506, %parallel_loop3A_1507] {strides = array<i32>} : memref<32x128xf32, #tpu.memory_space<vmem>>, vector<1x16xf32>,
        %parallel_loop3A_1509 = vector.shape_cast %parallel_loop3A_1508 : vector<1x16xf32> to vector<16xf32>
        %parallel_loop3A_1510 = vector.shape_cast %parallel_loop3A_1500 : vector<16xf32> to vector<1x16xf32>
        tpu.vector_store %arg26[%parallel_loop3A_1506, %parallel_loop3A_1507], %parallel_loop3A_1510 {strides = array<i32>} : memref<32x128xf32, #tpu.memory_space<vmem>>, vector<1x16xf32>,
        %parallel_loop3A_1511 = arith.index_cast %parallel_loop3A_1298 : i32 to index
        %parallel_loop3A_1512 = arith.constant 64 : index
        %parallel_loop3A_1513 = tpu.vector_load %arg22[%parallel_loop3A_1511, %parallel_loop3A_1512] {strides = array<i32>} : memref<32x128xf32, #tpu.memory_space<vmem>>, vector<1x16xf32>,
        %parallel_loop3A_1514 = vector.shape_cast %parallel_loop3A_1513 : vector<1x16xf32> to vector<16xf32>
        %parallel_loop3A_1515 = arith.index_cast %parallel_loop3A_1298 : i32 to index
        %parallel_loop3A_1516 = arith.constant 80 : index
        %parallel_loop3A_1517 = tpu.vector_load %arg22[%parallel_loop3A_1515, %parallel_loop3A_1516] {strides = array<i32>} : memref<32x128xf32, #tpu.memory_space<vmem>>, vector<1x16xf32>,
        %parallel_loop3A_1518 = vector.shape_cast %parallel_loop3A_1517 : vector<1x16xf32> to vector<16xf32>
        %parallel_loop3A_1519 = arith.index_cast %parallel_loop3A_1298 : i32 to index
        %parallel_loop3A_1520 = arith.constant 32 : index
        %parallel_loop3A_1521 = tpu.vector_load %arg24[%parallel_loop3A_1519, %parallel_loop3A_1520] {strides = array<i32>} : memref<32x256xi32, #tpu.memory_space<vmem>>, vector<1x16xi32>,
        %parallel_loop3A_1522 = vector.shape_cast %parallel_loop3A_1521 : vector<1x16xi32> to vector<16xi32>
        %parallel_loop3A_1523 = arith.constant 16 : i32
        %parallel_loop3A_1524 = vector.broadcast %parallel_loop3A_1523 : i32 to vector<16xi32>
        %parallel_loop3A_1525 = arith.shli %parallel_loop3A_1522, %parallel_loop3A_1524 : vector<16xi32>
        %parallel_loop3A_1526 = tpu.bitcast %parallel_loop3A_1525 : vector<16xi32> -> vector<16xf32>
        %parallel_loop3A_1527 = arith.constant -65536 : i32
        %parallel_loop3A_1528 = vector.broadcast %parallel_loop3A_1527 : i32 to vector<16xi32>
        %parallel_loop3A_1529 = arith.andi %parallel_loop3A_1522, %parallel_loop3A_1528 : vector<16xi32>
        %parallel_loop3A_1530 = tpu.bitcast %parallel_loop3A_1529 : vector<16xi32> -> vector<16xf32>
        %parallel_loop3A_1531 = vector.shape_cast %add3A_1056 : vector<16xi32> to vector<16x1xi32>
        %parallel_loop3A_1532 = vector.shape_cast %parallel_loop3A_1531 : vector<16x1xi32> to vector<16xi32>
        %parallel_loop3A_1533 = tpu.dynamic_gather %parallel_loop3A_1514[%parallel_loop3A_1532] in [0] : vector<16xf32>, vector<16xi32> -> vector<16xf32>
        %parallel_loop3A_1534 = vector.shape_cast %add3A_1056 : vector<16xi32> to vector<16x1xi32>
        %parallel_loop3A_1535 = vector.shape_cast %parallel_loop3A_1534 : vector<16x1xi32> to vector<16xi32>
        %parallel_loop3A_1536 = tpu.dynamic_gather %parallel_loop3A_1518[%parallel_loop3A_1535] in [0] : vector<16xf32>, vector<16xi32> -> vector<16xf32>
        %parallel_loop3A_1537 = arith.mulf %parallel_loop3A_1533, %parallel_loop3A_1526 : vector<16xf32>
        %parallel_loop3A_1538 = arith.addf %broadcast_in_dim3A_1, %parallel_loop3A_1537 : vector<16xf32>
        %parallel_loop3A_1539 = arith.mulf %parallel_loop3A_1536, %parallel_loop3A_1530 : vector<16xf32>
        %parallel_loop3A_1540 = arith.addf %broadcast_in_dim3A_1, %parallel_loop3A_1539 : vector<16xf32>
        %parallel_loop3A_1541 = arith.index_cast %parallel_loop3A_1298 : i32 to index
        %parallel_loop3A_1542 = arith.constant 96 : index
        %parallel_loop3A_1543 = tpu.vector_load %arg24[%parallel_loop3A_1541, %parallel_loop3A_1542] {strides = array<i32>} : memref<32x256xi32, #tpu.memory_space<vmem>>, vector<1x16xi32>,
        %parallel_loop3A_1544 = vector.shape_cast %parallel_loop3A_1543 : vector<1x16xi32> to vector<16xi32>
        %parallel_loop3A_1545 = arith.constant 16 : i32
        %parallel_loop3A_1546 = vector.broadcast %parallel_loop3A_1545 : i32 to vector<16xi32>
        %parallel_loop3A_1547 = arith.shli %parallel_loop3A_1544, %parallel_loop3A_1546 : vector<16xi32>
        %parallel_loop3A_1548 = tpu.bitcast %parallel_loop3A_1547 : vector<16xi32> -> vector<16xf32>
        %parallel_loop3A_1549 = arith.constant -65536 : i32
        %parallel_loop3A_1550 = vector.broadcast %parallel_loop3A_1549 : i32 to vector<16xi32>
        %parallel_loop3A_1551 = arith.andi %parallel_loop3A_1544, %parallel_loop3A_1550 : vector<16xi32>
        %parallel_loop3A_1552 = tpu.bitcast %parallel_loop3A_1551 : vector<16xi32> -> vector<16xf32>
        %parallel_loop3A_1553 = vector.shape_cast %add3A_1059 : vector<16xi32> to vector<16x1xi32>
        %parallel_loop3A_1554 = vector.shape_cast %parallel_loop3A_1553 : vector<16x1xi32> to vector<16xi32>
        %parallel_loop3A_1555 = tpu.dynamic_gather %parallel_loop3A_1514[%parallel_loop3A_1554] in [0] : vector<16xf32>, vector<16xi32> -> vector<16xf32>
        %parallel_loop3A_1556 = vector.shape_cast %add3A_1059 : vector<16xi32> to vector<16x1xi32>
        %parallel_loop3A_1557 = vector.shape_cast %parallel_loop3A_1556 : vector<16x1xi32> to vector<16xi32>
        %parallel_loop3A_1558 = tpu.dynamic_gather %parallel_loop3A_1518[%parallel_loop3A_1557] in [0] : vector<16xf32>, vector<16xi32> -> vector<16xf32>
        %parallel_loop3A_1559 = arith.mulf %parallel_loop3A_1555, %parallel_loop3A_1548 : vector<16xf32>
        %parallel_loop3A_1560 = arith.addf %parallel_loop3A_1538, %parallel_loop3A_1559 : vector<16xf32>
        %parallel_loop3A_1561 = arith.mulf %parallel_loop3A_1558, %parallel_loop3A_1552 : vector<16xf32>
        %parallel_loop3A_1562 = arith.addf %parallel_loop3A_1540, %parallel_loop3A_1561 : vector<16xf32>
        %parallel_loop3A_1563 = arith.index_cast %parallel_loop3A_1298 : i32 to index
        %parallel_loop3A_1564 = arith.constant 160 : index
        %parallel_loop3A_1565 = tpu.vector_load %arg24[%parallel_loop3A_1563, %parallel_loop3A_1564] {strides = array<i32>} : memref<32x256xi32, #tpu.memory_space<vmem>>, vector<1x16xi32>,
        %parallel_loop3A_1566 = vector.shape_cast %parallel_loop3A_1565 : vector<1x16xi32> to vector<16xi32>
        %parallel_loop3A_1567 = arith.constant 16 : i32
        %parallel_loop3A_1568 = vector.broadcast %parallel_loop3A_1567 : i32 to vector<16xi32>
        %parallel_loop3A_1569 = arith.shli %parallel_loop3A_1566, %parallel_loop3A_1568 : vector<16xi32>
        %parallel_loop3A_1570 = tpu.bitcast %parallel_loop3A_1569 : vector<16xi32> -> vector<16xf32>
        %parallel_loop3A_1571 = arith.constant -65536 : i32
        %parallel_loop3A_1572 = vector.broadcast %parallel_loop3A_1571 : i32 to vector<16xi32>
        %parallel_loop3A_1573 = arith.andi %parallel_loop3A_1566, %parallel_loop3A_1572 : vector<16xi32>
        %parallel_loop3A_1574 = tpu.bitcast %parallel_loop3A_1573 : vector<16xi32> -> vector<16xf32>
        %parallel_loop3A_1575 = vector.shape_cast %add3A_1062 : vector<16xi32> to vector<16x1xi32>
        %parallel_loop3A_1576 = vector.shape_cast %parallel_loop3A_1575 : vector<16x1xi32> to vector<16xi32>
        %parallel_loop3A_1577 = tpu.dynamic_gather %parallel_loop3A_1514[%parallel_loop3A_1576] in [0] : vector<16xf32>, vector<16xi32> -> vector<16xf32>
        %parallel_loop3A_1578 = vector.shape_cast %add3A_1062 : vector<16xi32> to vector<16x1xi32>
        %parallel_loop3A_1579 = vector.shape_cast %parallel_loop3A_1578 : vector<16x1xi32> to vector<16xi32>
        %parallel_loop3A_1580 = tpu.dynamic_gather %parallel_loop3A_1518[%parallel_loop3A_1579] in [0] : vector<16xf32>, vector<16xi32> -> vector<16xf32>
        %parallel_loop3A_1581 = arith.mulf %parallel_loop3A_1577, %parallel_loop3A_1570 : vector<16xf32>
        %parallel_loop3A_1582 = arith.addf %parallel_loop3A_1560, %parallel_loop3A_1581 : vector<16xf32>
        %parallel_loop3A_1583 = arith.mulf %parallel_loop3A_1580, %parallel_loop3A_1574 : vector<16xf32>
        %parallel_loop3A_1584 = arith.addf %parallel_loop3A_1562, %parallel_loop3A_1583 : vector<16xf32>
        %parallel_loop3A_1585 = arith.index_cast %parallel_loop3A_1298 : i32 to index
        %parallel_loop3A_1586 = arith.constant 224 : index
        %parallel_loop3A_1587 = tpu.vector_load %arg24[%parallel_loop3A_1585, %parallel_loop3A_1586] {strides = array<i32>} : memref<32x256xi32, #tpu.memory_space<vmem>>, vector<1x16xi32>,
        %parallel_loop3A_1588 = vector.shape_cast %parallel_loop3A_1587 : vector<1x16xi32> to vector<16xi32>
        %parallel_loop3A_1589 = arith.constant 16 : i32
        %parallel_loop3A_1590 = vector.broadcast %parallel_loop3A_1589 : i32 to vector<16xi32>
        %parallel_loop3A_1591 = arith.shli %parallel_loop3A_1588, %parallel_loop3A_1590 : vector<16xi32>
        %parallel_loop3A_1592 = tpu.bitcast %parallel_loop3A_1591 : vector<16xi32> -> vector<16xf32>
        %parallel_loop3A_1593 = arith.constant -65536 : i32
        %parallel_loop3A_1594 = vector.broadcast %parallel_loop3A_1593 : i32 to vector<16xi32>
        %parallel_loop3A_1595 = arith.andi %parallel_loop3A_1588, %parallel_loop3A_1594 : vector<16xi32>
        %parallel_loop3A_1596 = tpu.bitcast %parallel_loop3A_1595 : vector<16xi32> -> vector<16xf32>
        %parallel_loop3A_1597 = vector.shape_cast %add3A_1065 : vector<16xi32> to vector<16x1xi32>
        %parallel_loop3A_1598 = vector.shape_cast %parallel_loop3A_1597 : vector<16x1xi32> to vector<16xi32>
        %parallel_loop3A_1599 = tpu.dynamic_gather %parallel_loop3A_1514[%parallel_loop3A_1598] in [0] : vector<16xf32>, vector<16xi32> -> vector<16xf32>
        %parallel_loop3A_1600 = vector.shape_cast %add3A_1065 : vector<16xi32> to vector<16x1xi32>
        %parallel_loop3A_1601 = vector.shape_cast %parallel_loop3A_1600 : vector<16x1xi32> to vector<16xi32>
        %parallel_loop3A_1602 = tpu.dynamic_gather %parallel_loop3A_1518[%parallel_loop3A_1601] in [0] : vector<16xf32>, vector<16xi32> -> vector<16xf32>
        %parallel_loop3A_1603 = arith.mulf %parallel_loop3A_1599, %parallel_loop3A_1592 : vector<16xf32>
        %parallel_loop3A_1604 = arith.addf %parallel_loop3A_1582, %parallel_loop3A_1603 : vector<16xf32>
        %parallel_loop3A_1605 = arith.mulf %parallel_loop3A_1602, %parallel_loop3A_1596 : vector<16xf32>
        %parallel_loop3A_1606 = arith.addf %parallel_loop3A_1584, %parallel_loop3A_1605 : vector<16xf32>
        %parallel_loop3A_1607 = arith.index_cast %parallel_loop3A_1298 : i32 to index
        %parallel_loop3A_1608 = arith.constant 64 : index
        %parallel_loop3A_1609 = tpu.vector_load %arg26[%parallel_loop3A_1607, %parallel_loop3A_1608] {strides = array<i32>} : memref<32x128xf32, #tpu.memory_space<vmem>>, vector<1x16xf32>,
        %parallel_loop3A_1610 = vector.shape_cast %parallel_loop3A_1609 : vector<1x16xf32> to vector<16xf32>
        %parallel_loop3A_1611 = vector.shape_cast %parallel_loop3A_1604 : vector<16xf32> to vector<1x16xf32>
        tpu.vector_store %arg26[%parallel_loop3A_1607, %parallel_loop3A_1608], %parallel_loop3A_1611 {strides = array<i32>} : memref<32x128xf32, #tpu.memory_space<vmem>>, vector<1x16xf32>,
        %parallel_loop3A_1612 = arith.index_cast %parallel_loop3A_1298 : i32 to index
        %parallel_loop3A_1613 = arith.constant 80 : index
        %parallel_loop3A_1614 = tpu.vector_load %arg26[%parallel_loop3A_1612, %parallel_loop3A_1613] {strides = array<i32>} : memref<32x128xf32, #tpu.memory_space<vmem>>, vector<1x16xf32>,
        %parallel_loop3A_1615 = vector.shape_cast %parallel_loop3A_1614 : vector<1x16xf32> to vector<16xf32>
        %parallel_loop3A_1616 = vector.shape_cast %parallel_loop3A_1606 : vector<16xf32> to vector<1x16xf32>
        tpu.vector_store %arg26[%parallel_loop3A_1612, %parallel_loop3A_1613], %parallel_loop3A_1616 {strides = array<i32>} : memref<32x128xf32, #tpu.memory_space<vmem>>, vector<1x16xf32>,
        %parallel_loop3A_1617 = arith.index_cast %parallel_loop3A_1298 : i32 to index
        %parallel_loop3A_1618 = arith.constant 96 : index
        %parallel_loop3A_1619 = tpu.vector_load %arg22[%parallel_loop3A_1617, %parallel_loop3A_1618] {strides = array<i32>} : memref<32x128xf32, #tpu.memory_space<vmem>>, vector<1x16xf32>,
        %parallel_loop3A_1620 = vector.shape_cast %parallel_loop3A_1619 : vector<1x16xf32> to vector<16xf32>
        %parallel_loop3A_1621 = arith.index_cast %parallel_loop3A_1298 : i32 to index
        %parallel_loop3A_1622 = arith.constant 112 : index
        %parallel_loop3A_1623 = tpu.vector_load %arg22[%parallel_loop3A_1621, %parallel_loop3A_1622] {strides = array<i32>} : memref<32x128xf32, #tpu.memory_space<vmem>>, vector<1x16xf32>,
        %parallel_loop3A_1624 = vector.shape_cast %parallel_loop3A_1623 : vector<1x16xf32> to vector<16xf32>
        %parallel_loop3A_1625 = arith.index_cast %parallel_loop3A_1298 : i32 to index
        %parallel_loop3A_1626 = arith.constant 48 : index
        %parallel_loop3A_1627 = tpu.vector_load %arg24[%parallel_loop3A_1625, %parallel_loop3A_1626] {strides = array<i32>} : memref<32x256xi32, #tpu.memory_space<vmem>>, vector<1x16xi32>,
        %parallel_loop3A_1628 = vector.shape_cast %parallel_loop3A_1627 : vector<1x16xi32> to vector<16xi32>
        %parallel_loop3A_1629 = arith.constant 16 : i32
        %parallel_loop3A_1630 = vector.broadcast %parallel_loop3A_1629 : i32 to vector<16xi32>
        %parallel_loop3A_1631 = arith.shli %parallel_loop3A_1628, %parallel_loop3A_1630 : vector<16xi32>
        %parallel_loop3A_1632 = tpu.bitcast %parallel_loop3A_1631 : vector<16xi32> -> vector<16xf32>
        %parallel_loop3A_1633 = arith.constant -65536 : i32
        %parallel_loop3A_1634 = vector.broadcast %parallel_loop3A_1633 : i32 to vector<16xi32>
        %parallel_loop3A_1635 = arith.andi %parallel_loop3A_1628, %parallel_loop3A_1634 : vector<16xi32>
        %parallel_loop3A_1636 = tpu.bitcast %parallel_loop3A_1635 : vector<16xi32> -> vector<16xf32>
        %parallel_loop3A_1637 = vector.shape_cast %add3A_1056 : vector<16xi32> to vector<16x1xi32>
        %parallel_loop3A_1638 = vector.shape_cast %parallel_loop3A_1637 : vector<16x1xi32> to vector<16xi32>
        %parallel_loop3A_1639 = tpu.dynamic_gather %parallel_loop3A_1620[%parallel_loop3A_1638] in [0] : vector<16xf32>, vector<16xi32> -> vector<16xf32>
        %parallel_loop3A_1640 = vector.shape_cast %add3A_1056 : vector<16xi32> to vector<16x1xi32>
        %parallel_loop3A_1641 = vector.shape_cast %parallel_loop3A_1640 : vector<16x1xi32> to vector<16xi32>
        %parallel_loop3A_1642 = tpu.dynamic_gather %parallel_loop3A_1624[%parallel_loop3A_1641] in [0] : vector<16xf32>, vector<16xi32> -> vector<16xf32>
        %parallel_loop3A_1643 = arith.mulf %parallel_loop3A_1639, %parallel_loop3A_1632 : vector<16xf32>
        %parallel_loop3A_1644 = arith.addf %broadcast_in_dim3A_1, %parallel_loop3A_1643 : vector<16xf32>
        %parallel_loop3A_1645 = arith.mulf %parallel_loop3A_1642, %parallel_loop3A_1636 : vector<16xf32>
        %parallel_loop3A_1646 = arith.addf %broadcast_in_dim3A_1, %parallel_loop3A_1645 : vector<16xf32>
        %parallel_loop3A_1647 = arith.index_cast %parallel_loop3A_1298 : i32 to index
        %parallel_loop3A_1648 = arith.constant 112 : index
        %parallel_loop3A_1649 = tpu.vector_load %arg24[%parallel_loop3A_1647, %parallel_loop3A_1648] {strides = array<i32>} : memref<32x256xi32, #tpu.memory_space<vmem>>, vector<1x16xi32>,
        %parallel_loop3A_1650 = vector.shape_cast %parallel_loop3A_1649 : vector<1x16xi32> to vector<16xi32>
        %parallel_loop3A_1651 = arith.constant 16 : i32
        %parallel_loop3A_1652 = vector.broadcast %parallel_loop3A_1651 : i32 to vector<16xi32>
        %parallel_loop3A_1653 = arith.shli %parallel_loop3A_1650, %parallel_loop3A_1652 : vector<16xi32>
        %parallel_loop3A_1654 = tpu.bitcast %parallel_loop3A_1653 : vector<16xi32> -> vector<16xf32>
        %parallel_loop3A_1655 = arith.constant -65536 : i32
        %parallel_loop3A_1656 = vector.broadcast %parallel_loop3A_1655 : i32 to vector<16xi32>
        %parallel_loop3A_1657 = arith.andi %parallel_loop3A_1650, %parallel_loop3A_1656 : vector<16xi32>
        %parallel_loop3A_1658 = tpu.bitcast %parallel_loop3A_1657 : vector<16xi32> -> vector<16xf32>
        %parallel_loop3A_1659 = vector.shape_cast %add3A_1059 : vector<16xi32> to vector<16x1xi32>
        %parallel_loop3A_1660 = vector.shape_cast %parallel_loop3A_1659 : vector<16x1xi32> to vector<16xi32>
        %parallel_loop3A_1661 = tpu.dynamic_gather %parallel_loop3A_1620[%parallel_loop3A_1660] in [0] : vector<16xf32>, vector<16xi32> -> vector<16xf32>
        %parallel_loop3A_1662 = vector.shape_cast %add3A_1059 : vector<16xi32> to vector<16x1xi32>
        %parallel_loop3A_1663 = vector.shape_cast %parallel_loop3A_1662 : vector<16x1xi32> to vector<16xi32>
        %parallel_loop3A_1664 = tpu.dynamic_gather %parallel_loop3A_1624[%parallel_loop3A_1663] in [0] : vector<16xf32>, vector<16xi32> -> vector<16xf32>
        %parallel_loop3A_1665 = arith.mulf %parallel_loop3A_1661, %parallel_loop3A_1654 : vector<16xf32>
        %parallel_loop3A_1666 = arith.addf %parallel_loop3A_1644, %parallel_loop3A_1665 : vector<16xf32>
        %parallel_loop3A_1667 = arith.mulf %parallel_loop3A_1664, %parallel_loop3A_1658 : vector<16xf32>
        %parallel_loop3A_1668 = arith.addf %parallel_loop3A_1646, %parallel_loop3A_1667 : vector<16xf32>
        %parallel_loop3A_1669 = arith.index_cast %parallel_loop3A_1298 : i32 to index
        %parallel_loop3A_1670 = arith.constant 176 : index
        %parallel_loop3A_1671 = tpu.vector_load %arg24[%parallel_loop3A_1669, %parallel_loop3A_1670] {strides = array<i32>} : memref<32x256xi32, #tpu.memory_space<vmem>>, vector<1x16xi32>,
        %parallel_loop3A_1672 = vector.shape_cast %parallel_loop3A_1671 : vector<1x16xi32> to vector<16xi32>
        %parallel_loop3A_1673 = arith.constant 16 : i32
        %parallel_loop3A_1674 = vector.broadcast %parallel_loop3A_1673 : i32 to vector<16xi32>
        %parallel_loop3A_1675 = arith.shli %parallel_loop3A_1672, %parallel_loop3A_1674 : vector<16xi32>
        %parallel_loop3A_1676 = tpu.bitcast %parallel_loop3A_1675 : vector<16xi32> -> vector<16xf32>
        %parallel_loop3A_1677 = arith.constant -65536 : i32
        %parallel_loop3A_1678 = vector.broadcast %parallel_loop3A_1677 : i32 to vector<16xi32>
        %parallel_loop3A_1679 = arith.andi %parallel_loop3A_1672, %parallel_loop3A_1678 : vector<16xi32>
        %parallel_loop3A_1680 = tpu.bitcast %parallel_loop3A_1679 : vector<16xi32> -> vector<16xf32>
        %parallel_loop3A_1681 = vector.shape_cast %add3A_1062 : vector<16xi32> to vector<16x1xi32>
        %parallel_loop3A_1682 = vector.shape_cast %parallel_loop3A_1681 : vector<16x1xi32> to vector<16xi32>
        %parallel_loop3A_1683 = tpu.dynamic_gather %parallel_loop3A_1620[%parallel_loop3A_1682] in [0] : vector<16xf32>, vector<16xi32> -> vector<16xf32>
        %parallel_loop3A_1684 = vector.shape_cast %add3A_1062 : vector<16xi32> to vector<16x1xi32>
        %parallel_loop3A_1685 = vector.shape_cast %parallel_loop3A_1684 : vector<16x1xi32> to vector<16xi32>
        %parallel_loop3A_1686 = tpu.dynamic_gather %parallel_loop3A_1624[%parallel_loop3A_1685] in [0] : vector<16xf32>, vector<16xi32> -> vector<16xf32>
        %parallel_loop3A_1687 = arith.mulf %parallel_loop3A_1683, %parallel_loop3A_1676 : vector<16xf32>
        %parallel_loop3A_1688 = arith.addf %parallel_loop3A_1666, %parallel_loop3A_1687 : vector<16xf32>
        %parallel_loop3A_1689 = arith.mulf %parallel_loop3A_1686, %parallel_loop3A_1680 : vector<16xf32>
        %parallel_loop3A_1690 = arith.addf %parallel_loop3A_1668, %parallel_loop3A_1689 : vector<16xf32>
        %parallel_loop3A_1691 = arith.index_cast %parallel_loop3A_1298 : i32 to index
        %parallel_loop3A_1692 = arith.constant 240 : index
        %parallel_loop3A_1693 = tpu.vector_load %arg24[%parallel_loop3A_1691, %parallel_loop3A_1692] {strides = array<i32>} : memref<32x256xi32, #tpu.memory_space<vmem>>, vector<1x16xi32>,
        %parallel_loop3A_1694 = vector.shape_cast %parallel_loop3A_1693 : vector<1x16xi32> to vector<16xi32>
        %parallel_loop3A_1695 = arith.constant 16 : i32
        %parallel_loop3A_1696 = vector.broadcast %parallel_loop3A_1695 : i32 to vector<16xi32>
        %parallel_loop3A_1697 = arith.shli %parallel_loop3A_1694, %parallel_loop3A_1696 : vector<16xi32>
        %parallel_loop3A_1698 = tpu.bitcast %parallel_loop3A_1697 : vector<16xi32> -> vector<16xf32>
        %parallel_loop3A_1699 = arith.constant -65536 : i32
        %parallel_loop3A_1700 = vector.broadcast %parallel_loop3A_1699 : i32 to vector<16xi32>
        %parallel_loop3A_1701 = arith.andi %parallel_loop3A_1694, %parallel_loop3A_1700 : vector<16xi32>
        %parallel_loop3A_1702 = tpu.bitcast %parallel_loop3A_1701 : vector<16xi32> -> vector<16xf32>
        %parallel_loop3A_1703 = vector.shape_cast %add3A_1065 : vector<16xi32> to vector<16x1xi32>
        %parallel_loop3A_1704 = vector.shape_cast %parallel_loop3A_1703 : vector<16x1xi32> to vector<16xi32>
        %parallel_loop3A_1705 = tpu.dynamic_gather %parallel_loop3A_1620[%parallel_loop3A_1704] in [0] : vector<16xf32>, vector<16xi32> -> vector<16xf32>
        %parallel_loop3A_1706 = vector.shape_cast %add3A_1065 : vector<16xi32> to vector<16x1xi32>
        %parallel_loop3A_1707 = vector.shape_cast %parallel_loop3A_1706 : vector<16x1xi32> to vector<16xi32>
        %parallel_loop3A_1708 = tpu.dynamic_gather %parallel_loop3A_1624[%parallel_loop3A_1707] in [0] : vector<16xf32>, vector<16xi32> -> vector<16xf32>
        %parallel_loop3A_1709 = arith.mulf %parallel_loop3A_1705, %parallel_loop3A_1698 : vector<16xf32>
        %parallel_loop3A_1710 = arith.addf %parallel_loop3A_1688, %parallel_loop3A_1709 : vector<16xf32>
        %parallel_loop3A_1711 = arith.mulf %parallel_loop3A_1708, %parallel_loop3A_1702 : vector<16xf32>
        %parallel_loop3A_1712 = arith.addf %parallel_loop3A_1690, %parallel_loop3A_1711 : vector<16xf32>
        %parallel_loop3A_1713 = arith.index_cast %parallel_loop3A_1298 : i32 to index
        %parallel_loop3A_1714 = arith.constant 96 : index
        %parallel_loop3A_1715 = tpu.vector_load %arg26[%parallel_loop3A_1713, %parallel_loop3A_1714] {strides = array<i32>} : memref<32x128xf32, #tpu.memory_space<vmem>>, vector<1x16xf32>,
        %parallel_loop3A_1716 = vector.shape_cast %parallel_loop3A_1715 : vector<1x16xf32> to vector<16xf32>
        %parallel_loop3A_1717 = vector.shape_cast %parallel_loop3A_1710 : vector<16xf32> to vector<1x16xf32>
        tpu.vector_store %arg26[%parallel_loop3A_1713, %parallel_loop3A_1714], %parallel_loop3A_1717 {strides = array<i32>} : memref<32x128xf32, #tpu.memory_space<vmem>>, vector<1x16xf32>,
        %parallel_loop3A_1718 = arith.index_cast %parallel_loop3A_1298 : i32 to index
        %parallel_loop3A_1719 = arith.constant 112 : index
        %parallel_loop3A_1720 = tpu.vector_load %arg26[%parallel_loop3A_1718, %parallel_loop3A_1719] {strides = array<i32>} : memref<32x128xf32, #tpu.memory_space<vmem>>, vector<1x16xf32>,
        %parallel_loop3A_1721 = vector.shape_cast %parallel_loop3A_1720 : vector<1x16xf32> to vector<16xf32>
        %parallel_loop3A_1722 = vector.shape_cast %parallel_loop3A_1712 : vector<16xf32> to vector<1x16xf32>
        tpu.vector_store %arg26[%parallel_loop3A_1718, %parallel_loop3A_1719], %parallel_loop3A_1722 {strides = array<i32>} : memref<32x128xf32, #tpu.memory_space<vmem>>, vector<1x16xf32>,
      } {sc.loop_unroll_factor = 4 : i64, sc.parallel_access}
      %lt3A_1284 = arith.constant 156 : i32
      %lt3A_1285 = arith.cmpi slt, %add3A_1213, %lt3A_1284 : i32
      %convert_element_type3A_1286 = arith.extui %lt3A_1285 : i1 to i32
      %cond3A_1287 = arith.constant 0 : i32
      %cond3A_1288 = arith.cmpi ne, %convert_element_type3A_1286, %cond3A_1287 : i32
      scf.if %cond3A_1288 {
        %add3A_1298 = arith.constant 2 : i32
        %add3A_1299 = arith.addi %add3A_1213, %add3A_1298 : i32
        %mul3A_1300 = arith.constant 32 : i32
        %mul3A_1301 = arith.muli %add3A_1299, %mul3A_1300 : i32
        %add3A_1302 = arith.addi %multiple_of3A_1068, %mul3A_1301 : i32
        %multiple_of3A_1303 = tpu.assume_multiple %add3A_1302, 8 : i32
        %dma_start3A_1304 = tpu.memref_slice %arg4[%multiple_of3A_1303] : memref<161792xi32, #tpu.memory_space<hbm>> -> memref<32xi32, #tpu.memory_space<hbm>>
        %dma_start3A_1305 = tpu.memref_slice %arg4[%multiple_of3A_1303] : memref<161792xi32, #tpu.memory_space<hbm>> -> memref<32xi32, #tpu.memory_space<hbm>>
        tpu.enqueue_dma source(%dma_start3A_1305 : memref<32xi32, #tpu.memory_space<hbm>>) target(%arg10 : memref<32xi32, #tpu.memory_space<vmem>>) target_semaphore(%arg33 : memref<!tpu.dma_semaphore, #tpu.memory_space<semaphore_mem>>)
        %dma_start3A_1306 = tpu.memref_slice %arg5[%multiple_of3A_1303] : memref<161792xi32, #tpu.memory_space<hbm>> -> memref<32xi32, #tpu.memory_space<hbm>>
        %dma_start3A_1307 = tpu.memref_slice %arg5[%multiple_of3A_1303] : memref<161792xi32, #tpu.memory_space<hbm>> -> memref<32xi32, #tpu.memory_space<hbm>>
        tpu.enqueue_dma source(%dma_start3A_1307 : memref<32xi32, #tpu.memory_space<hbm>>) target(%arg12 : memref<32xi32, #tpu.memory_space<vmem>>) target_semaphore(%arg33 : memref<!tpu.dma_semaphore, #tpu.memory_space<semaphore_mem>>)
        %dma_start3A_1308 = tpu.memref_slice %arg6[%multiple_of3A_1303] : memref<161792xi32, #tpu.memory_space<hbm>> -> memref<32xi32, #tpu.memory_space<hbm>>
        %dma_start3A_1309 = tpu.memref_slice %arg6[%multiple_of3A_1303] : memref<161792xi32, #tpu.memory_space<hbm>> -> memref<32xi32, #tpu.memory_space<hbm>>
        tpu.enqueue_dma source(%dma_start3A_1309 : memref<32xi32, #tpu.memory_space<hbm>>) target(%arg14 : memref<32xi32, #tpu.memory_space<vmem>>) target_semaphore(%arg33 : memref<!tpu.dma_semaphore, #tpu.memory_space<semaphore_mem>>)
      } else {
      }
      %dma_wait3A_1289 = arith.constant 0 : i32
      %dma_wait3A_1290 = arith.constant 0 : i32
      %dma_wait3A_1291 = tpu.memref_slice %arg31[%dma_wait3A_1289, %dma_wait3A_1290] : memref<128x128xf32, #tpu.memory_space<vmem_shared>> -> memref<128x128xf32, #tpu.memory_space<vmem_shared>>
      tpu.wait_indirect_dma semaphore(%arg39 : memref<!tpu.dma_semaphore, #tpu.memory_space<semaphore_mem>>) src(%dma_wait3A_1291 : memref<128x128xf32, #tpu.memory_space<vmem_shared>>) dst(%arg28 : memref<32x128xf32, #tpu.memory_space<vmem>>)
      %dma_start3A_1292 = arith.constant 0 : i32
      %dma_start3A_1293 = arith.constant 0 : i32
      %dma_start3A_1294 = tpu.memref_slice %arg29[%dma_start3A_1292, %dma_start3A_1293] : memref<10240x128xf32, #tpu.memory_space<vmem_shared>> -> memref<10240x128xf32, #tpu.memory_space<vmem_shared>>
      tpu.enqueue_indirect_dma source(%arg26 : memref<32x128xf32, #tpu.memory_space<vmem>>) target(%dma_start3A_1294 : memref<10240x128xf32, #tpu.memory_space<vmem_shared>>) offsets(%arg16 : memref<32xi32, #tpu.memory_space<vmem>>) semaphore(%arg37 : memref<!tpu.dma_semaphore, #tpu.memory_space<semaphore_mem>>) {add = true}
      %dma_start3A_1295 = arith.constant 0 : i32
      %dma_start3A_1296 = arith.constant 0 : i32
      %dma_start3A_1297 = tpu.memref_slice %arg30[%dma_start3A_1295, %dma_start3A_1296] : memref<80x128xf32, #tpu.memory_space<vmem_shared>> -> memref<80x128xf32, #tpu.memory_space<vmem_shared>>
      tpu.enqueue_indirect_dma source(%arg28 : memref<32x128xf32, #tpu.memory_space<vmem>>) target(%dma_start3A_1297 : memref<80x128xf32, #tpu.memory_space<vmem_shared>>) offsets(%arg18 : memref<32xi32, #tpu.memory_space<vmem>>) semaphore(%arg37 : memref<!tpu.dma_semaphore, #tpu.memory_space<semaphore_mem>>) {add = true}
    }
    %scan3A_1107 = arith.constant 79 : i32
    %dma_wait3A_1108 = arith.constant 0 : i32
    %dma_wait3A_1109 = arith.constant 0 : i32
    %dma_wait3A_1110 = tpu.memref_slice %arg29[%dma_wait3A_1108, %dma_wait3A_1109] : memref<10240x128xf32, #tpu.memory_space<vmem_shared>> -> memref<10240x128xf32, #tpu.memory_space<vmem_shared>>
    tpu.wait_indirect_dma semaphore(%arg36 : memref<!tpu.dma_semaphore, #tpu.memory_space<semaphore_mem>>) src(%arg25 : memref<32x128xf32, #tpu.memory_space<vmem>>) dst(%dma_wait3A_1110 : memref<10240x128xf32, #tpu.memory_space<vmem_shared>>)
    %dma_wait3A_1111 = arith.constant 0 : i32
    %dma_wait3A_1112 = arith.constant 0 : i32
    %dma_wait3A_1113 = tpu.memref_slice %arg30[%dma_wait3A_1111, %dma_wait3A_1112] : memref<80x128xf32, #tpu.memory_space<vmem_shared>> -> memref<80x128xf32, #tpu.memory_space<vmem_shared>>
    tpu.wait_indirect_dma semaphore(%arg36 : memref<!tpu.dma_semaphore, #tpu.memory_space<semaphore_mem>>) src(%arg27 : memref<32x128xf32, #tpu.memory_space<vmem>>) dst(%dma_wait3A_1113 : memref<80x128xf32, #tpu.memory_space<vmem_shared>>)
    %dma_wait3A_1114 = arith.constant 0 : i32
    %dma_wait3A_1115 = arith.constant 0 : i32
    %dma_wait3A_1116 = tpu.memref_slice %arg29[%dma_wait3A_1114, %dma_wait3A_1115] : memref<10240x128xf32, #tpu.memory_space<vmem_shared>> -> memref<10240x128xf32, #tpu.memory_space<vmem_shared>>
    tpu.wait_indirect_dma semaphore(%arg37 : memref<!tpu.dma_semaphore, #tpu.memory_space<semaphore_mem>>) src(%arg26 : memref<32x128xf32, #tpu.memory_space<vmem>>) dst(%dma_wait3A_1116 : memref<10240x128xf32, #tpu.memory_space<vmem_shared>>)
    %dma_wait3A_1117 = arith.constant 0 : i32
    %dma_wait3A_1118 = arith.constant 0 : i32
    %dma_wait3A_1119 = tpu.memref_slice %arg30[%dma_wait3A_1117, %dma_wait3A_1118] : memref<80x128xf32, #tpu.memory_space<vmem_shared>> -> memref<80x128xf32, #tpu.memory_space<vmem_shared>>
    tpu.wait_indirect_dma semaphore(%arg37 : memref<!tpu.dma_semaphore, #tpu.memory_space<semaphore_mem>>) src(%arg28 : memref<32x128xf32, #tpu.memory_space<vmem>>) dst(%dma_wait3A_1119 : memref<80x128xf32, #tpu.memory_space<vmem_shared>>)
    %barrier3A_1120 = arith.constant 0 : index
    tpu.barrier barrier_id(%barrier3A_1120)
    "tpu.region"() ({
      %run_scoped3A = tpu.sem_alloc : memref<!tpu.dma_semaphore, #tpu.memory_space<semaphore_mem>>
      %dma_start3A_1126 = arith.constant 0 : i32
      %dma_start3A_1127 = tpu.memref_slice %arg7[%arg0, %multiple_of3A, %dma_start3A_1126] : memref<2x10240x128xf32, #tpu.memory_space<hbm>> -> memref<1x640x128xf32, #tpu.memory_space<hbm>>
      %dma_start3A_1128 = tpu.memref_squeeze %dma_start3A_1127 : memref<1x640x128xf32, #tpu.memory_space<hbm>> -> memref<640x128xf32, #tpu.memory_space<hbm>>
      %dma_start3A_1129 = arith.constant 0 : i32
      %dma_start3A_1130 = tpu.memref_slice %arg29[%multiple_of3A, %dma_start3A_1129] : memref<10240x128xf32, #tpu.memory_space<vmem_shared>> -> memref<640x128xf32, #tpu.memory_space<vmem_shared>>
      tpu.enqueue_dma source(%dma_start3A_1130 : memref<640x128xf32, #tpu.memory_space<vmem_shared>>) target(%dma_start3A_1128 : memref<640x128xf32, #tpu.memory_space<hbm>>) target_semaphore(%run_scoped3A : memref<!tpu.dma_semaphore, #tpu.memory_space<semaphore_mem>>)
      %dma_wait3A_1131 = arith.constant 0 : i32
      %dma_wait3A_1132 = tpu.memref_slice %arg7[%arg0, %multiple_of3A, %dma_wait3A_1131] : memref<2x10240x128xf32, #tpu.memory_space<hbm>> -> memref<1x640x128xf32, #tpu.memory_space<hbm>>
      %dma_wait3A_1133 = tpu.memref_squeeze %dma_wait3A_1132 : memref<1x640x128xf32, #tpu.memory_space<hbm>> -> memref<640x128xf32, #tpu.memory_space<hbm>>
      %dma_wait3A_1134 = arith.constant 0 : i32
      %dma_wait3A_1135 = tpu.memref_slice %arg29[%multiple_of3A, %dma_wait3A_1134] : memref<10240x128xf32, #tpu.memory_space<vmem_shared>> -> memref<640x128xf32, #tpu.memory_space<vmem_shared>>
      tpu.wait_dma2 semaphore(%run_scoped3A : memref<!tpu.dma_semaphore, #tpu.memory_space<semaphore_mem>>) src(%dma_wait3A_1135 : memref<640x128xf32, #tpu.memory_space<vmem_shared>>) dst(%dma_wait3A_1133 : memref<640x128xf32, #tpu.memory_space<hbm>>)
      tpu.yield
    }) : () -> ()
    %lt3A_1121 = arith.constant 10 : i32
    %lt3A_1122 = arith.cmpi slt, %arg1, %lt3A_1121 : i32
    %convert_element_type3A_1123 = arith.extui %lt3A_1122 : i1 to i32
    %cond3A_1124 = arith.constant 0 : i32
    %cond3A_1125 = arith.cmpi ne, %convert_element_type3A_1123, %cond3A_1124 : i32
    scf.if %cond3A_1125 {
      %mul3A_1126 = arith.constant 8 : i32
      %mul3A_1127 = arith.muli %arg1, %mul3A_1126 : i32
      %multiple_of3A_1128 = tpu.assume_multiple %mul3A_1127, 8 : i32
      "tpu.region"() ({
        %run_scoped3A = tpu.sem_alloc : memref<!tpu.dma_semaphore, #tpu.memory_space<semaphore_mem>>
        %dma_start3A_1129 = arith.constant 0 : i32
        %dma_start3A_1130 = tpu.memref_slice %arg8[%arg0, %multiple_of3A_1128, %dma_start3A_1129] : memref<2x80x128xf32, #tpu.memory_space<hbm>> -> memref<1x8x128xf32, #tpu.memory_space<hbm>>
        %dma_start3A_1131 = tpu.memref_squeeze %dma_start3A_1130 : memref<1x8x128xf32, #tpu.memory_space<hbm>> -> memref<8x128xf32, #tpu.memory_space<hbm>>
        %dma_start3A_1132 = arith.constant 0 : i32
        %dma_start3A_1133 = tpu.memref_slice %arg30[%multiple_of3A_1128, %dma_start3A_1132] : memref<80x128xf32, #tpu.memory_space<vmem_shared>> -> memref<8x128xf32, #tpu.memory_space<vmem_shared>>
        tpu.enqueue_dma source(%dma_start3A_1133 : memref<8x128xf32, #tpu.memory_space<vmem_shared>>) target(%dma_start3A_1131 : memref<8x128xf32, #tpu.memory_space<hbm>>) target_semaphore(%run_scoped3A : memref<!tpu.dma_semaphore, #tpu.memory_space<semaphore_mem>>)
        %dma_wait3A_1134 = arith.constant 0 : i32
        %dma_wait3A_1135 = tpu.memref_slice %arg8[%arg0, %multiple_of3A_1128, %dma_wait3A_1134] : memref<2x80x128xf32, #tpu.memory_space<hbm>> -> memref<1x8x128xf32, #tpu.memory_space<hbm>>
        %dma_wait3A_1136 = tpu.memref_squeeze %dma_wait3A_1135 : memref<1x8x128xf32, #tpu.memory_space<hbm>> -> memref<8x128xf32, #tpu.memory_space<hbm>>
        %dma_wait3A_1137 = arith.constant 0 : i32
        %dma_wait3A_1138 = tpu.memref_slice %arg30[%multiple_of3A_1128, %dma_wait3A_1137] : memref<80x128xf32, #tpu.memory_space<vmem_shared>> -> memref<8x128xf32, #tpu.memory_space<vmem_shared>>
        tpu.wait_dma2 semaphore(%run_scoped3A : memref<!tpu.dma_semaphore, #tpu.memory_space<semaphore_mem>>) src(%dma_wait3A_1138 : memref<8x128xf32, #tpu.memory_space<vmem_shared>>) dst(%dma_wait3A_1136 : memref<8x128xf32, #tpu.memory_space<hbm>>)
        tpu.yield
      }) : () -> ()
    } else {
    }
    return
  }
}

module attributes {stable_mosaic.version = 14 : i64} {
  func.func @_wt_permute_body(%arg0: i32, %arg1: memref<400x512xf32, #tpu.memory_space<vmem>>, %arg2: memref<512x512xf32, #tpu.memory_space<vmem>>, %arg3: memref<400x256xi32, #tpu.memory_space<vmem>>) attributes {dimension_semantics = [#tpu.dimension_semantics<arbitrary>], iteration_bounds = array<i64: 25>, scalar_prefetch = 0 : i64, scratch_operands = 0 : i64, tpu.core_type = #tpu.core_type<tc>, window_params = [{transform_indices = @transform_0, window_bounds = array<i64: 400, 512>}, {pipeline_mode = #tpu.pipeline_mode<synchronous>, transform_indices = @transform_1, window_bounds = array<i64: 512, 512>}, {transform_indices = @transform_2, window_bounds = array<i64: 400, 256>}]} {
    %get3A = arith.constant 0 : index
    %get3A_0 = arith.constant 0 : index
    %get3A_1 = vector.load %arg1[%get3A, %get3A_0] : memref<400x512xf32, #tpu.memory_space<vmem>>, vector<400x512xf32>
    %get3A_2 = arith.constant 0 : index
    %get3A_3 = arith.constant 0 : index
    %get3A_4 = vector.load %arg2[%get3A_2, %get3A_3] : memref<512x512xf32, #tpu.memory_space<vmem>>, vector<512x512xf32>
    %dot_general3A = arith.constant dense<0.000000e+00> : vector<400x512xf32>
    %dot_general3A_5 = tpu.matmul %get3A_1, %get3A_4, %dot_general3A {dimension_numbers = #tpu.dot_dimension_numbers<[1], [0], [0], [1], [0, 0, 1, 1], [], []>, transpose_lhs_hint = false} : vector<400x512xf32>, vector<512x512xf32>, vector<400x512xf32> -> vector<400x512xf32>
    %slice3A = vector.extract_strided_slice %dot_general3A_5 {offsets = [0, 0], sizes = [400, 256], strides = [1, 1]} : vector<400x512xf32> to vector<400x256xf32>
    %bitcast_convert_type3A = tpu.bitcast %slice3A : vector<400x256xf32> -> vector<400x256xi32>
    %slice3A_6 = vector.extract_strided_slice %dot_general3A_5 {offsets = [0, 256], sizes = [400, 256], strides = [1, 1]} : vector<400x512xf32> to vector<400x256xf32>
    %bitcast_convert_type3A_7 = tpu.bitcast %slice3A_6 : vector<400x256xf32> -> vector<400x256xi32>
    %shift_right_logical3A = arith.constant 16 : i32
    %shift_right_logical3A_8 = vector.broadcast %shift_right_logical3A : i32 to vector<400x256xi32>
    %shift_right_logical3A_9 = arith.shrui %bitcast_convert_type3A, %shift_right_logical3A_8 : vector<400x256xi32>
    %and3A = arith.constant -65536 : i32
    %and3A_10 = vector.broadcast %and3A : i32 to vector<400x256xi32>
    %and3A_11 = arith.andi %bitcast_convert_type3A_7, %and3A_10 : vector<400x256xi32>
    %or3A = arith.ori %shift_right_logical3A_9, %and3A_11 : vector<400x256xi32>
    %swap3A = arith.constant 0 : index
    %swap3A_12 = arith.constant 0 : index
    %swap3A_13 = vector.load %arg3[%swap3A, %swap3A_12] : memref<400x256xi32, #tpu.memory_space<vmem>>, vector<400x256xi32>
    tpu.vector_store %arg3[%swap3A, %swap3A_12], %or3A {strides = array<i32>} : memref<400x256xi32, #tpu.memory_space<vmem>>, vector<400x256xi32>,
    return
  }
  func.func @transform_0(%arg0: i32) -> (i32, i32) {
    %c0_i32 = arith.constant 0 : i32
    %c0_i32_0 = arith.constant 0 : i32
    return %arg0, %c0_i32 : i32, i32
  }
  func.func @transform_1(%arg0: i32) -> (i32, i32) {
    %c0_i32 = arith.constant 0 : i32
    %c0_i32_0 = arith.constant 0 : i32
    %c0_i32_1 = arith.constant 0 : i32
    return %c0_i32, %c0_i32_0 : i32, i32
  }
  func.func @transform_2(%arg0: i32) -> (i32, i32) {
    %c0_i32 = arith.constant 0 : i32
    %c0_i32_0 = arith.constant 0 : i32
    return %arg0, %c0_i32 : i32, i32
  }
}

module attributes {stable_mosaic.version = 14 : i64} {
  func.func @_tc_combine_body(%arg0: i32, %arg1: memref<1000x128xf32, #tpu.memory_space<vmem>>, %arg2: memref<128x128xf32, #tpu.memory_space<vmem>>, %arg3: memref<2x1000x128xf32, #tpu.memory_space<vmem>>, %arg4: memref<2x1000x1xf32, #tpu.memory_space<vmem>>, %arg5: memref<1000x128xf32, #tpu.memory_space<vmem>>) attributes {dimension_semantics = [#tpu.dimension_semantics<arbitrary>], iteration_bounds = array<i64: 10>, scalar_prefetch = 0 : i64, scratch_operands = 0 : i64, tpu.core_type = #tpu.core_type<tc>, window_params = [{transform_indices = @transform_0, window_bounds = array<i64: 1000, 128>}, {pipeline_mode = #tpu.pipeline_mode<synchronous>, transform_indices = @transform_1, window_bounds = array<i64: 128, 128>}, {transform_indices = @transform_2, window_bounds = array<i64: 2, 1000, 128>}, {transform_indices = @transform_3, window_bounds = array<i64: 2, 1000, 1>}, {transform_indices = @transform_4, window_bounds = array<i64: 1000, 128>}]} {
    %get3A = arith.constant 0 : index
    %get3A_0 = arith.constant 0 : index
    %get3A_1 = arith.constant 0 : index
    %get3A_2 = vector.load %arg3[%get3A, %get3A_0, %get3A_1] : memref<2x1000x128xf32, #tpu.memory_space<vmem>>, vector<1x1000x128xf32>
    %get3A_3 = vector.shape_cast %get3A_2 : vector<1x1000x128xf32> to vector<1000x128xf32>
    %get3A_4 = arith.constant 1 : index
    %get3A_5 = arith.constant 0 : index
    %get3A_6 = arith.constant 0 : index
    %get3A_7 = vector.load %arg3[%get3A_4, %get3A_5, %get3A_6] : memref<2x1000x128xf32, #tpu.memory_space<vmem>>, vector<1x1000x128xf32>
    %get3A_8 = vector.shape_cast %get3A_7 : vector<1x1000x128xf32> to vector<1000x128xf32>
    %add3A = arith.addf %get3A_3, %get3A_8 : vector<1000x128xf32>
    %get3A_9 = arith.constant 0 : index
    %get3A_10 = arith.constant 0 : index
    %get3A_11 = arith.constant 0 : index
    %get3A_12 = vector.load %arg4[%get3A_9, %get3A_10, %get3A_11] : memref<2x1000x1xf32, #tpu.memory_space<vmem>>, vector<1x1000x1xf32>
    %get3A_13 = vector.shape_cast %get3A_12 : vector<1x1000x1xf32> to vector<1000x1xf32>
    %get3A_14 = arith.constant 1 : index
    %get3A_15 = arith.constant 0 : index
    %get3A_16 = arith.constant 0 : index
    %get3A_17 = vector.load %arg4[%get3A_14, %get3A_15, %get3A_16] : memref<2x1000x1xf32, #tpu.memory_space<vmem>>, vector<1x1000x1xf32>
    %get3A_18 = vector.shape_cast %get3A_17 : vector<1x1000x1xf32> to vector<1000x1xf32>
    %add3A_19 = arith.addf %get3A_13, %get3A_18 : vector<1000x1xf32>
    %get3A_20 = arith.constant 0 : index
    %get3A_21 = arith.constant 0 : index
    %get3A_22 = vector.load %arg1[%get3A_20, %get3A_21] : memref<1000x128xf32, #tpu.memory_space<vmem>>, vector<1000x128xf32>
    %get3A_23 = arith.constant 0 : index
    %get3A_24 = arith.constant 0 : index
    %get3A_25 = vector.load %arg2[%get3A_23, %get3A_24] : memref<128x128xf32, #tpu.memory_space<vmem>>, vector<128x128xf32>
    %dot_general3A = arith.constant dense<0.000000e+00> : vector<1000x128xf32>
    %dot_general3A_26 = tpu.matmul %get3A_22, %get3A_25, %dot_general3A {dimension_numbers = #tpu.dot_dimension_numbers<[1], [0], [0], [1], [0, 0, 1, 1], [], []>, transpose_lhs_hint = false} : vector<1000x128xf32>, vector<128x128xf32>, vector<1000x128xf32> -> vector<1000x128xf32>
    %max3A = arith.constant 1.000000e+00 : f32
    %max3A_27 = vector.broadcast %max3A : f32 to vector<1000x1xf32>
    %max3A_28 = arith.maximumf %add3A_19, %max3A_27 : vector<1000x1xf32>
    %div3A = vector.broadcast %max3A_28 : vector<1000x1xf32> to vector<1000x128xf32>
    %div3A_29 = arith.divf %add3A, %div3A : vector<1000x128xf32>
    %add3A_30 = arith.addf %dot_general3A_26, %div3A_29 : vector<1000x128xf32>
    %swap3A = arith.constant 0 : index
    %swap3A_31 = arith.constant 0 : index
    %swap3A_32 = vector.load %arg5[%swap3A, %swap3A_31] : memref<1000x128xf32, #tpu.memory_space<vmem>>, vector<1000x128xf32>
    tpu.vector_store %arg5[%swap3A, %swap3A_31], %add3A_30 {strides = array<i32>} : memref<1000x128xf32, #tpu.memory_space<vmem>>, vector<1000x128xf32>,
    return
  }
  func.func @transform_0(%arg0: i32) -> (i32, i32) {
    %c0_i32 = arith.constant 0 : i32
    %c0_i32_0 = arith.constant 0 : i32
    return %arg0, %c0_i32 : i32, i32
  }
  func.func @transform_1(%arg0: i32) -> (i32, i32) {
    %c0_i32 = arith.constant 0 : i32
    %c0_i32_0 = arith.constant 0 : i32
    %c0_i32_1 = arith.constant 0 : i32
    return %c0_i32, %c0_i32_0 : i32, i32
  }
  func.func @transform_2(%arg0: i32) -> (i32, i32, i32) {
    %c0_i32 = arith.constant 0 : i32
    %c0_i32_0 = arith.constant 0 : i32
    %c0_i32_1 = arith.constant 0 : i32
    return %c0_i32, %arg0, %c0_i32_0 : i32, i32, i32
  }
  func.func @transform_3(%arg0: i32) -> (i32, i32, i32) {
    %c0_i32 = arith.constant 0 : i32
    %c0_i32_0 = arith.constant 0 : i32
    %c0_i32_1 = arith.constant 0 : i32
    return %c0_i32, %arg0, %c0_i32_0 : i32, i32, i32
  }
  func.func @transform_4(%arg0: i32) -> (i32, i32) {
    %c0_i32 = arith.constant 0 : i32
    %c0_i32_0 = arith.constant 0 : i32
    return %arg0, %c0_i32 : i32, i32
  }
}

</mosaic_0001>

<sc_bundles>
// kernel: kernel.5.cloned.1.call-start
scs
__scs_entry_jumppad:
0x0: {  	(pc) =	sbr.rel $0x88, $3  }
0x1: {  	(tag) =	ssettag $0x0;
	lr =	simm.s32 $0x1  }
0x2: {  	[smem:$0x3F9D] =	sst lr;
	_ =	strace $0xD0000000  }
0x3: {  	_ = 	snop  }
0x4: {  	_ = 	snop  }
0x5: {  	_ = 	snop  }
0x6: {  	_ = 	snop  }
0x7: {  	_ = 	snop  }
__scs_overlays_trampoline_lowered:
0x8: {  	[smem:$0x3FAC] =	sst s0  }
0x9: {  	[smem:$0x3FAD] =	sst s1  }
0xa: {  	[smem:$0x3FAE] =	sst s2  }
0xb: {  	[smem:$0x3FAF] =	sst s3  }
0xc: {  	[smem:$0x3FB0] =	sst s4  }
0xd: {  	[smem:$0x3FB1] =	sst s5  }
0xe: {  	[smem:$0x3FB2] =	sst s6  }
0xf: {  	[smem:$0x3FB3] =	sst s7  }
0x10: {  	[smem:$0x3FB4] =	sst s8  }
0x11: {  	[smem:$0x3FB5] =	sst s9;
	s0 =	simm.s32 @!p0 $0x0  }
0x12: {  	s1 =	sld [smem:$0x3F9B];
	s0 =	simm.s32 @p0 $0x1  }
0x13: {  	[smem:$0x3FB6] =	sst s0;
	s0 =	simm.s32 @!p1 $0x0  }
0x14: {  	s2 =	sld [smem:$0x3F9A];
	s0 =	simm.s32 @p1 $0x1  }
0x15: {  	[smem:$0x3FB7] =	sst s0;
	s0 =	simm.s32 @!p2 $0x0  }
0x16: {  	s3 =	sld [smem:$0x3FDB];
	s0 =	simm.s32 @p2 $0x1  }
0x17: {  	s4 =	simm.s32 $0x1BF5;
	[smem:$0x3FB9] =	sst s0  }
0x18: {  	s0 =	sld [smem:$0x3F9C];
	_ =	swait.ge [sflag:s4], $0x0  }
0x19: {  	s7 =	sld [smem:$0x3F9D]  }
0x1a: {  	s8 =	sadd.s32 $0xFFFFE003, lr  }
0x1b: {  	s9 =	sadd.s32 $0xFFFFFEF7, lr;
	s5 =	simm.s32 $0xFFFFFFFF;
	p2 =	slt.u32 s8, $0xFFFFF086  }
0x1c: {  	p1 =	slt.u32 s9, $0xF7A;
	s5 =	simm.s32 @!p2 $0x0  }
0x1d: {  	s5 =	simm.s32 @p1 $0x1;
	p0 =	seq.s32 s7, s2  }
0x1e: {  	s7 =	smul.u32 @!p0 $0xF7A, s2;
	p2 =	seq.s32 @!p0 s5, $0x0  }
0x1f: {  	s9 =	smul.u32 $0xF7A, s1;
	s8 =	simm.s32 @!p0 $0x1BF5;
	p2 =	por !p2, p0  }
0x20: {  	[sflag:s8] =	ssyncset.s32 @!p0 $0xFFFFF086;
	s6 =	sadd.s32 @!p0 s3, s7;
	s7 =	simm.s32 @!p0 $0x108  }
0x21: {  	s3 =	sadd.s32 s3, s9;
	s6 =	sadd.s32 @!p0 $0x88, s6;
	s7 =	simm.s32 @p2 $0x1082  }
0x22: {  	[simem:s7], [sflag:s8] =	dma.local @!p0 [hbm:s6], $0xF7A  }
0x23: {  	s9 =	sor.u32 $0xD0000000, s2;
	s6 =	simm.s32 $0x108;
	_ =	swait.ge @!p0 [sflag:s8], $0x0  }
0x24: {  	s3 =	sadd.s32 $0x88, s3;
	s6 =	simm.s32 @!p1 $0x1082;
	[sflag:s4] =	ssyncset.s32 $0xFFFFF086  }
0x25: {  	[simem:s6], [sflag:s4] =	dma.local [hbm:s3], $0xF7A  }
0x26: {  	[smem:$0x3F9D] =	sst s1;
	(tag) =	ssettag s2;
	_ =	strace s9  }
0x27: {  	s1 =	sld [smem:$0x3FAD]  }
0x28: {  	s2 =	sld [smem:$0x3FAE]  }
0x29: {  	s4 =	sld [smem:$0x3FB0]  }
0x2a: {  	p0 =	seq.s32 s5, $0x0;
	s5 =	sld [smem:$0x3FB1]  }
0x2b: {  	s6 =	sld [smem:$0x3FB2]  }
0x2c: {  	s7 =	sld [smem:$0x3FB3]  }
0x2d: {  	s3 =	simm.s32 $0x108;
	s8 =	sld [smem:$0x3FB4]  }
0x2e: {  	s3 =	simm.s32 @!p0 $0x1082;
	s9 =	sld [smem:$0x3FB5]  }
0x2f: {  	lr =	sadd.s32 s0, s3;
	s0 =	sld [smem:$0x3FAC]  }
0x30: {  	s3 =	sld [smem:$0x3FAF]  }
0x31: {  	[smem:$0x3FB8] =	sst s10  }
0x32: {  	s10 =	sld [smem:$0x3FB6];
	_ =	sdelay $0x3  }
0x33: {  	p0 =	seq.s32 s10, $0x1;
	s10 =	sld [smem:$0x3FB8];
	_ =	sdelay $0x3  }
0x34: {  	[smem:$0x3FB8] =	sst s10  }
0x35: {  	s10 =	sld [smem:$0x3FB7];
	_ =	sdelay $0x3  }
0x36: {  	p1 =	seq.s32 s10, $0x1;
	s10 =	sld [smem:$0x3FB8];
	_ =	sdelay $0x3  }
0x37: {  	[smem:$0x3FB8] =	sst s10  }
0x38: {  	s10 =	sld [smem:$0x3FB9]  }
0x39: {  	_ = 	snop;
	(pc) =	sbr.ind lr, $3  }
0x3a: {  	_ = 	snop  }
0x3b: {  	_ = 	snop  }
0x3c: {  	p2 =	seq.s32 s10, $0x1;
	s10 =	sld [smem:$0x3FB8]  }
0x3d: {  	_ =	shalt  }
0x3e: {  	_ =	shalt  }
0x3f: {  	_ =	shalt  }
0x40: {  	_ =	shalt  }
0x41: {  	_ =	shalt  }
0x42: {  	_ =	shalt  }
0x43: {  	_ =	shalt  }
0x44: {  	_ =	shalt  }
0x45: {  	_ =	shalt  }
0x46: {  	_ =	shalt  }
0x47: {  	_ =	shalt  }
0x48: {  	_ =	shalt  }
0x49: {  	_ =	shalt  }
0x4a: {  	_ =	shalt  }
0x4b: {  	_ =	shalt  }
0x4c: {  	_ =	shalt  }
0x4d: {  	_ =	shalt  }
0x4e: {  	_ =	shalt  }
0x4f: {  	_ =	shalt  }
0x50: {  	_ =	shalt  }
0x51: {  	_ =	shalt  }
0x52: {  	_ =	shalt  }
0x53: {  	_ =	shalt  }
0x54: {  	_ =	shalt  }
0x55: {  	_ =	shalt  }
0x56: {  	_ =	shalt  }
0x57: {  	_ =	shalt  }
0x58: {  	_ =	shalt  }
0x59: {  	_ =	shalt  }
0x5a: {  	_ =	shalt  }
0x5b: {  	_ =	shalt  }
0x5c: {  	_ =	shalt  }
0x5d: {  	_ =	shalt  }
0x5e: {  	_ =	shalt  }
0x5f: {  	_ =	shalt  }
0x60: {  	_ =	shalt  }
0x61: {  	_ =	shalt  }
0x62: {  	_ =	shalt  }
0x63: {  	_ =	shalt  }
0x64: {  	_ =	shalt  }
0x65: {  	_ =	shalt  }
0x66: {  	_ =	shalt  }
0x67: {  	_ =	shalt  }
0x68: {  	_ =	shalt  }
0x69: {  	_ =	shalt  }
0x6a: {  	_ =	shalt  }
0x6b: {  	_ =	shalt  }
0x6c: {  	_ =	shalt  }
0x6d: {  	_ =	shalt  }
0x6e: {  	_ =	shalt  }
0x6f: {  	_ =	shalt  }
0x70: {  	_ =	shalt  }
0x71: {  	_ =	shalt  }
0x72: {  	_ =	shalt  }
0x73: {  	_ =	shalt  }
0x74: {  	_ =	shalt  }
0x75: {  	_ =	shalt  }
0x76: {  	_ =	shalt  }
0x77: {  	_ =	shalt  }
0x78: {  	_ =	shalt  }
0x79: {  	_ =	shalt  }
0x7a: {  	_ =	shalt  }
0x7b: {  	_ =	shalt  }
0x7c: {  	_ =	shalt  }
0x7d: {  	_ =	shalt  }
0x7e: {  	_ =	shalt  }
0x7f: {  	_ =	shalt  }
0x80: {  	_ =	shalt  }
0x81: {  	_ =	shalt  }
0x82: {  	_ =	shalt  }
0x83: {  	_ =	shalt  }
0x84: {  	_ =	shalt  }
0x85: {  	_ =	shalt  }
0x86: {  	_ =	shalt  }
0x87: {  	_ =	shalt  }
.Lfunc_end0:
.L_simem_size_0:
called_computation_lowered:
.L_overlay_start_0:
0x88: {  	s2 =	sld [smem:$0x3FD9]  }
0x89: {  	s3 =	sld [smem:$0x3FFE];
	_ =	sdelay $0x1  }
0x8a: {  	s1 =	srdreg.scid  }
0x8b: {  	s0 =	sand.u32 $0x1, s1  }
0x8c: {  	s17 =	sshll.u32 s0, $0xA;
	s2 =	sadd.s32 s3, s2  }
0x8d: {  	s2 =	sadd.s32 s2, s17  }
0x8e: {  	[smem:$0x3FC4] =	sst s2  }
0x8f: {  	_ = 	snop  }
0x90: {  	s2 =	sld [smem:$0x3FC9]  }
0x91: {  	s18 =	sld [smem:$0x3FD0];
	(tm) =	ssettm $0x1  }
0x92: {  	s4 =	sld [smem:$0x3FFB];
	_ =	sdelay $0x3  }
0x93: {  	_ =	strace s4  }
0x94: {  	s4 =	sld [smem:$0x3FFC];
	_ =	sdelay $0x3  }
0x95: {  	_ =	strace s4  }
0x96: {  	s4 =	sld [smem:$0x3FFD];
	_ =	sdelay $0x3  }
0x97: {  	_ =	strace s4  }
0x98: {  	_ =	strace $0x8FFFFFFF  }
0x99: {  	s19 =	sld [smem:$0x3FDB];
	_ =	sdelay $0x1  }
0x9a: {  	s5 =	simm.s32 $_scs_section_size  }
0x9b: {  	s6 =	simm.s32 $_size__tile_overlayer_lowered;
	s7 =	simm.s32 $_tile_overlayer_lowered  }
0x9c: {  	s22 =	simm.s32 $0x1BFF;
	s21 =	sshll.u32 s7, $0x1;
	s4 =	sadd.s32 s5, s19  }
0x9d: {  	s8 =	simm.s32 $0x0;
	s20 =	sshll.u32 s6, $0x1;
	s6 =	sadd.s32 s21, s4  }
0x9e: {  	[timem:s8], [sflag:s22] =	dma.local [hbm:s6], s20  }
0x9f: {  	_ =	swait.ge [sflag:s22], s20  }
0xa0: {  	s5 =	ssub.s32 $0x0, s20;
	[sflag:s22] =	ssyncset.done $0x0  }
0xa1: {  	[sflag:s22] =	ssyncadd.s32 s5;
	_ =	sdelay $0x1  }
0xa2: {  	s23 =	simm.s32 $0x1B8B  }
0xa3: {  	_ =	swait.ge [sflag:s23], $0x1  }
0xa4: {  	[sflag:s23] =	ssyncset.done $0x0  }
0xa5: {  	s25 =	simm.s32 $0x1B8E;
	s24 =	sld [smem:$0x3FFE];
	[sflag:s23] =	ssyncadd.s32 $0xFFFFFFFF  }
0xa6: {  	s26 =	simm.s32 $execute0_lowered;
	[smem:$0x3FD2] =	sst s25  }
0xa7: {  	s6 =	sshll.u32 s26, $0x1;
	_ =	strace $0x80000046;
	[dreg:$0x1] =	wrdreg $0xFFFFFFFF  }
0xa8: {  	s28 =	simm.s32 $_size_execute0_lowered;
	s4 =	sadd.s32 s4, s6;
	[dreg:$0x0] =	wrdreg $0x0  }
0xa9: {  	s6 =	sshll.u32 s28, $0x1;
	[dreg:$0x2] =	wrdreg s4  }
0xaa: {  	[dreg:$0x3] =	wrdreg s6  }
0xab: {  	[dreg:$0x4] =	wrdreg $0xC0  }
0xac: {  	_ =	task [dreg:s8], $0x5FFFF  }
0xad: {  	[dreg:$0x1] =	wrdreg $0xFFFFFFFF  }
0xae: {  	[dreg:$0x0] =	wrdreg $0x60  }
0xaf: {  	[dreg:$0x2] =	wrdreg s2  }
0xb0: {  	[dreg:$0x3] =	wrdreg s24  }
0xb1: {  	[dreg:$0x4] =	wrdreg s18  }
0xb2: {  	[dreg:$0x5] =	wrdreg $0xA6000  }
0xb3: {  	[dreg:$0x6] =	wrdreg $0x1E6000  }
0xb4: {  	[dreg:$0x7] =	wrdreg $0x1E8800  }
0xb5: {  	[dreg:$0x8] =	wrdreg $0x9  }
0xb6: {  	_ =	task.clear_ibuf [dreg:s8], $0x9FFFF;
	_ =	strace $0x90000046  }
0xb7: {  	s29 =	simm.s32 $0x9;
	_ =	strace $0x80000048  }
0xb8: {  	_ =	swait.ge [sflag:s29], $0x1  }
0xb9: {  	[sflag:s29] =	ssyncadd.s32 $0xFFFFFFFF  }
0xba: {  	_ =	strace $0x90000048  }
0xbb: {  	_ =	sfence  }
0xbc: {  	s30 =	sld [smem:$0x0];
	_ =	sdelay $0x2  }
0xbd: {  	s31 =	sshll.u32 s1, $0xD;
	s1 =	sshrl.u32 s1, $0x2  }
0xbe: {  	s3 =	sand.u32 $0x4000, s31;
	s1 =	sadd.s32 s1, s30  }
0xbf: {  	s0 =	sor.u32 s3, s0;
	s1 =	sshll.u32 s1, $0x11  }
0xc0: {  	s0 =	sor.u32 s1, s0  }
0xc1: {  	s0 =	sadd.s32 $0x8F2B, s0  }
0xc2: {  	[sflag:s0] =	ssyncadd.remote.s32 $0x1  }
0xc3: {  	_ =	sfence.sel $0xFFFF  }
0xc4: {  	[dreg:$0x0] =	wrdreg $0xFFFFFFFF;
	(pc) =	sbr.abs _section_cstart, $3  }
0xc5: {  	[dreg:$0x1] =	wrdreg $0xFFFFFFFF  }
0xc6: {  	_ =	task.clear_ibuf [dreg:s8], $0x2FFFF;
	_ =	strace $0x9FFFFFFF  }
0xc7: {  	(tm) =	ssettm $0x7FFFFFFF  }
tec
execute0_lowered:
.L_overlay_start_1:
0x0: {  	(tag) =	ssettag $0x1  }
0x1: {  	s9 =	stileid.u32  }
0x2: {  	s0 =	sshll.u32 s9, $0x3  }
0x3: {  	v0 =	vlaneseq.u32;
	v1 =	vimm.f32 $0.0e+00;
	v9 =	vmov s0  }
0x4: {  	v8 =	vor.u32 $0x10, v0;
	v7 =	vor.u32 $0x20, v0;
	s1 =	sor.u32 $0x1, s0;
	vm0 =	veq.s32 v9, v0  }
0x5: {  	s3 =	sor.u32 $0x2, s0;
	v12 =	vmov s1;
	v2 =	vsel vm0, $0x3F800000, v1;
	vm0 =	veq.s32 v9, v8  }
0x6: {  	v22 =	vmov s3;
	vm1 =	veq.s32 v12, v8;
	[tilespmem:$0x1FC00] =	vst v2;
	v2 =	vsel vm0, $0x3F800000, v1  }
0x7: {  	vm2 =	veq.s32 v22, v7;
	v15 =	vsel vm1, $0x3F800000, v1;
	[tilespmem:$0x1FC10] =	vst v2  }
0x8: {  	v6 =	vor.u32 $0x30, v0;
	vm0 =	veq.s32 v9, v7;
	v25 =	vsel vm2, $0x3F800000, v1;
	[tilespmem:$0x1FC90] =	vst v15  }
0x9: {  	v4 =	vor.u32 $0x40, v0;
	v2 =	vsel vm0, $0x3F800000, v1;
	vm0 =	veq.s32 v9, v6;
	[tilespmem:$0x1FD20] =	vst v25  }
0xa: {  	v5 =	vor.u32 $0x50, v0;
	[tilespmem:$0x1FC20] =	vst v2;
	v2 =	vsel vm0, $0x3F800000, v1;
	vm0 =	veq.s32 v9, v4  }
0xb: {  	[tilespmem:$0x1FC30] =	vst v2;
	v2 =	vsel vm0, $0x3F800000, v1;
	vm0 =	veq.s32 v9, v5  }
0xc: {  	v3 =	vor.u32 $0x60, v0;
	vm1 =	veq.s32 v12, v4;
	[tilespmem:$0x1FC40] =	vst v2;
	v2 =	vsel vm0, $0x3F800000, v1  }
0xd: {  	v18 =	vsel vm1, $0x3F800000, v1;
	vm0 =	veq.s32 v9, v3;
	[tilespmem:$0x1FC50] =	vst v2;
	v2 =	vor.u32 $0x70, v0  }
0xe: {  	[tilespmem:$0x1FCC0] =	vst v18;
	v10 =	vsel vm0, $0x3F800000, v1;
	vm0 =	veq.s32 v9, v2  }
0xf: {  	[tilespmem:$0x1FC60] =	vst v10;
	vm1 =	veq.s32 v12, v2;
	v13 =	vsel vm0, $0x3F800000, v1  }
0x10: {  	vm0 =	veq.s32 v12, v0;
	v21 =	vsel vm1, $0x3F800000, v1;
	[tilespmem:$0x1FC70] =	vst v13  }
0x11: {  	vm1 =	veq.s32 v22, v8;
	v14 =	vsel vm0, $0x3F800000, v1;
	[tilespmem:$0x1FCF0] =	vst v21  }
0x12: {  	vm0 =	veq.s32 v12, v7;
	v24 =	vsel vm1, $0x3F800000, v1;
	[tilespmem:$0x1FC80] =	vst v14  }
0x13: {  	v16 =	vsel vm0, $0x3F800000, v1;
	vm0 =	veq.s32 v12, v6;
	[tilespmem:$0x1FD10] =	vst v24  }
0x14: {  	s29 =	rddreg [dreg:$0x1];
	[tilespmem:$0x1FCA0] =	vst v16;
	v17 =	vsel vm0, $0x3F800000, v1;
	vm0 =	veq.s32 v12, v5  }
0x15: {  	s10 =	rddreg [dreg:$0x2];
	[tilespmem:$0x1FCB0] =	vst v17;
	v19 =	vsel vm0, $0x3F800000, v1;
	vm0 =	veq.s32 v12, v3  }
0x16: {  	s8 =	rddreg [dreg:$0x3];
	[tilespmem:$0x1FCD0] =	vst v19;
	v20 =	vsel vm0, $0x3F800000, v1;
	vm0 =	veq.s32 v22, v0  }
0x17: {  	s11 =	rddreg [dreg:$0x4];
	s13 =	simm.s32 $0x0;
	[tilespmem:$0x1FCE0] =	vst v20;
	v23 =	vsel vm0, $0x3F800000, v1;
	vm0 =	veq.s32 v22, v6  }
0x18: {  	[smem:$0x7FF] =	sst s13;
	vm1 =	veq.s32 v22, v4;
	[tilespmem:$0x1FD00] =	vst v23;
	v26 =	vsel vm0, $0x3F800000, v1  }
0x19: {  	s12 =	rddreg [dreg:$0x5];
	s7 =	sor.u32 $0x3, s0;
	vm2 =	veq.s32 v22, v5;
	v27 =	vsel vm1, $0x3F800000, v1;
	_ =	strace $0x80000047;
	[tilespmem:$0x1FD30] =	vst v26  }
0x1a: {  	s2 =	srdreg.scid;
	v29 =	vmov s7;
	v28 =	vsel vm2, $0x3F800000, v1;
	vm1 =	veq.s32 v22, v2;
	[tilespmem:$0x1FD40] =	vst v27  }
0x1b: {  	s2 =	sand.u32 $0x1, s2;
	s19 =	sor.u32 $0x4, s0;
	v31 =	vsel vm1, $0x3F800000, v1;
	vm1 =	veq.s32 v29, v7;
	[tilespmem:$0x1FD50] =	vst v28  }
0x1c: {  	s30 =	smul.u32 $0x140000, s2;
	v39 =	vmov s19;
	v34 =	vsel vm1, $0x3F800000, v1;
	vm1 =	veq.s32 v29, v5;
	[tilespmem:$0x1FD70] =	vst v31  }
0x1d: {  	s31 =	smul.u32 $0x2800, s2;
	s17 =	ssub.s32 $0x2, s2;
	s2 =	sshll.u32 s2, $0x4;
	v37 =	vsel vm1, $0x3F800000, v1;
	vm1 =	veq.s32 v39, v8;
	[tilespmem:$0x1FDA0] =	vst v34  }
0x1e: {  	s2 =	sor.u32 s9, s2;
	v42 =	vsel vm1, $0x3F800000, v1;
	vm1 =	veq.s32 v39, v4;
	[tilespmem:$0x1FDD0] =	vst v37  }
0x1f: {  	s2 =	smul.u32 $0x13C0, s2;
	vm0 =	veq.s32 v22, v3;
	v45 =	vsel vm1, $0x3F800000, v1;
	[tilespmem:$0x1FE10] =	vst v42  }
0x20: {  	s20 =	sor.u32 $0x5, s0;
	vm1 =	veq.s32 v39, v2;
	v30 =	vsel vm0, $0x3F800000, v1;
	[tilespmem:$0x1FE40] =	vst v45  }
0x21: {  	s5 =	sadd.s32 $0x800, s29;
	s14 =	sadd.s32 $0x9CC00, s29;
	v44 =	vmov s20;
	s22 =	sshrl.u32 s2, $0x3;
	vm0 =	veq.s32 v29, v0;
	v48 =	vsel vm1, $0x3F800000, v1;
	[tilespmem:$0x1FD60] =	vst v30  }
0x22: {  	s15 =	sadd.s32 $0x4EA00, s29;
	s23 =	sadd.s32 s10, s22;
	[dreg:$0x17] =	wrdreg s5;
	vm1 =	veq.s32 v44, v7;
	v32 =	vsel vm0, $0x3F800000, v1;
	[tilespmem:$0x1FE70] =	vst v48  }
0x23: {  	s0 =	sor.u32 $0x6, s0;
	s24 =	sadd.s32 s14, s22;
	[dreg:$0x1e] =	wrdreg s23;
	vm0 =	veq.s32 v29, v8;
	v51 =	vsel vm1, $0x3F800000, v1;
	[tilespmem:$0x1FD80] =	vst v32  }
0x24: {  	s25 =	sor.u32 $0x4, s22;
	s26 =	sadd.s32 s15, s22;
	[dreg:$0x1f] =	wrdreg s24;
	vm1 =	veq.s32 v44, v5;
	v33 =	vsel vm0, $0x3F800000, v1;
	[tilespmem:$0x1FEA0] =	vst v51  }
0x25: {  	s4 =	smul.u32 $0x14000, s9;
	v11 =	vmov s0;
	s28 =	sadd.s32 s10, s25;
	[smem:$0x7E3] =	sst s26;
	vm0 =	veq.s32 v29, v6;
	v54 =	vsel vm1, $0x3F800000, v1;
	[tilespmem:$0x1FD90] =	vst v33  }
0x26: {  	s6 =	sshll.u32 s9, $0xA;
	[smem:$0x7E4] =	sst s28;
	vm1 =	veq.s32 v11, v0;
	v35 =	vsel vm0, $0x3F800000, v1;
	[tilespmem:$0x1FED0] =	vst v54  }
0x27: {  	s16 =	smul.u32 $0x50000, s9;
	s3 =	sadd.s32 s4, s30;
	[dreg:$0x18] =	wrdreg s14;
	vm0 =	veq.s32 v29, v4;
	v57 =	vsel vm1, $0x3F800000, v1;
	[tilespmem:$0x1FDB0] =	vst v35  }
0x28: {  	s3 =	sshrl.u32 s3, $0x3;
	s30 =	sadd.s32 s15, s25;
	[dreg:$0x19] =	wrdreg s15;
	vm1 =	veq.s32 v11, v6;
	v36 =	vsel vm0, $0x3F800000, v1;
	[tilespmem:$0x1FF00] =	vst v57  }
0x29: {  	s11 =	sadd.s32 s6, s11;
	s3 =	sadd.s32 s3, s29;
	[smem:$0x7E6] =	sst s30;
	vm0 =	veq.s32 v29, v3;
	v60 =	vsel vm1, $0x3F800000, v1;
	[tilespmem:$0x1FDC0] =	vst v36  }
0x2a: {  	s5 =	sadd.s32 s6, s31;
	s6 =	sadd.s32 s6, s12;
	[dreg:$0x1c] =	wrdreg s11;
	vm1 =	veq.s32 v11, v3;
	v38 =	vsel vm0, $0x3F800000, v1;
	[tilespmem:$0x1FF30] =	vst v60  }
0x2b: {  	s31 =	sadd.s32 $0x40, s2;
	s4 =	sshrl.u32 s5, $0x3;
	[dreg:$0x1d] =	wrdreg s6;
	vm0 =	veq.s32 v29, v2;
	v63 =	vsel vm1, $0x3F800000, v1;
	[tilespmem:$0x1FDE0] =	vst v38  }
0x2c: {  	s5 =	sshrl.u32 s16, $0x2;
	[smem:$0x7E7] =	sst s31;
	s6 =	sadd.s32 $0xA1C00, s3;
	v40 =	vsel vm0, $0x3F800000, v1;
	vm0 =	veq.s32 v39, v0;
	[tilespmem:$0x1FF60] =	vst v63  }
0x2d: {  	s1 =	sadd.s32 s4, s29;
	s29 =	sadd.s32 s14, s25;
	[smem:$0x7E9] =	sst s6;
	[tilespmem:$0x1FDF0] =	vst v40;
	v41 =	vsel vm0, $0x3F800000, v1;
	vm0 =	veq.s32 v39, v7  }
0x2e: {  	s21 =	sshllo.u32 s9, $0x3;
	s16 =	sadd.s32 s5, s8;
	[smem:$0x7E5] =	sst s29;
	[tilespmem:$0x1FE00] =	vst v41;
	v43 =	vsel vm0, $0x3F800000, v1;
	vm0 =	veq.s32 v39, v6  }
0x2f: {  	s18 =	sshrl.u32 s17, $0x1;
	s5 =	sadd.s32 $0x1000, s16;
	[dreg:$0x1a] =	wrdreg s16;
	[tilespmem:$0x1FE20] =	vst v43;
	v13 =	vsel vm0, $0x3F800000, v1;
	vm0 =	veq.s32 v39, v5  }
0x30: {  	s4 =	ssub.s32 s17, s18;
	s7 =	sadd.s32 $0x53A00, s1;
	[dreg:$0x1b] =	wrdreg s5;
	[tilespmem:$0x1FE30] =	vst v13;
	v46 =	vsel vm0, $0x3F800000, v1;
	vm0 =	veq.s32 v39, v3  }
0x31: {  	vm2 =	veq.s32 v11, v2;
	v12 =	vmov s21;
	s8 =	smax.u32 s4, $0x1;
	[smem:$0x7EA] =	sst s7;
	[tilespmem:$0x1FE50] =	vst v46;
	v47 =	vsel vm0, $0x3F800000, v1  }
0x32: {  	s10 =	sadd.s32 $0x2000, s16;
	[smem:$0x7EB] =	sst s8;
	vm1 =	veq.s32 v12, v0;
	vm0 =	veq.s32 v44, v0;
	v0 =	vsel vm2, $0x3F800000, v1;
	[tilespmem:$0x1FE60] =	vst v47  }
0x33: {  	s12 =	sadd.s32 $0x3000, s16;
	[smem:$0x7EC] =	sst s10;
	v49 =	vsel vm0, $0x3F800000, v1;
	[tilespmem:$0x1FF70] =	vst v0  }
0x34: {  	s14 =	sadd.s32 $0x4000, s16;
	[smem:$0x7ED] =	sst s12;
	vm0 =	veq.s32 v44, v8;
	v0 =	vsel vm1, $0x3F800000, v1;
	[tilespmem:$0x1FE80] =	vst v49  }
0x35: {  	s15 =	sadd.s32 $0x5000, s16;
	[smem:$0x7EE] =	sst s14;
	v50 =	vsel vm0, $0x3F800000, v1;
	vm0 =	veq.s32 v44, v6;
	[tilespmem:$0x1FF80] =	vst v0  }
0x36: {  	s17 =	sadd.s32 $0x6000, s16;
	[smem:$0x7EF] =	sst s15;
	[tilespmem:$0x1FE90] =	vst v50;
	v52 =	vsel vm0, $0x3F800000, v1;
	vm0 =	veq.s32 v44, v4  }
0x37: {  	s18 =	sadd.s32 $0x7000, s16;
	[smem:$0x7F0] =	sst s17;
	[tilespmem:$0x1FEB0] =	vst v52;
	v53 =	vsel vm0, $0x3F800000, v1;
	vm0 =	veq.s32 v44, v3  }
0x38: {  	s19 =	sadd.s32 $0x8000, s16;
	[smem:$0x7F1] =	sst s18;
	[tilespmem:$0x1FEC0] =	vst v53;
	v55 =	vsel vm0, $0x3F800000, v1;
	vm0 =	veq.s32 v44, v2  }
0x39: {  	s20 =	sadd.s32 $0x9000, s16;
	[smem:$0x7F2] =	sst s19;
	[tilespmem:$0x1FEE0] =	vst v55;
	v56 =	vsel vm0, $0x3F800000, v1;
	vm0 =	veq.s32 v11, v8  }
0x3a: {  	s21 =	sadd.s32 $0xA000, s16;
	[smem:$0x7F3] =	sst s20;
	[tilespmem:$0x1FEF0] =	vst v56;
	v58 =	vsel vm0, $0x3F800000, v1;
	vm0 =	veq.s32 v11, v7  }
0x3b: {  	s22 =	sadd.s32 $0xB000, s16;
	[smem:$0x7F4] =	sst s21;
	[tilespmem:$0x1FF10] =	vst v58;
	v59 =	vsel vm0, $0x3F800000, v1;
	vm0 =	veq.s32 v11, v4  }
0x3c: {  	s23 =	sadd.s32 $0xC000, s16;
	[smem:$0x7F5] =	sst s22;
	[tilespmem:$0x1FF20] =	vst v59;
	v61 =	vsel vm0, $0x3F800000, v1;
	vm0 =	veq.s32 v11, v5  }
0x3d: {  	s24 =	sadd.s32 $0xD000, s16;
	[smem:$0x7F6] =	sst s23;
	[tilespmem:$0x1FF40] =	vst v61;
	v62 =	vsel vm0, $0x3F800000, v1;
	vm0 =	veq.s32 v12, v8  }
0x3e: {  	vm3 =	veq.s32 v12, v7;
	s25 =	sadd.s32 $0xE000, s16;
	[smem:$0x7F7] =	sst s24;
	[tilespmem:$0x1FF50] =	vst v62;
	v0 =	vsel vm0, $0x3F800000, v1  }
0x3f: {  	s26 =	sadd.s32 $0xF000, s16;
	[smem:$0x7F8] =	sst s25;
	vm2 =	veq.s32 v12, v6;
	[tilespmem:$0x1FF90] =	vst v0;
	v0 =	vsel vm3, $0x3F800000, v1  }
0x40: {  	s28 =	sadd.s32 $0x10000, s16;
	[smem:$0x7F9] =	sst s26;
	vm1 =	veq.s32 v12, v4;
	[tilespmem:$0x1FFA0] =	vst v0;
	v0 =	vsel vm2, $0x3F800000, v1  }
0x41: {  	s29 =	sadd.s32 $0x11000, s16;
	[smem:$0x7FA] =	sst s28;
	vm0 =	veq.s32 v12, v5;
	[tilespmem:$0x1FFB0] =	vst v0;
	v0 =	vsel vm1, $0x3F800000, v1  }
0x42: {  	s30 =	sadd.s32 $0x12000, s16;
	[smem:$0x7FB] =	sst s29;
	vm3 =	veq.s32 v12, v3;
	[tilespmem:$0x1FFC0] =	vst v0;
	v0 =	vsel vm0, $0x3F800000, v1  }
0x43: {  	s31 =	sadd.s32 $0x13000, s16;
	[smem:$0x7FC] =	sst s30;
	vm2 =	veq.s32 v12, v2;
	[tilespmem:$0x1FFD0] =	vst v0;
	v0 =	vsel vm3, $0x3F800000, v1  }
0x44: {  	p0 =	sgt.u32 s9, $0x9;
	s5 =	sadd.s32 $0x60, s2;
	[smem:$0x7FD] =	sst s31;
	[tilespmem:$0x1FFE0] =	vst v0;
	v0 =	vsel vm2, $0x3F800000, v1  }
0x45: {  	s3 =	simm.s32 $0x9;
	s4 =	simm.s32 $0x20;
	[smem:$0x7E8] =	sst s5;
	vm0 =	vmmov $0xffff;
	[tilespmem:$0x1FFF0] =	vst v0  }
.LBB2_1:
0x46: {  	[dreg:$0x16] =	wrdreg s13;
	s0 =	simm.s32 $0x0;
	s1 =	simm.s32 $0x200  }
.LBB2_2:
0x47: {  	p1 =	sne.s32 s1, $0x3E00;
	[tilespmem:s0+$0x6670] =	vst v1  }
0x48: {  	[tilespmem:s0+$0x6600] =	vst v1  }
0x49: {  	[tilespmem:s0+$0x6610] =	vst v1  }
.Ltmp0:
0x4a: {  	[tilespmem:s0+$0x6620] =	vst v1;
	(pc) =	sbr.rel @p1 .LBB2_2-.Ltmp0, $4  }
0x4b: {  	[tilespmem:s0+$0x6630] =	vst v1  }
0x4c: {  	[tilespmem:s0+$0x6640] =	vst v1  }
0x4d: {  	[tilespmem:s0+$0x6650] =	vst v1  }
0x4e: {  	[tilespmem:s0+$0x6660] =	vst v1;
	s0 =	sshra.s32 s1, $0x2;
	s1 =	sadd.s32 $0x200, s1  }
0x4f: {  	[tilespmem:s0+$0x6670] =	vst v1  }
0x50: {  	[tilespmem:s0+$0x6600] =	vst v1  }
0x51: {  	[tilespmem:s0+$0x6610] =	vst v1  }
0x52: {  	[tilespmem:s0+$0x6620] =	vst v1  }
0x53: {  	[tilespmem:s0+$0x6630] =	vst v1  }
0x54: {  	[tilespmem:s0+$0x6640] =	vst v1  }
0x55: {  	[tilespmem:s0+$0x6650] =	vst v1  }
0x56: {  	[tilespmem:s0+$0x6660] =	vst v1;
	s1 =	simm.s32 $0x6600  }
0x57: {  	[spmem:s16] =	stream.linear.scatter [tilespmem:s1], [sflag:$0x9], $0x1000, $0x38;
	[tilespmem:$0x1EC80] =	vst v63  }
0x58: {  	_ =	swait.ge [sflag:s3], $0x1000  }
0x59: {  	[sflag:s3] =	ssyncset.done $0x0  }
0x5a: {  	s19 =	rddreg [dreg:$0x1b];
	[sflag:s3] =	ssyncadd.s32 $0xFFFFF000  }
0x5b: {  	[spmem:s19] =	stream.linear.scatter [tilespmem:s1], [sflag:$0x9], $0x1000, $0x38;
	[tilespmem:$0x1EC80] =	vst v63  }
0x5c: {  	_ =	swait.ge [sflag:s3], $0x1000  }
0x5d: {  	s20 =	sld [smem:$0x7EC]  }
0x5e: {  	[sflag:s3] =	ssyncset.done $0x0  }
0x5f: {  	[sflag:s3] =	ssyncadd.s32 $0xFFFFF000  }
0x60: {  	[spmem:s20] =	stream.linear.scatter [tilespmem:s1], [sflag:$0x9], $0x1000, $0x38;
	[tilespmem:$0x1EC80] =	vst v63  }
0x61: {  	_ =	swait.ge [sflag:s3], $0x1000  }
0x62: {  	s21 =	sld [smem:$0x7ED]  }
0x63: {  	[sflag:s3] =	ssyncset.done $0x0  }
0x64: {  	[sflag:s3] =	ssyncadd.s32 $0xFFFFF000  }
0x65: {  	[spmem:s21] =	stream.linear.scatter [tilespmem:s1], [sflag:$0x9], $0x1000, $0x38;
	[tilespmem:$0x1EC80] =	vst v63  }
0x66: {  	_ =	swait.ge [sflag:s3], $0x1000  }
0x67: {  	s22 =	sld [smem:$0x7EE]  }
0x68: {  	[sflag:s3] =	ssyncset.done $0x0  }
0x69: {  	[sflag:s3] =	ssyncadd.s32 $0xFFFFF000  }
0x6a: {  	[spmem:s22] =	stream.linear.scatter [tilespmem:s1], [sflag:$0x9], $0x1000, $0x38;
	[tilespmem:$0x1EC80] =	vst v63  }
0x6b: {  	_ =	swait.ge [sflag:s3], $0x1000  }
0x6c: {  	s23 =	sld [smem:$0x7EF]  }
0x6d: {  	[sflag:s3] =	ssyncset.done $0x0  }
0x6e: {  	[sflag:s3] =	ssyncadd.s32 $0xFFFFF000  }
0x6f: {  	[spmem:s23] =	stream.linear.scatter [tilespmem:s1], [sflag:$0x9], $0x1000, $0x38;
	[tilespmem:$0x1EC80] =	vst v63  }
0x70: {  	_ =	swait.ge [sflag:s3], $0x1000  }
0x71: {  	s24 =	sld [smem:$0x7F0]  }
0x72: {  	[sflag:s3] =	ssyncset.done $0x0  }
0x73: {  	[sflag:s3] =	ssyncadd.s32 $0xFFFFF000  }
0x74: {  	[spmem:s24] =	stream.linear.scatter [tilespmem:s1], [sflag:$0x9], $0x1000, $0x38;
	[tilespmem:$0x1EC80] =	vst v63  }
0x75: {  	_ =	swait.ge [sflag:s3], $0x1000  }
0x76: {  	s25 =	sld [smem:$0x7F1]  }
0x77: {  	[sflag:s3] =	ssyncset.done $0x0  }
0x78: {  	[sflag:s3] =	ssyncadd.s32 $0xFFFFF000  }
0x79: {  	[spmem:s25] =	stream.linear.scatter [tilespmem:s1], [sflag:$0x9], $0x1000, $0x38;
	[tilespmem:$0x1EC80] =	vst v63  }
0x7a: {  	_ =	swait.ge [sflag:s3], $0x1000  }
0x7b: {  	s26 =	sld [smem:$0x7F2]  }
0x7c: {  	[sflag:s3] =	ssyncset.done $0x0  }
0x7d: {  	[sflag:s3] =	ssyncadd.s32 $0xFFFFF000  }
0x7e: {  	[spmem:s26] =	stream.linear.scatter [tilespmem:s1], [sflag:$0x9], $0x1000, $0x38;
	[tilespmem:$0x1EC80] =	vst v63  }
0x7f: {  	_ =	swait.ge [sflag:s3], $0x1000  }
0x80: {  	s28 =	sld [smem:$0x7F3]  }
0x81: {  	[sflag:s3] =	ssyncset.done $0x0  }
0x82: {  	[sflag:s3] =	ssyncadd.s32 $0xFFFFF000  }
0x83: {  	[spmem:s28] =	stream.linear.scatter [tilespmem:s1], [sflag:$0x9], $0x1000, $0x38;
	[tilespmem:$0x1EC80] =	vst v63  }
0x84: {  	_ =	swait.ge [sflag:s3], $0x1000  }
0x85: {  	s29 =	sld [smem:$0x7F4]  }
0x86: {  	[sflag:s3] =	ssyncset.done $0x0  }
0x87: {  	[sflag:s3] =	ssyncadd.s32 $0xFFFFF000  }
0x88: {  	[spmem:s29] =	stream.linear.scatter [tilespmem:s1], [sflag:$0x9], $0x1000, $0x38;
	[tilespmem:$0x1EC80] =	vst v63  }
0x89: {  	_ =	swait.ge [sflag:s3], $0x1000  }
0x8a: {  	s30 =	sld [smem:$0x7F5]  }
0x8b: {  	[sflag:s3] =	ssyncset.done $0x0  }
0x8c: {  	[sflag:s3] =	ssyncadd.s32 $0xFFFFF000  }
0x8d: {  	[spmem:s30] =	stream.linear.scatter [tilespmem:s1], [sflag:$0x9], $0x1000, $0x38;
	[tilespmem:$0x1EC80] =	vst v63  }
0x8e: {  	_ =	swait.ge [sflag:s3], $0x1000  }
0x8f: {  	s31 =	sld [smem:$0x7F6]  }
0x90: {  	[sflag:s3] =	ssyncset.done $0x0  }
0x91: {  	[sflag:s3] =	ssyncadd.s32 $0xFFFFF000  }
0x92: {  	[spmem:s31] =	stream.linear.scatter [tilespmem:s1], [sflag:$0x9], $0x1000, $0x38;
	[tilespmem:$0x1EC80] =	vst v63  }
0x93: {  	_ =	swait.ge [sflag:s3], $0x1000  }
0x94: {  	s2 =	sld [smem:$0x7F7]  }
0x95: {  	[sflag:s3] =	ssyncset.done $0x0  }
0x96: {  	[sflag:s3] =	ssyncadd.s32 $0xFFFFF000  }
0x97: {  	[spmem:s2] =	stream.linear.scatter [tilespmem:s1], [sflag:$0x9], $0x1000, $0x38;
	[tilespmem:$0x1EC80] =	vst v63  }
0x98: {  	_ =	swait.ge [sflag:s3], $0x1000  }
0x99: {  	s5 =	sld [smem:$0x7F8]  }
0x9a: {  	[sflag:s3] =	ssyncset.done $0x0  }
0x9b: {  	[sflag:s3] =	ssyncadd.s32 $0xFFFFF000  }
0x9c: {  	[spmem:s5] =	stream.linear.scatter [tilespmem:s1], [sflag:$0x9], $0x1000, $0x38;
	[tilespmem:$0x1EC80] =	vst v63  }
0x9d: {  	_ =	swait.ge [sflag:s3], $0x1000  }
0x9e: {  	s6 =	sld [smem:$0x7F9]  }
0x9f: {  	[sflag:s3] =	ssyncset.done $0x0  }
0xa0: {  	[sflag:s3] =	ssyncadd.s32 $0xFFFFF000  }
0xa1: {  	[spmem:s6] =	stream.linear.scatter [tilespmem:s1], [sflag:$0x9], $0x1000, $0x38;
	[tilespmem:$0x1EC80] =	vst v63  }
0xa2: {  	_ =	swait.ge [sflag:s3], $0x1000  }
0xa3: {  	s7 =	sld [smem:$0x7FA]  }
0xa4: {  	[sflag:s3] =	ssyncset.done $0x0  }
0xa5: {  	[sflag:s3] =	ssyncadd.s32 $0xFFFFF000  }
0xa6: {  	[spmem:s7] =	stream.linear.scatter [tilespmem:s1], [sflag:$0x9], $0x1000, $0x38;
	[tilespmem:$0x1EC80] =	vst v63  }
0xa7: {  	_ =	swait.ge [sflag:s3], $0x1000  }
0xa8: {  	s8 =	sld [smem:$0x7FB]  }
0xa9: {  	[sflag:s3] =	ssyncset.done $0x0  }
0xaa: {  	[sflag:s3] =	ssyncadd.s32 $0xFFFFF000  }
0xab: {  	[spmem:s8] =	stream.linear.scatter [tilespmem:s1], [sflag:$0x9], $0x1000, $0x38;
	[tilespmem:$0x1EC80] =	vst v63  }
0xac: {  	_ =	swait.ge [sflag:s3], $0x1000  }
0xad: {  	s9 =	sld [smem:$0x7FC]  }
0xae: {  	[sflag:s3] =	ssyncset.done $0x0  }
0xaf: {  	[sflag:s3] =	ssyncadd.s32 $0xFFFFF000  }
0xb0: {  	[spmem:s9] =	stream.linear.scatter [tilespmem:s1], [sflag:$0x9], $0x1000, $0x38;
	[tilespmem:$0x1EC80] =	vst v63  }
0xb1: {  	_ =	swait.ge [sflag:s3], $0x1000  }
0xb2: {  	s10 =	sld [smem:$0x7FD]  }
0xb3: {  	[sflag:s3] =	ssyncset.done $0x0  }
0xb4: {  	[sflag:s3] =	ssyncadd.s32 $0xFFFFF000  }
0xb5: {  	[spmem:s10] =	stream.linear.scatter [tilespmem:s1], [sflag:$0x9], $0x1000, $0x38;
	[tilespmem:$0x1EC80] =	vst v63  }
0xb6: {  	_ =	swait.ge [sflag:s3], $0x1000  }
0xb7: {  	[sflag:s3] =	ssyncset.done $0x0  }
0xb8: {  	s0 =	simm.s32 @!p0 $0x6600;
	[sflag:s3] =	ssyncadd.s32 $0xFFFFF000  }
0xb9: {  	[spmem:s11] =	stream.linear.scatter @!p0 [tilespmem:s0], [sflag:$0x9], $0x400, $0x38;
	[tilespmem:$0x1EC80] =	vst v63  }
0xba: {  	s0 =	simm.s32 @!p0 $0x9  }
0xbb: {  	_ =	swait.ge @!p0 [sflag:s0], $0x400  }
0xbc: {  	v0 =	vld [tilespmem:$0x1FC00]  }
0xbd: {  	v57 =	vld [tilespmem:$0x1FC10]  }
0xbe: {  	v58 =	vld [tilespmem:$0x1FC20]  }
0xbf: {  	[sflag:s0] =	ssyncset.done @!p0 $0x0;
	v59 =	vld [tilespmem:$0x1FC30]  }
0xc0: {  	v60 =	vld [tilespmem:$0x1FC40];
	[sflag:s0] =	ssyncadd.s32 @!p0 $0xFFFFFC00  }
0xc1: {  	v61 =	vld [tilespmem:$0x1FC50];
	[tilespmem:$0x6600] =	vst v0  }
0xc2: {  	v62 =	vld [tilespmem:$0x1FC60];
	[tilespmem:$0x6610] =	vst v57  }
0xc3: {  	v63 =	vld [tilespmem:$0x1FC70];
	[tilespmem:$0x6620] =	vst v58  }
0xc4: {  	v4 =	vld [tilespmem:$0x1FC80];
	[tilespmem:$0x6630] =	vst v59  }
0xc5: {  	v5 =	vld [tilespmem:$0x1FC90];
	[tilespmem:$0x6640] =	vst v60  }
0xc6: {  	v6 =	vld [tilespmem:$0x1FCA0];
	[tilespmem:$0x6650] =	vst v61  }
0xc7: {  	v7 =	vld [tilespmem:$0x1FCB0];
	[tilespmem:$0x6660] =	vst v62  }
0xc8: {  	v8 =	vld [tilespmem:$0x1FCC0];
	[tilespmem:$0x6670] =	vst v63  }
0xc9: {  	v9 =	vld [tilespmem:$0x1FCD0];
	[tilespmem:$0x6680] =	vst v4  }
0xca: {  	v10 =	vld [tilespmem:$0x1FCE0];
	[tilespmem:$0x6690] =	vst v5  }
0xcb: {  	v11 =	vld [tilespmem:$0x1FCF0];
	[tilespmem:$0x66A0] =	vst v6  }
0xcc: {  	v12 =	vld [tilespmem:$0x1FD00];
	[tilespmem:$0x66B0] =	vst v7  }
0xcd: {  	v13 =	vld [tilespmem:$0x1FD10];
	[tilespmem:$0x66C0] =	vst v8  }
0xce: {  	v14 =	vld [tilespmem:$0x1FD20];
	[tilespmem:$0x66D0] =	vst v9  }
0xcf: {  	v15 =	vld [tilespmem:$0x1FD30];
	[tilespmem:$0x66E0] =	vst v10  }
0xd0: {  	v16 =	vld [tilespmem:$0x1FD40];
	[tilespmem:$0x66F0] =	vst v11  }
0xd1: {  	v17 =	vld [tilespmem:$0x1FD50];
	[tilespmem:$0x6700] =	vst v12  }
0xd2: {  	v18 =	vld [tilespmem:$0x1FD60];
	[tilespmem:$0x6710] =	vst v13  }
0xd3: {  	v19 =	vld [tilespmem:$0x1FD70];
	[tilespmem:$0x6720] =	vst v14  }
0xd4: {  	v20 =	vld [tilespmem:$0x1FD80];
	[tilespmem:$0x6730] =	vst v15  }
0xd5: {  	v21 =	vld [tilespmem:$0x1FD90];
	[tilespmem:$0x6740] =	vst v16  }
0xd6: {  	v22 =	vld [tilespmem:$0x1FDA0];
	[tilespmem:$0x6750] =	vst v17  }
0xd7: {  	v23 =	vld [tilespmem:$0x1FDB0];
	[tilespmem:$0x6760] =	vst v18  }
0xd8: {  	v24 =	vld [tilespmem:$0x1FDC0];
	[tilespmem:$0x6770] =	vst v19  }
0xd9: {  	v25 =	vld [tilespmem:$0x1FDD0];
	[tilespmem:$0x6780] =	vst v20  }
0xda: {  	v26 =	vld [tilespmem:$0x1FDE0];
	[tilespmem:$0x6790] =	vst v21  }
0xdb: {  	v27 =	vld [tilespmem:$0x1FDF0];
	[tilespmem:$0x67A0] =	vst v22  }
0xdc: {  	v28 =	vld [tilespmem:$0x1FE00];
	[tilespmem:$0x67B0] =	vst v23  }
0xdd: {  	v29 =	vld [tilespmem:$0x1FE10];
	[tilespmem:$0x67C0] =	vst v24  }
0xde: {  	v30 =	vld [tilespmem:$0x1FE20];
	[tilespmem:$0x67D0] =	vst v25  }
0xdf: {  	v31 =	vld [tilespmem:$0x1FE30];
	[tilespmem:$0x67E0] =	vst v26  }
0xe0: {  	v32 =	vld [tilespmem:$0x1FE40];
	[tilespmem:$0x67F0] =	vst v27  }
0xe1: {  	v33 =	vld [tilespmem:$0x1FE50];
	[tilespmem:$0x6800] =	vst v28  }
0xe2: {  	v34 =	vld [tilespmem:$0x1FE60];
	[tilespmem:$0x6810] =	vst v29  }
0xe3: {  	v35 =	vld [tilespmem:$0x1FE70];
	[tilespmem:$0x6820] =	vst v30  }
0xe4: {  	v36 =	vld [tilespmem:$0x1FE80];
	[tilespmem:$0x6830] =	vst v31  }
0xe5: {  	v37 =	vld [tilespmem:$0x1FE90];
	[tilespmem:$0x6840] =	vst v32  }
0xe6: {  	v38 =	vld [tilespmem:$0x1FEA0];
	[tilespmem:$0x6850] =	vst v33  }
0xe7: {  	v39 =	vld [tilespmem:$0x1FEB0];
	[tilespmem:$0x6860] =	vst v34  }
0xe8: {  	v40 =	vld [tilespmem:$0x1FEC0];
	[tilespmem:$0x6870] =	vst v35  }
0xe9: {  	v41 =	vld [tilespmem:$0x1FED0];
	[tilespmem:$0x6880] =	vst v36  }
0xea: {  	v42 =	vld [tilespmem:$0x1FEE0];
	[tilespmem:$0x6890] =	vst v37  }
0xeb: {  	v43 =	vld [tilespmem:$0x1FEF0];
	[tilespmem:$0x68A0] =	vst v38  }
0xec: {  	v44 =	vld [tilespmem:$0x1FF00];
	[tilespmem:$0x68B0] =	vst v39  }
0xed: {  	v45 =	vld [tilespmem:$0x1FF10];
	[tilespmem:$0x68C0] =	vst v40  }
0xee: {  	v46 =	vld [tilespmem:$0x1FF20];
	[tilespmem:$0x68D0] =	vst v41  }
0xef: {  	v47 =	vld [tilespmem:$0x1FF30];
	[tilespmem:$0x68E0] =	vst v42  }
0xf0: {  	v48 =	vld [tilespmem:$0x1FF40];
	[tilespmem:$0x68F0] =	vst v43  }
0xf1: {  	v49 =	vld [tilespmem:$0x1FF50];
	[tilespmem:$0x6900] =	vst v44  }
0xf2: {  	v50 =	vld [tilespmem:$0x1FF60];
	[tilespmem:$0x6910] =	vst v45  }
0xf3: {  	v51 =	vld [tilespmem:$0x1FF70];
	[tilespmem:$0x6920] =	vst v46  }
0xf4: {  	v52 =	vld [tilespmem:$0x1FF80];
	[tilespmem:$0x6930] =	vst v47  }
0xf5: {  	v53 =	vld [tilespmem:$0x1FF90];
	[tilespmem:$0x6940] =	vst v48  }
0xf6: {  	v54 =	vld [tilespmem:$0x1FFA0];
	[tilespmem:$0x6950] =	vst v49  }
0xf7: {  	v55 =	vld [tilespmem:$0x1FFB0];
	[tilespmem:$0x6960] =	vst v50  }
0xf8: {  	v56 =	vld [tilespmem:$0x1FFC0];
	[tilespmem:$0x6970] =	vst v51  }
0xf9: {  	[tilespmem:$0x6980] =	vst v52;
	v57 =	vld [tilespmem:$0x1FFD0]  }
0xfa: {  	[tilespmem:$0x6990] =	vst v53;
	v58 =	vld [tilespmem:$0x1FFE0]  }
0xfb: {  	[tilespmem:$0x69A0] =	vst v54;
	v59 =	vld [tilespmem:$0x1FFF0]  }
0xfc: {  	[tilespmem:$0x69B0] =	vst v55  }
0xfd: {  	[tilespmem:$0x69C0] =	vst v56  }
0xfe: {  	[tilespmem:$0x69D0] =	vst v57  }
0xff: {  	[tilespmem:$0x69E0] =	vst v58  }
0x100: {  	s12 =	rddreg [dreg:$0x1d];
	[tilespmem:$0x69F0] =	vst v59  }
0x101: {  	[spmem:s12] =	stream.linear.scatter [tilespmem:s1], [sflag:$0x9], $0x400, $0x38;
	[tilespmem:$0x1EC80] =	vst v63  }
0x102: {  	_ =	swait.ge [sflag:s3], $0x400  }
0x103: {  	[sflag:s3] =	ssyncset.done $0x0  }
0x104: {  	[sflag:s3] =	ssyncadd.s32 $0xFFFFFC00  }
0x105: {  	[bflag:$0x0] =	sbarrier.arrive $0xFFFF  }
0x106: {  	s13 =	rddreg [dreg:$0x1e]  }
0x107: {  	s2 =	simm.s32 $0x0;
	s14 =	rddreg [dreg:$0x1f]  }
0x108: {  	[tilespmem:s2], [sflag:$0x1] =	stream.linear.gather [hbm4b:s13+s2], $0x20, $0x38;
	[tilespmem:$0x1EC80] =	vst v63  }
0x109: {  	s15 =	simm.s32 $0x100;
	s16 =	sld [smem:$0x7E3]  }
0x10a: {  	[tilespmem:s15], [sflag:$0x1] =	stream.linear.gather [hbm4b:s14+s2], $0x20, $0x38;
	[tilespmem:$0x1EC80] =	vst v63  }
0x10b: {  	s17 =	simm.s32 $0x200;
	s18 =	sld [smem:$0x7E4]  }
0x10c: {  	[tilespmem:s17], [sflag:$0x1] =	stream.linear.gather [hbm4b:s16+s2], $0x20, $0x38;
	[tilespmem:$0x1EC80] =	vst v63  }
0x10d: {  	s19 =	simm.s32 $0x80;
	s20 =	sld [smem:$0x7E5]  }
0x10e: {  	[tilespmem:s19], [sflag:$0x2] =	stream.linear.gather [hbm4b:s18+s2], $0x20, $0x38;
	[tilespmem:$0x1EC80] =	vst v63  }
0x10f: {  	s21 =	simm.s32 $0x180;
	s22 =	sld [smem:$0x7E6]  }
0x110: {  	[tilespmem:s21], [sflag:$0x2] =	stream.linear.gather [hbm4b:s20+s2], $0x20, $0x38;
	[tilespmem:$0x1EC80] =	vst v63  }
0x111: {  	s23 =	simm.s32 $0x280;
	s24 =	simm.s32 $0x1  }
0x112: {  	[tilespmem:s23], [sflag:$0x2] =	stream.linear.gather [hbm4b:s22+s2], $0x20, $0x38;
	[tilespmem:$0x1EC80] =	vst v63  }
0x113: {  	_ =	swait.ge [sflag:s24], $0x20  }
0x114: {  	[sflag:s24] =	ssyncset.done $0x0  }
0x115: {  	[sflag:s24] =	ssyncadd.s32 $0xFFFFFFE0  }
0x116: {  	_ =	swait.ge [sflag:s24], $0x20  }
0x117: {  	[sflag:s24] =	ssyncset.done $0x0  }
0x118: {  	[sflag:s24] =	ssyncadd.s32 $0xFFFFFFE0  }
0x119: {  	_ =	swait.ge [sflag:s24], $0x20  }
0x11a: {  	[sflag:s24] =	ssyncset.done $0x0  }
0x11b: {  	[sflag:s24] =	ssyncadd.s32 $0xFFFFFFE0  }
0x11c: {  	s25 =	simm.s32 $0x600;
	s0 =	rddreg [dreg:$0x0]  }
0x11d: {  	[tilespmem:s25], [sflag:$0x3] =	stream.indirect.gather [hbm4b:s0+s4], $0x80, s2, s4, $0xb8;
	[tilespmem:$0x1EC80] =	vst v63  }
0x11e: {  	v4 =	vld [tilespmem:$0x100];
	_ =	sdelay $0x4  }
0x11f: {  	v5 =	vshll.u32 v4, $0x1  }
0x120: {  	v60 =	vlaneseq.u32;
	v4 =	vand.u32 $0x7, v4;
	v5 =	vand.u32 $0xFFFFFFF0, v5  }
0x121: {  	v61 =	vand.u32 $0x7, v60;
	v62 =	vshrl.u32 v60, $0x3;
	v7 =	vor.u32 v4, v5  }
0x122: {  	v2 =	vmul.u32 $0x8, v62;
	v8 =	vperm.xlane v7, v61  }
0x123: {  	v0 =	vor.u32 $0x8, v60  }
0x124: {  	v7 =	vperm.xlane v7, v0;
	v8 =	vadd.s32 v2, v8;
	_ =	sdelay $0x1  }
0x125: {  	v7 =	vadd.s32 v2, v7;
	_ =	sdelay $0x1  }
0x126: {  	s28 =	simm.s32 $0x2600;
	s26 =	rddreg [dreg:$0x17]  }
0x127: {  	[tilespmem:s28], [sflag:$0x3] =	stream.indirect_vreg.gather [hbm4b:s26+s2], $0x80, v8, vm0, $0xb8;
	[tilespmem:$0x1EC80] =	vst v63  }
0x128: {  	s29 =	simm.s32 $0x2E00  }
0x129: {  	[tilespmem:s29], [sflag:$0x3] =	stream.indirect_vreg.gather [hbm4b:s26+s2], $0x80, v7, vm0, $0xb8;
	[tilespmem:$0x1EC80] =	vst v63  }
0x12a: {  	v7 =	vld [tilespmem:$0x110];
	_ =	sdelay $0x4  }
0x12b: {  	v63 =	vshll.u32 v7, $0x1  }
0x12c: {  	v7 =	vand.u32 $0x7, v7;
	v8 =	vand.u32 $0xFFFFFFF0, v63  }
0x12d: {  	v7 =	vor.u32 v7, v8  }
0x12e: {  	v8 =	vperm.xlane v7, v61;
	_ =	sdelay $0x1  }
0x12f: {  	v7 =	vperm.xlane v7, v0;
	v8 =	vadd.s32 v2, v8;
	_ =	sdelay $0x1  }
0x130: {  	v7 =	vadd.s32 v2, v7  }
0x131: {  	[tilespmem:$0x1FBD0] =	vst v61  }
0x132: {  	s30 =	simm.s32 $0x3600;
	[tilespmem:$0x1FBE0] =	vst v0  }
0x133: {  	[tilespmem:s30], [sflag:$0x3] =	stream.indirect_vreg.gather [hbm4b:s26+s2], $0x80, v8, vm0, $0xb8;
	[tilespmem:$0x1EC80] =	vst v63  }
0x134: {  	s31 =	simm.s32 $0x3E00;
	[tilespmem:$0x1FBF0] =	vst v2;
	s0 =	simm.s32 $0x0  }
0x135: {  	[tilespmem:s31], [sflag:$0x3] =	stream.indirect_vreg.gather [hbm4b:s26+s2], $0x80, v7, vm0, $0xb8;
	[tilespmem:$0x1EC80] =	vst v63  }
.LBB2_4:
0x136: {  	p2 =	seq.s32 s0, $0x0  }
0x137: {  	[smem:$0x7E2] =	sst s0;
	s0 =	simm.s32 @!p2 $0x5  }
0x138: {  	_ =	swait.ge @!p2 [sflag:s0], $0x1000  }
0x139: {  	[sflag:s0] =	ssyncset.done @!p2 $0x0  }
0x13a: {  	[sflag:s0] =	ssyncadd.s32 @!p2 $0xFFFFF000  }
0x13b: {  	_ =	swait.ge @!p2 [sflag:s0], $0x1000  }
0x13c: {  	[sflag:s0] =	ssyncset.done @!p2 $0x0  }
0x13d: {  	[sflag:s0] =	ssyncadd.s32 @!p2 $0xFFFFF000  }
0x13e: {  	v7 =	vld [tilespmem:$0x200]  }
0x13f: {  	v8 =	vld [tilespmem:$0x210];
	_ =	sdelay $0x3  }
0x140: {  	v7 =	vand.u32 $0x7F, v7  }
0x141: {  	s1 =	simm.s32 $0x500;
	v57 =	vand.u32 $0x7F, v8;
	[tilespmem:$0x500] =	vst v7  }
0x142: {  	s2 =	simm.s32 $0x8600;
	s25 =	simm.s32 $0x2;
	s0 =	rddreg [dreg:$0x5];
	[tilespmem:$0x510] =	vst v57  }
0x143: {  	[tilespmem:s2], [sflag:$0x7] =	stream.indirect.gather [spmem:s0], $0x80, s1, s4, $0xb8;
	[tilespmem:$0x1EC80] =	vst v63  }
0x144: {  	_ =	swait.ge [sflag:s25], $0x20  }
0x145: {  	[sflag:s25] =	ssyncset.done $0x0  }
0x146: {  	[sflag:s25] =	ssyncadd.s32 $0xFFFFFFE0  }
0x147: {  	_ =	swait.ge [sflag:s25], $0x20  }
0x148: {  	[sflag:s25] =	ssyncset.done $0x0  }
0x149: {  	[sflag:s25] =	ssyncadd.s32 $0xFFFFFFE0  }
0x14a: {  	_ =	swait.ge [sflag:s25], $0x20  }
0x14b: {  	[sflag:s25] =	ssyncset.done $0x0  }
0x14c: {  	[sflag:s25] =	ssyncadd.s32 $0xFFFFFFE0  }
0x14d: {  	s26 =	simm.s32 $0x80;
	s29 =	simm.s32 $0x1600;
	s0 =	rddreg [dreg:$0x0]  }
0x14e: {  	[tilespmem:s29], [sflag:$0x4] =	stream.indirect.gather [hbm4b:s0+s4], $0x80, s26, s4, $0xb8;
	[tilespmem:$0x1EC80] =	vst v63  }
0x14f: {  	v58 =	vld [tilespmem:$0x180];
	_ =	sdelay $0x2  }
0x150: {  	v0 =	vld [tilespmem:$0x1FBD0]  }
0x151: {  	v1 =	vld [tilespmem:$0x1FBF0]  }
0x152: {  	v2 =	vld [tilespmem:$0x1FBE0];
	v8 =	vshll.u32 v58, $0x1  }
0x153: {  	v7 =	vand.u32 $0x7, v58;
	v8 =	vand.u32 $0xFFFFFFF0, v8  }
0x154: {  	v7 =	vor.u32 v7, v8  }
0x155: {  	v8 =	vperm.xlane v7, v0;
	_ =	sdelay $0x1  }
0x156: {  	v7 =	vperm.xlane v7, v2;
	v8 =	vadd.s32 v1, v8;
	_ =	sdelay $0x1  }
0x157: {  	v7 =	vadd.s32 v1, v7;
	_ =	sdelay $0x1  }
0x158: {  	s31 =	simm.s32 $0x4600;
	s8 =	simm.s32 $0x0;
	s30 =	rddreg [dreg:$0x17]  }
0x159: {  	[tilespmem:s31], [sflag:$0x4] =	stream.indirect_vreg.gather [hbm4b:s30+s8], $0x80, v8, vm0, $0xb8;
	[tilespmem:$0x1EC80] =	vst v63  }
0x15a: {  	s2 =	simm.s32 $0x4E00  }
0x15b: {  	[tilespmem:s2], [sflag:$0x4] =	stream.indirect_vreg.gather [hbm4b:s30+s8], $0x80, v7, vm0, $0xb8;
	[tilespmem:$0x1EC80] =	vst v63  }
0x15c: {  	v7 =	vld [tilespmem:$0x190];
	_ =	sdelay $0x4  }
0x15d: {  	v8 =	vshll.u32 v7, $0x1  }
0x15e: {  	v7 =	vand.u32 $0x7, v7;
	v8 =	vand.u32 $0xFFFFFFF0, v8  }
0x15f: {  	v7 =	vor.u32 v7, v8  }
0x160: {  	v8 =	vperm.xlane v7, v0;
	_ =	sdelay $0x1  }
0x161: {  	v7 =	vperm.xlane v7, v2;
	v8 =	vadd.s32 v1, v8;
	_ =	sdelay $0x1  }
0x162: {  	v7 =	vadd.s32 v1, v7;
	_ =	sdelay $0x1  }
0x163: {  	s3 =	simm.s32 $0x5600  }
0x164: {  	[tilespmem:s3], [sflag:$0x4] =	stream.indirect_vreg.gather [hbm4b:s30+s8], $0x80, v8, vm0, $0xb8;
	[tilespmem:$0x1EC80] =	vst v63  }
0x165: {  	s5 =	simm.s32 $0x3;
	s4 =	simm.s32 $0x5E00  }
0x166: {  	[tilespmem:s4], [sflag:$0x4] =	stream.indirect_vreg.gather [hbm4b:s30+s8], $0x80, v7, vm0, $0xb8;
	[tilespmem:$0x1EC80] =	vst v63  }
0x167: {  	_ =	swait.ge [sflag:s5], $0x1000  }
0x168: {  	[sflag:s5] =	ssyncset.done $0x0  }
0x169: {  	[sflag:s5] =	ssyncadd.s32 $0xFFFFF000  }
0x16a: {  	_ =	swait.ge [sflag:s5], $0x2000  }
0x16b: {  	[sflag:s5] =	ssyncset.done $0x0  }
0x16c: {  	[sflag:s5] =	ssyncadd.s32 $0xFFFFE000  }
0x16d: {  	v59 =	vld [tilespmem:$0x200]  }
0x16e: {  	v8 =	vld [tilespmem:$0x210];
	_ =	sdelay $0x3  }
0x16f: {  	[tilespmem:$0x300] =	vst v59  }
0x170: {  	v7 =	vshrl.u32 v59, $0x7;
	[tilespmem:$0x310] =	vst v8  }
0x171: {  	v60 =	vshrl.u32 v8, $0x7;
	[tilespmem:$0x400] =	vst v7  }
0x172: {  	s17 =	simm.s32 $0x700;
	[tilespmem:$0x410] =	vst v60  }
0x173: {  	s7 =	simm.s32 $0x180;
	s6 =	sand.u32 $0x1800, s8;
	v14 =	vld [tilespmem:s17+$0x80]  }
0x174: {  	v61 =	vlaneseq.u32;
	s9 =	sand.u32 $0x380, s7;
	s5 =	sor.u32 $0x2600, s6;
	v15 =	vld [tilespmem:s17+$0x90]  }
0x175: {  	v62 =	vshrl.u32 v61, $0x2;
	s7 =	sadd.s32 s9, s5  }
0x176: {  	s10 =	sand.u32 $0x7, s8;
	s16 =	sand.u32 $0x200, s8;
	v5 =	vmul.u32 $0x4, v62;
	v16 =	vld [tilespmem:s7+$0x0]  }
0x177: {  	s11 =	sshll.u32 s10, $0x7;
	s0 =	sadd.s32 s16, s5;
	v12 =	vld [tilespmem:s17+$0xFFFFFF80]  }
0x178: {  	s18 =	simm.s32 $0x100;
	s12 =	sadd.s32 $0x0, s11;
	v4 =	vor.u32 $0x3, v5;
	v28 =	vld [tilespmem:s0+$0x0]  }
0x179: {  	s15 =	simm.s32 $0x80;
	s19 =	sand.u32 $0x300, s18;
	v3 =	vor.u32 $0x2, v5;
	s3 =	sadd.s32 $0x180, s12;
	v17 =	vld [tilespmem:s7+$0x40];
	v18 =	vperm.xlane v14, v4;
	v19 =	vperm.xlane v15, v4  }
0x17a: {  	s22 =	sand.u32 $0x3, s8;
	v6 =	vor.u32 $0x1, v5;
	s13 =	sor.u32 $0x400, s3;
	s6 =	sand.u32 $0x280, s15;
	v20 =	vperm.xlane v14, v5;
	v22 =	vperm.xlane v14, v3  }
0x17b: {  	s2 =	sadd.s32 s6, s5;
	s1 =	sadd.s32 s19, s5;
	s5 =	sshll.u32 s22, $0x8;
	v21 =	vld [tilespmem:s13+$0x2600];
	v23 =	vshll.u32 v16, $0x10;
	v24 =	vperm.xlane v15, v5;
	v25 =	vperm.xlane v15, v3  }
0x17c: {  	s5 =	sadd.s32 $0x0, s5;
	v13 =	vld [tilespmem:s17+$0xFFFFFF00];
	v16 =	vand.u32 $0xFFFF0000, v16;
	v27 =	vperm.xlane v15, v6;
	v34 =	vperm.xlane v12, v6  }
0x17d: {  	s14 =	sor.u32 $0x440, s3;
	s5 =	sadd.s32 $0x100, s5;
	v15 =	vld [tilespmem:s17+$0x0];
	v29 =	vshll.u32 v28, $0x10;
	v20 =	vmul.f32 v23, v20;
	v23 =	vperm.xlane v14, v6  }
0x17e: {  	s24 =	sor.u32 $0x400, s5;
	v26 =	vld [tilespmem:s14+$0x2600];
	v24 =	vmul.f32 v16, v24;
	v16 =	vshll.u32 v17, $0x10;
	v17 =	vand.u32 $0xFFFF0000, v17  }
0x17f: {  	v48 =	vld [tilespmem:s24+$0x2600];
	v28 =	vand.u32 $0xFFFF0000, v28;
	v52 =	vperm.xlane v12, v3;
	v17 =	vmul.f32 v17, v27  }
0x180: {  	v14 =	vld [tilespmem:s17+$0xFFFFFF90];
	v27 =	vshll.u32 v21, $0x10;
	v21 =	vand.u32 $0xFFFF0000, v21;
	v23 =	vmul.f32 v16, v23  }
0x181: {  	v24 =	vadd.f32 $0.0e+00, v24;
	v22 =	vmul.f32 v27, v22;
	v21 =	vmul.f32 v21, v25  }
0x182: {  	v20 =	vadd.f32 $0.0e+00, v20;
	v27 =	vperm.xlane v15, v5;
	v38 =	vperm.xlane v15, v6  }
0x183: {  	v11 =	vld [tilespmem:s17+$0xFFFFFF10];
	v56 =	vperm.xlane v15, v3;
	v17 =	vadd.f32 v17, v24;
	v24 =	vshll.u32 v26, $0x10  }
0x184: {  	v16 =	vld [tilespmem:s17+$0x10];
	v15 =	vperm.xlane v15, v4;
	v20 =	vadd.f32 v23, v20;
	v18 =	vmul.f32 v24, v18  }
0x185: {  	v53 =	vshll.u32 v48, $0x10;
	v25 =	vld [tilespmem:s1+$0x0];
	v24 =	vperm.xlane v13, v5;
	v35 =	vperm.xlane v14, v6  }
0x186: {  	v54 =	vperm.xlane v14, v3;
	v61 =	vmul.f32 v53, v56;
	v20 =	vadd.f32 v22, v20  }
0x187: {  	v23 =	vld [tilespmem:s2+$0x0];
	v22 =	vand.u32 $0xFFFF0000, v26;
	v26 =	vperm.xlane v12, v5;
	v12 =	vperm.xlane v12, v4  }
0x188: {  	v55 =	vand.u32 $0xFFFF0000, v48;
	v19 =	vmul.f32 v22, v19;
	v22 =	vperm.xlane v11, v5  }
0x189: {  	v17 =	vadd.f32 v21, v17;
	v30 =	vperm.xlane v16, v5;
	v39 =	vperm.xlane v16, v6  }
0x18a: {  	s4 =	sadd.s32 $0x80, s12;
	v21 =	vld [tilespmem:s0+$0x40];
	v32 =	vshll.u32 v25, $0x10;
	v59 =	vperm.xlane v16, v3;
	v16 =	vperm.xlane v16, v4  }
0x18b: {  	s26 =	sor.u32 $0x440, s4;
	v18 =	vadd.f32 v18, v20;
	v20 =	vperm.xlane v14, v5;
	v27 =	vmul.f32 v32, v27  }
0x18c: {  	s18 =	simm.s32 $0x6700;
	v51 =	vld [tilespmem:s26+$0x2600];
	v14 =	vperm.xlane v14, v4;
	v17 =	vadd.f32 v19, v17;
	v31 =	vshll.u32 v23, $0x10  }
0x18d: {  	v19 =	vld [tilespmem:s2+$0x40];
	v23 =	vand.u32 $0xFFFF0000, v23;
	v22 =	vmul.f32 v28, v22;
	[tilespmem:s18+$0x80] =	vst v18;
	v26 =	vmul.f32 v31, v26  }
0x18e: {  	s20 =	sor.u32 $0x450, s3;
	v18 =	vld [tilespmem:s1+$0x40];
	v20 =	vmul.f32 v23, v20;
	v31 =	vperm.xlane v11, v6;
	v27 =	vadd.f32 $0.0e+00, v27;
	[tilespmem:s18+$0x90] =	vst v17  }
0x18f: {  	s21 =	sor.u32 $0x410, s3;
	v17 =	vmul.f32 v29, v24;
	v24 =	vand.u32 $0xFFFF0000, v25;
	v28 =	vshll.u32 v21, $0x10;
	v25 =	vld [tilespmem:s20+$0x2600]  }
0x190: {  	v21 =	vand.u32 $0xFFFF0000, v21;
	v22 =	vadd.f32 $0.0e+00, v22;
	v23 =	vld [tilespmem:s21+$0x2600];
	v24 =	vmul.f32 v24, v30  }
0x191: {  	v29 =	vld [tilespmem:s7+$0x10];
	v30 =	vperm.xlane v13, v6;
	v26 =	vadd.f32 $0.0e+00, v26;
	v20 =	vadd.f32 $0.0e+00, v20  }
0x192: {  	v33 =	vld [tilespmem:s17+$0xA0];
	v21 =	vmul.f32 v21, v31;
	v17 =	vadd.f32 $0.0e+00, v17;
	v63 =	vshll.u32 v19, $0x10  }
0x193: {  	v36 =	vld [tilespmem:s17+$0xB0];
	v19 =	vand.u32 $0xFFFF0000, v19;
	v28 =	vmul.f32 v28, v30;
	v24 =	vadd.f32 $0.0e+00, v24  }
0x194: {  	v21 =	vadd.f32 v21, v22;
	v37 =	vshll.u32 v18, $0x10;
	v18 =	vand.u32 $0xFFFF0000, v18  }
0x195: {  	v40 =	vld [tilespmem:s7+$0x50];
	v31 =	vmul.f32 v63, v34;
	v19 =	vmul.f32 v19, v35;
	v34 =	vand.u32 $0xFFFF0000, v51  }
0x196: {  	v49 =	vmul.f32 v37, v38;
	v18 =	vmul.f32 v18, v39;
	v41 =	vshll.u32 v25, $0x10  }
0x197: {  	v42 =	vperm.xlane v33, v5;
	v43 =	vshll.u32 v23, $0x10;
	v44 =	vperm.xlane v33, v4  }
0x198: {  	v45 =	vshll.u32 v29, $0x10;
	v46 =	vperm.xlane v36, v5;
	v47 =	vperm.xlane v33, v3  }
0x199: {  	v29 =	vand.u32 $0xFFFF0000, v29;
	v33 =	vperm.xlane v33, v6;
	v42 =	vmul.f32 v45, v42  }
0x19a: {  	p1 =	por $0x0, $0x0;
	s6 =	simm.s32 $0x1;
	v0 =	vshll.u32 v40, $0x10;
	v1 =	vperm.xlane v36, v6;
	v29 =	vmul.f32 v29, v46  }
0x19b: {  	s6 =	simm.s32 @!p1 $0x0;
	v40 =	vand.u32 $0xFFFF0000, v40;
	v33 =	vmul.f32 v0, v33;
	v42 =	vadd.f32 $0.0e+00, v42  }
0x19c: {  	s23 =	sor.u32 $0x400, s4;
	s6 =	sshll.u32 s6, $0x9;
	v2 =	vperm.xlane v36, v3;
	v40 =	vmul.f32 v40, v1;
	v29 =	vadd.f32 $0.0e+00, v29  }
0x19d: {  	s6 =	sadd.s32 $0x0, s6;
	v23 =	vand.u32 $0xFFFF0000, v23;
	v7 =	vmul.f32 v43, v47;
	v46 =	vld [tilespmem:s23+$0x2600];
	v33 =	vadd.f32 v33, v42  }
0x19e: {  	s25 =	sor.u32 $0x400, s6;
	v36 =	vperm.xlane v36, v4;
	v23 =	vmul.f32 v23, v2;
	v29 =	vadd.f32 v40, v29  }
0x19f: {  	v30 =	vld [tilespmem:s25+$0x2600];
	v25 =	vand.u32 $0xFFFF0000, v25;
	v47 =	vmul.f32 v41, v44;
	v33 =	vadd.f32 v7, v33  }
0x1a0: {  	v17 =	vadd.f32 v28, v17;
	v25 =	vmul.f32 v25, v36;
	v23 =	vadd.f32 v23, v29  }
0x1a1: {  	s9 =	sor.u32 $0x440, s5;
	v14 =	vmul.f32 v34, v14;
	v26 =	vadd.f32 v31, v26;
	v29 =	vadd.f32 v47, v33  }
0x1a2: {  	v48 =	vld [tilespmem:s9+$0x2600];
	v19 =	vadd.f32 v19, v20;
	v50 =	vand.u32 $0xFFFF0000, v46;
	v23 =	vadd.f32 v25, v23  }
0x1a3: {  	s31 =	sor.u32 $0x440, s6;
	v27 =	vadd.f32 v49, v27;
	v18 =	vadd.f32 v18, v24;
	v20 =	vmul.f32 v50, v54;
	[tilespmem:s18+$0xA0] =	vst v29  }
0x1a4: {  	v24 =	vmul.f32 v55, v59;
	v58 =	vshll.u32 v30, $0x10;
	v2 =	vld [tilespmem:s31+$0x2600];
	v25 =	vshll.u32 v46, $0x10;
	[tilespmem:s18+$0xB0] =	vst v23  }
0x1a5: {  	v19 =	vadd.f32 v20, v19;
	v22 =	vmul.f32 v25, v52;
	v29 =	vperm.xlane v13, v3;
	v57 =	vld [tilespmem:s7+$0x20]  }
0x1a6: {  	v30 =	vand.u32 $0xFFFF0000, v30;
	v23 =	vperm.xlane v11, v3;
	v13 =	vperm.xlane v13, v4;
	v60 =	vld [tilespmem:s17+$0xC0]  }
0x1a7: {  	s29 =	sor.u32 $0x460, s3;
	v11 =	vperm.xlane v11, v4;
	v14 =	vadd.f32 v14, v19;
	v19 =	vshll.u32 v48, $0x10;
	v25 =	vld [tilespmem:s17+$0xD0]  }
0x1a8: {  	s30 =	sor.u32 $0x420, s3;
	v28 =	vld [tilespmem:s29+$0x2600];
	v29 =	vmul.f32 v58, v29;
	v23 =	vmul.f32 v30, v23;
	v30 =	vshll.u32 v51, $0x10  }
0x1a9: {  	v31 =	vld [tilespmem:s30+$0x2600];
	v22 =	vadd.f32 v22, v26;
	v26 =	vshll.u32 v2, $0x10;
	v12 =	vmul.f32 v30, v12  }
0x1aa: {  	v15 =	vmul.f32 v19, v15;
	v13 =	vmul.f32 v26, v13;
	v17 =	vadd.f32 v29, v17  }
0x1ab: {  	v29 =	vand.u32 $0xFFFF0000, v2;
	v21 =	vadd.f32 v23, v21;
	v12 =	vadd.f32 v12, v22  }
0x1ac: {  	v20 =	vld [tilespmem:s7+$0x60];
	v11 =	vmul.f32 v29, v11;
	v22 =	vand.u32 $0xFFFF0000, v48;
	v62 =	vperm.xlane v60, v5  }
0x1ad: {  	v63 =	vperm.xlane v60, v4;
	v0 =	vshll.u32 v57, $0x10;
	v1 =	vperm.xlane v25, v5  }
0x1ae: {  	v7 =	vshll.u32 v28, $0x10;
	v45 =	vperm.xlane v60, v3;
	v46 =	vshll.u32 v31, $0x10  }
0x1af: {  	v47 =	vperm.xlane v60, v6;
	v40 =	vand.u32 $0xFFFF0000, v57;
	v13 =	vadd.f32 v13, v17  }
0x1b0: {  	[tilespmem:s18+$0xFFFFFF90] =	vst v14;
	v17 =	vadd.f32 v24, v18;
	v16 =	vmul.f32 v22, v16;
	v18 =	vperm.xlane v25, v6  }
0x1b1: {  	v19 =	vand.u32 $0xFFFF0000, v20;
	[tilespmem:s18+$0xFFFFFF80] =	vst v12;
	v11 =	vadd.f32 v11, v21;
	v21 =	vperm.xlane v25, v4  }
0x1b2: {  	v12 =	vadd.f32 v61, v27;
	v33 =	vmul.f32 v0, v62;
	v14 =	vmul.f32 v40, v1;
	v27 =	vld [tilespmem:s2+$0x10]  }
0x1b3: {  	[tilespmem:s18+$0xFFFFFF00] =	vst v13;
	v13 =	vshll.u32 v20, $0x10;
	v16 =	vadd.f32 v16, v17;
	v20 =	vperm.xlane v25, v3;
	v52 =	vld [tilespmem:s2+$0x50]  }
0x1b4: {  	v18 =	vmul.f32 v19, v18;
	v19 =	vand.u32 $0xFFFF0000, v31;
	v22 =	vmul.f32 v46, v45;
	[tilespmem:s18+$0xFFFFFF10] =	vst v11;
	v11 =	vld [tilespmem:s17+$0xFFFFFFA0]  }
0x1b5: {  	v12 =	vadd.f32 v15, v12;
	v13 =	vmul.f32 v13, v47;
	v15 =	vadd.f32 $0.0e+00, v33;
	v17 =	vld [tilespmem:s17+$0xFFFFFF20]  }
0x1b6: {  	s11 =	sor.u32 $0x410, s4;
	v14 =	vadd.f32 $0.0e+00, v14;
	[tilespmem:s18+$0x10] =	vst v16;
	v16 =	vld [tilespmem:s17+$0xFFFFFFB0];
	v19 =	vmul.f32 v19, v20;
	v20 =	vand.u32 $0xFFFF0000, v28  }
0x1b7: {  	v59 =	vld [tilespmem:s11+$0x2600];
	v20 =	vmul.f32 v20, v21;
	v13 =	vadd.f32 v13, v15;
	v15 =	vmul.f32 v7, v63  }
0x1b8: {  	[tilespmem:s18+$0x0] =	vst v12;
	v12 =	vld [tilespmem:s17+$0xFFFFFF30];
	v14 =	vadd.f32 v18, v14;
	v54 =	vshll.u32 v27, $0x10;
	v27 =	vand.u32 $0xFFFF0000, v27  }
0x1b9: {  	v56 =	vshll.u32 v52, $0x10;
	v18 =	vperm.xlane v11, v5;
	v2 =	vperm.xlane v11, v3  }
0x1ba: {  	v24 =	vld [tilespmem:s0+$0x10];
	v13 =	vadd.f32 v22, v13;
	v25 =	vperm.xlane v17, v5;
	v22 =	vperm.xlane v17, v6  }
0x1bb: {  	v23 =	vld [tilespmem:s17+$0x20];
	v57 =	vand.u32 $0xFFFF0000, v52;
	v28 =	vperm.xlane v16, v5;
	v30 =	vperm.xlane v16, v6  }
0x1bc: {  	v21 =	vld [tilespmem:s17+$0x30];
	v0 =	vshll.u32 v59, $0x10;
	v62 =	vperm.xlane v17, v3;
	v45 =	vperm.xlane v16, v3  }
0x1bd: {  	v14 =	vadd.f32 v19, v14;
	v17 =	vperm.xlane v17, v4;
	v26 =	vperm.xlane v12, v5  }
0x1be: {  	v31 =	vld [tilespmem:s0+$0x50];
	v19 =	vperm.xlane v12, v6;
	v13 =	vadd.f32 v15, v13;
	v15 =	vperm.xlane v11, v6  }
0x1bf: {  	s13 =	sor.u32 $0x450, s6;
	v55 =	vld [tilespmem:s1+$0x50];
	v1 =	vand.u32 $0xFFFF0000, v59;
	v18 =	vmul.f32 v54, v18;
	v63 =	vperm.xlane v12, v3  }
0x1c0: {  	v7 =	vld [tilespmem:s13+$0x2600];
	v14 =	vadd.f32 v20, v14;
	v12 =	vperm.xlane v12, v4;
	v20 =	vperm.xlane v23, v5  }
0x1c1: {  	v29 =	vld [tilespmem:s1+$0x10];
	v51 =	vshll.u32 v24, $0x10;
	v49 =	vperm.xlane v21, v5;
	v50 =	vperm.xlane v23, v6  }
0x1c2: {  	v24 =	vand.u32 $0xFFFF0000, v24;
	v53 =	vperm.xlane v21, v6;
	v25 =	vmul.f32 v51, v25  }
0x1c3: {  	v27 =	vmul.f32 v27, v28;
	v28 =	vshll.u32 v31, $0x10;
	v31 =	vand.u32 $0xFFFF0000, v31  }
0x1c4: {  	v58 =	vshll.u32 v55, $0x10;
	v37 =	vand.u32 $0xFFFF0000, v55;
	v30 =	vmul.f32 v57, v30  }
0x1c5: {  	v47 =	vperm.xlane v23, v3;
	v48 =	vperm.xlane v21, v3;
	v51 =	vand.u32 $0xFFFF0000, v7  }
0x1c6: {  	v23 =	vperm.xlane v23, v4;
	v24 =	vmul.f32 v24, v26;
	v26 =	vshll.u32 v29, $0x10  }
0x1c7: {  	v29 =	vand.u32 $0xFFFF0000, v29;
	v22 =	vmul.f32 v28, v22;
	v19 =	vmul.f32 v31, v19  }
0x1c8: {  	s12 =	sor.u32 $0x410, s5;
	v18 =	vadd.f32 $0.0e+00, v18;
	v15 =	vmul.f32 v56, v15;
	[tilespmem:s18+$0xC0] =	vst v13;
	v13 =	vperm.xlane v16, v4  }
0x1c9: {  	s10 =	sor.u32 $0x410, s6;
	v28 =	vld [tilespmem:s12+$0x2600];
	[tilespmem:s18+$0xD0] =	vst v14;
	v14 =	vperm.xlane v21, v4;
	v12 =	vmul.f32 v51, v12;
	v25 =	vadd.f32 $0.0e+00, v25  }
0x1ca: {  	v20 =	vmul.f32 v26, v20;
	v26 =	vld [tilespmem:s10+$0x2600];
	v29 =	vmul.f32 v29, v49;
	v27 =	vadd.f32 $0.0e+00, v27  }
0x1cb: {  	v60 =	vmul.f32 v58, v50;
	v61 =	vmul.f32 v37, v53;
	v49 =	vshll.u32 v7, $0x10  }
0x1cc: {  	v53 =	vperm.xlane v11, v4;
	v24 =	vadd.f32 $0.0e+00, v24;
	v15 =	vadd.f32 v15, v18  }
0x1cd: {  	v17 =	vmul.f32 v49, v17;
	v20 =	vadd.f32 $0.0e+00, v20;
	v29 =	vadd.f32 $0.0e+00, v29  }
0x1ce: {  	s14 =	sor.u32 $0x450, s4;
	v22 =	vadd.f32 v22, v25;
	v27 =	vadd.f32 v30, v27;
	v30 =	vmul.f32 v0, v2  }
0x1cf: {  	v19 =	vadd.f32 v19, v24;
	v24 =	vld [tilespmem:s14+$0x2600];
	v46 =	vshll.u32 v28, $0x10;
	v31 =	vshll.u32 v26, $0x10  }
0x1d0: {  	s15 =	sor.u32 $0x450, s5;
	v25 =	vand.u32 $0xFFFF0000, v28;
	v26 =	vand.u32 $0xFFFF0000, v26;
	v28 =	vmul.f32 v31, v62  }
0x1d1: {  	v18 =	vld [tilespmem:s15+$0x2600];
	v20 =	vadd.f32 v60, v20;
	v29 =	vadd.f32 v61, v29;
	v26 =	vmul.f32 v26, v63  }
0x1d2: {  	v15 =	vadd.f32 v30, v15;
	v50 =	vmul.f32 v46, v47;
	v21 =	vadd.f32 v28, v22  }
0x1d3: {  	v25 =	vmul.f32 v25, v48;
	v31 =	vmul.f32 v1, v45;
	v19 =	vadd.f32 v26, v19  }
0x1d4: {  	v11 =	vld [tilespmem:s17+$0xF0];
	v52 =	vshll.u32 v24, $0x10;
	v24 =	vand.u32 $0xFFFF0000, v24;
	v17 =	vadd.f32 v17, v21  }
0x1d5: {  	v22 =	vld [tilespmem:s7+$0x30];
	v27 =	vadd.f32 v31, v27;
	v13 =	vmul.f32 v24, v13;
	v19 =	vadd.f32 v12, v19  }
0x1d6: {  	v16 =	vshll.u32 v18, $0x10;
	v18 =	vand.u32 $0xFFFF0000, v18;
	v26 =	vld [tilespmem:s7+$0x70];
	v21 =	vmul.f32 v52, v53;
	[tilespmem:s18+$0xFFFFFF20] =	vst v17  }
0x1d7: {  	v20 =	vadd.f32 v50, v20;
	v16 =	vmul.f32 v16, v23;
	v12 =	vld [tilespmem:s17+$0xE0];
	v13 =	vadd.f32 v13, v27;
	[tilespmem:s18+$0xFFFFFF30] =	vst v19  }
0x1d8: {  	s16 =	sor.u32 $0x430, s3;
	v14 =	vmul.f32 v18, v14;
	v15 =	vadd.f32 v21, v15;
	v17 =	vadd.f32 v25, v29;
	v19 =	vld [tilespmem:s17+$0xFFFFFF40]  }
0x1d9: {  	v24 =	vld [tilespmem:s16+$0x2600];
	v16 =	vadd.f32 v16, v20;
	[tilespmem:s18+$0xFFFFFFB0] =	vst v13  }
0x1da: {  	v13 =	vperm.xlane v11, v5;
	v30 =	vld [tilespmem:s0+$0x20];
	[tilespmem:s18+$0xFFFFFFA0] =	vst v15;
	v14 =	vadd.f32 v14, v17;
	v15 =	vperm.xlane v11, v6  }
0x1db: {  	[tilespmem:s18+$0x20] =	vst v16;
	v25 =	vperm.xlane v11, v3;
	v16 =	vand.u32 $0xFFFF0000, v22;
	v18 =	vand.u32 $0xFFFF0000, v26;
	v59 =	vld [tilespmem:s0+$0x60]  }
0x1dc: {  	s19 =	sor.u32 $0x420, s6;
	v22 =	vshll.u32 v22, $0x10;
	v17 =	vld [tilespmem:s17+$0xFFFFFF50];
	[tilespmem:s18+$0x30] =	vst v14;
	v14 =	vmul.f32 v16, v13;
	v15 =	vmul.f32 v18, v15  }
0x1dd: {  	v51 =	vld [tilespmem:s19+$0x2600];
	v18 =	vperm.xlane v12, v5;
	v13 =	vshll.u32 v26, $0x10;
	v28 =	vperm.xlane v19, v5  }
0x1de: {  	v20 =	vld [tilespmem:s17+$0xFFFFFFC0];
	v29 =	vperm.xlane v19, v6;
	v16 =	vadd.f32 $0.0e+00, v14;
	v14 =	vshll.u32 v24, $0x10  }
0x1df: {  	v21 =	vld [tilespmem:s17+$0xFFFFFFD0];
	v24 =	vand.u32 $0xFFFF0000, v24;
	v2 =	vperm.xlane v19, v3;
	v19 =	vperm.xlane v19, v4  }
0x1e0: {  	v54 =	vld [tilespmem:s2+$0x20];
	v1 =	vshll.u32 v30, $0x10;
	v18 =	vmul.f32 v22, v18;
	v22 =	vperm.xlane v12, v3  }
0x1e1: {  	v62 =	vld [tilespmem:s2+$0x60];
	v49 =	vshll.u32 v59, $0x10;
	v26 =	vperm.xlane v17, v5;
	v31 =	vperm.xlane v17, v6  }
0x1e2: {  	v23 =	vld [tilespmem:s17+$0x40];
	v50 =	vand.u32 $0xFFFF0000, v59;
	v59 =	vperm.xlane v17, v3;
	v17 =	vperm.xlane v17, v4  }
0x1e3: {  	v27 =	vld [tilespmem:s17+$0x50];
	v30 =	vand.u32 $0xFFFF0000, v30;
	v55 =	vperm.xlane v20, v5;
	v34 =	vperm.xlane v20, v6  }
0x1e4: {  	v56 =	vld [tilespmem:s1+$0x20];
	v38 =	vand.u32 $0xFFFF0000, v51;
	v57 =	vperm.xlane v21, v5;
	v58 =	vperm.xlane v21, v6  }
0x1e5: {  	v7 =	vld [tilespmem:s1+$0x60];
	v28 =	vmul.f32 v1, v28;
	v48 =	vshll.u32 v54, $0x10;
	v29 =	vmul.f32 v49, v29  }
0x1e6: {  	v32 =	vand.u32 $0xFFFF0000, v54;
	v26 =	vmul.f32 v30, v26;
	v31 =	vmul.f32 v50, v31  }
0x1e7: {  	v52 =	vshll.u32 v62, $0x10;
	v60 =	vperm.xlane v23, v5;
	v61 =	vperm.xlane v23, v6  }
0x1e8: {  	v41 =	vand.u32 $0xFFFF0000, v62;
	v63 =	vperm.xlane v27, v5;
	v0 =	vperm.xlane v27, v6  }
0x1e9: {  	v30 =	vshll.u32 v56, $0x10;
	v35 =	vand.u32 $0xFFFF0000, v56;
	v33 =	vmul.f32 v48, v55  }
0x1ea: {  	v32 =	vmul.f32 v32, v57;
	v53 =	vshll.u32 v7, $0x10;
	v34 =	vmul.f32 v52, v34  }
0x1eb: {  	s20 =	sor.u32 $0x420, s4;
	v28 =	vadd.f32 $0.0e+00, v28;
	v37 =	vmul.f32 v41, v58;
	v48 =	vperm.xlane v21, v3  }
0x1ec: {  	v54 =	vld [tilespmem:s20+$0x2600];
	v56 =	vshll.u32 v51, $0x10;
	v49 =	vperm.xlane v23, v3;
	v51 =	vperm.xlane v27, v3  }
0x1ed: {  	s22 =	sor.u32 $0x460, s6;
	v46 =	vand.u32 $0xFFFF0000, v7;
	v21 =	vperm.xlane v21, v4;
	v23 =	vperm.xlane v23, v4  }
0x1ee: {  	v62 =	vld [tilespmem:s22+$0x2600];
	v26 =	vadd.f32 $0.0e+00, v26;
	v30 =	vmul.f32 v30, v60;
	v35 =	vmul.f32 v35, v63  }
0x1ef: {  	s21 =	sor.u32 $0x420, s5;
	v33 =	vadd.f32 $0.0e+00, v33;
	v32 =	vadd.f32 $0.0e+00, v32;
	v57 =	vmul.f32 v53, v61  }
0x1f0: {  	v55 =	vld [tilespmem:s21+$0x2600];
	v58 =	vmul.f32 v46, v0;
	v61 =	vperm.xlane v20, v3;
	v28 =	vadd.f32 v29, v28  }
0x1f1: {  	v63 =	vmul.f32 v38, v59;
	v20 =	vperm.xlane v20, v4;
	v60 =	vshll.u32 v54, $0x10  }
0x1f2: {  	s23 =	sor.u32 $0x460, s4;
	v44 =	vand.u32 $0xFFFF0000, v54;
	v26 =	vadd.f32 v31, v26;
	v31 =	vmul.f32 v56, v2  }
0x1f3: {  	v29 =	vld [tilespmem:s23+$0x2600];
	v7 =	vshll.u32 v62, $0x10;
	v30 =	vadd.f32 $0.0e+00, v30;
	v33 =	vadd.f32 v34, v33  }
0x1f4: {  	v32 =	vadd.f32 v37, v32;
	v1 =	vmul.f32 v60, v61;
	v2 =	vmul.f32 v44, v48  }
0x1f5: {  	v19 =	vmul.f32 v7, v19;
	v50 =	vshll.u32 v55, $0x10;
	v47 =	vand.u32 $0xFFFF0000, v55  }
0x1f6: {  	s24 =	sor.u32 $0x460, s5;
	v28 =	vadd.f32 v31, v28;
	v48 =	vmul.f32 v50, v49;
	v49 =	vand.u32 $0xFFFF0000, v62  }
0x1f7: {  	v0 =	vld [tilespmem:s24+$0x2600];
	v26 =	vadd.f32 v63, v26;
	v50 =	vmul.f32 v47, v51;
	v17 =	vmul.f32 v49, v17  }
0x1f8: {  	v31 =	vadd.f32 v1, v33;
	v51 =	vshll.u32 v29, $0x10;
	v19 =	vadd.f32 v19, v28  }
0x1f9: {  	v29 =	vand.u32 $0xFFFF0000, v29;
	v20 =	vmul.f32 v51, v20;
	v17 =	vadd.f32 v17, v26  }
0x1fa: {  	s3 =	sor.u32 $0x470, s3;
	v35 =	vadd.f32 $0.0e+00, v35;
	v32 =	vadd.f32 v2, v32;
	v21 =	vmul.f32 v29, v21;
	[tilespmem:s18+$0xFFFFFF40] =	vst v19  }
0x1fb: {  	v27 =	vperm.xlane v27, v4;
	v30 =	vadd.f32 v57, v30;
	v28 =	vld [tilespmem:s3+$0x2600];
	v20 =	vadd.f32 v20, v31;
	[tilespmem:s18+$0xFFFFFF50] =	vst v17  }
0x1fc: {  	v35 =	vadd.f32 v58, v35;
	v52 =	vshll.u32 v0, $0x10;
	v21 =	vadd.f32 v21, v32;
	v46 =	vld [tilespmem:s17+$0xFFFFFF60]  }
0x1fd: {  	v38 =	vand.u32 $0xFFFF0000, v0;
	v23 =	vmul.f32 v52, v23;
	v26 =	vadd.f32 v48, v30;
	[tilespmem:s18+$0xFFFFFFC0] =	vst v20;
	v31 =	vld [tilespmem:s17+$0xFFFFFF70]  }
0x1fe: {  	v25 =	vmul.f32 v24, v25;
	v27 =	vmul.f32 v38, v27;
	v19 =	vadd.f32 v50, v35;
	[tilespmem:s18+$0xFFFFFFD0] =	vst v21;
	v56 =	vld [tilespmem:s0+$0x70]  }
0x1ff: {  	v24 =	vperm.xlane v11, v4;
	v16 =	vadd.f32 v15, v16;
	v23 =	vadd.f32 v23, v26;
	v35 =	vld [tilespmem:s17+$0xFFFFFFE0]  }
0x200: {  	v19 =	vadd.f32 v27, v19;
	v20 =	vperm.xlane v12, v6;
	v21 =	vand.u32 $0xFFFF0000, v28;
	v37 =	vld [tilespmem:s17+$0xFFFFFFF0]  }
0x201: {  	v16 =	vadd.f32 v25, v16;
	v26 =	vperm.xlane v12, v4;
	[tilespmem:s18+$0x40] =	vst v23;
	v23 =	vmul.f32 v21, v24;
	v30 =	vld [tilespmem:s2+$0x30]  }
0x202: {  	[tilespmem:s18+$0x50] =	vst v19;
	v19 =	vmul.f32 v14, v22;
	v58 =	vld [tilespmem:s2+$0x70];
	v21 =	vmul.f32 v13, v20;
	v20 =	vshll.u32 v28, $0x10  }
0x203: {  	v18 =	vadd.f32 $0.0e+00, v18;
	v39 =	vld [tilespmem:s17+$0x60];
	v26 =	vmul.f32 v20, v26;
	v27 =	vperm.xlane v46, v5  }
0x204: {  	v43 =	vld [tilespmem:s17+$0x70];
	v16 =	vadd.f32 v23, v16;
	v20 =	vperm.xlane v46, v6;
	v29 =	vperm.xlane v31, v5  }
0x205: {  	v28 =	vld [tilespmem:s0+$0x30];
	v18 =	vadd.f32 v21, v18;
	v24 =	vperm.xlane v31, v6;
	v48 =	vperm.xlane v46, v3  }
0x206: {  	v55 =	vld [tilespmem:s1+$0x30];
	[tilespmem:$0x1FB90] =	vst v5;
	v33 =	vshll.u32 v56, $0x10;
	v41 =	vand.u32 $0xFFFF0000, v56;
	v53 =	vperm.xlane v35, v5  }
0x207: {  	[tilespmem:$0x1FBA0] =	vst v6;
	v14 =	vperm.xlane v35, v6;
	v18 =	vadd.f32 v19, v18;
	v54 =	vperm.xlane v37, v5  }
0x208: {  	[tilespmem:$0x1FBB0] =	vst v3;
	v22 =	vperm.xlane v37, v6;
	v61 =	vshll.u32 v30, $0x10;
	v30 =	vand.u32 $0xFFFF0000, v30  }
0x209: {  	s31 =	sor.u32 $0x470, s6;
	v19 =	vld [tilespmem:s1+$0x70];
	v40 =	vshll.u32 v58, $0x10;
	v57 =	vperm.xlane v39, v5;
	v23 =	vperm.xlane v39, v6  }
0x20a: {  	s30 =	sor.u32 $0x470, s4;
	v47 =	vld [tilespmem:s31+$0x2600];
	v45 =	vand.u32 $0xFFFF0000, v58;
	v59 =	vperm.xlane v43, v5;
	v25 =	vperm.xlane v43, v6  }
0x20b: {  	s28 =	simm.s32 $0x0;
	s29 =	sor.u32 $0x430, s5;
	v10 =	vld [tilespmem:s30+$0x2600];
	v60 =	vand.u32 $0xFFFF0000, v28;
	v62 =	vshll.u32 v55, $0x10;
	v18 =	vadd.f32 v26, v18  }
0x20c: {  	p1 =	por !p1, !p1;
	s26 =	sor.u32 $0x430, s4;
	s25 =	sor.u32 $0x430, s6;
	[tilespmem:s18+$0xF0] =	vst v16;
	v26 =	vshll.u32 v28, $0x10;
	v32 =	vmul.f32 v60, v29;
	v34 =	vmul.f32 v61, v53;
	v29 =	vld [tilespmem:s29+$0x2600]  }
0x20d: {  	s14 =	simm.s32 $0x0;
	s7 =	simm.s32 $0x2;
	s23 =	simm.s32 $0x6700;
	v63 =	vand.u32 $0xFFFF0000, v55;
	v38 =	vmul.f32 v30, v54;
	v28 =	vmul.f32 v26, v27;
	v26 =	vld [tilespmem:s25+$0x2600];
	[tilespmem:s18+$0xE0] =	vst v18  }
0x20e: {  	s1 =	sor.u32 $0x470, s5;
	s5 =	simm.s32 $0x0;
	v27 =	vld [tilespmem:s26+$0x2600];
	v44 =	vmul.f32 v62, v57;
	v42 =	vmul.f32 v63, v59;
	s25 =	simm.s32 $0x0;
	v30 =	vmovc v4;
	v36 =	vshll.u32 v19, $0x10;
	[tilespmem:$0x1FBC0] =	vst v4  }
.LBB2_5:
0x20f: {  	v54 =	vld [tilespmem:s1+$0x2600]  }
0x210: {  	s17 =	sadd.s32 $0x200, s17;
	v21 =	vld [tilespmem:$0x1FBB0]  }
0x211: {  	v49 =	vld [tilespmem:s17+$0x80]  }
0x212: {  	s25 =	sadd.s32 $0x400, s25;
	s5 =	sadd.s32 $0x200, s5;
	v50 =	vld [tilespmem:s17+$0x90]  }
0x213: {  	v53 =	vadd.f32 $0.0e+00, v32;
	v55 =	vadd.f32 $0.0e+00, v38;
	s29 =	sand.u32 $0x1800, s25;
	s4 =	sadd.s32 $0x180, s5;
	v38 =	vmul.f32 v45, v22;
	v45 =	vld [tilespmem:s17+$0xFFFFFF10]  }
0x214: {  	[tilespmem:$0x1FB80] =	vst v43;
	v0 =	vadd.f32 $0.0e+00, v28;
	v28 =	vand.u32 $0xFFFF0000, v19;
	v32 =	vmul.f32 v33, v20;
	v22 =	vld [tilespmem:$0x1FBC0];
	s6 =	sor.u32 $0x2600, s29;
	s30 =	sand.u32 $0x380, s4  }
0x215: {  	v41 =	vmul.f32 v41, v24;
	v56 =	vadd.f32 $0.0e+00, v42;
	v42 =	vmul.f32 v40, v14;
	v19 =	vld [tilespmem:$0x1FB90];
	[tilespmem:$0x1FA90] =	vst v53;
	s8 =	sadd.s32 s30, s6  }
0x216: {  	s14 =	sadd.s32 $0x4, s14;
	v33 =	vadd.f32 $0.0e+00, v34;
	v40 =	vmul.f32 v36, v23;
	v36 =	vmul.f32 v28, v25;
	[tilespmem:$0x1FAA0] =	vst v55;
	v51 =	vld [tilespmem:s8+$0x0]  }
0x217: {  	v34 =	vadd.f32 $0.0e+00, v44;
	s31 =	sand.u32 $0x7, s14;
	[tilespmem:$0x1FAB0] =	vst v56;
	v52 =	vld [tilespmem:s8+$0x40];
	v58 =	vperm.xlane v31, v21;
	v59 =	vperm.xlane v35, v21  }
0x218: {  	s10 =	sshll.u32 s31, $0x7;
	v57 =	vand.u32 $0xFFFF0000, v26;
	v25 =	vmovc v10;
	v10 =	vld [tilespmem:$0x1FBA0];
	[tilespmem:$0x1FAE0] =	vst v54;
	v60 =	vperm.xlane v37, v21;
	v61 =	vperm.xlane v39, v21  }
0x219: {  	s10 =	sadd.s32 s25, s10;
	v44 =	vshll.u32 v26, $0x10;
	v26 =	vmovc v46;
	v46 =	vld [tilespmem:s17+$0xFFFFFF80];
	[tilespmem:$0x1FAC0] =	vst v57;
	v63 =	vperm.xlane v43, v21;
	v53 =	vperm.xlane v49, v22  }
0x21a: {  	s0 =	sand.u32 $0x3, s7;
	s16 =	sadd.s32 $0x180, s10;
	v20 =	vmov v47;
	v47 =	vld [tilespmem:s17+$0xFFFFFF90];
	v54 =	vperm.xlane v50, v22;
	v55 =	vperm.xlane v49, v19;
	[tilespmem:$0x1FAD0] =	vst v58  }
0x21b: {  	s2 =	simm.s32 $0x1;
	s18 =	sadd.s32 $0x200, s18;
	v62 =	vshll.u32 v27, $0x10;
	s15 =	sor.u32 $0x400, s16;
	v57 =	vperm.xlane v49, v21;
	v43 =	vperm.xlane v45, v19;
	[tilespmem:$0x1FAF0] =	vst v59  }
0x21c: {  	s2 =	simm.s32 @!p1 $0x0;
	s24 =	sshll.u32 s0, $0x8;
	s3 =	sadd.s32 $0x80, s5;
	v56 =	vld [tilespmem:s15+$0x2600];
	[tilespmem:$0x1FB10] =	vst v60;
	v59 =	vperm.xlane v50, v19;
	v60 =	vperm.xlane v50, v21;
	v58 =	vshll.u32 v51, $0x10  }
0x21d: {  	v24 =	vmovc v48;
	v48 =	vld [tilespmem:s17+$0xFFFFFF00];
	s9 =	sadd.s32 $0x100, s5;
	s3 =	sand.u32 $0x280, s3;
	[tilespmem:$0x1FB00] =	vst v62;
	s19 =	sor.u32 $0x440, s16;
	v51 =	vand.u32 $0xFFFF0000, v51;
	v4 =	vperm.xlane v49, v10;
	v62 =	vperm.xlane v50, v10  }
0x21e: {  	s11 =	sand.u32 $0x200, s5;
	s26 =	sshll.u32 s2, $0x9;
	s2 =	sadd.s32 s3, s6;
	[tilespmem:$0x1FB20] =	vst v61;
	v61 =	vld [tilespmem:s19+$0x2600];
	v5 =	vshll.u32 v52, $0x10;
	v12 =	vperm.xlane v46, v10;
	v55 =	vmul.f32 v58, v55  }
0x21f: {  	s9 =	sand.u32 $0x300, s9;
	s12 =	sadd.s32 s25, s24;
	s4 =	sadd.s32 s11, s6;
	[tilespmem:$0x1FB30] =	vst v63;
	v63 =	vld [tilespmem:s2+$0x0];
	v52 =	vand.u32 $0xFFFF0000, v52;
	v13 =	vperm.xlane v47, v10;
	v51 =	vmul.f32 v51, v59  }
0x220: {  	s29 =	sadd.s32 s9, s6;
	s1 =	sadd.s32 s26, s25;
	s24 =	sadd.s32 $0x100, s12;
	v49 =	vld [tilespmem:s17+$0x0];
	v58 =	vmul.f32 v5, v4;
	v52 =	vmul.f32 v52, v62;
	v55 =	vadd.f32 $0.0e+00, v55  }
0x221: {  	s13 =	sadd.s32 $0x80, s10;
	s6 =	sor.u32 $0x400, s1;
	s22 =	sor.u32 $0x400, s24;
	v50 =	vld [tilespmem:s17+$0x10];
	v6 =	vshll.u32 v56, $0x10;
	v56 =	vand.u32 $0xFFFF0000, v56;
	v51 =	vadd.f32 $0.0e+00, v51  }
0x222: {  	[tilespmem:$0x1FB60] =	vst v37;
	s0 =	sor.u32 $0x440, s24;
	s3 =	sor.u32 $0x440, s1;
	s31 =	sor.u32 $0x410, s24;
	v59 =	vld [tilespmem:s4+$0x0];
	v57 =	vmul.f32 v6, v57;
	v7 =	vmul.f32 v56, v60;
	v55 =	vadd.f32 v58, v55  }
0x223: {  	[tilespmem:$0x1FB50] =	vst v35;
	s12 =	sor.u32 $0x450, s1;
	s9 =	sor.u32 $0x420, s1;
	s30 =	sor.u32 $0x420, s24;
	v62 =	vld [tilespmem:s29+$0x40];
	v35 =	vshll.u32 v61, $0x10;
	v37 =	vand.u32 $0xFFFF0000, v61;
	v51 =	vadd.f32 v52, v51  }
0x224: {  	s21 =	sor.u32 $0x400, s13;
	s20 =	sor.u32 $0x420, s13;
	[dreg:$0x14] =	wrdreg s30;
	v60 =	vld [tilespmem:s4+$0x40];
	v56 =	vperm.xlane v48, v19;
	v53 =	vmul.f32 v35, v53;
	v55 =	vadd.f32 v57, v55  }
0x225: {  	[tilespmem:$0x1FB70] =	vst v39;
	s30 =	sor.u32 $0x460, s1;
	[dreg:$0x12] =	wrdreg s20;
	s20 =	sor.u32 $0x460, s13;
	v61 =	vld [tilespmem:s2+$0x40];
	v39 =	vmul.f32 v37, v54;
	v3 =	vperm.xlane v49, v19;
	v51 =	vadd.f32 v7, v51  }
0x226: {  	s15 =	sor.u32 $0x410, s1;
	[dreg:$0xe] =	wrdreg s20;
	s20 =	sor.u32 $0x430, s13;
	v58 =	vld [tilespmem:s29+$0x0];
	v37 =	vperm.xlane v50, v19;
	v18 =	vperm.xlane v49, v10;
	v53 =	vadd.f32 v53, v55  }
0x227: {  	[tilespmem:$0x1FB40] =	vst v31;
	s19 =	sor.u32 $0x450, s24;
	[dreg:$0x8] =	wrdreg s20;
	s20 =	sor.u32 $0x460, s24;
	v31 =	vperm.xlane v50, v10;
	v35 =	vshll.u32 v59, $0x10;
	v51 =	vadd.f32 v39, v51  }
0x228: {  	v2 =	vld [tilespmem:s21+$0x2600];
	[dreg:$0x10] =	wrdreg s20;
	s20 =	sor.u32 $0x430, s1;
	s1 =	sor.u32 $0x470, s1;
	v59 =	vand.u32 $0xFFFF0000, v59;
	v57 =	vperm.xlane v46, v19;
	v52 =	vmul.f32 v35, v56;
	[tilespmem:s18+$0x80] =	vst v53  }
0x229: {  	[dreg:$0xc] =	wrdreg s20;
	s20 =	sor.u32 $0x430, s24;
	v4 =	vld [tilespmem:s22+$0x2600];
	s22 =	sor.u32 $0x450, s16;
	v54 =	vmul.f32 v59, v43;
	v15 =	vshll.u32 v62, $0x10;
	v62 =	vand.u32 $0xFFFF0000, v62;
	[tilespmem:s18+$0x90] =	vst v51  }
0x22a: {  	[dreg:$0xa] =	wrdreg s1;
	s1 =	sor.u32 $0x470, s24;
	s24 =	sor.u32 $0x410, s16;
	v59 =	vand.u32 $0xFFFF0000, v60;
	v1 =	vshll.u32 v61, $0x10;
	v39 =	vshll.u32 v63, $0x10;
	v56 =	vld [tilespmem:s22+$0x2600]  }
0x22b: {  	v61 =	vand.u32 $0xFFFF0000, v61;
	v5 =	vshll.u32 v58, $0x10;
	v53 =	vmul.f32 v39, v57;
	v57 =	vld [tilespmem:s24+$0x2600]  }
0x22c: {  	v55 =	vperm.xlane v47, v19;
	v63 =	vand.u32 $0xFFFF0000, v63;
	v3 =	vmul.f32 v5, v3;
	v5 =	vld [tilespmem:s8+$0x10]  }
0x22d: {  	v35 =	vadd.f32 $0.0e+00, v52;
	v54 =	vadd.f32 $0.0e+00, v54;
	v1 =	vmul.f32 v1, v12;
	v11 =	vld [tilespmem:s17+$0xA0]  }
0x22e: {  	v12 =	vshll.u32 v2, $0x10;
	v2 =	vand.u32 $0xFFFF0000, v2;
	v43 =	vand.u32 $0xFFFF0000, v58;
	v14 =	vld [tilespmem:s17+$0xB0]  }
0x22f: {  	v58 =	vshll.u32 v60, $0x10;
	v60 =	vperm.xlane v48, v10;
	v55 =	vmul.f32 v63, v55  }
0x230: {  	[tilespmem:$0x1FA80] =	vst v0;
	v0 =	vmul.f32 v43, v37;
	v63 =	vperm.xlane v45, v10;
	v37 =	vld [tilespmem:s8+$0x50];
	v39 =	vadd.f32 $0.0e+00, v53  }
0x231: {  	v55 =	vadd.f32 $0.0e+00, v55;
	v3 =	vadd.f32 $0.0e+00, v3;
	v43 =	vshll.u32 v56, $0x10  }
0x232: {  	v23 =	vmovc v30;
	v17 =	vperm.xlane v11, v19;
	v30 =	vshll.u32 v57, $0x10;
	v16 =	vperm.xlane v11, v22  }
0x233: {  	v7 =	vshll.u32 v5, $0x10;
	v8 =	vperm.xlane v14, v19;
	v9 =	vperm.xlane v11, v21  }
0x234: {  	v5 =	vand.u32 $0xFFFF0000, v5;
	v11 =	vperm.xlane v11, v10;
	v7 =	vmul.f32 v7, v17  }
0x235: {  	v5 =	vmul.f32 v5, v8;
	v8 =	vshll.u32 v37, $0x10;
	v17 =	vperm.xlane v14, v10  }
0x236: {  	v37 =	vand.u32 $0xFFFF0000, v37;
	v8 =	vmul.f32 v8, v11;
	v7 =	vadd.f32 $0.0e+00, v7  }
0x237: {  	v5 =	vadd.f32 $0.0e+00, v5;
	v11 =	vmul.f32 v37, v17;
	v17 =	vperm.xlane v14, v21  }
0x238: {  	v9 =	vmul.f32 v30, v9;
	v7 =	vadd.f32 v8, v7;
	v8 =	vand.u32 $0xFFFF0000, v57  }
0x239: {  	v5 =	vadd.f32 v11, v5;
	v11 =	vperm.xlane v14, v22;
	v8 =	vmul.f32 v8, v17  }
0x23a: {  	v6 =	vld [tilespmem:s6+$0x2600];
	v14 =	vmul.f32 v43, v16;
	v7 =	vadd.f32 v9, v7;
	v9 =	vand.u32 $0xFFFF0000, v56  }
0x23b: {  	v0 =	vadd.f32 $0.0e+00, v0;
	v5 =	vadd.f32 v8, v5;
	v8 =	vmul.f32 v9, v11  }
0x23c: {  	v1 =	vadd.f32 v1, v39;
	v30 =	vperm.xlane v49, v21;
	v7 =	vadd.f32 v14, v7  }
0x23d: {  	s26 =	sor.u32 $0x440, s13;
	v16 =	vshll.u32 v4, $0x10;
	v9 =	vmul.f32 v58, v60;
	v5 =	vadd.f32 v8, v5  }
0x23e: {  	v51 =	vld [tilespmem:s26+$0x2600];
	v4 =	vand.u32 $0xFFFF0000, v4;
	v11 =	vmul.f32 v59, v63;
	v63 =	vperm.xlane v45, v21;
	[tilespmem:s18+$0xA0] =	vst v7  }
0x23f: {  	v52 =	vld [tilespmem:s3+$0x2600];
	s3 =	sor.u32 $0x460, s16;
	v60 =	vshll.u32 v6, $0x10;
	v14 =	vmul.f32 v62, v31;
	v8 =	vmul.f32 v61, v13;
	[tilespmem:s18+$0xB0] =	vst v5  }
0x240: {  	s6 =	sor.u32 $0x420, s16;
	v6 =	vand.u32 $0xFFFF0000, v6;
	v13 =	vmul.f32 v15, v18;
	v15 =	vperm.xlane v46, v21;
	v17 =	vld [tilespmem:s3+$0x2600]  }
0x241: {  	v18 =	vperm.xlane v47, v21;
	v61 =	vperm.xlane v50, v21;
	v9 =	vadd.f32 v9, v35;
	v31 =	vld [tilespmem:s6+$0x2600]  }
0x242: {  	v11 =	vadd.f32 v11, v54;
	v7 =	vperm.xlane v48, v21;
	v0 =	vadd.f32 v14, v0;
	v62 =	vld [tilespmem:s8+$0x20]  }
0x243: {  	v14 =	vshll.u32 v51, $0x10;
	v12 =	vmul.f32 v12, v15;
	v2 =	vmul.f32 v2, v18;
	v15 =	vld [tilespmem:s17+$0xC0]  }
0x244: {  	v3 =	vadd.f32 v13, v3;
	v13 =	vmul.f32 v16, v30;
	v18 =	vld [tilespmem:s17+$0xD0];
	v7 =	vmul.f32 v60, v7  }
0x245: {  	v8 =	vadd.f32 v8, v55;
	v5 =	vmul.f32 v6, v63;
	v6 =	vperm.xlane v48, v22  }
0x246: {  	v4 =	vmul.f32 v4, v61;
	v16 =	vld [tilespmem:s8+$0x60];
	v7 =	vadd.f32 v7, v9;
	v9 =	vshll.u32 v52, $0x10  }
0x247: {  	v5 =	vadd.f32 v5, v11;
	v6 =	vmul.f32 v9, v6;
	v30 =	vshll.u32 v17, $0x10  }
0x248: {  	v63 =	vperm.xlane v15, v19;
	v37 =	vshll.u32 v31, $0x10;
	v39 =	vperm.xlane v15, v22  }
0x249: {  	v57 =	vshll.u32 v62, $0x10;
	v58 =	vperm.xlane v18, v19;
	v59 =	vperm.xlane v15, v21  }
0x24a: {  	v60 =	vand.u32 $0xFFFF0000, v62;
	v15 =	vperm.xlane v15, v10;
	v35 =	vmul.f32 v57, v63  }
0x24b: {  	v62 =	vshll.u32 v16, $0x10;
	v61 =	vmul.f32 v60, v58;
	v63 =	vperm.xlane v18, v10  }
0x24c: {  	v16 =	vand.u32 $0xFFFF0000, v16;
	v15 =	vmul.f32 v62, v15;
	v35 =	vadd.f32 $0.0e+00, v35  }
0x24d: {  	v53 =	vld [tilespmem:s0+$0x2600];
	v55 =	vperm.xlane v18, v21;
	v43 =	vadd.f32 $0.0e+00, v61;
	v16 =	vmul.f32 v16, v63  }
0x24e: {  	v31 =	vand.u32 $0xFFFF0000, v31;
	v56 =	vmul.f32 v37, v59;
	v15 =	vadd.f32 v15, v35  }
0x24f: {  	v31 =	vmul.f32 v31, v55;
	v18 =	vperm.xlane v18, v22;
	v16 =	vadd.f32 v16, v43  }
0x250: {  	v17 =	vand.u32 $0xFFFF0000, v17;
	v30 =	vmul.f32 v30, v39;
	v15 =	vadd.f32 v56, v15  }
0x251: {  	v17 =	vmul.f32 v17, v18;
	v18 =	vperm.xlane v46, v22;
	v16 =	vadd.f32 v31, v16  }
0x252: {  	v58 =	vperm.xlane v50, v22;
	v59 =	vshll.u32 v53, $0x10;
	v15 =	vadd.f32 v30, v15  }
0x253: {  	v60 =	vand.u32 $0xFFFF0000, v53;
	v53 =	vld [tilespmem:$0x1FA90];
	v11 =	vmul.f32 v14, v18;
	v16 =	vadd.f32 v17, v16  }
0x254: {  	v1 =	vadd.f32 v12, v1;
	v14 =	vmul.f32 v60, v58;
	v58 =	vld [tilespmem:$0x1FAA0];
	v31 =	vperm.xlane v47, v22;
	[tilespmem:s18+$0xC0] =	vst v15  }
0x255: {  	v2 =	vadd.f32 v2, v8;
	v3 =	vadd.f32 v13, v3;
	v17 =	vand.u32 $0xFFFF0000, v51;
	v51 =	vld [tilespmem:$0x1FA80];
	[tilespmem:s18+$0xD0] =	vst v16  }
0x256: {  	v62 =	vadd.f32 v6, v7;
	v30 =	vperm.xlane v49, v22;
	v8 =	vmul.f32 v17, v31;
	v12 =	vld [tilespmem:s17+$0xF0]  }
0x257: {  	s11 =	sor.u32 $0x410, s13;
	s10 =	sor.u32 $0x450, s13;
	s13 =	sor.u32 $0x470, s13;
	v0 =	vadd.f32 v4, v0;
	v57 =	vperm.xlane v45, v22;
	v1 =	vadd.f32 v11, v1;
	v13 =	vld [tilespmem:s8+$0x30]  }
0x258: {  	[dreg:$0x7] =	wrdreg s13;
	s13 =	sor.u32 $0x430, s16;
	[tilespmem:s18+$0xFFFFFF00] =	vst v62;
	v15 =	vand.u32 $0xFFFF0000, v52;
	v61 =	vmul.f32 v59, v30;
	v11 =	vld [tilespmem:s8+$0x70];
	v2 =	vadd.f32 v8, v2  }
0x259: {  	s16 =	sor.u32 $0x470, s16;
	v0 =	vadd.f32 v14, v0;
	[tilespmem:s18+$0xFFFFFF80] =	vst v1;
	v9 =	vmul.f32 v15, v57;
	v35 =	vld [tilespmem:s13+$0x2600]  }
0x25a: {  	v45 =	vld [tilespmem:s16+$0x2600];
	v3 =	vadd.f32 v61, v3;
	[tilespmem:s18+$0xFFFFFF90] =	vst v2  }
0x25b: {  	v37 =	vadd.f32 v41, v53;
	[tilespmem:s18+$0x10] =	vst v0;
	v5 =	vadd.f32 v9, v5;
	v48 =	vld [tilespmem:s17+$0xFFFFFFA0]  }
0x25c: {  	v44 =	vmul.f32 v44, v24;
	v41 =	vadd.f32 v38, v58;
	v38 =	vadd.f32 v40, v34;
	[tilespmem:s18+$0x0] =	vst v3;
	v18 =	vld [tilespmem:s2+$0x50]  }
0x25d: {  	v30 =	vand.u32 $0xFFFF0000, v20;
	[tilespmem:s18+$0xFFFFFF10] =	vst v5;
	v5 =	vld [tilespmem:s17+$0x30];
	v63 =	vperm.xlane v12, v19;
	v39 =	vand.u32 $0xFFFF0000, v13  }
0x25e: {  	v43 =	vperm.xlane v12, v10;
	v47 =	vshll.u32 v11, $0x10;
	v52 =	vand.u32 $0xFFFF0000, v11;
	v49 =	vld [tilespmem:s17+$0xFFFFFF20]  }
0x25f: {  	v54 =	vperm.xlane v12, v21;
	v50 =	vld [tilespmem:s17+$0xFFFFFF30];
	v55 =	vand.u32 $0xFFFF0000, v35;
	v56 =	vperm.xlane v12, v22  }
0x260: {  	v57 =	vand.u32 $0xFFFF0000, v45;
	v61 =	vld [tilespmem:s4+$0x10];
	v1 =	vmul.f32 v39, v63;
	v39 =	vadd.f32 v32, v51  }
0x261: {  	v12 =	vld [tilespmem:s29+$0x10];
	v2 =	vmul.f32 v52, v43;
	v43 =	vshll.u32 v35, $0x10;
	v0 =	vmul.f32 v55, v54  }
0x262: {  	v35 =	vadd.f32 v42, v33;
	v60 =	vmul.f32 v57, v56;
	v59 =	vperm.xlane v48, v19  }
0x263: {  	v32 =	vshll.u32 v20, $0x10;
	v11 =	vperm.xlane v48, v10;
	v15 =	vperm.xlane v5, v19  }
0x264: {  	v42 =	vld [tilespmem:s17+$0xFFFFFFB0];
	v58 =	vshll.u32 v18, $0x10;
	v20 =	vperm.xlane v5, v10;
	v62 =	vperm.xlane v49, v19  }
0x265: {  	v51 =	vld [tilespmem:s17+$0x20];
	v1 =	vadd.f32 $0.0e+00, v1;
	v63 =	vperm.xlane v49, v10;
	v53 =	vperm.xlane v50, v19  }
0x266: {  	v52 =	vld [tilespmem:$0x1FAB0];
	v8 =	vperm.xlane v50, v10;
	v17 =	vshll.u32 v61, $0x10;
	v57 =	vshll.u32 v12, $0x10  }
0x267: {  	v9 =	vld [tilespmem:s2+$0x10];
	v12 =	vand.u32 $0xFFFF0000, v12;
	v11 =	vmul.f32 v58, v11;
	v1 =	vadd.f32 v2, v1  }
0x268: {  	v56 =	vld [tilespmem:s15+$0x2600];
	v2 =	vand.u32 $0xFFFF0000, v61;
	v12 =	vmul.f32 v12, v15;
	v61 =	vperm.xlane v5, v21  }
0x269: {  	v46 =	vshll.u32 v13, $0x10;
	v55 =	vld [tilespmem:s4+$0x50];
	v5 =	vperm.xlane v5, v22;
	v54 =	vperm.xlane v42, v19  }
0x26a: {  	v24 =	vld [tilespmem:s29+$0x50];
	v18 =	vand.u32 $0xFFFF0000, v18;
	v13 =	vperm.xlane v42, v10;
	v14 =	vperm.xlane v51, v19  }
0x26b: {  	v31 =	vadd.f32 v36, v52;
	v16 =	vperm.xlane v51, v10;
	v3 =	vmul.f32 v17, v62  }
0x26c: {  	v17 =	vshll.u32 v9, $0x10;
	v9 =	vand.u32 $0xFFFF0000, v9;
	v2 =	vmul.f32 v2, v53  }
0x26d: {  	v7 =	vand.u32 $0xFFFF0000, v56;
	v53 =	vperm.xlane v48, v21;
	v58 =	vperm.xlane v51, v22  }
0x26e: {  	v0 =	vadd.f32 v0, v1;
	v4 =	vmul.f32 v17, v59;
	v17 =	vshll.u32 v55, $0x10  }
0x26f: {  	v59 =	vshll.u32 v24, $0x10;
	v24 =	vand.u32 $0xFFFF0000, v24;
	v1 =	vmul.f32 v9, v54  }
0x270: {  	v15 =	vld [tilespmem:s31+$0x2600];
	v12 =	vadd.f32 $0.0e+00, v12;
	v14 =	vmul.f32 v57, v14;
	v6 =	vmul.f32 v17, v63  }
0x271: {  	v3 =	vadd.f32 $0.0e+00, v3;
	v13 =	vmul.f32 v18, v13;
	v16 =	vmul.f32 v59, v16  }
0x272: {  	v36 =	vld [tilespmem:s12+$0x2600];
	v2 =	vadd.f32 $0.0e+00, v2;
	v18 =	vmul.f32 v24, v20;
	v20 =	vperm.xlane v49, v21  }
0x273: {  	v24 =	vperm.xlane v50, v21;
	v54 =	vperm.xlane v42, v21;
	v0 =	vadd.f32 v60, v0  }
0x274: {  	v33 =	vld [tilespmem:s17+$0xE0];
	v4 =	vadd.f32 $0.0e+00, v4;
	v60 =	vperm.xlane v51, v21;
	v1 =	vadd.f32 $0.0e+00, v1  }
0x275: {  	v9 =	vld [tilespmem:s11+$0x2600];
	v3 =	vadd.f32 v6, v3;
	v62 =	vand.u32 $0xFFFF0000, v15;
	v7 =	vmul.f32 v7, v24  }
0x276: {  	v52 =	vld [tilespmem:s10+$0x2600];
	[tilespmem:s18+$0xF0] =	vst v0;
	v0 =	vand.u32 $0xFFFF0000, v55;
	v55 =	vshll.u32 v15, $0x10;
	v4 =	vadd.f32 v11, v4  }
0x277: {  	v17 =	vld [tilespmem:s19+$0x2600];
	v11 =	vadd.f32 v18, v12;
	v12 =	vshll.u32 v36, $0x10;
	v18 =	vperm.xlane v50, v22  }
0x278: {  	v0 =	vmul.f32 v0, v8;
	v8 =	vadd.f32 $0.0e+00, v14;
	v14 =	vshll.u32 v56, $0x10  }
0x279: {  	v1 =	vadd.f32 v13, v1;
	v15 =	vmul.f32 v55, v60;
	v55 =	vperm.xlane v48, v22  }
0x27a: {  	v56 =	vperm.xlane v42, v22;
	v40 =	vshll.u32 v9, $0x10;
	v9 =	vand.u32 $0xFFFF0000, v9  }
0x27b: {  	v63 =	vmul.f32 v14, v20;
	v14 =	vand.u32 $0xFFFF0000, v36;
	v20 =	vshll.u32 v52, $0x10  }
0x27c: {  	v57 =	vshll.u32 v17, $0x10;
	v59 =	vand.u32 $0xFFFF0000, v17;
	v13 =	vmul.f32 v40, v53  }
0x27d: {  	v0 =	vadd.f32 v0, v2;
	v9 =	vmul.f32 v9, v54;
	v2 =	vmul.f32 v62, v61  }
0x27e: {  	v8 =	vadd.f32 v16, v8;
	v16 =	vperm.xlane v49, v22;
	v5 =	vmul.f32 v59, v5  }
0x27f: {  	v3 =	vadd.f32 v63, v3;
	v63 =	vperm.xlane v33, v19;
	v0 =	vadd.f32 v7, v0  }
0x280: {  	v59 =	vld [tilespmem:$0x1FAE0];
	v60 =	vmul.f32 v12, v16;
	v1 =	vadd.f32 v9, v1;
	v9 =	vmul.f32 v14, v18  }
0x281: {  	v61 =	vmul.f32 v20, v55;
	v4 =	vadd.f32 v13, v4;
	v49 =	vmul.f32 v46, v63;
	v63 =	vld [tilespmem:$0x1FB10]  }
0x282: {  	v3 =	vadd.f32 v60, v3;
	v0 =	vadd.f32 v9, v0;
	v9 =	vmul.f32 v57, v58;
	v57 =	vld [tilespmem:$0x1FAC0]  }
0x283: {  	v24 =	vand.u32 $0xFFFF0000, v52;
	v62 =	vadd.f32 v61, v4;
	v58 =	vld [tilespmem:$0x1FAD0]  }
0x284: {  	v8 =	vadd.f32 v15, v8;
	v2 =	vadd.f32 v2, v11;
	v11 =	vmul.f32 v24, v56;
	v61 =	vld [tilespmem:$0x1FAF0];
	[tilespmem:s18+$0xFFFFFF20] =	vst v3  }
0x285: {  	[tilespmem:s18+$0xFFFFFFA0] =	vst v62;
	v62 =	vld [tilespmem:$0x1FB00]  }
0x286: {  	v1 =	vadd.f32 v11, v1;
	[tilespmem:s18+$0xFFFFFF30] =	vst v0;
	v36 =	vadd.f32 v9, v8;
	v8 =	vld [tilespmem:$0x1FB30]  }
0x287: {  	v27 =	vand.u32 $0xFFFF0000, v27;
	v28 =	vshll.u32 v29, $0x10;
	v40 =	vld [tilespmem:s17+$0xFFFFFF40]  }
0x288: {  	v29 =	vand.u32 $0xFFFF0000, v29;
	v34 =	vshll.u32 v25, $0x10;
	v48 =	vperm.xlane v33, v10;
	[tilespmem:s18+$0xFFFFFFB0] =	vst v1;
	v42 =	vld [tilespmem:s17+$0xFFFFFF50]  }
0x289: {  	v50 =	vperm.xlane v33, v21;
	v53 =	vshll.u32 v45, $0x10;
	v18 =	vand.u32 $0xFFFF0000, v25;
	v46 =	vld [tilespmem:s17+$0xFFFFFFC0]  }
0x28a: {  	v56 =	vmul.f32 v47, v48;
	v2 =	vadd.f32 v5, v2;
	v20 =	vshll.u32 v59, $0x10;
	v47 =	vld [tilespmem:s17+$0xFFFFFFD0]  }
0x28b: {  	v60 =	vadd.f32 $0.0e+00, v49;
	v12 =	vld [tilespmem:s2+$0x20];
	v6 =	vmul.f32 v27, v63;
	v27 =	vperm.xlane v26, v23  }
0x28c: {  	v52 =	vand.u32 $0xFFFF0000, v59;
	[tilespmem:s18+$0x30] =	vst v2;
	v51 =	vld [tilespmem:s2+$0x60];
	v5 =	vmul.f32 v57, v58;
	v3 =	vmul.f32 v62, v61  }
0x28d: {  	[tilespmem:s18+$0x20] =	vst v36;
	v36 =	vld [tilespmem:$0x1FB20];
	v26 =	vadd.f32 v44, v39;
	v48 =	vperm.xlane v40, v19;
	v1 =	vperm.xlane v40, v10  }
0x28e: {  	v7 =	vld [tilespmem:s17+$0x40];
	v55 =	vadd.f32 v6, v41;
	v9 =	vperm.xlane v42, v19;
	v11 =	vperm.xlane v42, v10  }
0x28f: {  	v4 =	vld [tilespmem:s17+$0x50];
	v25 =	vadd.f32 v5, v37;
	v13 =	vperm.xlane v46, v19;
	v14 =	vperm.xlane v46, v10  }
0x290: {  	v16 =	vld [tilespmem:s29+$0x20];
	v49 =	vperm.xlane v47, v19;
	v15 =	vperm.xlane v47, v10;
	v61 =	vshll.u32 v12, $0x10  }
0x291: {  	v12 =	vand.u32 $0xFFFF0000, v12;
	v6 =	vand.u32 $0xFFFF0000, v51;
	v37 =	vperm.xlane v42, v21  }
0x292: {  	v59 =	vld [tilespmem:s29+$0x60];
	v2 =	vmul.f32 v28, v36;
	v36 =	vmul.f32 v29, v8;
	v28 =	vadd.f32 v56, v60  }
0x293: {  	v29 =	vmul.f32 v43, v50;
	v24 =	vadd.f32 v3, v35;
	v17 =	vperm.xlane v7, v19  }
0x294: {  	v56 =	vshll.u32 v51, $0x10;
	v35 =	vperm.xlane v7, v10;
	v57 =	vperm.xlane v4, v19  }
0x295: {  	v39 =	vperm.xlane v4, v10;
	v62 =	vshll.u32 v16, $0x10;
	v13 =	vmul.f32 v61, v13  }
0x296: {  	v8 =	vld [tilespmem:s4+$0x20];
	v16 =	vand.u32 $0xFFFF0000, v16;
	v5 =	vmul.f32 v12, v49;
	v14 =	vmul.f32 v56, v14  }
0x297: {  	v50 =	vld [tilespmem:s4+$0x60];
	v41 =	vand.u32 $0xFFFF0000, v59;
	v6 =	vmul.f32 v6, v15;
	v61 =	vperm.xlane v7, v21  }
0x298: {  	v60 =	vld [tilespmem:s9+$0x2600];
	v7 =	vperm.xlane v7, v22;
	v54 =	vadd.f32 v2, v38;
	v38 =	vperm.xlane v40, v21  }
0x299: {  	v17 =	vmul.f32 v62, v17;
	v16 =	vmul.f32 v16, v57;
	v57 =	vshll.u32 v59, $0x10  }
0x29a: {  	s21 =	rddreg [dreg:$0x14];
	v13 =	vadd.f32 $0.0e+00, v13;
	v5 =	vadd.f32 $0.0e+00, v5;
	v59 =	vperm.xlane v46, v21  }
0x29b: {  	v12 =	vld [tilespmem:s21+$0x2600];
	v15 =	vmul.f32 v57, v35;
	v35 =	vmul.f32 v41, v39;
	v58 =	vshll.u32 v8, $0x10  }
0x29c: {  	s24 =	rddreg [dreg:$0x10];
	v8 =	vand.u32 $0xFFFF0000, v8;
	v63 =	vshll.u32 v50, $0x10;
	v3 =	vand.u32 $0xFFFF0000, v50  }
0x29d: {  	v49 =	vld [tilespmem:s24+$0x2600];
	v16 =	vadd.f32 $0.0e+00, v16;
	v2 =	vand.u32 $0xFFFF0000, v60;
	v0 =	vmul.f32 v58, v48  }
0x29e: {  	v5 =	vadd.f32 v6, v5;
	v8 =	vmul.f32 v8, v9;
	v1 =	vmul.f32 v63, v1  }
0x29f: {  	s22 =	rddreg [dreg:$0xe];
	v3 =	vmul.f32 v3, v11;
	v11 =	vadd.f32 $0.0e+00, v17;
	v17 =	vshll.u32 v60, $0x10  }
0x2a0: {  	v44 =	vld [tilespmem:s22+$0x2600];
	v60 =	vperm.xlane v47, v21;
	v62 =	vshll.u32 v12, $0x10;
	v63 =	vperm.xlane v4, v21  }
0x2a1: {  	v12 =	vand.u32 $0xFFFF0000, v12;
	v2 =	vmul.f32 v2, v37;
	v4 =	vperm.xlane v4, v22  }
0x2a2: {  	s19 =	rddreg [dreg:$0x12];
	v43 =	vld [tilespmem:s30+$0x2600];
	v45 =	vshll.u32 v49, $0x10;
	v57 =	vmul.f32 v17, v38;
	v17 =	vperm.xlane v40, v22  }
0x2a3: {  	v9 =	vld [tilespmem:s19+$0x2600];
	v0 =	vadd.f32 $0.0e+00, v0;
	v11 =	vadd.f32 v15, v11;
	v15 =	vmul.f32 v62, v61  }
0x2a4: {  	v8 =	vadd.f32 $0.0e+00, v8;
	v12 =	vmul.f32 v12, v63;
	v61 =	vperm.xlane v46, v22  }
0x2a5: {  	v62 =	vand.u32 $0xFFFF0000, v44;
	v63 =	vperm.xlane v47, v22;
	v0 =	vadd.f32 v1, v0  }
0x2a6: {  	v46 =	vand.u32 $0xFFFF0000, v49;
	v56 =	vadd.f32 v3, v8;
	v8 =	vadd.f32 v14, v13  }
0x2a7: {  	v13 =	vadd.f32 v35, v16;
	v14 =	vshll.u32 v43, $0x10;
	v16 =	vand.u32 $0xFFFF0000, v43  }
0x2a8: {  	v49 =	vmul.f32 v62, v63;
	v58 =	vshll.u32 v9, $0x10;
	v47 =	vmul.f32 v14, v17  }
0x2a9: {  	v9 =	vand.u32 $0xFFFF0000, v9;
	v58 =	vmul.f32 v58, v59;
	v59 =	vperm.xlane v42, v22  }
0x2aa: {  	v62 =	vld [tilespmem:$0x1FB70];
	v9 =	vmul.f32 v9, v60;
	v60 =	vshll.u32 v44, $0x10;
	v0 =	vadd.f32 v57, v0  }
0x2ab: {  	v1 =	vadd.f32 v2, v56;
	v57 =	vld [tilespmem:$0x1FB40];
	v48 =	vmul.f32 v16, v59;
	v6 =	vadd.f32 v58, v8  }
0x2ac: {  	v5 =	vadd.f32 v9, v5;
	v8 =	vmul.f32 v60, v61;
	v0 =	vadd.f32 v47, v0;
	v59 =	vld [tilespmem:$0x1FB50]  }
0x2ad: {  	v7 =	vmul.f32 v45, v7;
	v9 =	vadd.f32 v15, v11;
	v60 =	vld [tilespmem:$0x1FB60];
	v1 =	vadd.f32 v48, v1  }
0x2ae: {  	v4 =	vmul.f32 v46, v4;
	v11 =	vadd.f32 v12, v13;
	v50 =	vadd.f32 v8, v6;
	[tilespmem:s18+$0xFFFFFF40] =	vst v0;
	v8 =	vld [tilespmem:$0x1FB80]  }
0x2af: {  	v51 =	vadd.f32 v49, v5;
	v56 =	vadd.f32 v7, v9;
	v7 =	vperm.xlane v62, v23;
	[tilespmem:s18+$0xFFFFFF50] =	vst v1  }
0x2b0: {  	v58 =	vadd.f32 v4, v11;
	v9 =	vperm.xlane v33, v22;
	v11 =	vmul.f32 v32, v27;
	[tilespmem:s18+$0xFFFFFFC0] =	vst v50;
	v46 =	vld [tilespmem:s17+$0xFFFFFF60]  }
0x2b1: {  	v61 =	vadd.f32 v36, v31;
	v5 =	vperm.xlane v57, v23;
	[tilespmem:s18+$0xFFFFFFD0] =	vst v51;
	v47 =	vmul.f32 v20, v7;
	v31 =	vld [tilespmem:s17+$0xFFFFFF70]  }
0x2b2: {  	[tilespmem:s18+$0x40] =	vst v56;
	v48 =	vmul.f32 v53, v9;
	v4 =	vperm.xlane v59, v23;
	v35 =	vld [tilespmem:s17+$0xFFFFFFE0]  }
0x2b3: {  	v63 =	vadd.f32 v29, v28;
	[tilespmem:s18+$0x50] =	vst v58;
	v6 =	vperm.xlane v60, v23;
	v37 =	vld [tilespmem:s17+$0xFFFFFFF0];
	v8 =	vperm.xlane v8, v23  }
0x2b4: {  	v33 =	vmul.f32 v30, v5;
	v39 =	vld [tilespmem:s17+$0x60];
	v53 =	vadd.f32 v47, v54;
	v4 =	vmul.f32 v34, v4  }
0x2b5: {  	v30 =	vmovc v22;
	v43 =	vld [tilespmem:s17+$0x70];
	v34 =	vadd.f32 v11, v26;
	v45 =	vmul.f32 v18, v6;
	v8 =	vmul.f32 v52, v8  }
0x2b6: {  	v13 =	vld [tilespmem:s29+$0x30];
	v2 =	vadd.f32 v33, v25;
	[tilespmem:s23+$0x60] =	vst v53;
	v9 =	vperm.xlane v46, v19;
	v20 =	vperm.xlane v46, v10  }
0x2b7: {  	[tilespmem:s23+$0xFFFFFF60] =	vst v34;
	v49 =	vadd.f32 v4, v24;
	v52 =	vld [tilespmem:s2+$0x30];
	v11 =	vperm.xlane v31, v19;
	v24 =	vperm.xlane v31, v10  }
0x2b8: {  	v51 =	vadd.f32 v45, v55;
	v50 =	vld [tilespmem:s4+$0x30];
	[tilespmem:s23+$0xFFFFFF70] =	vst v2;
	v12 =	vperm.xlane v35, v19;
	v14 =	vperm.xlane v35, v10  }
0x2b9: {  	v54 =	vperm.xlane v37, v19;
	v22 =	vperm.xlane v37, v10;
	[tilespmem:s23+$0xFFFFFFE0] =	vst v49;
	v55 =	vadd.f32 v8, v61  }
0x2ba: {  	v23 =	vperm.xlane v39, v10;
	v58 =	vperm.xlane v43, v19;
	[tilespmem:s23+$0xFFFFFFF0] =	vst v51;
	v56 =	vld [tilespmem:s4+$0x70]  }
0x2bb: {  	s28 =	sadd.s32 $0x4, s28;
	v0 =	vadd.f32 v48, v63;
	v25 =	vperm.xlane v43, v10;
	v8 =	vperm.xlane v39, v19;
	v57 =	vld [tilespmem:s2+$0x70];
	[tilespmem:s23+$0x70] =	vst v55  }
0x2bc: {  	p3 =	slt.u32 s28, $0x1C;
	s26 =	rddreg [dreg:$0xc];
	v48 =	vperm.xlane v46, v21;
	v62 =	vshll.u32 v13, $0x10;
	v63 =	vand.u32 $0xFFFF0000, v13;
	v19 =	vld [tilespmem:s29+$0x70]  }
.Ltmp1:
0x2bd: {  	s30 =	rddreg [dreg:$0xa];
	v26 =	vld [tilespmem:s26+$0x2600];
	v42 =	vmul.f32 v63, v58;
	v44 =	vmul.f32 v62, v8;
	v60 =	vshll.u32 v52, $0x10;
	(pc) =	sbr.rel @p3 .LBB2_5-.Ltmp1, $4  }
0x2be: {  	s31 =	rddreg [dreg:$0x7];
	v47 =	vld [tilespmem:s30+$0x2600];
	v61 =	vand.u32 $0xFFFF0000, v52;
	v59 =	vshll.u32 v50, $0x10;
	v34 =	vmul.f32 v60, v12  }
0x2bf: {  	v10 =	vld [tilespmem:s31+$0x2600];
	v4 =	vand.u32 $0xFFFF0000, v50;
	v38 =	vmul.f32 v61, v54;
	v28 =	vmul.f32 v59, v9  }
0x2c0: {  	s29 =	rddreg [dreg:$0x8];
	v29 =	vld [tilespmem:s20+$0x2600];
	v32 =	vmul.f32 v4, v11;
	v33 =	vshll.u32 v56, $0x10;
	v41 =	vand.u32 $0xFFFF0000, v56  }
0x2c1: {  	s7 =	sadd.s32 $0x2, s7;
	p1 =	por !p1, !p1;
	[tilespmem:s18+$0xE0] =	vst v0;
	s23 =	smov.u32 s18;
	v27 =	vld [tilespmem:s29+$0x2600];
	v40 =	vshll.u32 v57, $0x10;
	v45 =	vand.u32 $0xFFFF0000, v57;
	v36 =	vshll.u32 v19, $0x10  }
0x2c2: {  	v0 =	vadd.f32 $0.0e+00, v28;
	v1 =	vadd.f32 $0.0e+00, v32;
	v2 =	vand.u32 $0xFFFF0000, v19  }
0x2c3: {  	v3 =	vmul.f32 v33, v20;
	v4 =	vadd.f32 $0.0e+00, v34;
	v5 =	vadd.f32 $0.0e+00, v38  }
0x2c4: {  	v6 =	vmul.f32 v41, v24;
	v8 =	vmul.f32 v40, v14;
	v11 =	vadd.f32 $0.0e+00, v42;
	v42 =	vld [tilespmem:$0x1FBB0]  }
0x2c5: {  	v7 =	vadd.f32 $0.0e+00, v44;
	v9 =	vmul.f32 v45, v22;
	v12 =	vmul.f32 v36, v23  }
0x2c6: {  	v13 =	vshll.u32 v26, $0x10;
	v16 =	vand.u32 $0xFFFF0000, v26;
	v38 =	vperm.xlane v31, v30  }
0x2c7: {  	v2 =	vmul.f32 v2, v25;
	v32 =	vmul.f32 v13, v48;
	v33 =	vshll.u32 v47, $0x10  }
0x2c8: {  	v34 =	vand.u32 $0xFFFF0000, v47;
	v0 =	vadd.f32 v3, v0;
	v1 =	vadd.f32 v6, v1  }
0x2c9: {  	v4 =	vadd.f32 v8, v4;
	v5 =	vadd.f32 v9, v5;
	v14 =	vperm.xlane v31, v42  }
0x2ca: {  	v7 =	vadd.f32 v12, v7;
	v36 =	vshll.u32 v10, $0x10;
	v15 =	vperm.xlane v35, v42  }
0x2cb: {  	v6 =	vmul.f32 v34, v38;
	v19 =	vshll.u32 v27, $0x10;
	v13 =	vmul.f32 v16, v14  }
0x2cc: {  	v12 =	vand.u32 $0xFFFF0000, v10;
	v14 =	vmul.f32 v19, v15;
	v19 =	vperm.xlane v46, v30  }
0x2cd: {  	v20 =	vand.u32 $0xFFFF0000, v27;
	v0 =	vadd.f32 v32, v0;
	v17 =	vperm.xlane v37, v42  }
0x2ce: {  	v1 =	vadd.f32 v13, v1;
	v13 =	vperm.xlane v35, v30;
	v8 =	vmul.f32 v33, v19  }
0x2cf: {  	v16 =	vmul.f32 v20, v17;
	v4 =	vadd.f32 v14, v4;
	v14 =	vperm.xlane v37, v30  }
0x2d0: {  	v22 =	vld [tilespmem:s1+$0x2600];
	v2 =	vadd.f32 v2, v11;
	v11 =	vmul.f32 v36, v13;
	v0 =	vadd.f32 v8, v0  }
0x2d1: {  	v5 =	vadd.f32 v16, v5;
	v12 =	vmul.f32 v12, v14;
	v1 =	vadd.f32 v6, v1  }
0x2d2: {  	v18 =	vperm.xlane v39, v42;
	[tilespmem:s23+$0xFFFFFF60] =	vst v0;
	v45 =	vadd.f32 v11, v4  }
0x2d3: {  	v23 =	vshll.u32 v29, $0x10;
	v21 =	vperm.xlane v43, v42;
	[tilespmem:s23+$0xFFFFFF70] =	vst v1;
	v47 =	vadd.f32 v12, v5  }
0x2d4: {  	v40 =	vperm.xlane v39, v30;
	v63 =	vand.u32 $0xFFFF0000, v29;
	v17 =	vmul.f32 v23, v18;
	s4 =	sld [smem:$0x7E2];
	[tilespmem:s23+$0xFFFFFFE0] =	vst v45  }
0x2d5: {  	v41 =	vperm.xlane v43, v30;
	v15 =	vshll.u32 v22, $0x10;
	v3 =	vmul.f32 v63, v21;
	[tilespmem:s23+$0xFFFFFFF0] =	vst v47  }
0x2d6: {  	v18 =	vand.u32 $0xFFFF0000, v22;
	v44 =	vmul.f32 v15, v40;
	v43 =	vadd.f32 v17, v7;
	s0 =	sld [smem:$0x7E7]  }
0x2d7: {  	v46 =	vmul.f32 v18, v41;
	v2 =	vadd.f32 v3, v2;
	p1 =	seq.s32 s4, $0x4E  }
0x2d8: {  	v48 =	vadd.f32 v44, v43;
	s1 =	sshll.u32 @!p1 s4, $0x6  }
0x2d9: {  	v49 =	vadd.f32 v46, v2;
	[smem:$0x7E1] =	sst s1;
	s0 =	sadd.s32 @!p1 s1, s0  }
0x2da: {  	s1 =	rddreg [dreg:$0x2];
	[tilespmem:s23+$0x60] =	vst v48;
	s0 =	sshrl.u32 @!p1 s0, $0x3  }
0x2db: {  	s2 =	simm.s32 @!p1 $0x0;
	[tilespmem:s23+$0x70] =	vst v49;
	s1 =	sadd.s32 @!p1 s1, s0  }
0x2dc: {  	[tilespmem:s2], [sflag:$0x1] =	stream.linear.gather @!p1 [hbm4b:s1+s2], $0x20, $0x38;
	[tilespmem:$0x1EC80] =	vst v63  }
0x2dd: {  	s1 =	rddreg [dreg:$0x18]  }
0x2de: {  	s3 =	simm.s32 @!p1 $0x100;
	s1 =	sadd.s32 @!p1 s1, s0  }
0x2df: {  	[tilespmem:s3], [sflag:$0x1] =	stream.linear.gather @!p1 [hbm4b:s1+s2], $0x20, $0x38;
	[tilespmem:$0x1EC80] =	vst v63  }
0x2e0: {  	s1 =	rddreg [dreg:$0x19]  }
0x2e1: {  	s21 =	simm.s32 $0x7;
	s0 =	sadd.s32 @!p1 s1, s0;
	s1 =	simm.s32 @!p1 $0x200  }
0x2e2: {  	[tilespmem:s1], [sflag:$0x1] =	stream.linear.gather @!p1 [hbm4b:s0+s2], $0x20, $0x38;
	[tilespmem:$0x1EC80] =	vst v63  }
0x2e3: {  	_ =	swait.ge [sflag:s21], $0x1000  }
0x2e4: {  	[sflag:s21] =	ssyncset.done $0x0  }
0x2e5: {  	s22 =	simm.s32 $0x6600;
	s24 =	simm.s32 $0x300;
	[sflag:s21] =	ssyncadd.s32 $0xFFFFF000  }
0x2e6: {  	s26 =	simm.s32 $0x8600;
	s23 =	simm.s32 $0x20;
	s0 =	rddreg [dreg:$0x3]  }
0x2e7: {  	[spmem:s0] =	stream.indirect.scatter.add.f32 [tilespmem:s22], [sflag:$0x5], $0x80, s24, s23, $0xb8;
	[tilespmem:$0x1EC80] =	vst v63  }
0x2e8: {  	s28 =	simm.s32 $0x400;
	s25 =	rddreg [dreg:$0x4];
	s0 =	simm.s32 @!p2 $0x6  }
0x2e9: {  	[spmem:s25] =	stream.indirect.scatter.add.f32 [tilespmem:s26], [sflag:$0x5], $0x80, s28, s23, $0xb8;
	[tilespmem:$0x1EC80] =	vst v63  }
0x2ea: {  	_ =	swait.ge @!p2 [sflag:s0], $0x1000  }
0x2eb: {  	[sflag:s0] =	ssyncset.done @!p2 $0x0  }
0x2ec: {  	[sflag:s0] =	ssyncadd.s32 @!p2 $0xFFFFF000  }
0x2ed: {  	_ =	swait.ge @!p2 [sflag:s0], $0x1000  }
0x2ee: {  	[sflag:s0] =	ssyncset.done @!p2 $0x0  }
0x2ef: {  	[sflag:s0] =	ssyncadd.s32 @!p2 $0xFFFFF000  }
0x2f0: {  	v50 =	vld [tilespmem:$0x280]  }
0x2f1: {  	v51 =	vld [tilespmem:$0x290];
	_ =	sdelay $0x3  }
0x2f2: {  	v0 =	vand.u32 $0x7F, v50  }
0x2f3: {  	s30 =	simm.s32 $0x580;
	v52 =	vand.u32 $0x7F, v51;
	[tilespmem:$0x580] =	vst v0  }
0x2f4: {  	s31 =	simm.s32 $0x9600;
	p2 =	sgt.u32 s4, $0x4D;
	s0 =	rddreg [dreg:$0x5];
	[tilespmem:$0x590] =	vst v52  }
0x2f5: {  	[tilespmem:s31], [sflag:$0x8] =	stream.indirect.gather [spmem:s0], $0x80, s30, s23, $0xb8;
	[tilespmem:$0x1EC80] =	vst v63  }
0x2f6: {  	s0 =	simm.s32 @!p2 $0x1  }
0x2f7: {  	_ =	swait.ge @!p2 [sflag:s0], $0x20  }
0x2f8: {  	[sflag:s0] =	ssyncset.done @!p2 $0x0  }
0x2f9: {  	[sflag:s0] =	ssyncadd.s32 @!p2 $0xFFFFFFE0  }
0x2fa: {  	_ =	swait.ge @!p2 [sflag:s0], $0x20  }
0x2fb: {  	[sflag:s0] =	ssyncset.done @!p2 $0x0  }
0x2fc: {  	[sflag:s0] =	ssyncadd.s32 @!p2 $0xFFFFFFE0  }
0x2fd: {  	_ =	swait.ge @!p2 [sflag:s0], $0x20  }
0x2fe: {  	[sflag:s0] =	ssyncset.done @!p2 $0x0  }
0x2ff: {  	s1 =	simm.s32 @!p2 $0x0;
	[sflag:s0] =	ssyncadd.s32 @!p2 $0xFFFFFFE0  }
0x300: {  	s2 =	simm.s32 @!p2 $0x600;
	s0 =	simm.s32 @!p2 $0x20;
	s3 =	rddreg [dreg:$0x0]  }
0x301: {  	[tilespmem:s2], [sflag:$0x3] =	stream.indirect.gather @!p2 [hbm4b:s3+s0], $0x80, s1, s0, $0xb8;
	[tilespmem:$0x1EC80] =	vst v63  }
0x302: {  	v0 =	vld @!p2 [tilespmem:$0x100];
	_ =	sdelay $0x4  }
0x303: {  	v1 =	vshll.u32 @!p2 v0, $0x1  }
0x304: {  	v2 =	vlaneseq.u32 @!p2;
	v0 =	vand.u32 @!p2 $0x7, v0;
	v1 =	vand.u32 @!p2 $0xFFFFFFF0, v1  }
0x305: {  	v3 =	vshrl.u32 @!p2 v2, $0x3;
	v0 =	vor.u32 @!p2 v0, v1;
	v1 =	vand.u32 @!p2 $0x7, v2  }
0x306: {  	v3 =	vmul.u32 @!p2 $0x8, v3;
	v4 =	vperm.xlane @!p2 v0, v1  }
0x307: {  	v2 =	vor.u32 @!p2 $0x8, v2  }
0x308: {  	v0 =	vperm.xlane @!p2 v0, v2;
	v4 =	vadd.s32 @!p2 v3, v4;
	_ =	sdelay $0x1  }
0x309: {  	v0 =	vadd.s32 @!p2 v3, v0;
	_ =	sdelay $0x1  }
0x30a: {  	vm1 =	vmmov @!p2 $0xffff;
	s0 =	simm.s32 @!p2 $0x2600;
	s2 =	rddreg [dreg:$0x17]  }
0x30b: {  	[tilespmem:s0], [sflag:$0x3] =	stream.indirect_vreg.gather @!p2 [hbm4b:s2+s1], $0x80, v4, vm1, $0xb8;
	[tilespmem:$0x1EC80] =	vst v63  }
0x30c: {  	s0 =	simm.s32 @!p2 $0x2E00  }
0x30d: {  	[tilespmem:s0], [sflag:$0x3] =	stream.indirect_vreg.gather @!p2 [hbm4b:s2+s1], $0x80, v0, vm1, $0xb8;
	[tilespmem:$0x1EC80] =	vst v63  }
0x30e: {  	v0 =	vld @!p2 [tilespmem:$0x110];
	_ =	sdelay $0x4  }
0x30f: {  	v4 =	vshll.u32 @!p2 v0, $0x1  }
0x310: {  	v0 =	vand.u32 @!p2 $0x7, v0;
	v4 =	vand.u32 @!p2 $0xFFFFFFF0, v4  }
0x311: {  	v0 =	vor.u32 @!p2 v0, v4  }
0x312: {  	v1 =	vperm.xlane @!p2 v0, v1;
	_ =	sdelay $0x1  }
0x313: {  	v0 =	vperm.xlane @!p2 v0, v2;
	v1 =	vadd.s32 @!p2 v3, v1;
	_ =	sdelay $0x1  }
0x314: {  	v0 =	vadd.s32 @!p2 v3, v0;
	_ =	sdelay $0x1  }
0x315: {  	s0 =	simm.s32 @!p2 $0x3600  }
0x316: {  	[tilespmem:s0], [sflag:$0x3] =	stream.indirect_vreg.gather @!p2 [hbm4b:s2+s1], $0x80, v1, vm1, $0xb8;
	[tilespmem:$0x1EC80] =	vst v63  }
0x317: {  	s5 =	simm.s32 $0x4;
	s0 =	simm.s32 @!p2 $0x3E00  }
0x318: {  	[tilespmem:s0], [sflag:$0x3] =	stream.indirect_vreg.gather @!p2 [hbm4b:s2+s1], $0x80, v0, vm1, $0xb8;
	[tilespmem:$0x1EC80] =	vst v63  }
0x319: {  	_ =	swait.ge [sflag:s5], $0x1000  }
0x31a: {  	[sflag:s5] =	ssyncset.done $0x0  }
0x31b: {  	[sflag:s5] =	ssyncadd.s32 $0xFFFFF000  }
0x31c: {  	_ =	swait.ge [sflag:s5], $0x2000  }
0x31d: {  	[sflag:s5] =	ssyncset.done $0x0  }
0x31e: {  	[sflag:s5] =	ssyncadd.s32 $0xFFFFE000  }
0x31f: {  	v53 =	vld [tilespmem:$0x280]  }
0x320: {  	v54 =	vld [tilespmem:$0x290];
	_ =	sdelay $0x3  }
0x321: {  	[tilespmem:$0x380] =	vst v53  }
0x322: {  	v10 =	vld [tilespmem:$0x1FBC0];
	v0 =	vshrl.u32 v53, $0x7;
	[tilespmem:$0x390] =	vst v54  }
0x323: {  	s18 =	simm.s32 $0x0;
	v43 =	vld [tilespmem:$0x1FB90];
	v55 =	vshrl.u32 v54, $0x7;
	[tilespmem:$0x480] =	vst v0  }
0x324: {  	s7 =	simm.s32 $0x180;
	s6 =	sand.u32 $0x1800, s18;
	s23 =	simm.s32 $0x1700;
	v44 =	vld [tilespmem:$0x1FBA0];
	[tilespmem:$0x490] =	vst v55  }
0x325: {  	s8 =	sand.u32 $0x380, s7;
	s5 =	sor.u32 $0x4600, s6;
	v0 =	vld [tilespmem:s23+$0x80]  }
0x326: {  	s9 =	sand.u32 $0x7, s18;
	s7 =	sadd.s32 s8, s5;
	v56 =	vld [tilespmem:s23+$0x90]  }
0x327: {  	s10 =	sshll.u32 s9, $0x7;
	v57 =	vld [tilespmem:s7+$0x0]  }
0x328: {  	s11 =	sadd.s32 $0x0, s10;
	v13 =	vld [tilespmem:s23+$0xFFFFFF00]  }
0x329: {  	s3 =	sadd.s32 $0x180, s11;
	v58 =	vld [tilespmem:s7+$0x40]  }
0x32a: {  	s12 =	sor.u32 $0x400, s3;
	v11 =	vld [tilespmem:s23+$0xFFFFFF10]  }
0x32b: {  	v62 =	vld [tilespmem:s12+$0x4600]  }
0x32c: {  	s13 =	sor.u32 $0x440, s3;
	v12 =	vld [tilespmem:s23+$0xFFFFFF80]  }
0x32d: {  	s15 =	sand.u32 $0x200, s18;
	v33 =	vld [tilespmem:s13+$0x4600];
	v59 =	vperm.xlane v0, v10;
	v60 =	vperm.xlane v56, v10  }
0x32e: {  	s14 =	simm.s32 $0x80;
	s0 =	sadd.s32 s15, s5;
	v14 =	vld [tilespmem:s23+$0xFFFFFF90];
	v61 =	vperm.xlane v0, v43;
	v63 =	vperm.xlane v0, v42;
	v32 =	vshll.u32 v57, $0x10  }
0x32f: {  	s6 =	sand.u32 $0x280, s14;
	v18 =	vld [tilespmem:s0+$0x0];
	v15 =	vperm.xlane v56, v43;
	v17 =	vperm.xlane v56, v42;
	v2 =	vand.u32 $0xFFFF0000, v57  }
0x330: {  	s16 =	simm.s32 $0x100;
	s2 =	sadd.s32 s6, s5;
	v0 =	vperm.xlane v0, v44;
	v16 =	vshll.u32 v58, $0x10;
	v1 =	vperm.xlane v56, v44  }
0x331: {  	s17 =	sand.u32 $0x300, s16;
	v36 =	vld [tilespmem:s2+$0x0];
	v3 =	vand.u32 $0xFFFF0000, v58;
	v34 =	vshll.u32 v62, $0x10;
	v35 =	vand.u32 $0xFFFF0000, v62  }
0x332: {  	s1 =	sadd.s32 s17, s5;
	v38 =	vshll.u32 v33, $0x10;
	v41 =	vperm.xlane v13, v43;
	v47 =	vperm.xlane v11, v43  }
0x333: {  	v39 =	vld [tilespmem:s1+$0x0];
	v40 =	vand.u32 $0xFFFF0000, v33;
	v48 =	vperm.xlane v12, v43;
	v49 =	vperm.xlane v14, v43  }
0x334: {  	v19 =	vshll.u32 v18, $0x10;
	v24 =	vperm.xlane v12, v44;
	v25 =	vperm.xlane v14, v44  }
0x335: {  	v50 =	vld [tilespmem:s2+$0x40];
	v18 =	vand.u32 $0xFFFF0000, v18;
	v6 =	vmul.f32 v32, v61;
	v2 =	vmul.f32 v2, v15  }
0x336: {  	v51 =	vld [tilespmem:s1+$0x40];
	v21 =	vshll.u32 v36, $0x10;
	v0 =	vmul.f32 v16, v0;
	v1 =	vmul.f32 v3, v1  }
0x337: {  	v7 =	vand.u32 $0xFFFF0000, v36;
	v15 =	vld [tilespmem:s23+$0x0];
	v3 =	vmul.f32 v34, v63;
	v37 =	vmul.f32 v35, v17  }
0x338: {  	v22 =	vshll.u32 v39, $0x10;
	v16 =	vld [tilespmem:s23+$0x10];
	v4 =	vmul.f32 v38, v59;
	v45 =	vmul.f32 v40, v60  }
0x339: {  	v53 =	vand.u32 $0xFFFF0000, v39;
	v52 =	vmul.f32 v19, v41;
	v5 =	vmul.f32 v18, v47  }
0x33a: {  	v9 =	vmul.f32 v21, v48;
	v6 =	vadd.f32 $0.0e+00, v6;
	v2 =	vadd.f32 $0.0e+00, v2  }
0x33b: {  	s4 =	sadd.s32 $0x80, s11;
	v46 =	vld [tilespmem:s0+$0x40];
	v27 =	vshll.u32 v51, $0x10;
	v21 =	vperm.xlane v11, v44;
	v41 =	vperm.xlane v11, v42  }
0x33c: {  	s8 =	sor.u32 $0x400, s4;
	v11 =	vperm.xlane v11, v10;
	v0 =	vadd.f32 v0, v6;
	v1 =	vadd.f32 v1, v2  }
0x33d: {  	v39 =	vld [tilespmem:s8+$0x4600];
	v2 =	vand.u32 $0xFFFF0000, v50;
	v17 =	vperm.xlane v15, v43;
	v20 =	vperm.xlane v16, v43  }
0x33e: {  	v28 =	vperm.xlane v15, v44;
	v29 =	vperm.xlane v16, v44;
	v0 =	vadd.f32 v3, v0  }
0x33f: {  	v2 =	vmul.f32 v2, v25;
	v25 =	vperm.xlane v12, v42;
	v1 =	vadd.f32 v37, v1  }
0x340: {  	v12 =	vperm.xlane v12, v10;
	v3 =	vand.u32 $0xFFFF0000, v46;
	v0 =	vadd.f32 v4, v0  }
0x341: {  	s24 =	simm.s32 $0x7700;
	v17 =	vmul.f32 v22, v17;
	v6 =	vmul.f32 v53, v20;
	v1 =	vadd.f32 v45, v1  }
0x342: {  	v40 =	vshll.u32 v39, $0x10;
	v20 =	vperm.xlane v13, v44;
	v3 =	vmul.f32 v3, v21;
	[tilespmem:s24+$0x80] =	vst v0  }
0x343: {  	s20 =	sor.u32 $0x410, s3;
	v22 =	vshll.u32 v50, $0x10;
	v47 =	vmul.f32 v40, v25;
	v4 =	vmul.f32 v7, v49;
	[tilespmem:s24+$0x90] =	vst v1  }
0x344: {  	v18 =	vshll.u32 v46, $0x10;
	v21 =	vmul.f32 v22, v24;
	v22 =	vmul.f32 v27, v28;
	v55 =	vld [tilespmem:s20+$0x4600]  }
0x345: {  	v5 =	vadd.f32 $0.0e+00, v5;
	v27 =	vperm.xlane v14, v42;
	v45 =	vperm.xlane v16, v42;
	v19 =	vld [tilespmem:s7+$0x10]  }
0x346: {  	v9 =	vadd.f32 $0.0e+00, v9;
	v14 =	vperm.xlane v14, v10;
	v16 =	vperm.xlane v16, v10;
	v23 =	vld [tilespmem:s23+$0xA0]  }
0x347: {  	v17 =	vadd.f32 $0.0e+00, v17;
	v18 =	vmul.f32 v18, v20;
	v6 =	vadd.f32 $0.0e+00, v6;
	v26 =	vld [tilespmem:s23+$0xB0]  }
0x348: {  	v3 =	vadd.f32 v3, v5;
	v1 =	vadd.f32 $0.0e+00, v52;
	v0 =	vand.u32 $0xFFFF0000, v51  }
0x349: {  	v4 =	vadd.f32 $0.0e+00, v4;
	v9 =	vadd.f32 v21, v9;
	v30 =	vld [tilespmem:s7+$0x50];
	v0 =	vmul.f32 v0, v29  }
0x34a: {  	v29 =	vperm.xlane v15, v42;
	v17 =	vadd.f32 v22, v17;
	v15 =	vperm.xlane v15, v10  }
0x34b: {  	v1 =	vadd.f32 v18, v1;
	v56 =	vperm.xlane v23, v43;
	v57 =	vshll.u32 v55, $0x10  }
0x34c: {  	s21 =	sand.u32 $0x3, s18;
	s19 =	sor.u32 $0x450, s3;
	v58 =	vperm.xlane v23, v10;
	v59 =	vshll.u32 v19, $0x10;
	v60 =	vperm.xlane v26, v43  }
0x34d: {  	s5 =	sshll.u32 s21, $0x8;
	v54 =	vld [tilespmem:s19+$0x4600];
	v61 =	vperm.xlane v23, v42;
	v19 =	vand.u32 $0xFFFF0000, v19;
	v23 =	vperm.xlane v23, v44  }
0x34e: {  	s5 =	sadd.s32 $0x0, s5;
	v62 =	vshll.u32 v30, $0x10;
	v63 =	vperm.xlane v26, v44;
	v36 =	vperm.xlane v26, v42  }
0x34f: {  	p2 =	por $0x0, $0x0;
	s6 =	simm.s32 $0x1;
	s5 =	sadd.s32 $0x100, s5;
	v30 =	vand.u32 $0xFFFF0000, v30;
	v32 =	vmul.f32 v59, v56;
	v19 =	vmul.f32 v19, v60  }
0x350: {  	s6 =	simm.s32 @!p2 $0x0;
	s9 =	sor.u32 $0x440, s5;
	v7 =	vand.u32 $0xFFFF0000, v55;
	v26 =	vperm.xlane v26, v10;
	v23 =	vmul.f32 v62, v23  }
0x351: {  	s6 =	sshll.u32 s6, $0x9;
	v52 =	vld [tilespmem:s9+$0x4600];
	v30 =	vmul.f32 v30, v63;
	v32 =	vadd.f32 $0.0e+00, v32;
	v19 =	vadd.f32 $0.0e+00, v19  }
0x352: {  	s22 =	sor.u32 $0x400, s5;
	s6 =	sadd.s32 $0x0, s6;
	v31 =	vshll.u32 v54, $0x10;
	v38 =	vmul.f32 v57, v61;
	v7 =	vmul.f32 v7, v36  }
0x353: {  	s25 =	sor.u32 $0x400, s6;
	v23 =	vadd.f32 v23, v32;
	v19 =	vadd.f32 v30, v19;
	v30 =	vmul.f32 v31, v58;
	v31 =	vld [tilespmem:s22+$0x4600]  }
0x354: {  	v20 =	vld [tilespmem:s25+$0x4600];
	v2 =	vadd.f32 v2, v4;
	v5 =	vadd.f32 v47, v9;
	v8 =	vand.u32 $0xFFFF0000, v54  }
0x355: {  	s26 =	sor.u32 $0x440, s4;
	v8 =	vmul.f32 v8, v26;
	v23 =	vadd.f32 v38, v23;
	v7 =	vadd.f32 v7, v19  }
0x356: {  	v24 =	vld [tilespmem:s26+$0x4600];
	v0 =	vadd.f32 v0, v6;
	v56 =	vshll.u32 v52, $0x10;
	v57 =	vand.u32 $0xFFFF0000, v52  }
0x357: {  	v4 =	vmul.f32 v56, v15;
	v19 =	vadd.f32 v30, v23;
	v7 =	vadd.f32 v8, v7  }
0x358: {  	v23 =	vand.u32 $0xFFFF0000, v39;
	v26 =	vshll.u32 v31, $0x10;
	v28 =	vand.u32 $0xFFFF0000, v31  }
0x359: {  	s31 =	sor.u32 $0x440, s6;
	v31 =	vshll.u32 v20, $0x10;
	v49 =	vmul.f32 v23, v27;
	[tilespmem:s24+$0xA0] =	vst v19;
	v19 =	vperm.xlane v13, v42  }
0x35a: {  	v20 =	vand.u32 $0xFFFF0000, v20;
	[tilespmem:s24+$0xB0] =	vst v7;
	v22 =	vmul.f32 v26, v29;
	v50 =	vmul.f32 v28, v45;
	v28 =	vld [tilespmem:s31+$0x4600]  }
0x35b: {  	v7 =	vmul.f32 v20, v41;
	v20 =	vshll.u32 v24, $0x10;
	v24 =	vand.u32 $0xFFFF0000, v24;
	v30 =	vld [tilespmem:s7+$0x20]  }
0x35c: {  	v46 =	vld [tilespmem:s23+$0xC0];
	v53 =	vmul.f32 v20, v12;
	v2 =	vadd.f32 v49, v2;
	v54 =	vmul.f32 v24, v14  }
0x35d: {  	s28 =	sor.u32 $0x460, s3;
	v48 =	vld [tilespmem:s23+$0xD0];
	v19 =	vmul.f32 v31, v19;
	v3 =	vadd.f32 v7, v3;
	v58 =	vadd.f32 v22, v17  }
0x35e: {  	s30 =	sor.u32 $0x420, s3;
	v60 =	vmul.f32 v57, v16;
	v18 =	vld [tilespmem:s28+$0x4600];
	v0 =	vadd.f32 v50, v0;
	v5 =	vadd.f32 v53, v5  }
0x35f: {  	v13 =	vperm.xlane v13, v10;
	v21 =	vld [tilespmem:s30+$0x4600];
	v2 =	vadd.f32 v54, v2;
	v1 =	vadd.f32 v19, v1  }
0x360: {  	v14 =	vld [tilespmem:s7+$0x60];
	v4 =	vadd.f32 v4, v58;
	v0 =	vadd.f32 v60, v0;
	v12 =	vshll.u32 v28, $0x10  }
0x361: {  	v19 =	vand.u32 $0xFFFF0000, v28;
	v23 =	vperm.xlane v46, v43;
	v25 =	vperm.xlane v46, v10  }
0x362: {  	v26 =	vshll.u32 v30, $0x10;
	v27 =	vperm.xlane v48, v43;
	v31 =	vperm.xlane v46, v42  }
0x363: {  	[tilespmem:s24+$0xFFFFFF80] =	vst v5;
	v29 =	vshll.u32 v18, $0x10;
	v51 =	vperm.xlane v46, v44;
	v12 =	vmul.f32 v12, v13  }
0x364: {  	[tilespmem:s24+$0xFFFFFF90] =	vst v2;
	v30 =	vand.u32 $0xFFFF0000, v30;
	v55 =	vmul.f32 v19, v11;
	v62 =	vperm.xlane v48, v44  }
0x365: {  	v63 =	vld [tilespmem:s23+$0xFFFFFFA0];
	v36 =	vand.u32 $0xFFFF0000, v14;
	v38 =	vperm.xlane v48, v42;
	v40 =	vand.u32 $0xFFFF0000, v21  }
0x366: {  	[tilespmem:s24+$0x0] =	vst v4;
	v8 =	vperm.xlane v48, v10;
	v41 =	vld [tilespmem:s23+$0xFFFFFFB0];
	v45 =	vand.u32 $0xFFFF0000, v18;
	v23 =	vmul.f32 v26, v23  }
0x367: {  	[tilespmem:s24+$0x10] =	vst v0;
	v26 =	vshll.u32 v21, $0x10;
	v59 =	vmul.f32 v30, v27;
	v7 =	vmul.f32 v36, v62  }
0x368: {  	v13 =	vld [tilespmem:s23+$0x20];
	v1 =	vadd.f32 v12, v1;
	v9 =	vmul.f32 v40, v38;
	v46 =	vmul.f32 v29, v25  }
0x369: {  	v61 =	vshll.u32 v14, $0x10;
	v47 =	vld [tilespmem:s23+$0x30];
	v8 =	vmul.f32 v45, v8;
	v12 =	vmul.f32 v26, v31  }
0x36a: {  	s15 =	sor.u32 $0x450, s5;
	v3 =	vadd.f32 v55, v3;
	[tilespmem:s24+$0xFFFFFF00] =	vst v1;
	v1 =	vmul.f32 v61, v51;
	v48 =	vperm.xlane v63, v43  }
0x36b: {  	v54 =	vld [tilespmem:s15+$0x4600];
	v18 =	vperm.xlane v41, v43;
	v50 =	vperm.xlane v63, v44  }
0x36c: {  	[tilespmem:s24+$0xFFFFFF10] =	vst v3;
	v35 =	vadd.f32 $0.0e+00, v23;
	v20 =	vperm.xlane v41, v44;
	v30 =	vperm.xlane v41, v42  }
0x36d: {  	v2 =	vadd.f32 $0.0e+00, v59;
	v37 =	vld [tilespmem:s23+$0xFFFFFF20];
	v3 =	vperm.xlane v63, v10;
	v0 =	vperm.xlane v41, v10  }
0x36e: {  	v39 =	vld [tilespmem:s23+$0xFFFFFF30];
	v1 =	vadd.f32 v1, v35;
	v51 =	vperm.xlane v13, v43;
	v22 =	vperm.xlane v47, v43  }
0x36f: {  	v14 =	vld [tilespmem:s0+$0x10];
	v2 =	vadd.f32 v7, v2;
	v23 =	vperm.xlane v13, v44;
	v26 =	vperm.xlane v47, v44  }
0x370: {  	v52 =	vperm.xlane v13, v42;
	v53 =	vperm.xlane v47, v42;
	v55 =	vshll.u32 v54, $0x10  }
0x371: {  	v17 =	vld [tilespmem:s2+$0x10];
	v13 =	vperm.xlane v13, v10;
	v56 =	vperm.xlane v47, v10;
	v1 =	vadd.f32 v12, v1  }
0x372: {  	v19 =	vld [tilespmem:s1+$0x10];
	v2 =	vadd.f32 v9, v2;
	v15 =	vperm.xlane v37, v43;
	v12 =	vperm.xlane v37, v44  }
0x373: {  	v21 =	vld [tilespmem:s0+$0x50];
	v16 =	vperm.xlane v39, v43;
	v49 =	vperm.xlane v39, v44;
	v1 =	vadd.f32 v46, v1  }
0x374: {  	v25 =	vld [tilespmem:s2+$0x50];
	v2 =	vadd.f32 v8, v2;
	v24 =	vshll.u32 v14, $0x10;
	v6 =	vperm.xlane v37, v10  }
0x375: {  	v27 =	vld [tilespmem:s1+$0x50];
	v14 =	vand.u32 $0xFFFF0000, v14;
	v4 =	vperm.xlane v39, v10;
	v15 =	vmul.f32 v24, v15  }
0x376: {  	v24 =	vshll.u32 v17, $0x10;
	v17 =	vand.u32 $0xFFFF0000, v17;
	v14 =	vmul.f32 v14, v16  }
0x377: {  	v16 =	vshll.u32 v19, $0x10;
	v19 =	vand.u32 $0xFFFF0000, v19;
	v7 =	vmul.f32 v24, v48  }
0x378: {  	s11 =	sor.u32 $0x410, s4;
	v17 =	vmul.f32 v17, v18;
	v18 =	vshll.u32 v21, $0x10;
	v8 =	vmul.f32 v16, v51  }
0x379: {  	v28 =	vld [tilespmem:s11+$0x4600];
	v19 =	vmul.f32 v19, v22;
	v21 =	vand.u32 $0xFFFF0000, v21;
	v22 =	vshll.u32 v25, $0x10  }
0x37a: {  	v24 =	vand.u32 $0xFFFF0000, v25;
	v25 =	vshll.u32 v27, $0x10;
	v12 =	vmul.f32 v18, v12  }
0x37b: {  	v27 =	vand.u32 $0xFFFF0000, v27;
	v9 =	vmul.f32 v21, v49;
	v5 =	vmul.f32 v22, v50  }
0x37c: {  	s13 =	sor.u32 $0x450, s6;
	v15 =	vadd.f32 $0.0e+00, v15;
	v20 =	vmul.f32 v24, v20;
	v22 =	vmul.f32 v25, v23  }
0x37d: {  	s10 =	sor.u32 $0x410, s6;
	v29 =	vld [tilespmem:s13+$0x4600];
	v14 =	vadd.f32 $0.0e+00, v14;
	v23 =	vmul.f32 v27, v26;
	v24 =	vperm.xlane v37, v42  }
0x37e: {  	s12 =	sor.u32 $0x410, s5;
	v16 =	vld [tilespmem:s10+$0x4600];
	v26 =	vshll.u32 v28, $0x10;
	v7 =	vadd.f32 $0.0e+00, v7;
	v17 =	vadd.f32 $0.0e+00, v17  }
0x37f: {  	v18 =	vld [tilespmem:s12+$0x4600];
	v27 =	vand.u32 $0xFFFF0000, v28;
	v8 =	vadd.f32 $0.0e+00, v8;
	v19 =	vadd.f32 $0.0e+00, v19  }
0x380: {  	v28 =	vperm.xlane v63, v42;
	v12 =	vadd.f32 v12, v15;
	v9 =	vadd.f32 v9, v14  }
0x381: {  	v25 =	vperm.xlane v39, v42;
	v5 =	vadd.f32 v5, v7;
	v17 =	vadd.f32 v20, v17  }
0x382: {  	s14 =	sor.u32 $0x450, s4;
	v8 =	vadd.f32 v22, v8;
	v19 =	vadd.f32 v23, v19;
	v20 =	vmul.f32 v26, v28  }
0x383: {  	v14 =	vld [tilespmem:s14+$0x4600];
	v22 =	vshll.u32 v29, $0x10;
	v21 =	vshll.u32 v16, $0x10;
	v16 =	vand.u32 $0xFFFF0000, v16  }
0x384: {  	v31 =	vshll.u32 v18, $0x10;
	v15 =	vand.u32 $0xFFFF0000, v18;
	v18 =	vmul.f32 v21, v24  }
0x385: {  	[tilespmem:s24+$0xC0] =	vst v1;
	v7 =	vand.u32 $0xFFFF0000, v54;
	v6 =	vmul.f32 v22, v6;
	v16 =	vmul.f32 v16, v25  }
0x386: {  	[tilespmem:s24+$0xD0] =	vst v2;
	v21 =	vmul.f32 v27, v30;
	v24 =	vand.u32 $0xFFFF0000, v29;
	v12 =	vadd.f32 v18, v12  }
0x387: {  	s16 =	sor.u32 $0x430, s3;
	v11 =	vld [tilespmem:s23+$0xF0];
	v5 =	vadd.f32 v20, v5;
	v4 =	vmul.f32 v24, v4;
	v9 =	vadd.f32 v16, v9  }
0x388: {  	v57 =	vld [tilespmem:s16+$0x4600];
	v15 =	vmul.f32 v15, v53;
	v25 =	vshll.u32 v14, $0x10;
	v6 =	vadd.f32 v6, v12  }
0x389: {  	v20 =	vld [tilespmem:s7+$0x70];
	v14 =	vand.u32 $0xFFFF0000, v14;
	v3 =	vmul.f32 v25, v3;
	v4 =	vadd.f32 v4, v9  }
0x38a: {  	v23 =	vmul.f32 v31, v52;
	v18 =	vld [tilespmem:s7+$0x30];
	v16 =	vadd.f32 v21, v17;
	v0 =	vmul.f32 v14, v0;
	[tilespmem:s24+$0xFFFFFF20] =	vst v6  }
0x38b: {  	v2 =	vmul.f32 v7, v56;
	v58 =	vadd.f32 v15, v19;
	v12 =	vld [tilespmem:s23+$0xE0];
	v3 =	vadd.f32 v3, v5;
	[tilespmem:s24+$0xFFFFFF30] =	vst v4  }
0x38c: {  	v1 =	vmul.f32 v55, v13;
	v8 =	vadd.f32 v23, v8;
	v0 =	vadd.f32 v0, v16;
	v4 =	vld [tilespmem:s23+$0xFFFFFF40]  }
0x38d: {  	v60 =	vperm.xlane v11, v44;
	v2 =	vadd.f32 v2, v58;
	[tilespmem:s24+$0xFFFFFFA0] =	vst v3;
	v3 =	vld [tilespmem:s23+$0xFFFFFF50]  }
0x38e: {  	v59 =	vperm.xlane v11, v43;
	v1 =	vadd.f32 v1, v8;
	v62 =	vand.u32 $0xFFFF0000, v20;
	[tilespmem:s24+$0xFFFFFFB0] =	vst v0;
	v21 =	vld [tilespmem:s0+$0x20]  }
0x38f: {  	v14 =	vmul.f32 v62, v60;
	v61 =	vand.u32 $0xFFFF0000, v18;
	[tilespmem:s24+$0x30] =	vst v2;
	v2 =	vperm.xlane v11, v42;
	v28 =	vld [tilespmem:s0+$0x60]  }
0x390: {  	v9 =	vand.u32 $0xFFFF0000, v57;
	v6 =	vld [tilespmem:s23+$0xFFFFFFC0];
	v0 =	vmul.f32 v61, v59;
	v16 =	vperm.xlane v12, v43  }
0x391: {  	[tilespmem:s24+$0x20] =	vst v1;
	v7 =	vshll.u32 v18, $0x10;
	v8 =	vld [tilespmem:s23+$0xFFFFFFD0];
	v2 =	vmul.f32 v9, v2;
	v38 =	vperm.xlane v12, v44  }
0x392: {  	v63 =	vld [tilespmem:s23+$0x40];
	v7 =	vmul.f32 v7, v16;
	v15 =	vperm.xlane v4, v43  }
0x393: {  	v13 =	vshll.u32 v20, $0x10;
	v5 =	vld [tilespmem:s23+$0x50];
	v19 =	vperm.xlane v4, v44;
	v20 =	vperm.xlane v3, v43  }
0x394: {  	v18 =	vshll.u32 v57, $0x10;
	v23 =	vld [tilespmem:s2+$0x20];
	v22 =	vperm.xlane v3, v44;
	v47 =	vperm.xlane v4, v42  }
0x395: {  	s19 =	sor.u32 $0x420, s4;
	v48 =	vld [tilespmem:s1+$0x60];
	v17 =	vadd.f32 $0.0e+00, v0;
	v4 =	vperm.xlane v4, v10;
	v40 =	vperm.xlane v6, v43  }
0x396: {  	v52 =	vld [tilespmem:s19+$0x4600];
	v46 =	vshll.u32 v21, $0x10;
	v24 =	vperm.xlane v6, v44;
	v26 =	vperm.xlane v8, v43  }
0x397: {  	s20 =	sor.u32 $0x420, s5;
	v21 =	vand.u32 $0xFFFF0000, v21;
	v27 =	vperm.xlane v8, v44;
	v29 =	vperm.xlane v63, v43  }
0x398: {  	v53 =	vld [tilespmem:s20+$0x4600];
	v50 =	vshll.u32 v28, $0x10;
	v30 =	vperm.xlane v63, v44;
	v41 =	vperm.xlane v5, v43  }
0x399: {  	v45 =	vperm.xlane v5, v44;
	v49 =	vshll.u32 v23, $0x10;
	v23 =	vand.u32 $0xFFFF0000, v23  }
0x39a: {  	v25 =	vld [tilespmem:s1+$0x20];
	v51 =	vshll.u32 v48, $0x10;
	v36 =	vand.u32 $0xFFFF0000, v48;
	v55 =	vperm.xlane v6, v42  }
0x39b: {  	v54 =	vshll.u32 v52, $0x10;
	v57 =	vperm.xlane v8, v42;
	v58 =	vperm.xlane v63, v42  }
0x39c: {  	v34 =	vand.u32 $0xFFFF0000, v52;
	v60 =	vperm.xlane v5, v42;
	v6 =	vperm.xlane v6, v10  }
0x39d: {  	v31 =	vld [tilespmem:s2+$0x60];
	v59 =	vshll.u32 v53, $0x10;
	v8 =	vperm.xlane v8, v10;
	v1 =	vperm.xlane v63, v10  }
0x39e: {  	v37 =	vand.u32 $0xFFFF0000, v53;
	v5 =	vperm.xlane v5, v10;
	v15 =	vmul.f32 v46, v15  }
0x39f: {  	v20 =	vmul.f32 v21, v20;
	v21 =	vshll.u32 v25, $0x10;
	v19 =	vmul.f32 v50, v19  }
0x3a0: {  	v25 =	vand.u32 $0xFFFF0000, v25;
	v46 =	vperm.xlane v12, v10;
	v0 =	vmul.f32 v49, v40  }
0x3a1: {  	v23 =	vmul.f32 v23, v26;
	v26 =	vand.u32 $0xFFFF0000, v28;
	v21 =	vmul.f32 v21, v29  }
0x3a2: {  	s17 =	sor.u32 $0x420, s6;
	v25 =	vmul.f32 v25, v41;
	v29 =	vshll.u32 v31, $0x10;
	v31 =	vand.u32 $0xFFFF0000, v31  }
0x3a3: {  	v28 =	vld [tilespmem:s17+$0x4600];
	v61 =	vmul.f32 v37, v60;
	v15 =	vadd.f32 $0.0e+00, v15;
	v22 =	vmul.f32 v26, v22  }
0x3a4: {  	s21 =	sor.u32 $0x460, s6;
	v20 =	vadd.f32 $0.0e+00, v20;
	v24 =	vmul.f32 v29, v24;
	v27 =	vmul.f32 v31, v27  }
0x3a5: {  	v56 =	vld [tilespmem:s21+$0x4600];
	v29 =	vmul.f32 v51, v30;
	v30 =	vmul.f32 v36, v45;
	v0 =	vadd.f32 $0.0e+00, v0  }
0x3a6: {  	v31 =	vperm.xlane v3, v42;
	v23 =	vadd.f32 $0.0e+00, v23;
	v21 =	vadd.f32 $0.0e+00, v21  }
0x3a7: {  	v3 =	vperm.xlane v3, v10;
	v25 =	vadd.f32 $0.0e+00, v25;
	v15 =	vadd.f32 v19, v15  }
0x3a8: {  	s22 =	sor.u32 $0x460, s4;
	v20 =	vadd.f32 v22, v20;
	v0 =	vadd.f32 v24, v0;
	v26 =	vshll.u32 v28, $0x10  }
0x3a9: {  	v19 =	vld [tilespmem:s22+$0x4600];
	v23 =	vadd.f32 v27, v23;
	v28 =	vand.u32 $0xFFFF0000, v28;
	v22 =	vmul.f32 v26, v47  }
0x3aa: {  	v21 =	vadd.f32 v29, v21;
	v29 =	vshll.u32 v56, $0x10;
	v26 =	vmul.f32 v28, v31  }
0x3ab: {  	s25 =	sor.u32 $0x460, s5;
	v4 =	vmul.f32 v29, v4;
	v31 =	vand.u32 $0xFFFF0000, v56;
	v15 =	vadd.f32 v22, v15  }
0x3ac: {  	v24 =	vmul.f32 v54, v55;
	v28 =	vld [tilespmem:s25+$0x4600];
	v3 =	vmul.f32 v31, v3;
	v20 =	vadd.f32 v26, v20  }
0x3ad: {  	v25 =	vadd.f32 v30, v25;
	v27 =	vmul.f32 v34, v57;
	v4 =	vadd.f32 v4, v15  }
0x3ae: {  	v30 =	vmul.f32 v59, v58;
	v62 =	vshll.u32 v19, $0x10;
	v3 =	vadd.f32 v3, v20  }
0x3af: {  	s3 =	sor.u32 $0x470, s3;
	v0 =	vadd.f32 v24, v0;
	v19 =	vand.u32 $0xFFFF0000, v19;
	v6 =	vmul.f32 v62, v6;
	[tilespmem:s24+$0xFFFFFF40] =	vst v4  }
0x3b0: {  	v37 =	vperm.xlane v11, v10;
	v22 =	vld [tilespmem:s3+$0x4600];
	v8 =	vmul.f32 v19, v8;
	v15 =	vadd.f32 v27, v23;
	[tilespmem:s24+$0xFFFFFF50] =	vst v3  }
0x3b1: {  	v19 =	vadd.f32 v30, v21;
	v63 =	vshll.u32 v28, $0x10;
	v0 =	vadd.f32 v6, v0;
	v41 =	vld [tilespmem:s23+$0xFFFFFF60]  }
0x3b2: {  	v28 =	vand.u32 $0xFFFF0000, v28;
	v1 =	vmul.f32 v63, v1;
	v36 =	vadd.f32 v8, v15;
	v45 =	vld [tilespmem:s23+$0xFFFFFF70]  }
0x3b3: {  	v49 =	vadd.f32 $0.0e+00, v7;
	v35 =	vadd.f32 v61, v25;
	v5 =	vmul.f32 v28, v5;
	[tilespmem:s24+$0xFFFFFFC0] =	vst v0;
	v53 =	vld [tilespmem:s0+$0x30]  }
0x3b4: {  	v40 =	vperm.xlane v12, v42;
	v51 =	vadd.f32 v14, v17;
	v58 =	vld [tilespmem:s0+$0x70];
	v1 =	vadd.f32 v1, v19;
	[tilespmem:s24+$0xFFFFFFD0] =	vst v36  }
0x3b5: {  	v39 =	vand.u32 $0xFFFF0000, v22;
	v0 =	vmul.f32 v13, v38;
	v4 =	vadd.f32 v5, v35;
	v29 =	vld [tilespmem:s23+$0xFFFFFFE0]  }
0x3b6: {  	v2 =	vadd.f32 v2, v51;
	v48 =	vshll.u32 v22, $0x10;
	v47 =	vmul.f32 v39, v37;
	v30 =	vld [tilespmem:s23+$0xFFFFFFF0];
	[tilespmem:s24+$0x40] =	vst v1  }
0x3b7: {  	v50 =	vmul.f32 v18, v40;
	v3 =	vmul.f32 v48, v46;
	v0 =	vadd.f32 v0, v49;
	v55 =	vld [tilespmem:s2+$0x30];
	[tilespmem:s24+$0x50] =	vst v4  }
0x3b8: {  	v1 =	vadd.f32 v47, v2;
	v39 =	vld [tilespmem:s23+$0x60];
	v52 =	vperm.xlane v41, v43;
	v20 =	vperm.xlane v41, v44  }
0x3b9: {  	v40 =	vld [tilespmem:s23+$0x70];
	v0 =	vadd.f32 v50, v0;
	v54 =	vperm.xlane v45, v43;
	v19 =	vperm.xlane v45, v44  }
0x3ba: {  	v25 =	vld [tilespmem:s1+$0x30];
	v24 =	vshll.u32 v53, $0x10;
	v4 =	vand.u32 $0xFFFF0000, v53;
	v42 =	vperm.xlane v41, v42  }
0x3bb: {  	s26 =	sor.u32 $0x430, s6;
	v33 =	vshll.u32 v58, $0x10;
	v56 =	vperm.xlane v29, v43;
	v18 =	vperm.xlane v29, v44  }
0x3bc: {  	s31 =	sor.u32 $0x470, s6;
	v26 =	vld [tilespmem:s26+$0x4600];
	v0 =	vadd.f32 v3, v0;
	v57 =	vperm.xlane v30, v43;
	v13 =	vperm.xlane v30, v44  }
0x3bd: {  	v28 =	vld [tilespmem:s31+$0x4600];
	v31 =	vmul.f32 v24, v52;
	v61 =	vshll.u32 v55, $0x10;
	v32 =	vmul.f32 v4, v54  }
0x3be: {  	s29 =	simm.s32 $0x0;
	v17 =	vld [tilespmem:s2+$0x70];
	v6 =	vand.u32 $0xFFFF0000, v55;
	v59 =	vperm.xlane v39, v43;
	v14 =	vperm.xlane v39, v44  }
0x3bf: {  	p2 =	por !p2, !p2;
	s28 =	sor.u32 $0x430, s4;
	s30 =	sor.u32 $0x430, s5;
	v27 =	vld [tilespmem:s1+$0x70];
	v60 =	vperm.xlane v40, v43;
	v23 =	vperm.xlane v40, v44;
	v62 =	vshll.u32 v25, $0x10  }
0x3c0: {  	s14 =	simm.s32 $0x0;
	s7 =	simm.s32 $0x0;
	s20 =	sor.u32 $0x470, s4;
	[tilespmem:s24+$0xF0] =	vst v1;
	v24 =	vld [tilespmem:s28+$0x4600];
	v63 =	vand.u32 $0xFFFF0000, v25;
	v35 =	vmul.f32 v61, v56;
	v36 =	vmul.f32 v6, v57  }
0x3c1: {  	s4 =	sor.u32 $0x470, s5;
	s5 =	simm.s32 $0x2;
	s25 =	simm.s32 $0x7700;
	v34 =	vand.u32 $0xFFFF0000, v58;
	[tilespmem:s24+$0xE0] =	vst v0;
	v25 =	vld [tilespmem:s30+$0x4600];
	v37 =	vmul.f32 v62, v59;
	v38 =	vmul.f32 v63, v60  }
.LBB2_7:
0x3c2: {  	s1 =	simm.s32 $0x1;
	v6 =	vld [tilespmem:s4+$0x4600]  }
0x3c3: {  	s18 =	sadd.s32 $0x400, s18;
	s14 =	sadd.s32 $0x200, s14;
	s23 =	sadd.s32 $0x200, s23;
	v22 =	vld [tilespmem:$0x1FB90]  }
0x3c4: {  	s29 =	sadd.s32 $0x4, s29;
	v21 =	vld [tilespmem:$0x1FBA0];
	s1 =	simm.s32 @!p2 $0x0;
	v3 =	vadd.f32 $0.0e+00, v31;
	v4 =	vadd.f32 $0.0e+00, v32;
	v60 =	vmul.f32 v33, v20;
	s22 =	sand.u32 $0x1800, s18  }
0x3c5: {  	v35 =	vadd.f32 $0.0e+00, v35;
	s26 =	sadd.s32 $0x180, s14;
	s6 =	sand.u32 $0x7, s29;
	s21 =	sshll.u32 s1, $0x9;
	v0 =	vshll.u32 v17, $0x10;
	v1 =	vand.u32 $0xFFFF0000, v17;
	v17 =	vmovc v28;
	v28 =	vld [tilespmem:$0x1FBB0]  }
0x3c6: {  	v33 =	vadd.f32 $0.0e+00, v36;
	v7 =	vld [tilespmem:s23+$0x80];
	v8 =	vmul.f32 v34, v19;
	v32 =	vadd.f32 $0.0e+00, v37;
	s1 =	sor.u32 $0x4600, s22;
	s4 =	sand.u32 $0x380, s26;
	s28 =	sshll.u32 s6, $0x7  }
0x3c7: {  	v31 =	vadd.f32 $0.0e+00, v38;
	v9 =	vld [tilespmem:s23+$0x90];
	v59 =	vshll.u32 v27, $0x10;
	v5 =	vand.u32 $0xFFFF0000, v27;
	s8 =	sadd.s32 s4, s1;
	s4 =	sadd.s32 s18, s28  }
0x3c8: {  	v2 =	vld [tilespmem:s20+$0x4600];
	v3 =	vadd.f32 v60, v3;
	v4 =	vadd.f32 v8, v4;
	v19 =	vshll.u32 v26, $0x10;
	s16 =	sadd.s32 $0x180, s4  }
0x3c9: {  	v34 =	vand.u32 $0xFFFF0000, v26;
	v38 =	vmul.f32 v59, v14;
	v36 =	vmul.f32 v5, v23;
	v61 =	vld [tilespmem:s8+$0x0];
	s31 =	sor.u32 $0x400, s16  }
0x3ca: {  	v62 =	vshll.u32 v24, $0x10;
	v20 =	vmul.f32 v0, v18;
	v52 =	vld [tilespmem:s31+$0x4600];
	v10 =	vperm.xlane v30, v28  }
0x3cb: {  	[tilespmem:$0x1FA60] =	vst v39;
	v5 =	vand.u32 $0xFFFF0000, v24;
	v27 =	vmul.f32 v1, v13;
	v11 =	vperm.xlane v39, v28;
	v39 =	vld [tilespmem:s8+$0x40]  }
0x3cc: {  	v26 =	vshll.u32 v25, $0x10;
	v54 =	vperm.xlane v9, v22;
	v55 =	vperm.xlane v7, v21;
	[tilespmem:$0x1F9F0] =	vst v10;
	v10 =	vld [tilespmem:$0x1FBC0]  }
0x3cd: {  	v58 =	vand.u32 $0xFFFF0000, v25;
	v63 =	vperm.xlane v29, v28;
	v25 =	vperm.xlane v40, v28  }
0x3ce: {  	[tilespmem:$0x1FA70] =	vst v40;
	s0 =	sand.u32 $0x3, s5;
	s24 =	sadd.s32 $0x200, s24;
	v35 =	vadd.f32 v20, v35;
	v40 =	vperm.xlane v7, v22;
	v48 =	vperm.xlane v7, v28  }
0x3cf: {  	s2 =	sshll.u32 s0, $0x8;
	s3 =	sadd.s32 $0x80, s14;
	v44 =	vld [tilespmem:s23+$0xFFFFFF00];
	s10 =	sor.u32 $0x440, s16;
	v53 =	vshll.u32 v61, $0x10;
	v49 =	vperm.xlane v9, v28;
	v0 =	vand.u32 $0xFFFF0000, v61  }
0x3d0: {  	s9 =	sadd.s32 $0x100, s14;
	s30 =	sand.u32 $0x200, s14;
	s3 =	sand.u32 $0x280, s3;
	[tilespmem:$0x1FA20] =	vst v3;
	v56 =	vld [tilespmem:s10+$0x4600];
	v0 =	vmul.f32 v0, v54;
	v3 =	vmul.f32 v53, v40;
	v60 =	vshll.u32 v52, $0x10  }
0x3d1: {  	v43 =	vld [tilespmem:s23+$0xFFFFFF80];
	s9 =	sand.u32 $0x300, s9;
	s2 =	sadd.s32 s18, s2;
	s3 =	sadd.s32 s3, s1;
	[tilespmem:$0x1F9A0] =	vst v2;
	v57 =	vshll.u32 v39, $0x10;
	v59 =	vperm.xlane v9, v10;
	v9 =	vperm.xlane v9, v21  }
0x3d2: {  	v46 =	vld [tilespmem:s23+$0x0];
	s6 =	sadd.s32 s30, s1;
	s26 =	sadd.s32 s9, s1;
	s28 =	sadd.s32 $0x100, s2;
	[tilespmem:$0x1FA30] =	vst v4;
	v3 =	vadd.f32 $0.0e+00, v3;
	v1 =	vand.u32 $0xFFFF0000, v39;
	v4 =	vmul.f32 v57, v55  }
0x3d3: {  	v47 =	vld [tilespmem:s23+$0x10];
	s20 =	sadd.s32 $0x80, s4;
	s4 =	sadd.s32 s21, s18;
	s13 =	sor.u32 $0x400, s28;
	[tilespmem:$0x1F9C0] =	vst v62;
	v61 =	vand.u32 $0xFFFF0000, v52;
	v0 =	vadd.f32 $0.0e+00, v0;
	v1 =	vmul.f32 v1, v9  }
0x3d4: {  	s0 =	sor.u32 $0x440, s28;
	s12 =	sor.u32 $0x410, s28;
	v50 =	vld [tilespmem:s3+$0x0];
	s22 =	sor.u32 $0x400, s4;
	[tilespmem:$0x1F9D0] =	vst v63;
	v62 =	vmul.f32 v60, v48;
	v2 =	vperm.xlane v7, v10;
	v3 =	vadd.f32 v4, v3  }
0x3d5: {  	v18 =	vmovc v42;
	v42 =	vld [tilespmem:s23+$0xFFFFFF10];
	s2 =	sor.u32 $0x440, s4;
	s17 =	sor.u32 $0x410, s4;
	s11 =	sor.u32 $0x420, s20;
	[tilespmem:$0x1FA00] =	vst v11;
	v11 =	vshll.u32 v56, $0x10;
	v63 =	vmul.f32 v61, v49;
	v0 =	vadd.f32 v1, v0  }
0x3d6: {  	[tilespmem:$0x1FA10] =	vst v58;
	v58 =	vld [tilespmem:s6+$0x0];
	s15 =	sor.u32 $0x450, s4;
	s30 =	sor.u32 $0x460, s20;
	[dreg:$0x13] =	wrdreg s11;
	v39 =	vand.u32 $0xFFFF0000, v56;
	v2 =	vmul.f32 v11, v2;
	v3 =	vadd.f32 v62, v3  }
0x3d7: {  	v24 =	vmovc v45;
	s9 =	sor.u32 $0x460, s4;
	[dreg:$0xf] =	wrdreg s30;
	s30 =	sor.u32 $0x420, s28;
	v37 =	vperm.xlane v45, v28;
	v45 =	vld [tilespmem:s23+$0xFFFFFF90];
	v59 =	vmul.f32 v39, v59;
	v0 =	vadd.f32 v63, v0  }
0x3d8: {  	[tilespmem:$0x1FA50] =	vst v30;
	s11 =	sor.u32 $0x450, s28;
	[dreg:$0x15] =	wrdreg s30;
	s30 =	sor.u32 $0x430, s20;
	v30 =	vperm.xlane v47, v21;
	v40 =	vperm.xlane v44, v22;
	v9 =	vld [tilespmem:s26+$0x0];
	v2 =	vadd.f32 v2, v3  }
0x3d9: {  	[tilespmem:$0x1F9B0] =	vst v6;
	s10 =	sor.u32 $0x420, s4;
	[dreg:$0x9] =	wrdreg s30;
	s30 =	sor.u32 $0x460, s28;
	v52 =	vperm.xlane v46, v22;
	v61 =	vperm.xlane v43, v22;
	v49 =	vld [tilespmem:s26+$0x40];
	v0 =	vadd.f32 v59, v0  }
0x3da: {  	[dreg:$0x11] =	wrdreg s30;
	s30 =	sor.u32 $0x430, s4;
	s4 =	sor.u32 $0x470, s4;
	v53 =	vperm.xlane v47, v22;
	v48 =	vld [tilespmem:s6+$0x40];
	v60 =	vperm.xlane v42, v22;
	v55 =	vshll.u32 v50, $0x10;
	[tilespmem:s24+$0x80] =	vst v2  }
0x3db: {  	[dreg:$0xd] =	wrdreg s30;
	s30 =	sor.u32 $0x430, s28;
	v8 =	vand.u32 $0xFFFF0000, v58;
	v57 =	vperm.xlane v42, v21;
	v6 =	vmul.f32 v55, v61;
	v2 =	vld [tilespmem:s22+$0x4600];
	s22 =	sor.u32 $0x450, s16;
	[tilespmem:s24+$0x90] =	vst v0  }
0x3dc: {  	[tilespmem:$0x1F9E0] =	vst v5;
	[dreg:$0xb] =	wrdreg s4;
	s4 =	sor.u32 $0x470, s28;
	s28 =	sor.u32 $0x410, s16;
	v50 =	vand.u32 $0xFFFF0000, v50;
	v61 =	vperm.xlane v45, v21;
	v11 =	vperm.xlane v46, v21;
	v5 =	vld [tilespmem:s22+$0x4600]  }
0x3dd: {  	v63 =	vshll.u32 v58, $0x10;
	v56 =	vshll.u32 v9, $0x10;
	v58 =	vand.u32 $0xFFFF0000, v9;
	v9 =	vld [tilespmem:s28+$0x4600]  }
0x3de: {  	v12 =	vand.u32 $0xFFFF0000, v49;
	v62 =	vperm.xlane v45, v22;
	v4 =	vmul.f32 v58, v53;
	v53 =	vld [tilespmem:s8+$0x10]  }
0x3df: {  	v55 =	vand.u32 $0xFFFF0000, v48;
	v12 =	vmul.f32 v12, v30;
	v30 =	vperm.xlane v43, v28;
	v59 =	vld [tilespmem:s23+$0xA0]  }
0x3e0: {  	v6 =	vadd.f32 $0.0e+00, v6;
	v3 =	vmul.f32 v50, v62;
	v39 =	vmul.f32 v63, v40;
	v62 =	vld [tilespmem:s23+$0xB0]  }
0x3e1: {  	v40 =	vmul.f32 v8, v60;
	v8 =	vshll.u32 v48, $0x10;
	v60 =	vperm.xlane v43, v21  }
0x3e2: {  	v63 =	vshll.u32 v49, $0x10;
	v3 =	vadd.f32 $0.0e+00, v3;
	v52 =	vmul.f32 v56, v52;
	v13 =	vld [tilespmem:s8+$0x50]  }
0x3e3: {  	v1 =	vadd.f32 $0.0e+00, v40;
	v0 =	vadd.f32 $0.0e+00, v39;
	v14 =	vshll.u32 v5, $0x10  }
0x3e4: {  	[tilespmem:$0x1FA40] =	vst v29;
	v29 =	vperm.xlane v59, v22;
	v39 =	vshll.u32 v9, $0x10;
	v40 =	vperm.xlane v59, v10  }
0x3e5: {  	v23 =	vmovc v41;
	v41 =	vshll.u32 v53, $0x10;
	v15 =	vperm.xlane v62, v22;
	v16 =	vperm.xlane v59, v28  }
0x3e6: {  	v53 =	vand.u32 $0xFFFF0000, v53;
	v29 =	vmul.f32 v41, v29;
	v41 =	vperm.xlane v59, v21  }
0x3e7: {  	v15 =	vmul.f32 v53, v15;
	v53 =	vshll.u32 v13, $0x10;
	v59 =	vperm.xlane v62, v21  }
0x3e8: {  	v13 =	vand.u32 $0xFFFF0000, v13;
	v29 =	vadd.f32 $0.0e+00, v29;
	v41 =	vmul.f32 v53, v41  }
0x3e9: {  	v7 =	vld [tilespmem:s3+$0x40];
	v15 =	vadd.f32 $0.0e+00, v15;
	v13 =	vmul.f32 v13, v59;
	v59 =	vperm.xlane v62, v28  }
0x3ea: {  	v9 =	vand.u32 $0xFFFF0000, v9;
	v16 =	vmul.f32 v39, v16;
	v29 =	vadd.f32 v41, v29  }
0x3eb: {  	s1 =	sor.u32 $0x400, s20;
	v13 =	vadd.f32 v13, v15;
	v9 =	vmul.f32 v9, v59;
	v15 =	vperm.xlane v62, v10  }
0x3ec: {  	v51 =	vld [tilespmem:s1+$0x4600];
	v5 =	vand.u32 $0xFFFF0000, v5;
	v14 =	vmul.f32 v14, v40;
	v16 =	vadd.f32 v16, v29  }
0x3ed: {  	v56 =	vperm.xlane v44, v21;
	v9 =	vadd.f32 v9, v13;
	v5 =	vmul.f32 v5, v15  }
0x3ee: {  	v54 =	vld [tilespmem:s13+$0x4600];
	v58 =	vshll.u32 v7, $0x10;
	v7 =	vand.u32 $0xFFFF0000, v7;
	v13 =	vadd.f32 v14, v16  }
0x3ef: {  	v11 =	vmul.f32 v63, v11;
	v7 =	vmul.f32 v7, v61;
	v5 =	vadd.f32 v5, v9  }
0x3f0: {  	v63 =	vperm.xlane v47, v28;
	v8 =	vmul.f32 v8, v56;
	v4 =	vadd.f32 $0.0e+00, v4;
	[tilespmem:s24+$0xA0] =	vst v13  }
0x3f1: {  	s1 =	sor.u32 $0x460, s16;
	v49 =	vld [tilespmem:s2+$0x4600];
	v61 =	vshll.u32 v51, $0x10;
	v56 =	vperm.xlane v45, v10;
	v3 =	vadd.f32 v7, v3;
	[tilespmem:s24+$0xB0] =	vst v5  }
0x3f2: {  	s2 =	sor.u32 $0x420, s16;
	v0 =	vadd.f32 v8, v0;
	v8 =	vmul.f32 v61, v30;
	v4 =	vadd.f32 v12, v4;
	v40 =	vld [tilespmem:s1+$0x4600]  }
0x3f3: {  	v39 =	vshll.u32 v54, $0x10;
	v41 =	vperm.xlane v45, v28;
	v15 =	vmul.f32 v58, v60;
	v53 =	vld [tilespmem:s2+$0x4600]  }
0x3f4: {  	v29 =	vadd.f32 $0.0e+00, v52;
	v52 =	vperm.xlane v46, v28;
	v14 =	vmul.f32 v55, v57;
	v60 =	vld [tilespmem:s8+$0x20]  }
0x3f5: {  	v62 =	vshll.u32 v2, $0x10;
	v2 =	vand.u32 $0xFFFF0000, v2;
	v16 =	vand.u32 $0xFFFF0000, v51;
	v61 =	vld [tilespmem:s23+$0xC0]  }
0x3f6: {  	v12 =	vmul.f32 v39, v52;
	v13 =	vperm.xlane v44, v28;
	v1 =	vadd.f32 v14, v1;
	v14 =	vld [tilespmem:s23+$0xD0]  }
0x3f7: {  	v51 =	vand.u32 $0xFFFF0000, v54;
	v7 =	vmul.f32 v16, v41;
	v5 =	vperm.xlane v42, v28  }
0x3f8: {  	v11 =	vadd.f32 v11, v29;
	v16 =	vmul.f32 v51, v63;
	v29 =	vld [tilespmem:s8+$0x60];
	v13 =	vmul.f32 v62, v13  }
0x3f9: {  	v2 =	vmul.f32 v2, v5;
	v5 =	vperm.xlane v44, v10;
	v30 =	vshll.u32 v40, $0x10  }
0x3fa: {  	v62 =	vperm.xlane v61, v22;
	v41 =	vshll.u32 v53, $0x10;
	v44 =	vperm.xlane v61, v10  }
0x3fb: {  	v63 =	vshll.u32 v60, $0x10;
	v57 =	vperm.xlane v14, v22;
	v58 =	vperm.xlane v61, v28  }
0x3fc: {  	v59 =	vand.u32 $0xFFFF0000, v60;
	v9 =	vperm.xlane v61, v21;
	v39 =	vmul.f32 v63, v62  }
0x3fd: {  	v61 =	vshll.u32 v29, $0x10;
	v60 =	vmul.f32 v59, v57;
	v62 =	vperm.xlane v14, v21  }
0x3fe: {  	s21 =	sor.u32 $0x440, s20;
	v29 =	vand.u32 $0xFFFF0000, v29;
	v9 =	vmul.f32 v61, v9;
	v39 =	vadd.f32 $0.0e+00, v39  }
0x3ff: {  	v48 =	vld [tilespmem:s21+$0x4600];
	v63 =	vperm.xlane v14, v28;
	v51 =	vadd.f32 $0.0e+00, v60;
	v29 =	vmul.f32 v29, v62  }
0x400: {  	v53 =	vand.u32 $0xFFFF0000, v53;
	v41 =	vmul.f32 v41, v58;
	v9 =	vadd.f32 v9, v39  }
0x401: {  	v14 =	vperm.xlane v14, v10;
	v29 =	vadd.f32 v29, v51;
	v39 =	vmul.f32 v53, v63  }
0x402: {  	v40 =	vand.u32 $0xFFFF0000, v40;
	v30 =	vmul.f32 v30, v44;
	v9 =	vadd.f32 v41, v9  }
0x403: {  	v6 =	vadd.f32 v15, v6;
	v14 =	vmul.f32 v40, v14;
	v29 =	vadd.f32 v39, v29  }
0x404: {  	v15 =	vshll.u32 v48, $0x10;
	v54 =	vperm.xlane v42, v10;
	v9 =	vadd.f32 v30, v9  }
0x405: {  	v55 =	vperm.xlane v43, v10;
	v11 =	vadd.f32 v12, v11;
	v14 =	vadd.f32 v14, v29  }
0x406: {  	v50 =	vld [tilespmem:s0+$0x4600];
	v3 =	vadd.f32 v7, v3;
	v4 =	vadd.f32 v16, v4;
	v60 =	vshll.u32 v49, $0x10;
	[tilespmem:s24+$0xC0] =	vst v9  }
0x407: {  	v0 =	vadd.f32 v13, v0;
	v13 =	vand.u32 $0xFFFF0000, v49;
	v5 =	vmul.f32 v60, v5;
	[tilespmem:s24+$0xD0] =	vst v14  }
0x408: {  	v1 =	vadd.f32 v2, v1;
	v29 =	vand.u32 $0xFFFF0000, v48;
	v48 =	vmul.f32 v13, v54;
	v63 =	vld [tilespmem:s23+$0xF0]  }
0x409: {  	v61 =	vadd.f32 v8, v6;
	v62 =	vmul.f32 v15, v55;
	v0 =	vadd.f32 v5, v0;
	v12 =	vld [tilespmem:s8+$0x30]  }
0x40a: {  	s13 =	sor.u32 $0x430, s16;
	v57 =	vperm.xlane v47, v10;
	v47 =	vmul.f32 v29, v56;
	v1 =	vadd.f32 v48, v1;
	v49 =	vld [tilespmem:s8+$0x70]  }
0x40b: {  	s16 =	sor.u32 $0x470, s16;
	v59 =	vand.u32 $0xFFFF0000, v50;
	v2 =	vadd.f32 v62, v61;
	[tilespmem:s24+$0xFFFFFF00] =	vst v0;
	v30 =	vperm.xlane v46, v10;
	v52 =	vld [tilespmem:s13+$0x4600]  }
0x40c: {  	v58 =	vshll.u32 v50, $0x10;
	v15 =	vmul.f32 v59, v57;
	v3 =	vadd.f32 v47, v3;
	v42 =	vld [tilespmem:s16+$0x4600];
	[tilespmem:s24+$0xFFFFFF10] =	vst v1  }
0x40d: {  	v37 =	vmul.f32 v34, v37;
	v34 =	vadd.f32 v36, v31;
	[tilespmem:s24+$0xFFFFFF80] =	vst v2;
	v14 =	vmul.f32 v58, v30;
	v45 =	vld [tilespmem:s23+$0xFFFFFF20]  }
0x40e: {  	v53 =	vadd.f32 v15, v4;
	v41 =	vmul.f32 v19, v18;
	v29 =	vshll.u32 v17, $0x10;
	[tilespmem:s24+$0xFFFFFF90] =	vst v3;
	v46 =	vld [tilespmem:s23+$0xFFFFFF30]  }
0x40f: {  	v50 =	vadd.f32 v14, v11;
	v44 =	vld [tilespmem:s23+$0xFFFFFFA0];
	v51 =	vperm.xlane v63, v22;
	v54 =	vand.u32 $0xFFFF0000, v12  }
0x410: {  	[tilespmem:s24+$0x10] =	vst v53;
	v47 =	vld [tilespmem:s23+$0xFFFFFFB0];
	v56 =	vperm.xlane v63, v21;
	v57 =	vand.u32 $0xFFFF0000, v49;
	v58 =	vperm.xlane v63, v28  }
0x411: {  	[tilespmem:s24+$0x0] =	vst v50;
	v19 =	vld [tilespmem:s3+$0x50];
	v59 =	vand.u32 $0xFFFF0000, v52;
	v61 =	vperm.xlane v63, v10;
	v55 =	vmul.f32 v54, v51  }
0x412: {  	v48 =	vld [tilespmem:s23+$0x20];
	v62 =	vand.u32 $0xFFFF0000, v42;
	v1 =	vmul.f32 v57, v56;
	v60 =	vmul.f32 v59, v58  }
0x413: {  	v5 =	vld [tilespmem:s23+$0x30];
	v43 =	vshll.u32 v12, $0x10;
	v36 =	vmul.f32 v62, v61;
	v50 =	vperm.xlane v45, v22  }
0x414: {  	v30 =	vld [tilespmem:s26+$0x50];
	v40 =	vshll.u32 v49, $0x10;
	v6 =	vperm.xlane v45, v21;
	v51 =	vperm.xlane v46, v22  }
0x415: {  	v39 =	vshll.u32 v52, $0x10;
	v49 =	vld [tilespmem:s6+$0x10];
	v8 =	vperm.xlane v46, v21;
	v63 =	vperm.xlane v44, v22  }
0x416: {  	v52 =	vld [tilespmem:s3+$0x10];
	v56 =	vand.u32 $0xFFFF0000, v17;
	v53 =	vperm.xlane v47, v22;
	v11 =	vperm.xlane v44, v21  }
0x417: {  	v12 =	vld [tilespmem:s26+$0x10];
	v13 =	vperm.xlane v47, v21;
	v54 =	vshll.u32 v19, $0x10;
	v57 =	vperm.xlane v47, v28  }
0x418: {  	v19 =	vand.u32 $0xFFFF0000, v19;
	v14 =	vperm.xlane v48, v22;
	v16 =	vperm.xlane v5, v22  }
0x419: {  	v0 =	vadd.f32 $0.0e+00, v55;
	v18 =	vperm.xlane v48, v21;
	v20 =	vperm.xlane v5, v21  }
0x41a: {  	v55 =	vshll.u32 v30, $0x10;
	v59 =	vperm.xlane v48, v28;
	v17 =	vshll.u32 v49, $0x10  }
0x41b: {  	v2 =	vand.u32 $0xFFFF0000, v49;
	v9 =	vand.u32 $0xFFFF0000, v52;
	v11 =	vmul.f32 v54, v11  }
0x41c: {  	v62 =	vshll.u32 v12, $0x10;
	v13 =	vmul.f32 v19, v13;
	v54 =	vperm.xlane v47, v10  }
0x41d: {  	v15 =	vld [tilespmem:s6+$0x50];
	v12 =	vand.u32 $0xFFFF0000, v12;
	v3 =	vmul.f32 v17, v50;
	v2 =	vmul.f32 v2, v51  }
0x41e: {  	v61 =	vld [tilespmem:s17+$0x4600];
	v0 =	vadd.f32 v1, v0;
	v1 =	vmul.f32 v9, v53;
	v14 =	vmul.f32 v62, v14  }
0x41f: {  	v30 =	vand.u32 $0xFFFF0000, v30;
	v12 =	vmul.f32 v12, v16;
	v18 =	vmul.f32 v55, v18  }
0x420: {  	v38 =	vadd.f32 v38, v32;
	v19 =	vmul.f32 v30, v20;
	v20 =	vperm.xlane v45, v28  }
0x421: {  	v17 =	vshll.u32 v52, $0x10;
	v30 =	vperm.xlane v46, v28;
	v51 =	vperm.xlane v44, v28  }
0x422: {  	v53 =	vperm.xlane v44, v10;
	v4 =	vmul.f32 v17, v63;
	v17 =	vshll.u32 v15, $0x10  }
0x423: {  	v15 =	vand.u32 $0xFFFF0000, v15;
	v7 =	vand.u32 $0xFFFF0000, v61;
	v0 =	vadd.f32 v60, v0  }
0x424: {  	s19 =	sor.u32 $0x450, s20;
	v16 =	vld [tilespmem:s12+$0x4600];
	v3 =	vadd.f32 $0.0e+00, v3;
	v2 =	vadd.f32 $0.0e+00, v2;
	v6 =	vmul.f32 v17, v6  }
0x425: {  	s31 =	sor.u32 $0x410, s20;
	v50 =	vld [tilespmem:s19+$0x4600];
	v1 =	vadd.f32 $0.0e+00, v1;
	v8 =	vmul.f32 v15, v8;
	v14 =	vadd.f32 $0.0e+00, v14  }
0x426: {  	v63 =	vld [tilespmem:s31+$0x4600];
	v12 =	vadd.f32 $0.0e+00, v12;
	v15 =	vshll.u32 v61, $0x10;
	v4 =	vadd.f32 $0.0e+00, v4  }
0x427: {  	v7 =	vmul.f32 v7, v30;
	v0 =	vadd.f32 v36, v0;
	v3 =	vadd.f32 v6, v3  }
0x428: {  	v60 =	vld [tilespmem:$0x1F9A0];
	v62 =	vmul.f32 v15, v20;
	v2 =	vadd.f32 v8, v2;
	v1 =	vadd.f32 v13, v1  }
0x429: {  	v12 =	vadd.f32 v19, v12;
	v19 =	vperm.xlane v46, v10;
	v58 =	vshll.u32 v16, $0x10  }
0x42a: {  	v17 =	vld [tilespmem:s11+$0x4600];
	v61 =	vand.u32 $0xFFFF0000, v16;
	v4 =	vadd.f32 v11, v4;
	v20 =	vshll.u32 v50, $0x10  }
0x42b: {  	v36 =	vld [tilespmem:s15+$0x4600];
	v30 =	vand.u32 $0xFFFF0000, v50;
	v49 =	vshll.u32 v63, $0x10;
	v9 =	vand.u32 $0xFFFF0000, v63  }
0x42c: {  	v63 =	vadd.f32 v18, v14;
	v16 =	vmul.f32 v58, v59;
	v18 =	vperm.xlane v45, v10  }
0x42d: {  	v3 =	vadd.f32 v62, v3;
	v2 =	vadd.f32 v7, v2;
	v31 =	vshll.u32 v60, $0x10  }
0x42e: {  	v32 =	vld [tilespmem:s23+$0xE0];
	[tilespmem:s24+$0xF0] =	vst v0;
	v0 =	vand.u32 $0xFFFF0000, v60;
	v60 =	vperm.xlane v5, v28;
	v14 =	vmul.f32 v49, v51  }
0x42f: {  	v9 =	vmul.f32 v9, v57;
	v55 =	vshll.u32 v17, $0x10;
	v57 =	vperm.xlane v48, v10  }
0x430: {  	v52 =	vld [tilespmem:$0x1F9B0];
	v5 =	vperm.xlane v5, v10;
	v58 =	vand.u32 $0xFFFF0000, v17;
	v13 =	vshll.u32 v36, $0x10  }
0x431: {  	v15 =	vand.u32 $0xFFFF0000, v36;
	v6 =	vmul.f32 v61, v60;
	v62 =	vmul.f32 v55, v57;
	v55 =	vld [tilespmem:$0x1F9D0]  }
0x432: {  	v4 =	vadd.f32 v14, v4;
	v61 =	vmul.f32 v20, v53;
	v5 =	vmul.f32 v58, v5;
	v58 =	vld [tilespmem:$0x1F9E0]  }
0x433: {  	v11 =	vadd.f32 v16, v63;
	v59 =	vmul.f32 v13, v18;
	v60 =	vmul.f32 v15, v19;
	v13 =	vld [tilespmem:$0x1FA30]  }
0x434: {  	v6 =	vadd.f32 v6, v12;
	v12 =	vmul.f32 v30, v54;
	v63 =	vadd.f32 v61, v4;
	v54 =	vld [tilespmem:$0x1F9C0]  }
0x435: {  	v61 =	vld [tilespmem:$0x1FA10];
	v3 =	vadd.f32 v59, v3  }
0x436: {  	v2 =	vadd.f32 v60, v2;
	v59 =	vld [tilespmem:$0x1F9F0];
	[tilespmem:s24+$0xFFFFFFA0] =	vst v63  }
0x437: {  	v33 =	vadd.f32 v27, v33;
	v36 =	vperm.xlane v32, v22;
	v60 =	vld [tilespmem:$0x1FA00];
	[tilespmem:s24+$0xFFFFFF20] =	vst v3  }
0x438: {  	v27 =	vperm.xlane v24, v10;
	v49 =	vperm.xlane v32, v21;
	v1 =	vadd.f32 v9, v1;
	v63 =	vld [tilespmem:$0x1FA20];
	[tilespmem:s24+$0xFFFFFF30] =	vst v2  }
0x439: {  	v51 =	vperm.xlane v32, v28;
	v50 =	vmul.f32 v43, v36;
	v44 =	vld [tilespmem:s23+$0xFFFFFF40]  }
0x43a: {  	v17 =	vand.u32 $0xFFFF0000, v52;
	v53 =	vmul.f32 v40, v49;
	v1 =	vadd.f32 v12, v1;
	v43 =	vld [tilespmem:s23+$0xFFFFFF50]  }
0x43b: {  	v18 =	vshll.u32 v42, $0x10;
	v48 =	vadd.f32 v62, v11;
	v57 =	vadd.f32 $0.0e+00, v50;
	v42 =	vld [tilespmem:s6+$0x20]  }
0x43c: {  	v39 =	vmul.f32 v39, v51;
	v36 =	vshll.u32 v52, $0x10;
	v5 =	vadd.f32 v5, v6;
	[tilespmem:s24+$0xFFFFFFB0] =	vst v1;
	v49 =	vld [tilespmem:s6+$0x60]  }
0x43d: {  	[tilespmem:s24+$0x20] =	vst v48;
	v40 =	vadd.f32 v53, v57;
	v6 =	vmul.f32 v54, v55;
	v45 =	vld [tilespmem:s23+$0xFFFFFFC0];
	v4 =	vmul.f32 v61, v25  }
0x43e: {  	[tilespmem:s24+$0x30] =	vst v5;
	v19 =	vadd.f32 v37, v13;
	v46 =	vld [tilespmem:s23+$0xFFFFFFD0];
	v25 =	vperm.xlane v23, v10;
	v3 =	vmul.f32 v58, v59  }
0x43f: {  	v5 =	vld [tilespmem:s23+$0x40];
	v7 =	vmul.f32 v26, v60;
	v20 =	vadd.f32 v41, v63;
	v24 =	vadd.f32 v6, v35  }
0x440: {  	v8 =	vld [tilespmem:s23+$0x50];
	v52 =	vadd.f32 v4, v34;
	v35 =	vperm.xlane v32, v10;
	v62 =	vperm.xlane v44, v22  }
0x441: {  	v50 =	vld [tilespmem:s3+$0x60];
	v23 =	vadd.f32 v3, v33;
	v2 =	vperm.xlane v44, v21;
	v47 =	vperm.xlane v43, v22  }
0x442: {  	v61 =	vld [tilespmem:s10+$0x4600];
	v53 =	vadd.f32 v7, v38;
	v12 =	vperm.xlane v43, v21;
	v34 =	vperm.xlane v44, v28  }
0x443: {  	v13 =	vld [tilespmem:s3+$0x20];
	v59 =	vshll.u32 v42, $0x10;
	v14 =	vperm.xlane v45, v22;
	v15 =	vperm.xlane v45, v21  }
0x444: {  	v9 =	vand.u32 $0xFFFF0000, v42;
	v48 =	vperm.xlane v46, v22;
	v16 =	vperm.xlane v46, v21  }
0x445: {  	v26 =	vld [tilespmem:s26+$0x20];
	v55 =	vshll.u32 v49, $0x10;
	v30 =	vperm.xlane v5, v22;
	v33 =	vperm.xlane v5, v21  }
0x446: {  	v3 =	vand.u32 $0xFFFF0000, v49;
	v58 =	vperm.xlane v8, v22;
	v37 =	vperm.xlane v8, v21  }
0x447: {  	v60 =	vld [tilespmem:s26+$0x60];
	v57 =	vshll.u32 v50, $0x10;
	v7 =	vand.u32 $0xFFFF0000, v50;
	v4 =	vand.u32 $0xFFFF0000, v61  }
0x448: {  	s17 =	rddreg [dreg:$0x13];
	v1 =	vmul.f32 v59, v62;
	v62 =	vshll.u32 v13, $0x10;
	v9 =	vmul.f32 v9, v47  }
0x449: {  	v63 =	vld [tilespmem:s17+$0x4600];
	v13 =	vand.u32 $0xFFFF0000, v13;
	v2 =	vmul.f32 v55, v2;
	v3 =	vmul.f32 v3, v12  }
0x44a: {  	v54 =	vshll.u32 v26, $0x10;
	v59 =	vperm.xlane v43, v28;
	v55 =	vperm.xlane v8, v28  }
0x44b: {  	v26 =	vand.u32 $0xFFFF0000, v26;
	v47 =	vperm.xlane v46, v10;
	v8 =	vperm.xlane v8, v10  }
0x44c: {  	v38 =	vand.u32 $0xFFFF0000, v60;
	v14 =	vmul.f32 v62, v14;
	v6 =	vmul.f32 v13, v48  }
0x44d: {  	s21 =	rddreg [dreg:$0xf];
	v30 =	vmul.f32 v54, v30;
	v26 =	vmul.f32 v26, v58;
	v58 =	vshll.u32 v60, $0x10  }
0x44e: {  	s22 =	rddreg [dreg:$0x11];
	v42 =	vld [tilespmem:s21+$0x4600];
	v15 =	vmul.f32 v57, v15;
	v7 =	vmul.f32 v7, v16;
	v60 =	vshll.u32 v63, $0x10  }
0x44f: {  	v49 =	vld [tilespmem:s22+$0x4600];
	v11 =	vand.u32 $0xFFFF0000, v63;
	v62 =	vperm.xlane v46, v28;
	v63 =	vperm.xlane v5, v28  }
0x450: {  	v5 =	vperm.xlane v5, v10;
	v1 =	vadd.f32 $0.0e+00, v1;
	v9 =	vadd.f32 $0.0e+00, v9  }
0x451: {  	v16 =	vmul.f32 v58, v33;
	v33 =	vmul.f32 v38, v37;
	v14 =	vadd.f32 $0.0e+00, v14  }
0x452: {  	v4 =	vmul.f32 v4, v59;
	v6 =	vadd.f32 $0.0e+00, v6;
	v12 =	vadd.f32 $0.0e+00, v30  }
0x453: {  	v26 =	vadd.f32 $0.0e+00, v26;
	v30 =	vshll.u32 v61, $0x10;
	v61 =	vperm.xlane v45, v28  }
0x454: {  	s19 =	rddreg [dreg:$0x15];
	v41 =	vld [tilespmem:s9+$0x4600];
	v11 =	vmul.f32 v11, v62;
	v62 =	vshll.u32 v42, $0x10;
	v48 =	vshll.u32 v49, $0x10  }
0x455: {  	v13 =	vld [tilespmem:s19+$0x4600];
	v49 =	vand.u32 $0xFFFF0000, v49;
	v1 =	vadd.f32 v2, v1;
	v57 =	vadd.f32 v3, v9  }
0x456: {  	v58 =	vmul.f32 v30, v34;
	v30 =	vperm.xlane v44, v10;
	v34 =	vadd.f32 v39, v40  }
0x457: {  	v5 =	vmul.f32 v48, v5;
	v59 =	vadd.f32 v15, v14;
	v6 =	vadd.f32 v7, v6  }
0x458: {  	v60 =	vmul.f32 v60, v61;
	v12 =	vadd.f32 v16, v12;
	v14 =	vadd.f32 v33, v26  }
0x459: {  	v15 =	vshll.u32 v41, $0x10;
	v26 =	vand.u32 $0xFFFF0000, v41;
	v61 =	vperm.xlane v43, v10  }
0x45a: {  	v54 =	vshll.u32 v13, $0x10;
	v13 =	vand.u32 $0xFFFF0000, v13;
	v1 =	vadd.f32 v58, v1  }
0x45b: {  	v2 =	vadd.f32 v4, v57;
	v50 =	vmul.f32 v15, v30;
	v16 =	vmul.f32 v54, v63  }
0x45c: {  	v39 =	vld [tilespmem:$0x1FA70];
	v63 =	vperm.xlane v45, v10;
	v45 =	vand.u32 $0xFFFF0000, v42;
	v51 =	vmul.f32 v26, v61  }
0x45d: {  	v33 =	vld [tilespmem:$0x1FA60];
	v6 =	vadd.f32 v11, v6;
	v1 =	vadd.f32 v50, v1;
	v57 =	vmul.f32 v45, v47  }
0x45e: {  	v40 =	vmul.f32 v29, v25;
	v13 =	vmul.f32 v13, v55;
	v11 =	vld [tilespmem:$0x1FA50];
	v2 =	vadd.f32 v51, v2  }
0x45f: {  	v7 =	vadd.f32 v60, v59;
	v54 =	vmul.f32 v62, v63;
	v62 =	vld [tilespmem:$0x1FA40];
	[tilespmem:s24+$0xFFFFFF40] =	vst v1;
	v60 =	vadd.f32 v57, v6  }
0x460: {  	v59 =	vmul.f32 v49, v8;
	v55 =	vadd.f32 v16, v12;
	v1 =	vadd.f32 v40, v20;
	[tilespmem:s24+$0xFFFFFF50] =	vst v2  }
0x461: {  	v42 =	vmul.f32 v56, v27;
	v12 =	vadd.f32 v13, v14;
	v58 =	vadd.f32 v54, v7;
	v41 =	vld [tilespmem:s23+$0xFFFFFF60];
	[tilespmem:s24+$0xFFFFFFD0] =	vst v60  }
0x462: {  	v47 =	vmul.f32 v18, v35;
	v9 =	vperm.xlane v39, v10;
	v61 =	vadd.f32 v5, v55;
	v45 =	vld [tilespmem:s23+$0xFFFFFF70];
	[tilespmem:s25+$0xFFFFFF60] =	vst v1  }
0x463: {  	v63 =	vadd.f32 v59, v12;
	v7 =	vperm.xlane v33, v10;
	v6 =	vperm.xlane v11, v10;
	[tilespmem:s24+$0xFFFFFFC0] =	vst v58;
	v1 =	vld [tilespmem:s6+$0x30]  }
0x464: {  	v46 =	vmul.f32 v17, v9;
	[tilespmem:s24+$0x40] =	vst v61;
	v5 =	vperm.xlane v62, v10;
	v29 =	vld [tilespmem:s23+$0xFFFFFFE0]  }
0x465: {  	v48 =	vadd.f32 v42, v19;
	[tilespmem:s24+$0x50] =	vst v63;
	v44 =	vmul.f32 v36, v7;
	v0 =	vmul.f32 v0, v6;
	v30 =	vld [tilespmem:s23+$0xFFFFFFF0]  }
0x466: {  	v4 =	vadd.f32 v47, v34;
	v39 =	vld [tilespmem:s23+$0x60];
	v43 =	vmul.f32 v31, v5;
	v49 =	vperm.xlane v41, v22  }
0x467: {  	v54 =	vadd.f32 v46, v52;
	v40 =	vld [tilespmem:s23+$0x70];
	v20 =	vperm.xlane v41, v21;
	v50 =	vperm.xlane v45, v22  }
0x468: {  	v51 =	vld [tilespmem:s3+$0x30];
	v2 =	vadd.f32 v44, v53;
	v19 =	vperm.xlane v45, v21;
	v42 =	vperm.xlane v41, v28  }
0x469: {  	[tilespmem:s25+$0xFFFFFF70] =	vst v48;
	v12 =	vld [tilespmem:s26+$0x30];
	v0 =	vadd.f32 v0, v23;
	v53 =	vperm.xlane v29, v22;
	v18 =	vperm.xlane v29, v21  }
0x46a: {  	s7 =	sadd.s32 $0x4, s7;
	s31 =	rddreg [dreg:$0xb];
	v56 =	vld [tilespmem:s6+$0x70];
	[tilespmem:s25+$0x70] =	vst v54;
	v3 =	vadd.f32 v43, v24;
	v55 =	vperm.xlane v30, v22;
	v13 =	vperm.xlane v30, v21  }
0x46b: {  	p3 =	slt.u32 s7, $0x1C;
	[tilespmem:s25+$0x60] =	vst v2;
	v28 =	vld [tilespmem:s31+$0x4600];
	v59 =	vshll.u32 v1, $0x10;
	v57 =	vperm.xlane v39, v22;
	v14 =	vperm.xlane v39, v21  }
.Ltmp2:
0x46c: {  	v1 =	vand.u32 $0xFFFF0000, v1;
	v27 =	vld [tilespmem:s26+$0x70];
	v58 =	vperm.xlane v40, v22;
	v23 =	vperm.xlane v40, v21;
	(pc) =	sbr.rel @p3 .LBB2_7-.Ltmp2, $4  }
0x46d: {  	[tilespmem:s25+$0xFFFFFFF0] =	vst v0;
	s26 =	rddreg [dreg:$0xd];
	v25 =	vld [tilespmem:s30+$0x4600];
	v31 =	vmul.f32 v59, v49;
	v60 =	vshll.u32 v51, $0x10;
	v61 =	vand.u32 $0xFFFF0000, v51  }
0x46e: {  	v26 =	vld [tilespmem:s26+$0x4600];
	v32 =	vmul.f32 v1, v50;
	v62 =	vshll.u32 v12, $0x10;
	v63 =	vand.u32 $0xFFFF0000, v12;
	[tilespmem:s25+$0xFFFFFFE0] =	vst v3  }
0x46f: {  	s5 =	sadd.s32 $0x2, s5;
	s28 =	rddreg [dreg:$0x9];
	v33 =	vshll.u32 v56, $0x10;
	v17 =	vld [tilespmem:s3+$0x70];
	v35 =	vmul.f32 v60, v53;
	v36 =	vmul.f32 v61, v55  }
0x470: {  	p2 =	por !p2, !p2;
	s20 =	sor.u32 $0x470, s20;
	[tilespmem:s24+$0xE0] =	vst v4;
	v34 =	vand.u32 $0xFFFF0000, v56;
	s25 =	smov.u32 s24;
	v24 =	vld [tilespmem:s28+$0x4600];
	v37 =	vmul.f32 v62, v57;
	v38 =	vmul.f32 v63, v58  }
0x471: {  	v2 =	vshll.u32 v27, $0x10;
	v3 =	vadd.f32 $0.0e+00, v31  }
0x472: {  	v4 =	vadd.f32 $0.0e+00, v32;
	v5 =	vand.u32 $0xFFFF0000, v27;
	v6 =	vmul.f32 v33, v20  }
0x473: {  	v7 =	vadd.f32 $0.0e+00, v35;
	v8 =	vadd.f32 $0.0e+00, v36;
	v9 =	vmul.f32 v34, v19;
	v61 =	vld [tilespmem:$0x1FBB0]  }
0x474: {  	v31 =	vld [tilespmem:s20+$0x4600];
	v10 =	vadd.f32 $0.0e+00, v37;
	v11 =	vadd.f32 $0.0e+00, v38;
	v38 =	vshll.u32 v28, $0x10  }
0x475: {  	v52 =	vld [tilespmem:$0x1FBC0];
	v12 =	vshll.u32 v26, $0x10;
	v60 =	vand.u32 $0xFFFF0000, v26;
	v3 =	vadd.f32 v6, v3  }
0x476: {  	v4 =	vadd.f32 v9, v4;
	v0 =	vshll.u32 v17, $0x10;
	v1 =	vand.u32 $0xFFFF0000, v17  }
0x477: {  	v36 =	vmul.f32 v12, v42;
	v42 =	vand.u32 $0xFFFF0000, v28;
	v0 =	vmul.f32 v0, v18  }
0x478: {  	v1 =	vmul.f32 v1, v13;
	v15 =	vshll.u32 v24, $0x10;
	v62 =	vperm.xlane v45, v61  }
0x479: {  	v63 =	vand.u32 $0xFFFF0000, v24;
	v16 =	vperm.xlane v29, v61;
	v32 =	vperm.xlane v30, v61  }
0x47a: {  	v43 =	vshll.u32 v31, $0x10;
	v44 =	vand.u32 $0xFFFF0000, v31;
	v53 =	vperm.xlane v41, v52  }
0x47b: {  	v54 =	vperm.xlane v45, v52;
	v3 =	vadd.f32 v36, v3;
	v55 =	vperm.xlane v29, v52  }
0x47c: {  	v57 =	vperm.xlane v30, v52;
	v0 =	vadd.f32 v0, v7;
	v37 =	vmul.f32 v60, v62  }
0x47d: {  	v1 =	vadd.f32 v1, v8;
	v46 =	vmul.f32 v15, v16;
	v56 =	vmul.f32 v38, v53  }
0x47e: {  	v48 =	vmul.f32 v63, v32;
	v9 =	vmul.f32 v42, v54;
	v4 =	vadd.f32 v37, v4  }
0x47f: {  	v6 =	vmul.f32 v43, v55;
	v0 =	vadd.f32 v46, v0;
	v3 =	vadd.f32 v56, v3  }
0x480: {  	v22 =	vld [tilespmem:s4+$0x4600];
	v8 =	vmul.f32 v44, v57;
	v1 =	vadd.f32 v48, v1;
	v4 =	vadd.f32 v9, v4  }
0x481: {  	v2 =	vmul.f32 v2, v14;
	v5 =	vmul.f32 v5, v23;
	v0 =	vadd.f32 v6, v0;
	[tilespmem:s25+$0xFFFFFF60] =	vst v3  }
0x482: {  	v21 =	vshll.u32 v25, $0x10;
	v33 =	vperm.xlane v39, v61;
	v1 =	vadd.f32 v8, v1;
	[tilespmem:s25+$0xFFFFFF70] =	vst v4  }
0x483: {  	v34 =	vand.u32 $0xFFFF0000, v25;
	v2 =	vadd.f32 v2, v10;
	v35 =	vperm.xlane v40, v61;
	[tilespmem:s25+$0xFFFFFFE0] =	vst v0  }
0x484: {  	v5 =	vadd.f32 v5, v11;
	v58 =	vperm.xlane v39, v52;
	v49 =	vmul.f32 v21, v33;
	[tilespmem:s25+$0xFFFFFFF0] =	vst v1  }
0x485: {  	v47 =	vshll.u32 v22, $0x10;
	v59 =	vperm.xlane v40, v52;
	v51 =	vmul.f32 v34, v35;
	s0 =	sld [smem:$0x7E8]  }
0x486: {  	v50 =	vand.u32 $0xFFFF0000, v22;
	v60 =	vmul.f32 v47, v58;
	v2 =	vadd.f32 v49, v2;
	s1 =	sld [smem:$0x7E1]  }
0x487: {  	v62 =	vmul.f32 v50, v59;
	v61 =	vadd.f32 v51, v5  }
0x488: {  	v2 =	vadd.f32 v60, v2  }
0x489: {  	v63 =	vadd.f32 v62, v61;
	s0 =	sadd.s32 @!p1 s1, s0  }
0x48a: {  	[tilespmem:s25+$0x60] =	vst v2;
	s1 =	rddreg [dreg:$0x2];
	s0 =	sshrl.u32 @!p1 s0, $0x3  }
0x48b: {  	s2 =	simm.s32 @!p1 $0x0;
	s3 =	simm.s32 @!p1 $0x80;
	[tilespmem:s25+$0x70] =	vst v63;
	s1 =	sadd.s32 @!p1 s1, s0  }
0x48c: {  	[tilespmem:s3], [sflag:$0x2] =	stream.linear.gather @!p1 [hbm4b:s1+s2], $0x20, $0x38;
	[tilespmem:$0x1EC80] =	vst v63  }
0x48d: {  	s1 =	rddreg [dreg:$0x18]  }
0x48e: {  	s3 =	simm.s32 @!p1 $0x180;
	s1 =	sadd.s32 @!p1 s1, s0  }
0x48f: {  	[tilespmem:s3], [sflag:$0x2] =	stream.linear.gather @!p1 [hbm4b:s1+s2], $0x20, $0x38;
	[tilespmem:$0x1EC80] =	vst v63  }
0x490: {  	s1 =	rddreg [dreg:$0x19]  }
0x491: {  	s24 =	simm.s32 $0x8;
	s0 =	sadd.s32 @!p1 s1, s0;
	s1 =	simm.s32 @!p1 $0x280  }
0x492: {  	[tilespmem:s1], [sflag:$0x2] =	stream.linear.gather @!p1 [hbm4b:s0+s2], $0x20, $0x38;
	[tilespmem:$0x1EC80] =	vst v63  }
0x493: {  	_ =	swait.ge [sflag:s24], $0x1000  }
0x494: {  	[sflag:s24] =	ssyncset.done $0x0  }
0x495: {  	s4 =	simm.s32 $0x20;
	s31 =	sld [smem:$0x7E2];
	[sflag:s24] =	ssyncadd.s32 $0xFFFFF000  }
0x496: {  	s26 =	simm.s32 $0x7600;
	s25 =	simm.s32 $0x380;
	s0 =	rddreg [dreg:$0x3]  }
0x497: {  	[spmem:s0] =	stream.indirect.scatter.add.f32 [tilespmem:s26], [sflag:$0x6], $0x80, s25, s4, $0xb8;
	[tilespmem:$0x1EC80] =	vst v63  }
0x498: {  	s0 =	sadd.s32 $0x1, s31  }
0x499: {  	p1 =	sne.s32 s0, $0x4F  }
.Ltmp3:
0x49a: {  	_ = 	snop;
	(pc) =	sbr.rel @p1 .LBB2_4-.Ltmp3, $3  }
0x49b: {  	_ =	sdelay $0x1  }
0x49c: {  	s29 =	simm.s32 $0x9600;
	s30 =	simm.s32 $0x480;
	s28 =	rddreg [dreg:$0x4]  }
0x49d: {  	[spmem:s28] =	stream.indirect.scatter.add.f32 [tilespmem:s29], [sflag:$0x6], $0x80, s30, s4, $0xb8;
	[tilespmem:$0x1EC80] =	vst v63  }
0x49e: {  	s0 =	simm.s32 $0x5  }
0x49f: {  	_ =	swait.ge [sflag:s0], $0x1000  }
0x4a0: {  	[sflag:s0] =	ssyncset.done $0x0  }
0x4a1: {  	[sflag:s0] =	ssyncadd.s32 $0xFFFFF000  }
0x4a2: {  	_ =	swait.ge [sflag:s0], $0x1000  }
0x4a3: {  	[sflag:s0] =	ssyncset.done $0x0  }
0x4a4: {  	s29 =	simm.s32 $0x6;
	[sflag:s0] =	ssyncadd.s32 $0xFFFFF000  }
0x4a5: {  	_ =	swait.ge [sflag:s29], $0x1000  }
0x4a6: {  	[sflag:s29] =	ssyncset.done $0x0  }
0x4a7: {  	[sflag:s29] =	ssyncadd.s32 $0xFFFFF000  }
0x4a8: {  	_ =	swait.ge [sflag:s29], $0x1000  }
0x4a9: {  	[sflag:s29] =	ssyncset.done $0x0  }
0x4aa: {  	[sflag:s29] =	ssyncadd.s32 $0xFFFFF000  }
0x4ab: {  	[bflag:$0x0] =	sbarrier.arrive $0xFFFF  }
0x4ac: {  	s30 =	stileid.u32;
	s2 =	sld [smem:$0x7E9]  }
0x4ad: {  	s0 =	sshll.u32 s30, $0x6;
	s16 =	rddreg [dreg:$0x1a]  }
0x4ae: {  	s3 =	simm.s32 $0x9;
	s0 =	sor.u32 $0x1C09, s0;
	s1 =	sshrl.u32 s16, $0x3  }
0x4af: {  	[hbm:s2], [sflag:s0] =	dma.local [spmem:s1], $0x2800  }
0x4b0: {  	_ =	swait.ge [sflag:s3], $0x2800  }
0x4b1: {  	s2 =	sld [smem:$0x7EA]  }
0x4b2: {  	[sflag:s3] =	ssyncset.done $0x0;
	s11 =	rddreg [dreg:$0x1c]  }
0x4b3: {  	[sflag:s3] =	ssyncadd.s32 $0xFFFFD800;
	s1 =	sshrl.u32 @!p0 s11, $0x3  }
0x4b4: {  	[hbm:s2], [sflag:s0] =	dma.local @!p0 [spmem:s1], $0x80  }
0x4b5: {  	s0 =	simm.s32 @!p0 $0x9  }
0x4b6: {  	_ =	swait.ge @!p0 [sflag:s0], $0x80  }
0x4b7: {  	s31 =	sld [smem:$0x7EB]  }
0x4b8: {  	s13 =	rddreg [dreg:$0x16]  }
0x4b9: {  	s13 =	sadd.s32 $0x1, s13  }
0x4ba: {  	p1 =	sne.s32 s13, s31  }
.Ltmp4:
0x4bb: {  	_ = 	snop;
	(pc) =	sbr.rel @p1 .LBB2_1-.Ltmp4, $3  }
0x4bc: {  	_ =	sdelay $0x1  }
0x4bd: {  	[sflag:s0] =	ssyncset.done @!p0 $0x0  }
0x4be: {  	v1 =	vimm.f32 $0.0e+00;
	[sflag:s0] =	ssyncadd.s32 @!p0 $0xFFFFFF80  }
0x4bf: {  	_ =	sfence.sel $0x180000  }
0x4c0: {  	[bflag:$0x0] =	sbarrier.arrive $0xFFFF  }
0x4c1: {  	_ =	strace $0x90000047  }
0x4c2: {  	s0 =	stileid.u32;
	[bflag:$0x2] =	sbarrier.arrive $0xFFFF  }
0x4c3: {  	p0 =	sne.s32 s0, $0x0;
	s0 =	rddreg [dreg:$0x6]  }
0x4c4: {  	s0 =	sadd.s32 @!p0 $0x100000, s0  }
0x4c5: {  	[sflag:s0] =	ssyncadd.tile.s32 @!p0 $0x1;
	_ =	shalt  }
.Lfunc_end2:
_tile_overlayer_lowered:
.L_overlay_start_2:
0x4c6: {  	(tag) =	ssettag $0x2  }
0x4c7: {  	s0 =	rddreg [dreg:$0x0];
	s2 =	stileid.u32  }
0x4c8: {  	s1 =	rddreg [dreg:$0x1];
	p0 =	sne.s32 s2, $0x0  }
0x4c9: {  	s3 =	rddreg [dreg:$0x2];
	[bflag:$0x3] =	sbarrier.arrive $0xFFFF;
	s2 =	simm.s32 @!p0 $0x1C09  }
0x4ca: {  	[timem:s3], [sflag:s2] =	dma.local @!p0 [hbm:s0], s1  }
0x4cb: {  	s0 =	simm.s32 @!p0 $0x9  }
0x4cc: {  	_ =	swait.ge @!p0 [sflag:s0], s1  }
0x4cd: {  	s1 =	ssub.s32 @!p0 $0x0, s1;
	[sflag:s0] =	ssyncset.done @!p0 $0x0  }
0x4ce: {  	[sflag:s0] =	ssyncadd.s32 @!p0 s1  }
0x4cf: {  	[bflag:$0x3] =	sbarrier.arrive $0xFFFF  }
0x4d0: {  	_ =	shalt  }

</sc_bundles>
